<compile_context>
chip_gen: v7x
topology: tpu7x:2x2x1
jax: 0.10.2.dev20260603
libtpu: 0.0.44.dev20260713+nightly
codegen_flags: <defaults>
</compile_context>

<pallas_src>
import jax
import jax.numpy as jnp
from jax import lax
from jax.experimental import pallas as pl
from jax.experimental.pallas import tpu as pltpu
from jax.experimental.pallas import tpu_sc as plsc

NC, NS = 2, 16
NW = NC * NS
CH = 80
GRP = 5
SGRP = 2
TRASH = 8


def _gather_body(h_ref, src_ref, out_ref, idx_v, rows_v, gsem, ssem):
    c = lax.axis_index("c")
    s = lax.axis_index("s")
    wid = s * NC + c
    e = src_ref.shape[0] // 2
    per_tile = e // NW
    n_groups = per_tile // (CH * GRP)
    for p in range(2):
        base = p * e + wid * per_tile
        pltpu.sync_copy(src_ref.at[pl.ds(base, per_tile)], idx_v)

        @pl.loop(0, n_groups)
        def _grp(g):
            row0 = g * (CH * GRP)
            gets = []
            for i in range(GRP):
                gets.append(pltpu.async_copy(
                    h_ref.at[idx_v.at[pl.ds(row0 + i * CH, CH)]],
                    rows_v.at[i], gsem))
            for cp in gets:
                cp.wait()
            puts = []
            for i in range(GRP):
                puts.append(pltpu.async_copy(
                    rows_v.at[i],
                    out_ref.at[p, pl.ds(wid * per_tile + row0 + i * CH, CH), :],
                    ssem))
            for cp in puts:
                cp.wait()


def _scatter_body(msg_ref, dsti_ref, agg_ref, cnt_ref,
                  idx_v, rows_v, buf_v,
                  acc_sh, isem, gsem, asem):
    c = lax.axis_index("c")
    s = lax.axis_index("s")
    e = msg_ref.shape[1]
    n = agg_ref.shape[1]
    d = agg_ref.shape[2]
    half = n // 2
    per_tile = e // NS
    rows_per_tile = half // NS
    n_sub = rows_per_tile // 5

    @pl.loop(0, n_sub)
    def _z(r):
        for j in range(d // 16):
            buf_v[r, pl.ds(j * 16, 16)] = jnp.zeros((16,), jnp.float32)

    base = s * per_tile
    n_groups = per_tile // (CH * SGRP)

    for phase in range(2):
        out_ref = agg_ref if phase == 0 else cnt_ref
        if phase == 1:
            @pl.loop(0, CH)
            def _ofill(r):
                for i in range(SGRP):
                    for j in range(d // 16):
                        rows_v[i, r, pl.ds(j * 16, 16)] = jnp.ones((16,), jnp.float32)

        for hf in range(2):
            lo = hf * half
            for j in range(5):
                pltpu.sync_copy(buf_v, acc_sh.at[pl.ds(s * rows_per_tile + j * n_sub, n_sub), :])

            @pl.when(s == 0)
            def _zt():
                pltpu.sync_copy(buf_v.at[pl.ds(0, TRASH), :], acc_sh.at[pl.ds(half, TRASH), :])

            plsc.subcore_barrier()

            @pl.loop(0, n_groups)
            def _grp(g):
                row0 = base + g * (CH * SGRP)
                gets = []
                for i in range(SGRP):
                    gets.append(pltpu.async_copy(
                        dsti_ref.at[pl.ds((2 * hf + c) * e + row0 + i * CH, CH)],
                        idx_v.at[i], isem))
                    if phase == 0:
                        gets.append(pltpu.async_copy(
                            msg_ref.at[c, pl.ds(row0 + i * CH, CH), :],
                            rows_v.at[i], gsem))
                for cp in gets:
                    cp.wait()
                adds = []
                for i in range(SGRP):
                    adds.append(pltpu.async_copy(
                        rows_v.at[i], acc_sh.at[idx_v.at[i]], asem, add=True))
                for cp in adds:
                    cp.wait()

            plsc.subcore_barrier()

            for j in range(5):
                r0 = s * rows_per_tile + j * n_sub
                pltpu.sync_copy(acc_sh.at[pl.ds(r0, n_sub), :], buf_v)
                pltpu.sync_copy(buf_v, out_ref.at[c, pl.ds(lo + r0, n_sub), :])

            @pl.loop(0, n_sub)
            def _z2(r):
                for j in range(d // 16):
                    buf_v[r, pl.ds(j * 16, 16)] = jnp.zeros((16,), jnp.float32)

            plsc.subcore_barrier()


def _mlp_body(hs_ref, ea_ref, w1h_ref, w1e_ref, b1_ref, w2_ref, b2_ref, out_ref):
    x = jnp.dot(hs_ref[0].astype(jnp.bfloat16), w1h_ref[0],
                preferred_element_type=jnp.float32)
    x = x + lax.dot_general(ea_ref[0], w1e_ref[0],
                            (((0,), (0,)), ((), ())),
                            preferred_element_type=jnp.float32)
    x = jnp.maximum(x + b1_ref[0], 0.0).astype(jnp.bfloat16)
    out_ref[0] = jnp.dot(x, w2_ref[0], preferred_element_type=jnp.float32) + b2_ref[0]


def _final_body(h_ref, at_ref, ad_ref, ct_ref, cd_ref, wut_ref, wud_ref, bu_ref,
                g_ref, b_ref, out_ref):
    at = at_ref[...] / jnp.maximum(ct_ref[:, 0:1], 1.0)
    ad = ad_ref[...] / jnp.maximum(cd_ref[:, 0:1], 1.0)
    upd = jnp.dot(at, wut_ref[...], preferred_element_type=jnp.float32)
    upd = upd + jnp.dot(ad, wud_ref[...], preferred_element_type=jnp.float32)
    x = h_ref[...] + upd + bu_ref[0]
    mu = jnp.mean(x, axis=1, keepdims=True)
    xc = x - mu
    var = jnp.mean(xc * xc, axis=1, keepdims=True)
    y = xc * lax.rsqrt(var + 1e-5)
    out_ref[...] = y * g_ref[0] + b_ref[0]


def _sc_mesh():
    return plsc.VectorSubcoreMesh(core_axis_name="c", subcore_axis_name="s",
                                  num_cores=NC, num_subcores=NS)


def _sc_gather(h2, src):
    n, d = h2.shape
    e = src.shape[0] // 2
    gather = pl.kernel(
        _gather_body,
        out_type=jax.ShapeDtypeStruct((2, e, d), jnp.float32),
        mesh=_sc_mesh(),
        scratch_types=[
            pltpu.VMEM((e // NW,), jnp.int32),
            pltpu.VMEM((GRP, CH, d), jnp.float32),
            pltpu.SemaphoreType.DMA,
            pltpu.SemaphoreType.DMA,
        ],
    )
    return gather(h2, src)


def _sc_scatter(msg, dsti, n):
    _, e, d = msg.shape
    npad = -(-n // (NS * 40 * 2)) * (NS * 40 * 2)
    half = npad // 2
    scatter = pl.kernel(
        _scatter_body,
        out_type=(jax.ShapeDtypeStruct((2, npad, d), jnp.float32),
                  jax.ShapeDtypeStruct((2, npad, d), jnp.float32)),
        mesh=_sc_mesh(),
        scratch_types=[
            pltpu.VMEM((SGRP, CH), jnp.int32),
            pltpu.VMEM((SGRP, CH, d), jnp.float32),
            pltpu.VMEM((half // NS // 5, d), jnp.float32),
            pltpu.VMEM_SHARED((half + TRASH, d), jnp.float32),
            pltpu.SemaphoreType.DMA,
            pltpu.SemaphoreType.DMA,
            pltpu.SemaphoreType.DMA,
        ],
    )
    return scatter(msg, dsti)


def kernel(h, t_ei, t_ea, d_ei, d_ea, Wt1, bt1, Wt2, bt2, Wd1, bd1, Wd2, bd2,
           Wu, bu, gamma, beta):
    _, n, d = h.shape
    e = t_ei.shape[1]
    ef = t_ea.shape[1]
    h2 = h[0]

    src = jnp.concatenate([t_ei[0], d_ei[0]]).astype(jnp.int32)
    dst = jnp.concatenate([t_ei[1], d_ei[1]]).astype(jnp.int32)
    ea_t = jnp.stack([t_ea.T, d_ea.T]).astype(jnp.bfloat16)
    w1h = jnp.stack([Wt1[:d], Wd1[:d]]).astype(jnp.bfloat16)
    w1e = jnp.stack([Wt1[d:], Wd1[d:]]).astype(jnp.bfloat16)
    b1 = jnp.stack([bt1, bd1]).reshape(2, 1, 2 * d)
    w2 = jnp.stack([Wt2, Wd2]).astype(jnp.bfloat16)
    b2 = jnp.stack([bt2, bd2]).reshape(2, 1, d)

    hs = _sc_gather(h2, src)

    bs = 2560
    nb = e // bs
    msg = pl.pallas_call(
        _mlp_body,
        grid=(2, nb),
        in_specs=[
            pl.BlockSpec((1, bs, d), lambda p, i: (p, i, 0)),
            pl.BlockSpec((1, ef, bs), lambda p, i: (p, 0, i)),
            pl.BlockSpec((1, d, 2 * d), lambda p, i: (p, 0, 0)),
            pl.BlockSpec((1, ef, 2 * d), lambda p, i: (p, 0, 0)),
            pl.BlockSpec((1, 1, 2 * d), lambda p, i: (p, 0, 0)),
            pl.BlockSpec((1, 2 * d, d), lambda p, i: (p, 0, 0)),
            pl.BlockSpec((1, 1, d), lambda p, i: (p, 0, 0)),
        ],
        out_specs=pl.BlockSpec((1, bs, d), lambda p, i: (p, i, 0)),
        out_shape=jax.ShapeDtypeStruct((2, e, d), jnp.float32),
    )(hs, ea_t, w1h, w1e, b1, w2, b2)

    npad = -(-n // (NS * 40 * 2)) * (NS * 40 * 2)
    half = npad // 2
    rel0 = jnp.where(dst < half, dst, half)
    rel1 = jnp.where(dst >= half, dst - half, half)
    dsti = jnp.concatenate([rel0, rel1])
    aggsum, cnt = _sc_scatter(msg, dsti, n)

    bn = n // 10
    out = pl.pallas_call(
        _final_body,
        grid=(n // bn,),
        in_specs=[
            pl.BlockSpec((bn, d), lambda i: (i, 0)),
            pl.BlockSpec((bn, d), lambda i: (i, 0)),
            pl.BlockSpec((bn, d), lambda i: (i, 0)),
            pl.BlockSpec((bn, d), lambda i: (i, 0)),
            pl.BlockSpec((bn, d), lambda i: (i, 0)),
            pl.BlockSpec((d, d), lambda i: (0, 0)),
            pl.BlockSpec((d, d), lambda i: (0, 0)),
            pl.BlockSpec((1, d), lambda i: (0, 0)),
            pl.BlockSpec((1, d), lambda i: (0, 0)),
            pl.BlockSpec((1, d), lambda i: (0, 0)),
        ],
        out_specs=pl.BlockSpec((bn, d), lambda i: (i, 0)),
        out_shape=jax.ShapeDtypeStruct((n, d), jnp.float32),
    )(h2, aggsum[0], aggsum[1], cnt[0], cnt[1], Wu[:d], Wu[d:], bu.reshape(1, d),
      gamma.reshape(1, d), beta.reshape(1, d))

    return out[None]

# --- scband reference (transcript-rebuilt; emitter-appended) ---
"""Pipeline reference for scband-mrgnnlayer-90941637526228 (READ-ONLY COPY).

The authoritative reference and input builder live on the scoring server;
editing this copy changes nothing except your own understanding.
"""

import jax, jax.numpy as jnp
import numpy as np

B, N, D, EF, E = 1, 10000, 128, 16, 320000

def setup_inputs(seed: int = 0) -> dict:
    key = jax.random.key(seed)
    ks = jax.random.split(key, 20)
    def rn(k, shape, scale=0.05):
        return jax.random.normal(k, shape, dtype=jnp.float32) * scale
    inp = {}
    inp['h'] = jax.random.normal(ks[0], (B, N, D), dtype=jnp.float32)
    inp['t_ei'] = jax.random.randint(ks[1], (2, E), 0, N)
    inp['t_ea'] = jax.random.normal(ks[2], (E, EF), dtype=jnp.float32)
    inp['d_ei'] = jax.random.randint(ks[3], (2, E), 0, N)
    inp['d_ea'] = jax.random.normal(ks[4], (E, EF), dtype=jnp.float32)
    inp['Wt1'] = rn(ks[5], (D + EF, 2 * D)); inp['bt1'] = jnp.zeros((2 * D,), jnp.float32)
    inp['Wt2'] = rn(ks[6], (2 * D, D));      inp['bt2'] = jnp.zeros((D,), jnp.float32)
    inp['Wd1'] = rn(ks[7], (D + EF, 2 * D)); inp['bd1'] = jnp.zeros((2 * D,), jnp.float32)
    inp['Wd2'] = rn(ks[8], (2 * D, D));      inp['bd2'] = jnp.zeros((D,), jnp.float32)
    inp['Wu'] = rn(ks[9], (2 * D, D));       inp['bu'] = jnp.zeros((D,), jnp.float32)
    inp['gamma'] = jnp.ones((D,), jnp.float32)
    inp['beta'] = jnp.zeros((D,), jnp.float32)
    return inp

def _pass(h, ei, ea, W1, b1, W2, b2):
    src, dst = ei[0], ei[1]
    h_src = h[:, src, :]                                  # (B,E,D) gather
    ea_b = jnp.broadcast_to(ea[None], (h.shape[0],) + ea.shape)
    x = jnp.concatenate([h_src, ea_b], axis=-1)
    msg = jax.nn.relu(x @ W1 + b1) @ W2 + b2
    agg = jnp.zeros(h.shape, h.dtype).at[:, dst, :].add(msg)   # scatter-add
    count = jnp.zeros((h.shape[1],), h.dtype).at[dst].add(1.0)
    count = jnp.clip(count, 1.0, None)
    return agg / count[None, :, None]

def reference(h, t_ei, t_ea, d_ei, d_ea, Wt1, bt1, Wt2, bt2, Wd1, bd1, Wd2, bd2, Wu, bu, gamma, beta):
    agg_t = _pass(h, t_ei, t_ea, Wt1, bt1, Wt2, bt2)
    agg_d = _pass(h, d_ei, d_ea, Wd1, bd1, Wd2, bd2)
    upd = jnp.concatenate([agg_t, agg_d], axis=-1) @ Wu + bu
    x = h + upd
    mu = jnp.mean(x, axis=-1, keepdims=True)
    var = jnp.mean((x - mu) ** 2, axis=-1, keepdims=True)
    return (x - mu) / jnp.sqrt(var + 1e-5) * gamma + beta

if __name__ == "__main__":
    import jax
    _d = setup_inputs()
    print(jax.jit(kernel)(*tuple(_d.values())))

</pallas_src>

<mosaic_0001>
#map = affine_map<(d0, d1) -> (0, 0)>
#map1 = affine_map<(d0, d1) -> (0)>
#map2 = affine_map<(d0, d1) -> (0, 0, 0)>
module attributes {stable_mosaic.version = 14 : i64} {
  func.func @_gather_body(%arg0: i32, %arg1: i32, %arg2: memref<10000x128xf32, #tpu.memory_space<hbm>>, %arg3: memref<640000xi32, #tpu.memory_space<hbm>>, %arg4: memref<2x320000x128xf32, #tpu.memory_space<hbm>>, %arg5: memref<10000xi32, #tpu.memory_space<vmem>>, %arg6: memref<5x80x128xf32, #tpu.memory_space<vmem>>, %arg7: memref<!tpu.dma_semaphore, #tpu.memory_space<semaphore_mem>>, %arg8: memref<!tpu.dma_semaphore, #tpu.memory_space<semaphore_mem>>) attributes {dimension_semantics = [#tpu.dimension_semantics<core_parallel>, #tpu.dimension_semantics<subcore_parallel>], iteration_bounds = array<i64: 2, 16>, scalar_prefetch = 0 : i64, scratch_operands = 4 : i64, tpu.core_type = #tpu.core_type<sc_vector_subcore>, window_params = [{transform_indices = #map}, {transform_indices = #map1}, {transform_indices = #map2}]} {
    %mul3A = arith.constant 2 : i32
    %mul3A_0 = arith.muli %arg1, %mul3A : i32
    %add3A = arith.addi %mul3A_0, %arg0 : i32
    %mul3A_1 = arith.constant 10000 : i32
    %mul3A_2 = arith.muli %add3A, %mul3A_1 : i32
    %add3A_3 = arith.constant 0 : i32
    %add3A_4 = arith.addi %add3A_3, %mul3A_2 : i32
    "tpu.region"() ({
      %run_scoped3A = tpu.sem_alloc : memref<!tpu.dma_semaphore, #tpu.memory_space<semaphore_mem>>
      %dma_start3A = tpu.memref_slice %arg3[%add3A_4] : memref<640000xi32, #tpu.memory_space<hbm>> -> memref<10000xi32, #tpu.memory_space<hbm>>
      %dma_start3A_18 = tpu.memref_slice %arg3[%add3A_4] : memref<640000xi32, #tpu.memory_space<hbm>> -> memref<10000xi32, #tpu.memory_space<hbm>>
      tpu.enqueue_dma source(%dma_start3A_18 : memref<10000xi32, #tpu.memory_space<hbm>>) target(%arg5 : memref<10000xi32, #tpu.memory_space<vmem>>) target_semaphore(%run_scoped3A : memref<!tpu.dma_semaphore, #tpu.memory_space<semaphore_mem>>)
      %dma_wait3A = tpu.memref_slice %arg3[%add3A_4] : memref<640000xi32, #tpu.memory_space<hbm>> -> memref<10000xi32, #tpu.memory_space<hbm>>
      %dma_wait3A_19 = tpu.memref_slice %arg3[%add3A_4] : memref<640000xi32, #tpu.memory_space<hbm>> -> memref<10000xi32, #tpu.memory_space<hbm>>
      tpu.wait_dma2 semaphore(%run_scoped3A : memref<!tpu.dma_semaphore, #tpu.memory_space<semaphore_mem>>) src(%dma_wait3A_19 : memref<10000xi32, #tpu.memory_space<hbm>>) dst(%arg5 : memref<10000xi32, #tpu.memory_space<vmem>>)
      tpu.yield
    }) : () -> ()
    %scan3A = arith.constant 0 : i32
    %scan3A_5 = arith.constant 25 : i32
    %scan3A_6 = arith.addi %scan3A, %scan3A_5 : i32
    %scan3A_7 = arith.constant 1 : i32
    scf.for %scan3A_18 = %scan3A to %scan3A_6 step %scan3A_7  : i32 {
      %mul3A_19 = arith.constant 1 : i32
      %mul3A_20 = arith.muli %scan3A_18, %mul3A_19 : i32
      %add3A_21 = arith.constant 0 : i32
      %add3A_22 = arith.addi %add3A_21, %mul3A_20 : i32
      %mul3A_23 = arith.constant 400 : i32
      %mul3A_24 = arith.muli %add3A_22, %mul3A_23 : i32
      %add3A_25 = arith.constant 0 : i32
      %add3A_26 = arith.addi %mul3A_24, %add3A_25 : i32
      %dma_start3A = arith.constant 0 : i32
      %dma_start3A_27 = arith.constant 0 : i32
      %dma_start3A_28 = arith.constant 0 : i32
      %dma_start3A_29 = tpu.memref_slice %arg6[%dma_start3A, %dma_start3A_27, %dma_start3A_28] : memref<5x80x128xf32, #tpu.memory_space<vmem>> -> memref<1x80x128xf32, #tpu.memory_space<vmem>>
      %dma_start3A_30 = tpu.memref_squeeze %dma_start3A_29 : memref<1x80x128xf32, #tpu.memory_space<vmem>> -> memref<80x128xf32, #tpu.memory_space<vmem>>
      %dma_start3A_31 = tpu.memref_slice %arg5[%add3A_26] : memref<10000xi32, #tpu.memory_space<vmem>> -> memref<80xi32, #tpu.memory_space<vmem>>
      %dma_start3A_32 = arith.constant 0 : i32
      %dma_start3A_33 = arith.constant 0 : i32
      %dma_start3A_34 = tpu.memref_slice %arg2[%dma_start3A_32, %dma_start3A_33] : memref<10000x128xf32, #tpu.memory_space<hbm>> -> memref<10000x128xf32, #tpu.memory_space<hbm>>
      tpu.enqueue_indirect_dma source(%dma_start3A_34 : memref<10000x128xf32, #tpu.memory_space<hbm>>) target(%dma_start3A_30 : memref<80x128xf32, #tpu.memory_space<vmem>>) offsets(%dma_start3A_31 : memref<80xi32, #tpu.memory_space<vmem>>) semaphore(%arg7 : memref<!tpu.dma_semaphore, #tpu.memory_space<semaphore_mem>>)
      %add3A_35 = arith.constant 80 : i32
      %add3A_36 = arith.addi %mul3A_24, %add3A_35 : i32
      %dma_start3A_37 = arith.constant 1 : i32
      %dma_start3A_38 = arith.constant 0 : i32
      %dma_start3A_39 = arith.constant 0 : i32
      %dma_start3A_40 = tpu.memref_slice %arg6[%dma_start3A_37, %dma_start3A_38, %dma_start3A_39] : memref<5x80x128xf32, #tpu.memory_space<vmem>> -> memref<1x80x128xf32, #tpu.memory_space<vmem>>
      %dma_start3A_41 = tpu.memref_squeeze %dma_start3A_40 : memref<1x80x128xf32, #tpu.memory_space<vmem>> -> memref<80x128xf32, #tpu.memory_space<vmem>>
      %dma_start3A_42 = tpu.memref_slice %arg5[%add3A_36] : memref<10000xi32, #tpu.memory_space<vmem>> -> memref<80xi32, #tpu.memory_space<vmem>>
      %dma_start3A_43 = arith.constant 0 : i32
      %dma_start3A_44 = arith.constant 0 : i32
      %dma_start3A_45 = tpu.memref_slice %arg2[%dma_start3A_43, %dma_start3A_44] : memref<10000x128xf32, #tpu.memory_space<hbm>> -> memref<10000x128xf32, #tpu.memory_space<hbm>>
      tpu.enqueue_indirect_dma source(%dma_start3A_45 : memref<10000x128xf32, #tpu.memory_space<hbm>>) target(%dma_start3A_41 : memref<80x128xf32, #tpu.memory_space<vmem>>) offsets(%dma_start3A_42 : memref<80xi32, #tpu.memory_space<vmem>>) semaphore(%arg7 : memref<!tpu.dma_semaphore, #tpu.memory_space<semaphore_mem>>)
      %add3A_46 = arith.constant 160 : i32
      %add3A_47 = arith.addi %mul3A_24, %add3A_46 : i32
      %dma_start3A_48 = arith.constant 2 : i32
      %dma_start3A_49 = arith.constant 0 : i32
      %dma_start3A_50 = arith.constant 0 : i32
      %dma_start3A_51 = tpu.memref_slice %arg6[%dma_start3A_48, %dma_start3A_49, %dma_start3A_50] : memref<5x80x128xf32, #tpu.memory_space<vmem>> -> memref<1x80x128xf32, #tpu.memory_space<vmem>>
      %dma_start3A_52 = tpu.memref_squeeze %dma_start3A_51 : memref<1x80x128xf32, #tpu.memory_space<vmem>> -> memref<80x128xf32, #tpu.memory_space<vmem>>
      %dma_start3A_53 = tpu.memref_slice %arg5[%add3A_47] : memref<10000xi32, #tpu.memory_space<vmem>> -> memref<80xi32, #tpu.memory_space<vmem>>
      %dma_start3A_54 = arith.constant 0 : i32
      %dma_start3A_55 = arith.constant 0 : i32
      %dma_start3A_56 = tpu.memref_slice %arg2[%dma_start3A_54, %dma_start3A_55] : memref<10000x128xf32, #tpu.memory_space<hbm>> -> memref<10000x128xf32, #tpu.memory_space<hbm>>
      tpu.enqueue_indirect_dma source(%dma_start3A_56 : memref<10000x128xf32, #tpu.memory_space<hbm>>) target(%dma_start3A_52 : memref<80x128xf32, #tpu.memory_space<vmem>>) offsets(%dma_start3A_53 : memref<80xi32, #tpu.memory_space<vmem>>) semaphore(%arg7 : memref<!tpu.dma_semaphore, #tpu.memory_space<semaphore_mem>>)
      %add3A_57 = arith.constant 240 : i32
      %add3A_58 = arith.addi %mul3A_24, %add3A_57 : i32
      %dma_start3A_59 = arith.constant 3 : i32
      %dma_start3A_60 = arith.constant 0 : i32
      %dma_start3A_61 = arith.constant 0 : i32
      %dma_start3A_62 = tpu.memref_slice %arg6[%dma_start3A_59, %dma_start3A_60, %dma_start3A_61] : memref<5x80x128xf32, #tpu.memory_space<vmem>> -> memref<1x80x128xf32, #tpu.memory_space<vmem>>
      %dma_start3A_63 = tpu.memref_squeeze %dma_start3A_62 : memref<1x80x128xf32, #tpu.memory_space<vmem>> -> memref<80x128xf32, #tpu.memory_space<vmem>>
      %dma_start3A_64 = tpu.memref_slice %arg5[%add3A_58] : memref<10000xi32, #tpu.memory_space<vmem>> -> memref<80xi32, #tpu.memory_space<vmem>>
      %dma_start3A_65 = arith.constant 0 : i32
      %dma_start3A_66 = arith.constant 0 : i32
      %dma_start3A_67 = tpu.memref_slice %arg2[%dma_start3A_65, %dma_start3A_66] : memref<10000x128xf32, #tpu.memory_space<hbm>> -> memref<10000x128xf32, #tpu.memory_space<hbm>>
      tpu.enqueue_indirect_dma source(%dma_start3A_67 : memref<10000x128xf32, #tpu.memory_space<hbm>>) target(%dma_start3A_63 : memref<80x128xf32, #tpu.memory_space<vmem>>) offsets(%dma_start3A_64 : memref<80xi32, #tpu.memory_space<vmem>>) semaphore(%arg7 : memref<!tpu.dma_semaphore, #tpu.memory_space<semaphore_mem>>)
      %add3A_68 = arith.constant 320 : i32
      %add3A_69 = arith.addi %mul3A_24, %add3A_68 : i32
      %dma_start3A_70 = arith.constant 4 : i32
      %dma_start3A_71 = arith.constant 0 : i32
      %dma_start3A_72 = arith.constant 0 : i32
      %dma_start3A_73 = tpu.memref_slice %arg6[%dma_start3A_70, %dma_start3A_71, %dma_start3A_72] : memref<5x80x128xf32, #tpu.memory_space<vmem>> -> memref<1x80x128xf32, #tpu.memory_space<vmem>>
      %dma_start3A_74 = tpu.memref_squeeze %dma_start3A_73 : memref<1x80x128xf32, #tpu.memory_space<vmem>> -> memref<80x128xf32, #tpu.memory_space<vmem>>
      %dma_start3A_75 = tpu.memref_slice %arg5[%add3A_69] : memref<10000xi32, #tpu.memory_space<vmem>> -> memref<80xi32, #tpu.memory_space<vmem>>
      %dma_start3A_76 = arith.constant 0 : i32
      %dma_start3A_77 = arith.constant 0 : i32
      %dma_start3A_78 = tpu.memref_slice %arg2[%dma_start3A_76, %dma_start3A_77] : memref<10000x128xf32, #tpu.memory_space<hbm>> -> memref<10000x128xf32, #tpu.memory_space<hbm>>
      tpu.enqueue_indirect_dma source(%dma_start3A_78 : memref<10000x128xf32, #tpu.memory_space<hbm>>) target(%dma_start3A_74 : memref<80x128xf32, #tpu.memory_space<vmem>>) offsets(%dma_start3A_75 : memref<80xi32, #tpu.memory_space<vmem>>) semaphore(%arg7 : memref<!tpu.dma_semaphore, #tpu.memory_space<semaphore_mem>>)
      %dma_wait3A = arith.constant 0 : i32
      %dma_wait3A_79 = arith.constant 0 : i32
      %dma_wait3A_80 = arith.constant 0 : i32
      %dma_wait3A_81 = tpu.memref_slice %arg6[%dma_wait3A, %dma_wait3A_79, %dma_wait3A_80] : memref<5x80x128xf32, #tpu.memory_space<vmem>> -> memref<1x80x128xf32, #tpu.memory_space<vmem>>
      %dma_wait3A_82 = tpu.memref_squeeze %dma_wait3A_81 : memref<1x80x128xf32, #tpu.memory_space<vmem>> -> memref<80x128xf32, #tpu.memory_space<vmem>>
      %dma_wait3A_83 = tpu.memref_slice %arg5[%add3A_26] : memref<10000xi32, #tpu.memory_space<vmem>> -> memref<80xi32, #tpu.memory_space<vmem>>
      %dma_wait3A_84 = arith.constant 0 : i32
      %dma_wait3A_85 = arith.constant 0 : i32
      %dma_wait3A_86 = tpu.memref_slice %arg2[%dma_wait3A_84, %dma_wait3A_85] : memref<10000x128xf32, #tpu.memory_space<hbm>> -> memref<10000x128xf32, #tpu.memory_space<hbm>>
      tpu.wait_indirect_dma semaphore(%arg7 : memref<!tpu.dma_semaphore, #tpu.memory_space<semaphore_mem>>) src(%dma_wait3A_86 : memref<10000x128xf32, #tpu.memory_space<hbm>>) dst(%dma_wait3A_82 : memref<80x128xf32, #tpu.memory_space<vmem>>)
      %dma_wait3A_87 = arith.constant 1 : i32
      %dma_wait3A_88 = arith.constant 0 : i32
      %dma_wait3A_89 = arith.constant 0 : i32
      %dma_wait3A_90 = tpu.memref_slice %arg6[%dma_wait3A_87, %dma_wait3A_88, %dma_wait3A_89] : memref<5x80x128xf32, #tpu.memory_space<vmem>> -> memref<1x80x128xf32, #tpu.memory_space<vmem>>
      %dma_wait3A_91 = tpu.memref_squeeze %dma_wait3A_90 : memref<1x80x128xf32, #tpu.memory_space<vmem>> -> memref<80x128xf32, #tpu.memory_space<vmem>>
      %dma_wait3A_92 = tpu.memref_slice %arg5[%add3A_36] : memref<10000xi32, #tpu.memory_space<vmem>> -> memref<80xi32, #tpu.memory_space<vmem>>
      %dma_wait3A_93 = arith.constant 0 : i32
      %dma_wait3A_94 = arith.constant 0 : i32
      %dma_wait3A_95 = tpu.memref_slice %arg2[%dma_wait3A_93, %dma_wait3A_94] : memref<10000x128xf32, #tpu.memory_space<hbm>> -> memref<10000x128xf32, #tpu.memory_space<hbm>>
      tpu.wait_indirect_dma semaphore(%arg7 : memref<!tpu.dma_semaphore, #tpu.memory_space<semaphore_mem>>) src(%dma_wait3A_95 : memref<10000x128xf32, #tpu.memory_space<hbm>>) dst(%dma_wait3A_91 : memref<80x128xf32, #tpu.memory_space<vmem>>)
      %dma_wait3A_96 = arith.constant 2 : i32
      %dma_wait3A_97 = arith.constant 0 : i32
      %dma_wait3A_98 = arith.constant 0 : i32
      %dma_wait3A_99 = tpu.memref_slice %arg6[%dma_wait3A_96, %dma_wait3A_97, %dma_wait3A_98] : memref<5x80x128xf32, #tpu.memory_space<vmem>> -> memref<1x80x128xf32, #tpu.memory_space<vmem>>
      %dma_wait3A_100 = tpu.memref_squeeze %dma_wait3A_99 : memref<1x80x128xf32, #tpu.memory_space<vmem>> -> memref<80x128xf32, #tpu.memory_space<vmem>>
      %dma_wait3A_101 = tpu.memref_slice %arg5[%add3A_47] : memref<10000xi32, #tpu.memory_space<vmem>> -> memref<80xi32, #tpu.memory_space<vmem>>
      %dma_wait3A_102 = arith.constant 0 : i32
      %dma_wait3A_103 = arith.constant 0 : i32
      %dma_wait3A_104 = tpu.memref_slice %arg2[%dma_wait3A_102, %dma_wait3A_103] : memref<10000x128xf32, #tpu.memory_space<hbm>> -> memref<10000x128xf32, #tpu.memory_space<hbm>>
      tpu.wait_indirect_dma semaphore(%arg7 : memref<!tpu.dma_semaphore, #tpu.memory_space<semaphore_mem>>) src(%dma_wait3A_104 : memref<10000x128xf32, #tpu.memory_space<hbm>>) dst(%dma_wait3A_100 : memref<80x128xf32, #tpu.memory_space<vmem>>)
      %dma_wait3A_105 = arith.constant 3 : i32
      %dma_wait3A_106 = arith.constant 0 : i32
      %dma_wait3A_107 = arith.constant 0 : i32
      %dma_wait3A_108 = tpu.memref_slice %arg6[%dma_wait3A_105, %dma_wait3A_106, %dma_wait3A_107] : memref<5x80x128xf32, #tpu.memory_space<vmem>> -> memref<1x80x128xf32, #tpu.memory_space<vmem>>
      %dma_wait3A_109 = tpu.memref_squeeze %dma_wait3A_108 : memref<1x80x128xf32, #tpu.memory_space<vmem>> -> memref<80x128xf32, #tpu.memory_space<vmem>>
      %dma_wait3A_110 = tpu.memref_slice %arg5[%add3A_58] : memref<10000xi32, #tpu.memory_space<vmem>> -> memref<80xi32, #tpu.memory_space<vmem>>
      %dma_wait3A_111 = arith.constant 0 : i32
      %dma_wait3A_112 = arith.constant 0 : i32
      %dma_wait3A_113 = tpu.memref_slice %arg2[%dma_wait3A_111, %dma_wait3A_112] : memref<10000x128xf32, #tpu.memory_space<hbm>> -> memref<10000x128xf32, #tpu.memory_space<hbm>>
      tpu.wait_indirect_dma semaphore(%arg7 : memref<!tpu.dma_semaphore, #tpu.memory_space<semaphore_mem>>) src(%dma_wait3A_113 : memref<10000x128xf32, #tpu.memory_space<hbm>>) dst(%dma_wait3A_109 : memref<80x128xf32, #tpu.memory_space<vmem>>)
      %dma_wait3A_114 = arith.constant 4 : i32
      %dma_wait3A_115 = arith.constant 0 : i32
      %dma_wait3A_116 = arith.constant 0 : i32
      %dma_wait3A_117 = tpu.memref_slice %arg6[%dma_wait3A_114, %dma_wait3A_115, %dma_wait3A_116] : memref<5x80x128xf32, #tpu.memory_space<vmem>> -> memref<1x80x128xf32, #tpu.memory_space<vmem>>
      %dma_wait3A_118 = tpu.memref_squeeze %dma_wait3A_117 : memref<1x80x128xf32, #tpu.memory_space<vmem>> -> memref<80x128xf32, #tpu.memory_space<vmem>>
      %dma_wait3A_119 = tpu.memref_slice %arg5[%add3A_69] : memref<10000xi32, #tpu.memory_space<vmem>> -> memref<80xi32, #tpu.memory_space<vmem>>
      %dma_wait3A_120 = arith.constant 0 : i32
      %dma_wait3A_121 = arith.constant 0 : i32
      %dma_wait3A_122 = tpu.memref_slice %arg2[%dma_wait3A_120, %dma_wait3A_121] : memref<10000x128xf32, #tpu.memory_space<hbm>> -> memref<10000x128xf32, #tpu.memory_space<hbm>>
      tpu.wait_indirect_dma semaphore(%arg7 : memref<!tpu.dma_semaphore, #tpu.memory_space<semaphore_mem>>) src(%dma_wait3A_122 : memref<10000x128xf32, #tpu.memory_space<hbm>>) dst(%dma_wait3A_118 : memref<80x128xf32, #tpu.memory_space<vmem>>)
      %mul3A_123 = arith.constant 10000 : i32
      %mul3A_124 = arith.muli %add3A, %mul3A_123 : i32
      %add3A_125 = arith.addi %mul3A_124, %mul3A_24 : i32
      %add3A_126 = arith.constant 0 : i32
      %add3A_127 = arith.addi %add3A_125, %add3A_126 : i32
      %dma_start3A_128 = arith.constant 0 : i32
      %dma_start3A_129 = arith.constant 0 : i32
      %dma_start3A_130 = arith.constant 0 : i32
      %dma_start3A_131 = arith.constant 0 : i32
      %dma_start3A_132 = tpu.memref_slice %arg6[%dma_start3A_128, %dma_start3A_130, %dma_start3A_131] : memref<5x80x128xf32, #tpu.memory_space<vmem>> -> memref<1x80x128xf32, #tpu.memory_space<vmem>>
      %dma_start3A_133 = tpu.memref_squeeze %dma_start3A_132 : memref<1x80x128xf32, #tpu.memory_space<vmem>> -> memref<80x128xf32, #tpu.memory_space<vmem>>
      %dma_start3A_134 = arith.constant 0 : i32
      %dma_start3A_135 = tpu.memref_slice %arg4[%dma_start3A_129, %add3A_127, %dma_start3A_134] : memref<2x320000x128xf32, #tpu.memory_space<hbm>> -> memref<1x80x128xf32, #tpu.memory_space<hbm>>
      %dma_start3A_136 = tpu.memref_squeeze %dma_start3A_135 : memref<1x80x128xf32, #tpu.memory_space<hbm>> -> memref<80x128xf32, #tpu.memory_space<hbm>>
      %dma_start3A_137 = arith.constant 0 : i32
      %dma_start3A_138 = tpu.memref_slice %arg4[%dma_start3A_129, %add3A_127, %dma_start3A_137] : memref<2x320000x128xf32, #tpu.memory_space<hbm>> -> memref<1x80x128xf32, #tpu.memory_space<hbm>>
      %dma_start3A_139 = tpu.memref_squeeze %dma_start3A_138 : memref<1x80x128xf32, #tpu.memory_space<hbm>> -> memref<80x128xf32, #tpu.memory_space<hbm>>
      %dma_start3A_140 = arith.constant 0 : i32
      %dma_start3A_141 = arith.constant 0 : i32
      %dma_start3A_142 = tpu.memref_slice %arg6[%dma_start3A_128, %dma_start3A_140, %dma_start3A_141] : memref<5x80x128xf32, #tpu.memory_space<vmem>> -> memref<1x80x128xf32, #tpu.memory_space<vmem>>
      %dma_start3A_143 = tpu.memref_squeeze %dma_start3A_142 : memref<1x80x128xf32, #tpu.memory_space<vmem>> -> memref<80x128xf32, #tpu.memory_space<vmem>>
      tpu.enqueue_dma source(%dma_start3A_143 : memref<80x128xf32, #tpu.memory_space<vmem>>) target(%dma_start3A_139 : memref<80x128xf32, #tpu.memory_space<hbm>>) target_semaphore(%arg8 : memref<!tpu.dma_semaphore, #tpu.memory_space<semaphore_mem>>)
      %mul3A_144 = arith.constant 10000 : i32
      %mul3A_145 = arith.muli %add3A, %mul3A_144 : i32
      %add3A_146 = arith.addi %mul3A_145, %mul3A_24 : i32
      %add3A_147 = arith.constant 80 : i32
      %add3A_148 = arith.addi %add3A_146, %add3A_147 : i32
      %dma_start3A_149 = arith.constant 1 : i32
      %dma_start3A_150 = arith.constant 0 : i32
      %dma_start3A_151 = arith.constant 0 : i32
      %dma_start3A_152 = arith.constant 0 : i32
      %dma_start3A_153 = tpu.memref_slice %arg6[%dma_start3A_149, %dma_start3A_151, %dma_start3A_152] : memref<5x80x128xf32, #tpu.memory_space<vmem>> -> memref<1x80x128xf32, #tpu.memory_space<vmem>>
      %dma_start3A_154 = tpu.memref_squeeze %dma_start3A_153 : memref<1x80x128xf32, #tpu.memory_space<vmem>> -> memref<80x128xf32, #tpu.memory_space<vmem>>
      %dma_start3A_155 = arith.constant 0 : i32
      %dma_start3A_156 = tpu.memref_slice %arg4[%dma_start3A_150, %add3A_148, %dma_start3A_155] : memref<2x320000x128xf32, #tpu.memory_space<hbm>> -> memref<1x80x128xf32, #tpu.memory_space<hbm>>
      %dma_start3A_157 = tpu.memref_squeeze %dma_start3A_156 : memref<1x80x128xf32, #tpu.memory_space<hbm>> -> memref<80x128xf32, #tpu.memory_space<hbm>>
      %dma_start3A_158 = arith.constant 0 : i32
      %dma_start3A_159 = tpu.memref_slice %arg4[%dma_start3A_150, %add3A_148, %dma_start3A_158] : memref<2x320000x128xf32, #tpu.memory_space<hbm>> -> memref<1x80x128xf32, #tpu.memory_space<hbm>>
      %dma_start3A_160 = tpu.memref_squeeze %dma_start3A_159 : memref<1x80x128xf32, #tpu.memory_space<hbm>> -> memref<80x128xf32, #tpu.memory_space<hbm>>
      %dma_start3A_161 = arith.constant 0 : i32
      %dma_start3A_162 = arith.constant 0 : i32
      %dma_start3A_163 = tpu.memref_slice %arg6[%dma_start3A_149, %dma_start3A_161, %dma_start3A_162] : memref<5x80x128xf32, #tpu.memory_space<vmem>> -> memref<1x80x128xf32, #tpu.memory_space<vmem>>
      %dma_start3A_164 = tpu.memref_squeeze %dma_start3A_163 : memref<1x80x128xf32, #tpu.memory_space<vmem>> -> memref<80x128xf32, #tpu.memory_space<vmem>>
      tpu.enqueue_dma source(%dma_start3A_164 : memref<80x128xf32, #tpu.memory_space<vmem>>) target(%dma_start3A_160 : memref<80x128xf32, #tpu.memory_space<hbm>>) target_semaphore(%arg8 : memref<!tpu.dma_semaphore, #tpu.memory_space<semaphore_mem>>)
      %mul3A_165 = arith.constant 10000 : i32
      %mul3A_166 = arith.muli %add3A, %mul3A_165 : i32
      %add3A_167 = arith.addi %mul3A_166, %mul3A_24 : i32
      %add3A_168 = arith.constant 160 : i32
      %add3A_169 = arith.addi %add3A_167, %add3A_168 : i32
      %dma_start3A_170 = arith.constant 2 : i32
      %dma_start3A_171 = arith.constant 0 : i32
      %dma_start3A_172 = arith.constant 0 : i32
      %dma_start3A_173 = arith.constant 0 : i32
      %dma_start3A_174 = tpu.memref_slice %arg6[%dma_start3A_170, %dma_start3A_172, %dma_start3A_173] : memref<5x80x128xf32, #tpu.memory_space<vmem>> -> memref<1x80x128xf32, #tpu.memory_space<vmem>>
      %dma_start3A_175 = tpu.memref_squeeze %dma_start3A_174 : memref<1x80x128xf32, #tpu.memory_space<vmem>> -> memref<80x128xf32, #tpu.memory_space<vmem>>
      %dma_start3A_176 = arith.constant 0 : i32
      %dma_start3A_177 = tpu.memref_slice %arg4[%dma_start3A_171, %add3A_169, %dma_start3A_176] : memref<2x320000x128xf32, #tpu.memory_space<hbm>> -> memref<1x80x128xf32, #tpu.memory_space<hbm>>
      %dma_start3A_178 = tpu.memref_squeeze %dma_start3A_177 : memref<1x80x128xf32, #tpu.memory_space<hbm>> -> memref<80x128xf32, #tpu.memory_space<hbm>>
      %dma_start3A_179 = arith.constant 0 : i32
      %dma_start3A_180 = tpu.memref_slice %arg4[%dma_start3A_171, %add3A_169, %dma_start3A_179] : memref<2x320000x128xf32, #tpu.memory_space<hbm>> -> memref<1x80x128xf32, #tpu.memory_space<hbm>>
      %dma_start3A_181 = tpu.memref_squeeze %dma_start3A_180 : memref<1x80x128xf32, #tpu.memory_space<hbm>> -> memref<80x128xf32, #tpu.memory_space<hbm>>
      %dma_start3A_182 = arith.constant 0 : i32
      %dma_start3A_183 = arith.constant 0 : i32
      %dma_start3A_184 = tpu.memref_slice %arg6[%dma_start3A_170, %dma_start3A_182, %dma_start3A_183] : memref<5x80x128xf32, #tpu.memory_space<vmem>> -> memref<1x80x128xf32, #tpu.memory_space<vmem>>
      %dma_start3A_185 = tpu.memref_squeeze %dma_start3A_184 : memref<1x80x128xf32, #tpu.memory_space<vmem>> -> memref<80x128xf32, #tpu.memory_space<vmem>>
      tpu.enqueue_dma source(%dma_start3A_185 : memref<80x128xf32, #tpu.memory_space<vmem>>) target(%dma_start3A_181 : memref<80x128xf32, #tpu.memory_space<hbm>>) target_semaphore(%arg8 : memref<!tpu.dma_semaphore, #tpu.memory_space<semaphore_mem>>)
      %mul3A_186 = arith.constant 10000 : i32
      %mul3A_187 = arith.muli %add3A, %mul3A_186 : i32
      %add3A_188 = arith.addi %mul3A_187, %mul3A_24 : i32
      %add3A_189 = arith.constant 240 : i32
      %add3A_190 = arith.addi %add3A_188, %add3A_189 : i32
      %dma_start3A_191 = arith.constant 3 : i32
      %dma_start3A_192 = arith.constant 0 : i32
      %dma_start3A_193 = arith.constant 0 : i32
      %dma_start3A_194 = arith.constant 0 : i32
      %dma_start3A_195 = tpu.memref_slice %arg6[%dma_start3A_191, %dma_start3A_193, %dma_start3A_194] : memref<5x80x128xf32, #tpu.memory_space<vmem>> -> memref<1x80x128xf32, #tpu.memory_space<vmem>>
      %dma_start3A_196 = tpu.memref_squeeze %dma_start3A_195 : memref<1x80x128xf32, #tpu.memory_space<vmem>> -> memref<80x128xf32, #tpu.memory_space<vmem>>
      %dma_start3A_197 = arith.constant 0 : i32
      %dma_start3A_198 = tpu.memref_slice %arg4[%dma_start3A_192, %add3A_190, %dma_start3A_197] : memref<2x320000x128xf32, #tpu.memory_space<hbm>> -> memref<1x80x128xf32, #tpu.memory_space<hbm>>
      %dma_start3A_199 = tpu.memref_squeeze %dma_start3A_198 : memref<1x80x128xf32, #tpu.memory_space<hbm>> -> memref<80x128xf32, #tpu.memory_space<hbm>>
      %dma_start3A_200 = arith.constant 0 : i32
      %dma_start3A_201 = tpu.memref_slice %arg4[%dma_start3A_192, %add3A_190, %dma_start3A_200] : memref<2x320000x128xf32, #tpu.memory_space<hbm>> -> memref<1x80x128xf32, #tpu.memory_space<hbm>>
      %dma_start3A_202 = tpu.memref_squeeze %dma_start3A_201 : memref<1x80x128xf32, #tpu.memory_space<hbm>> -> memref<80x128xf32, #tpu.memory_space<hbm>>
      %dma_start3A_203 = arith.constant 0 : i32
      %dma_start3A_204 = arith.constant 0 : i32
      %dma_start3A_205 = tpu.memref_slice %arg6[%dma_start3A_191, %dma_start3A_203, %dma_start3A_204] : memref<5x80x128xf32, #tpu.memory_space<vmem>> -> memref<1x80x128xf32, #tpu.memory_space<vmem>>
      %dma_start3A_206 = tpu.memref_squeeze %dma_start3A_205 : memref<1x80x128xf32, #tpu.memory_space<vmem>> -> memref<80x128xf32, #tpu.memory_space<vmem>>
      tpu.enqueue_dma source(%dma_start3A_206 : memref<80x128xf32, #tpu.memory_space<vmem>>) target(%dma_start3A_202 : memref<80x128xf32, #tpu.memory_space<hbm>>) target_semaphore(%arg8 : memref<!tpu.dma_semaphore, #tpu.memory_space<semaphore_mem>>)
      %mul3A_207 = arith.constant 10000 : i32
      %mul3A_208 = arith.muli %add3A, %mul3A_207 : i32
      %add3A_209 = arith.addi %mul3A_208, %mul3A_24 : i32
      %add3A_210 = arith.constant 320 : i32
      %add3A_211 = arith.addi %add3A_209, %add3A_210 : i32
      %dma_start3A_212 = arith.constant 4 : i32
      %dma_start3A_213 = arith.constant 0 : i32
      %dma_start3A_214 = arith.constant 0 : i32
      %dma_start3A_215 = arith.constant 0 : i32
      %dma_start3A_216 = tpu.memref_slice %arg6[%dma_start3A_212, %dma_start3A_214, %dma_start3A_215] : memref<5x80x128xf32, #tpu.memory_space<vmem>> -> memref<1x80x128xf32, #tpu.memory_space<vmem>>
      %dma_start3A_217 = tpu.memref_squeeze %dma_start3A_216 : memref<1x80x128xf32, #tpu.memory_space<vmem>> -> memref<80x128xf32, #tpu.memory_space<vmem>>
      %dma_start3A_218 = arith.constant 0 : i32
      %dma_start3A_219 = tpu.memref_slice %arg4[%dma_start3A_213, %add3A_211, %dma_start3A_218] : memref<2x320000x128xf32, #tpu.memory_space<hbm>> -> memref<1x80x128xf32, #tpu.memory_space<hbm>>
      %dma_start3A_220 = tpu.memref_squeeze %dma_start3A_219 : memref<1x80x128xf32, #tpu.memory_space<hbm>> -> memref<80x128xf32, #tpu.memory_space<hbm>>
      %dma_start3A_221 = arith.constant 0 : i32
      %dma_start3A_222 = tpu.memref_slice %arg4[%dma_start3A_213, %add3A_211, %dma_start3A_221] : memref<2x320000x128xf32, #tpu.memory_space<hbm>> -> memref<1x80x128xf32, #tpu.memory_space<hbm>>
      %dma_start3A_223 = tpu.memref_squeeze %dma_start3A_222 : memref<1x80x128xf32, #tpu.memory_space<hbm>> -> memref<80x128xf32, #tpu.memory_space<hbm>>
      %dma_start3A_224 = arith.constant 0 : i32
      %dma_start3A_225 = arith.constant 0 : i32
      %dma_start3A_226 = tpu.memref_slice %arg6[%dma_start3A_212, %dma_start3A_224, %dma_start3A_225] : memref<5x80x128xf32, #tpu.memory_space<vmem>> -> memref<1x80x128xf32, #tpu.memory_space<vmem>>
      %dma_start3A_227 = tpu.memref_squeeze %dma_start3A_226 : memref<1x80x128xf32, #tpu.memory_space<vmem>> -> memref<80x128xf32, #tpu.memory_space<vmem>>
      tpu.enqueue_dma source(%dma_start3A_227 : memref<80x128xf32, #tpu.memory_space<vmem>>) target(%dma_start3A_223 : memref<80x128xf32, #tpu.memory_space<hbm>>) target_semaphore(%arg8 : memref<!tpu.dma_semaphore, #tpu.memory_space<semaphore_mem>>)
      %dma_wait3A_228 = arith.constant 0 : i32
      %dma_wait3A_229 = arith.constant 0 : i32
      %dma_wait3A_230 = arith.constant 0 : i32
      %dma_wait3A_231 = arith.constant 0 : i32
      %dma_wait3A_232 = tpu.memref_slice %arg6[%dma_wait3A_228, %dma_wait3A_230, %dma_wait3A_231] : memref<5x80x128xf32, #tpu.memory_space<vmem>> -> memref<1x80x128xf32, #tpu.memory_space<vmem>>
      %dma_wait3A_233 = tpu.memref_squeeze %dma_wait3A_232 : memref<1x80x128xf32, #tpu.memory_space<vmem>> -> memref<80x128xf32, #tpu.memory_space<vmem>>
      %dma_wait3A_234 = arith.constant 0 : i32
      %dma_wait3A_235 = tpu.memref_slice %arg4[%dma_wait3A_229, %add3A_127, %dma_wait3A_234] : memref<2x320000x128xf32, #tpu.memory_space<hbm>> -> memref<1x80x128xf32, #tpu.memory_space<hbm>>
      %dma_wait3A_236 = tpu.memref_squeeze %dma_wait3A_235 : memref<1x80x128xf32, #tpu.memory_space<hbm>> -> memref<80x128xf32, #tpu.memory_space<hbm>>
      %dma_wait3A_237 = arith.constant 0 : i32
      %dma_wait3A_238 = tpu.memref_slice %arg4[%dma_wait3A_229, %add3A_127, %dma_wait3A_237] : memref<2x320000x128xf32, #tpu.memory_space<hbm>> -> memref<1x80x128xf32, #tpu.memory_space<hbm>>
      %dma_wait3A_239 = tpu.memref_squeeze %dma_wait3A_238 : memref<1x80x128xf32, #tpu.memory_space<hbm>> -> memref<80x128xf32, #tpu.memory_space<hbm>>
      %dma_wait3A_240 = arith.constant 0 : i32
      %dma_wait3A_241 = arith.constant 0 : i32
      %dma_wait3A_242 = tpu.memref_slice %arg6[%dma_wait3A_228, %dma_wait3A_240, %dma_wait3A_241] : memref<5x80x128xf32, #tpu.memory_space<vmem>> -> memref<1x80x128xf32, #tpu.memory_space<vmem>>
      %dma_wait3A_243 = tpu.memref_squeeze %dma_wait3A_242 : memref<1x80x128xf32, #tpu.memory_space<vmem>> -> memref<80x128xf32, #tpu.memory_space<vmem>>
      tpu.wait_dma2 semaphore(%arg8 : memref<!tpu.dma_semaphore, #tpu.memory_space<semaphore_mem>>) src(%dma_wait3A_243 : memref<80x128xf32, #tpu.memory_space<vmem>>) dst(%dma_wait3A_239 : memref<80x128xf32, #tpu.memory_space<hbm>>)
      %dma_wait3A_244 = arith.constant 1 : i32
      %dma_wait3A_245 = arith.constant 0 : i32
      %dma_wait3A_246 = arith.constant 0 : i32
      %dma_wait3A_247 = arith.constant 0 : i32
      %dma_wait3A_248 = tpu.memref_slice %arg6[%dma_wait3A_244, %dma_wait3A_246, %dma_wait3A_247] : memref<5x80x128xf32, #tpu.memory_space<vmem>> -> memref<1x80x128xf32, #tpu.memory_space<vmem>>
      %dma_wait3A_249 = tpu.memref_squeeze %dma_wait3A_248 : memref<1x80x128xf32, #tpu.memory_space<vmem>> -> memref<80x128xf32, #tpu.memory_space<vmem>>
      %dma_wait3A_250 = arith.constant 0 : i32
      %dma_wait3A_251 = tpu.memref_slice %arg4[%dma_wait3A_245, %add3A_148, %dma_wait3A_250] : memref<2x320000x128xf32, #tpu.memory_space<hbm>> -> memref<1x80x128xf32, #tpu.memory_space<hbm>>
      %dma_wait3A_252 = tpu.memref_squeeze %dma_wait3A_251 : memref<1x80x128xf32, #tpu.memory_space<hbm>> -> memref<80x128xf32, #tpu.memory_space<hbm>>
      %dma_wait3A_253 = arith.constant 0 : i32
      %dma_wait3A_254 = tpu.memref_slice %arg4[%dma_wait3A_245, %add3A_148, %dma_wait3A_253] : memref<2x320000x128xf32, #tpu.memory_space<hbm>> -> memref<1x80x128xf32, #tpu.memory_space<hbm>>
      %dma_wait3A_255 = tpu.memref_squeeze %dma_wait3A_254 : memref<1x80x128xf32, #tpu.memory_space<hbm>> -> memref<80x128xf32, #tpu.memory_space<hbm>>
      %dma_wait3A_256 = arith.constant 0 : i32
      %dma_wait3A_257 = arith.constant 0 : i32
      %dma_wait3A_258 = tpu.memref_slice %arg6[%dma_wait3A_244, %dma_wait3A_256, %dma_wait3A_257] : memref<5x80x128xf32, #tpu.memory_space<vmem>> -> memref<1x80x128xf32, #tpu.memory_space<vmem>>
      %dma_wait3A_259 = tpu.memref_squeeze %dma_wait3A_258 : memref<1x80x128xf32, #tpu.memory_space<vmem>> -> memref<80x128xf32, #tpu.memory_space<vmem>>
      tpu.wait_dma2 semaphore(%arg8 : memref<!tpu.dma_semaphore, #tpu.memory_space<semaphore_mem>>) src(%dma_wait3A_259 : memref<80x128xf32, #tpu.memory_space<vmem>>) dst(%dma_wait3A_255 : memref<80x128xf32, #tpu.memory_space<hbm>>)
      %dma_wait3A_260 = arith.constant 2 : i32
      %dma_wait3A_261 = arith.constant 0 : i32
      %dma_wait3A_262 = arith.constant 0 : i32
      %dma_wait3A_263 = arith.constant 0 : i32
      %dma_wait3A_264 = tpu.memref_slice %arg6[%dma_wait3A_260, %dma_wait3A_262, %dma_wait3A_263] : memref<5x80x128xf32, #tpu.memory_space<vmem>> -> memref<1x80x128xf32, #tpu.memory_space<vmem>>
      %dma_wait3A_265 = tpu.memref_squeeze %dma_wait3A_264 : memref<1x80x128xf32, #tpu.memory_space<vmem>> -> memref<80x128xf32, #tpu.memory_space<vmem>>
      %dma_wait3A_266 = arith.constant 0 : i32
      %dma_wait3A_267 = tpu.memref_slice %arg4[%dma_wait3A_261, %add3A_169, %dma_wait3A_266] : memref<2x320000x128xf32, #tpu.memory_space<hbm>> -> memref<1x80x128xf32, #tpu.memory_space<hbm>>
      %dma_wait3A_268 = tpu.memref_squeeze %dma_wait3A_267 : memref<1x80x128xf32, #tpu.memory_space<hbm>> -> memref<80x128xf32, #tpu.memory_space<hbm>>
      %dma_wait3A_269 = arith.constant 0 : i32
      %dma_wait3A_270 = tpu.memref_slice %arg4[%dma_wait3A_261, %add3A_169, %dma_wait3A_269] : memref<2x320000x128xf32, #tpu.memory_space<hbm>> -> memref<1x80x128xf32, #tpu.memory_space<hbm>>
      %dma_wait3A_271 = tpu.memref_squeeze %dma_wait3A_270 : memref<1x80x128xf32, #tpu.memory_space<hbm>> -> memref<80x128xf32, #tpu.memory_space<hbm>>
      %dma_wait3A_272 = arith.constant 0 : i32
      %dma_wait3A_273 = arith.constant 0 : i32
      %dma_wait3A_274 = tpu.memref_slice %arg6[%dma_wait3A_260, %dma_wait3A_272, %dma_wait3A_273] : memref<5x80x128xf32, #tpu.memory_space<vmem>> -> memref<1x80x128xf32, #tpu.memory_space<vmem>>
      %dma_wait3A_275 = tpu.memref_squeeze %dma_wait3A_274 : memref<1x80x128xf32, #tpu.memory_space<vmem>> -> memref<80x128xf32, #tpu.memory_space<vmem>>
      tpu.wait_dma2 semaphore(%arg8 : memref<!tpu.dma_semaphore, #tpu.memory_space<semaphore_mem>>) src(%dma_wait3A_275 : memref<80x128xf32, #tpu.memory_space<vmem>>) dst(%dma_wait3A_271 : memref<80x128xf32, #tpu.memory_space<hbm>>)
      %dma_wait3A_276 = arith.constant 3 : i32
      %dma_wait3A_277 = arith.constant 0 : i32
      %dma_wait3A_278 = arith.constant 0 : i32
      %dma_wait3A_279 = arith.constant 0 : i32
      %dma_wait3A_280 = tpu.memref_slice %arg6[%dma_wait3A_276, %dma_wait3A_278, %dma_wait3A_279] : memref<5x80x128xf32, #tpu.memory_space<vmem>> -> memref<1x80x128xf32, #tpu.memory_space<vmem>>
      %dma_wait3A_281 = tpu.memref_squeeze %dma_wait3A_280 : memref<1x80x128xf32, #tpu.memory_space<vmem>> -> memref<80x128xf32, #tpu.memory_space<vmem>>
      %dma_wait3A_282 = arith.constant 0 : i32
      %dma_wait3A_283 = tpu.memref_slice %arg4[%dma_wait3A_277, %add3A_190, %dma_wait3A_282] : memref<2x320000x128xf32, #tpu.memory_space<hbm>> -> memref<1x80x128xf32, #tpu.memory_space<hbm>>
      %dma_wait3A_284 = tpu.memref_squeeze %dma_wait3A_283 : memref<1x80x128xf32, #tpu.memory_space<hbm>> -> memref<80x128xf32, #tpu.memory_space<hbm>>
      %dma_wait3A_285 = arith.constant 0 : i32
      %dma_wait3A_286 = tpu.memref_slice %arg4[%dma_wait3A_277, %add3A_190, %dma_wait3A_285] : memref<2x320000x128xf32, #tpu.memory_space<hbm>> -> memref<1x80x128xf32, #tpu.memory_space<hbm>>
      %dma_wait3A_287 = tpu.memref_squeeze %dma_wait3A_286 : memref<1x80x128xf32, #tpu.memory_space<hbm>> -> memref<80x128xf32, #tpu.memory_space<hbm>>
      %dma_wait3A_288 = arith.constant 0 : i32
      %dma_wait3A_289 = arith.constant 0 : i32
      %dma_wait3A_290 = tpu.memref_slice %arg6[%dma_wait3A_276, %dma_wait3A_288, %dma_wait3A_289] : memref<5x80x128xf32, #tpu.memory_space<vmem>> -> memref<1x80x128xf32, #tpu.memory_space<vmem>>
      %dma_wait3A_291 = tpu.memref_squeeze %dma_wait3A_290 : memref<1x80x128xf32, #tpu.memory_space<vmem>> -> memref<80x128xf32, #tpu.memory_space<vmem>>
      tpu.wait_dma2 semaphore(%arg8 : memref<!tpu.dma_semaphore, #tpu.memory_space<semaphore_mem>>) src(%dma_wait3A_291 : memref<80x128xf32, #tpu.memory_space<vmem>>) dst(%dma_wait3A_287 : memref<80x128xf32, #tpu.memory_space<hbm>>)
      %dma_wait3A_292 = arith.constant 4 : i32
      %dma_wait3A_293 = arith.constant 0 : i32
      %dma_wait3A_294 = arith.constant 0 : i32
      %dma_wait3A_295 = arith.constant 0 : i32
      %dma_wait3A_296 = tpu.memref_slice %arg6[%dma_wait3A_292, %dma_wait3A_294, %dma_wait3A_295] : memref<5x80x128xf32, #tpu.memory_space<vmem>> -> memref<1x80x128xf32, #tpu.memory_space<vmem>>
      %dma_wait3A_297 = tpu.memref_squeeze %dma_wait3A_296 : memref<1x80x128xf32, #tpu.memory_space<vmem>> -> memref<80x128xf32, #tpu.memory_space<vmem>>
      %dma_wait3A_298 = arith.constant 0 : i32
      %dma_wait3A_299 = tpu.memref_slice %arg4[%dma_wait3A_293, %add3A_211, %dma_wait3A_298] : memref<2x320000x128xf32, #tpu.memory_space<hbm>> -> memref<1x80x128xf32, #tpu.memory_space<hbm>>
      %dma_wait3A_300 = tpu.memref_squeeze %dma_wait3A_299 : memref<1x80x128xf32, #tpu.memory_space<hbm>> -> memref<80x128xf32, #tpu.memory_space<hbm>>
      %dma_wait3A_301 = arith.constant 0 : i32
      %dma_wait3A_302 = tpu.memref_slice %arg4[%dma_wait3A_293, %add3A_211, %dma_wait3A_301] : memref<2x320000x128xf32, #tpu.memory_space<hbm>> -> memref<1x80x128xf32, #tpu.memory_space<hbm>>
      %dma_wait3A_303 = tpu.memref_squeeze %dma_wait3A_302 : memref<1x80x128xf32, #tpu.memory_space<hbm>> -> memref<80x128xf32, #tpu.memory_space<hbm>>
      %dma_wait3A_304 = arith.constant 0 : i32
      %dma_wait3A_305 = arith.constant 0 : i32
      %dma_wait3A_306 = tpu.memref_slice %arg6[%dma_wait3A_292, %dma_wait3A_304, %dma_wait3A_305] : memref<5x80x128xf32, #tpu.memory_space<vmem>> -> memref<1x80x128xf32, #tpu.memory_space<vmem>>
      %dma_wait3A_307 = tpu.memref_squeeze %dma_wait3A_306 : memref<1x80x128xf32, #tpu.memory_space<vmem>> -> memref<80x128xf32, #tpu.memory_space<vmem>>
      tpu.wait_dma2 semaphore(%arg8 : memref<!tpu.dma_semaphore, #tpu.memory_space<semaphore_mem>>) src(%dma_wait3A_307 : memref<80x128xf32, #tpu.memory_space<vmem>>) dst(%dma_wait3A_303 : memref<80x128xf32, #tpu.memory_space<hbm>>)
    }
    %scan3A_8 = arith.constant 25 : i32
    %mul3A_9 = arith.constant 10000 : i32
    %mul3A_10 = arith.muli %add3A, %mul3A_9 : i32
    %add3A_11 = arith.constant 320000 : i32
    %add3A_12 = arith.addi %add3A_11, %mul3A_10 : i32
    "tpu.region"() ({
      %run_scoped3A = tpu.sem_alloc : memref<!tpu.dma_semaphore, #tpu.memory_space<semaphore_mem>>
      %dma_start3A = tpu.memref_slice %arg3[%add3A_12] : memref<640000xi32, #tpu.memory_space<hbm>> -> memref<10000xi32, #tpu.memory_space<hbm>>
      %dma_start3A_18 = tpu.memref_slice %arg3[%add3A_12] : memref<640000xi32, #tpu.memory_space<hbm>> -> memref<10000xi32, #tpu.memory_space<hbm>>
      tpu.enqueue_dma source(%dma_start3A_18 : memref<10000xi32, #tpu.memory_space<hbm>>) target(%arg5 : memref<10000xi32, #tpu.memory_space<vmem>>) target_semaphore(%run_scoped3A : memref<!tpu.dma_semaphore, #tpu.memory_space<semaphore_mem>>)
      %dma_wait3A = tpu.memref_slice %arg3[%add3A_12] : memref<640000xi32, #tpu.memory_space<hbm>> -> memref<10000xi32, #tpu.memory_space<hbm>>
      %dma_wait3A_19 = tpu.memref_slice %arg3[%add3A_12] : memref<640000xi32, #tpu.memory_space<hbm>> -> memref<10000xi32, #tpu.memory_space<hbm>>
      tpu.wait_dma2 semaphore(%run_scoped3A : memref<!tpu.dma_semaphore, #tpu.memory_space<semaphore_mem>>) src(%dma_wait3A_19 : memref<10000xi32, #tpu.memory_space<hbm>>) dst(%arg5 : memref<10000xi32, #tpu.memory_space<vmem>>)
      tpu.yield
    }) : () -> ()
    %scan3A_13 = arith.constant 0 : i32
    %scan3A_14 = arith.constant 25 : i32
    %scan3A_15 = arith.addi %scan3A_13, %scan3A_14 : i32
    %scan3A_16 = arith.constant 1 : i32
    scf.for %scan3A_18 = %scan3A_13 to %scan3A_15 step %scan3A_16  : i32 {
      %mul3A_19 = arith.constant 1 : i32
      %mul3A_20 = arith.muli %scan3A_18, %mul3A_19 : i32
      %add3A_21 = arith.constant 0 : i32
      %add3A_22 = arith.addi %add3A_21, %mul3A_20 : i32
      %mul3A_23 = arith.constant 400 : i32
      %mul3A_24 = arith.muli %add3A_22, %mul3A_23 : i32
      %add3A_25 = arith.constant 0 : i32
      %add3A_26 = arith.addi %mul3A_24, %add3A_25 : i32
      %dma_start3A = arith.constant 0 : i32
      %dma_start3A_27 = arith.constant 0 : i32
      %dma_start3A_28 = arith.constant 0 : i32
      %dma_start3A_29 = tpu.memref_slice %arg6[%dma_start3A, %dma_start3A_27, %dma_start3A_28] : memref<5x80x128xf32, #tpu.memory_space<vmem>> -> memref<1x80x128xf32, #tpu.memory_space<vmem>>
      %dma_start3A_30 = tpu.memref_squeeze %dma_start3A_29 : memref<1x80x128xf32, #tpu.memory_space<vmem>> -> memref<80x128xf32, #tpu.memory_space<vmem>>
      %dma_start3A_31 = tpu.memref_slice %arg5[%add3A_26] : memref<10000xi32, #tpu.memory_space<vmem>> -> memref<80xi32, #tpu.memory_space<vmem>>
      %dma_start3A_32 = arith.constant 0 : i32
      %dma_start3A_33 = arith.constant 0 : i32
      %dma_start3A_34 = tpu.memref_slice %arg2[%dma_start3A_32, %dma_start3A_33] : memref<10000x128xf32, #tpu.memory_space<hbm>> -> memref<10000x128xf32, #tpu.memory_space<hbm>>
      tpu.enqueue_indirect_dma source(%dma_start3A_34 : memref<10000x128xf32, #tpu.memory_space<hbm>>) target(%dma_start3A_30 : memref<80x128xf32, #tpu.memory_space<vmem>>) offsets(%dma_start3A_31 : memref<80xi32, #tpu.memory_space<vmem>>) semaphore(%arg7 : memref<!tpu.dma_semaphore, #tpu.memory_space<semaphore_mem>>)
      %add3A_35 = arith.constant 80 : i32
      %add3A_36 = arith.addi %mul3A_24, %add3A_35 : i32
      %dma_start3A_37 = arith.constant 1 : i32
      %dma_start3A_38 = arith.constant 0 : i32
      %dma_start3A_39 = arith.constant 0 : i32
      %dma_start3A_40 = tpu.memref_slice %arg6[%dma_start3A_37, %dma_start3A_38, %dma_start3A_39] : memref<5x80x128xf32, #tpu.memory_space<vmem>> -> memref<1x80x128xf32, #tpu.memory_space<vmem>>
      %dma_start3A_41 = tpu.memref_squeeze %dma_start3A_40 : memref<1x80x128xf32, #tpu.memory_space<vmem>> -> memref<80x128xf32, #tpu.memory_space<vmem>>
      %dma_start3A_42 = tpu.memref_slice %arg5[%add3A_36] : memref<10000xi32, #tpu.memory_space<vmem>> -> memref<80xi32, #tpu.memory_space<vmem>>
      %dma_start3A_43 = arith.constant 0 : i32
      %dma_start3A_44 = arith.constant 0 : i32
      %dma_start3A_45 = tpu.memref_slice %arg2[%dma_start3A_43, %dma_start3A_44] : memref<10000x128xf32, #tpu.memory_space<hbm>> -> memref<10000x128xf32, #tpu.memory_space<hbm>>
      tpu.enqueue_indirect_dma source(%dma_start3A_45 : memref<10000x128xf32, #tpu.memory_space<hbm>>) target(%dma_start3A_41 : memref<80x128xf32, #tpu.memory_space<vmem>>) offsets(%dma_start3A_42 : memref<80xi32, #tpu.memory_space<vmem>>) semaphore(%arg7 : memref<!tpu.dma_semaphore, #tpu.memory_space<semaphore_mem>>)
      %add3A_46 = arith.constant 160 : i32
      %add3A_47 = arith.addi %mul3A_24, %add3A_46 : i32
      %dma_start3A_48 = arith.constant 2 : i32
      %dma_start3A_49 = arith.constant 0 : i32
      %dma_start3A_50 = arith.constant 0 : i32
      %dma_start3A_51 = tpu.memref_slice %arg6[%dma_start3A_48, %dma_start3A_49, %dma_start3A_50] : memref<5x80x128xf32, #tpu.memory_space<vmem>> -> memref<1x80x128xf32, #tpu.memory_space<vmem>>
      %dma_start3A_52 = tpu.memref_squeeze %dma_start3A_51 : memref<1x80x128xf32, #tpu.memory_space<vmem>> -> memref<80x128xf32, #tpu.memory_space<vmem>>
      %dma_start3A_53 = tpu.memref_slice %arg5[%add3A_47] : memref<10000xi32, #tpu.memory_space<vmem>> -> memref<80xi32, #tpu.memory_space<vmem>>
      %dma_start3A_54 = arith.constant 0 : i32
      %dma_start3A_55 = arith.constant 0 : i32
      %dma_start3A_56 = tpu.memref_slice %arg2[%dma_start3A_54, %dma_start3A_55] : memref<10000x128xf32, #tpu.memory_space<hbm>> -> memref<10000x128xf32, #tpu.memory_space<hbm>>
      tpu.enqueue_indirect_dma source(%dma_start3A_56 : memref<10000x128xf32, #tpu.memory_space<hbm>>) target(%dma_start3A_52 : memref<80x128xf32, #tpu.memory_space<vmem>>) offsets(%dma_start3A_53 : memref<80xi32, #tpu.memory_space<vmem>>) semaphore(%arg7 : memref<!tpu.dma_semaphore, #tpu.memory_space<semaphore_mem>>)
      %add3A_57 = arith.constant 240 : i32
      %add3A_58 = arith.addi %mul3A_24, %add3A_57 : i32
      %dma_start3A_59 = arith.constant 3 : i32
      %dma_start3A_60 = arith.constant 0 : i32
      %dma_start3A_61 = arith.constant 0 : i32
      %dma_start3A_62 = tpu.memref_slice %arg6[%dma_start3A_59, %dma_start3A_60, %dma_start3A_61] : memref<5x80x128xf32, #tpu.memory_space<vmem>> -> memref<1x80x128xf32, #tpu.memory_space<vmem>>
      %dma_start3A_63 = tpu.memref_squeeze %dma_start3A_62 : memref<1x80x128xf32, #tpu.memory_space<vmem>> -> memref<80x128xf32, #tpu.memory_space<vmem>>
      %dma_start3A_64 = tpu.memref_slice %arg5[%add3A_58] : memref<10000xi32, #tpu.memory_space<vmem>> -> memref<80xi32, #tpu.memory_space<vmem>>
      %dma_start3A_65 = arith.constant 0 : i32
      %dma_start3A_66 = arith.constant 0 : i32
      %dma_start3A_67 = tpu.memref_slice %arg2[%dma_start3A_65, %dma_start3A_66] : memref<10000x128xf32, #tpu.memory_space<hbm>> -> memref<10000x128xf32, #tpu.memory_space<hbm>>
      tpu.enqueue_indirect_dma source(%dma_start3A_67 : memref<10000x128xf32, #tpu.memory_space<hbm>>) target(%dma_start3A_63 : memref<80x128xf32, #tpu.memory_space<vmem>>) offsets(%dma_start3A_64 : memref<80xi32, #tpu.memory_space<vmem>>) semaphore(%arg7 : memref<!tpu.dma_semaphore, #tpu.memory_space<semaphore_mem>>)
      %add3A_68 = arith.constant 320 : i32
      %add3A_69 = arith.addi %mul3A_24, %add3A_68 : i32
      %dma_start3A_70 = arith.constant 4 : i32
      %dma_start3A_71 = arith.constant 0 : i32
      %dma_start3A_72 = arith.constant 0 : i32
      %dma_start3A_73 = tpu.memref_slice %arg6[%dma_start3A_70, %dma_start3A_71, %dma_start3A_72] : memref<5x80x128xf32, #tpu.memory_space<vmem>> -> memref<1x80x128xf32, #tpu.memory_space<vmem>>
      %dma_start3A_74 = tpu.memref_squeeze %dma_start3A_73 : memref<1x80x128xf32, #tpu.memory_space<vmem>> -> memref<80x128xf32, #tpu.memory_space<vmem>>
      %dma_start3A_75 = tpu.memref_slice %arg5[%add3A_69] : memref<10000xi32, #tpu.memory_space<vmem>> -> memref<80xi32, #tpu.memory_space<vmem>>
      %dma_start3A_76 = arith.constant 0 : i32
      %dma_start3A_77 = arith.constant 0 : i32
      %dma_start3A_78 = tpu.memref_slice %arg2[%dma_start3A_76, %dma_start3A_77] : memref<10000x128xf32, #tpu.memory_space<hbm>> -> memref<10000x128xf32, #tpu.memory_space<hbm>>
      tpu.enqueue_indirect_dma source(%dma_start3A_78 : memref<10000x128xf32, #tpu.memory_space<hbm>>) target(%dma_start3A_74 : memref<80x128xf32, #tpu.memory_space<vmem>>) offsets(%dma_start3A_75 : memref<80xi32, #tpu.memory_space<vmem>>) semaphore(%arg7 : memref<!tpu.dma_semaphore, #tpu.memory_space<semaphore_mem>>)
      %dma_wait3A = arith.constant 0 : i32
      %dma_wait3A_79 = arith.constant 0 : i32
      %dma_wait3A_80 = arith.constant 0 : i32
      %dma_wait3A_81 = tpu.memref_slice %arg6[%dma_wait3A, %dma_wait3A_79, %dma_wait3A_80] : memref<5x80x128xf32, #tpu.memory_space<vmem>> -> memref<1x80x128xf32, #tpu.memory_space<vmem>>
      %dma_wait3A_82 = tpu.memref_squeeze %dma_wait3A_81 : memref<1x80x128xf32, #tpu.memory_space<vmem>> -> memref<80x128xf32, #tpu.memory_space<vmem>>
      %dma_wait3A_83 = tpu.memref_slice %arg5[%add3A_26] : memref<10000xi32, #tpu.memory_space<vmem>> -> memref<80xi32, #tpu.memory_space<vmem>>
      %dma_wait3A_84 = arith.constant 0 : i32
      %dma_wait3A_85 = arith.constant 0 : i32
      %dma_wait3A_86 = tpu.memref_slice %arg2[%dma_wait3A_84, %dma_wait3A_85] : memref<10000x128xf32, #tpu.memory_space<hbm>> -> memref<10000x128xf32, #tpu.memory_space<hbm>>
      tpu.wait_indirect_dma semaphore(%arg7 : memref<!tpu.dma_semaphore, #tpu.memory_space<semaphore_mem>>) src(%dma_wait3A_86 : memref<10000x128xf32, #tpu.memory_space<hbm>>) dst(%dma_wait3A_82 : memref<80x128xf32, #tpu.memory_space<vmem>>)
      %dma_wait3A_87 = arith.constant 1 : i32
      %dma_wait3A_88 = arith.constant 0 : i32
      %dma_wait3A_89 = arith.constant 0 : i32
      %dma_wait3A_90 = tpu.memref_slice %arg6[%dma_wait3A_87, %dma_wait3A_88, %dma_wait3A_89] : memref<5x80x128xf32, #tpu.memory_space<vmem>> -> memref<1x80x128xf32, #tpu.memory_space<vmem>>
      %dma_wait3A_91 = tpu.memref_squeeze %dma_wait3A_90 : memref<1x80x128xf32, #tpu.memory_space<vmem>> -> memref<80x128xf32, #tpu.memory_space<vmem>>
      %dma_wait3A_92 = tpu.memref_slice %arg5[%add3A_36] : memref<10000xi32, #tpu.memory_space<vmem>> -> memref<80xi32, #tpu.memory_space<vmem>>
      %dma_wait3A_93 = arith.constant 0 : i32
      %dma_wait3A_94 = arith.constant 0 : i32
      %dma_wait3A_95 = tpu.memref_slice %arg2[%dma_wait3A_93, %dma_wait3A_94] : memref<10000x128xf32, #tpu.memory_space<hbm>> -> memref<10000x128xf32, #tpu.memory_space<hbm>>
      tpu.wait_indirect_dma semaphore(%arg7 : memref<!tpu.dma_semaphore, #tpu.memory_space<semaphore_mem>>) src(%dma_wait3A_95 : memref<10000x128xf32, #tpu.memory_space<hbm>>) dst(%dma_wait3A_91 : memref<80x128xf32, #tpu.memory_space<vmem>>)
      %dma_wait3A_96 = arith.constant 2 : i32
      %dma_wait3A_97 = arith.constant 0 : i32
      %dma_wait3A_98 = arith.constant 0 : i32
      %dma_wait3A_99 = tpu.memref_slice %arg6[%dma_wait3A_96, %dma_wait3A_97, %dma_wait3A_98] : memref<5x80x128xf32, #tpu.memory_space<vmem>> -> memref<1x80x128xf32, #tpu.memory_space<vmem>>
      %dma_wait3A_100 = tpu.memref_squeeze %dma_wait3A_99 : memref<1x80x128xf32, #tpu.memory_space<vmem>> -> memref<80x128xf32, #tpu.memory_space<vmem>>
      %dma_wait3A_101 = tpu.memref_slice %arg5[%add3A_47] : memref<10000xi32, #tpu.memory_space<vmem>> -> memref<80xi32, #tpu.memory_space<vmem>>
      %dma_wait3A_102 = arith.constant 0 : i32
      %dma_wait3A_103 = arith.constant 0 : i32
      %dma_wait3A_104 = tpu.memref_slice %arg2[%dma_wait3A_102, %dma_wait3A_103] : memref<10000x128xf32, #tpu.memory_space<hbm>> -> memref<10000x128xf32, #tpu.memory_space<hbm>>
      tpu.wait_indirect_dma semaphore(%arg7 : memref<!tpu.dma_semaphore, #tpu.memory_space<semaphore_mem>>) src(%dma_wait3A_104 : memref<10000x128xf32, #tpu.memory_space<hbm>>) dst(%dma_wait3A_100 : memref<80x128xf32, #tpu.memory_space<vmem>>)
      %dma_wait3A_105 = arith.constant 3 : i32
      %dma_wait3A_106 = arith.constant 0 : i32
      %dma_wait3A_107 = arith.constant 0 : i32
      %dma_wait3A_108 = tpu.memref_slice %arg6[%dma_wait3A_105, %dma_wait3A_106, %dma_wait3A_107] : memref<5x80x128xf32, #tpu.memory_space<vmem>> -> memref<1x80x128xf32, #tpu.memory_space<vmem>>
      %dma_wait3A_109 = tpu.memref_squeeze %dma_wait3A_108 : memref<1x80x128xf32, #tpu.memory_space<vmem>> -> memref<80x128xf32, #tpu.memory_space<vmem>>
      %dma_wait3A_110 = tpu.memref_slice %arg5[%add3A_58] : memref<10000xi32, #tpu.memory_space<vmem>> -> memref<80xi32, #tpu.memory_space<vmem>>
      %dma_wait3A_111 = arith.constant 0 : i32
      %dma_wait3A_112 = arith.constant 0 : i32
      %dma_wait3A_113 = tpu.memref_slice %arg2[%dma_wait3A_111, %dma_wait3A_112] : memref<10000x128xf32, #tpu.memory_space<hbm>> -> memref<10000x128xf32, #tpu.memory_space<hbm>>
      tpu.wait_indirect_dma semaphore(%arg7 : memref<!tpu.dma_semaphore, #tpu.memory_space<semaphore_mem>>) src(%dma_wait3A_113 : memref<10000x128xf32, #tpu.memory_space<hbm>>) dst(%dma_wait3A_109 : memref<80x128xf32, #tpu.memory_space<vmem>>)
      %dma_wait3A_114 = arith.constant 4 : i32
      %dma_wait3A_115 = arith.constant 0 : i32
      %dma_wait3A_116 = arith.constant 0 : i32
      %dma_wait3A_117 = tpu.memref_slice %arg6[%dma_wait3A_114, %dma_wait3A_115, %dma_wait3A_116] : memref<5x80x128xf32, #tpu.memory_space<vmem>> -> memref<1x80x128xf32, #tpu.memory_space<vmem>>
      %dma_wait3A_118 = tpu.memref_squeeze %dma_wait3A_117 : memref<1x80x128xf32, #tpu.memory_space<vmem>> -> memref<80x128xf32, #tpu.memory_space<vmem>>
      %dma_wait3A_119 = tpu.memref_slice %arg5[%add3A_69] : memref<10000xi32, #tpu.memory_space<vmem>> -> memref<80xi32, #tpu.memory_space<vmem>>
      %dma_wait3A_120 = arith.constant 0 : i32
      %dma_wait3A_121 = arith.constant 0 : i32
      %dma_wait3A_122 = tpu.memref_slice %arg2[%dma_wait3A_120, %dma_wait3A_121] : memref<10000x128xf32, #tpu.memory_space<hbm>> -> memref<10000x128xf32, #tpu.memory_space<hbm>>
      tpu.wait_indirect_dma semaphore(%arg7 : memref<!tpu.dma_semaphore, #tpu.memory_space<semaphore_mem>>) src(%dma_wait3A_122 : memref<10000x128xf32, #tpu.memory_space<hbm>>) dst(%dma_wait3A_118 : memref<80x128xf32, #tpu.memory_space<vmem>>)
      %mul3A_123 = arith.constant 10000 : i32
      %mul3A_124 = arith.muli %add3A, %mul3A_123 : i32
      %add3A_125 = arith.addi %mul3A_124, %mul3A_24 : i32
      %add3A_126 = arith.constant 0 : i32
      %add3A_127 = arith.addi %add3A_125, %add3A_126 : i32
      %dma_start3A_128 = arith.constant 0 : i32
      %dma_start3A_129 = arith.constant 1 : i32
      %dma_start3A_130 = arith.constant 0 : i32
      %dma_start3A_131 = arith.constant 0 : i32
      %dma_start3A_132 = tpu.memref_slice %arg6[%dma_start3A_128, %dma_start3A_130, %dma_start3A_131] : memref<5x80x128xf32, #tpu.memory_space<vmem>> -> memref<1x80x128xf32, #tpu.memory_space<vmem>>
      %dma_start3A_133 = tpu.memref_squeeze %dma_start3A_132 : memref<1x80x128xf32, #tpu.memory_space<vmem>> -> memref<80x128xf32, #tpu.memory_space<vmem>>
      %dma_start3A_134 = arith.constant 0 : i32
      %dma_start3A_135 = tpu.memref_slice %arg4[%dma_start3A_129, %add3A_127, %dma_start3A_134] : memref<2x320000x128xf32, #tpu.memory_space<hbm>> -> memref<1x80x128xf32, #tpu.memory_space<hbm>>
      %dma_start3A_136 = tpu.memref_squeeze %dma_start3A_135 : memref<1x80x128xf32, #tpu.memory_space<hbm>> -> memref<80x128xf32, #tpu.memory_space<hbm>>
      %dma_start3A_137 = arith.constant 0 : i32
      %dma_start3A_138 = tpu.memref_slice %arg4[%dma_start3A_129, %add3A_127, %dma_start3A_137] : memref<2x320000x128xf32, #tpu.memory_space<hbm>> -> memref<1x80x128xf32, #tpu.memory_space<hbm>>
      %dma_start3A_139 = tpu.memref_squeeze %dma_start3A_138 : memref<1x80x128xf32, #tpu.memory_space<hbm>> -> memref<80x128xf32, #tpu.memory_space<hbm>>
      %dma_start3A_140 = arith.constant 0 : i32
      %dma_start3A_141 = arith.constant 0 : i32
      %dma_start3A_142 = tpu.memref_slice %arg6[%dma_start3A_128, %dma_start3A_140, %dma_start3A_141] : memref<5x80x128xf32, #tpu.memory_space<vmem>> -> memref<1x80x128xf32, #tpu.memory_space<vmem>>
      %dma_start3A_143 = tpu.memref_squeeze %dma_start3A_142 : memref<1x80x128xf32, #tpu.memory_space<vmem>> -> memref<80x128xf32, #tpu.memory_space<vmem>>
      tpu.enqueue_dma source(%dma_start3A_143 : memref<80x128xf32, #tpu.memory_space<vmem>>) target(%dma_start3A_139 : memref<80x128xf32, #tpu.memory_space<hbm>>) target_semaphore(%arg8 : memref<!tpu.dma_semaphore, #tpu.memory_space<semaphore_mem>>)
      %mul3A_144 = arith.constant 10000 : i32
      %mul3A_145 = arith.muli %add3A, %mul3A_144 : i32
      %add3A_146 = arith.addi %mul3A_145, %mul3A_24 : i32
      %add3A_147 = arith.constant 80 : i32
      %add3A_148 = arith.addi %add3A_146, %add3A_147 : i32
      %dma_start3A_149 = arith.constant 1 : i32
      %dma_start3A_150 = arith.constant 1 : i32
      %dma_start3A_151 = arith.constant 0 : i32
      %dma_start3A_152 = arith.constant 0 : i32
      %dma_start3A_153 = tpu.memref_slice %arg6[%dma_start3A_149, %dma_start3A_151, %dma_start3A_152] : memref<5x80x128xf32, #tpu.memory_space<vmem>> -> memref<1x80x128xf32, #tpu.memory_space<vmem>>
      %dma_start3A_154 = tpu.memref_squeeze %dma_start3A_153 : memref<1x80x128xf32, #tpu.memory_space<vmem>> -> memref<80x128xf32, #tpu.memory_space<vmem>>
      %dma_start3A_155 = arith.constant 0 : i32
      %dma_start3A_156 = tpu.memref_slice %arg4[%dma_start3A_150, %add3A_148, %dma_start3A_155] : memref<2x320000x128xf32, #tpu.memory_space<hbm>> -> memref<1x80x128xf32, #tpu.memory_space<hbm>>
      %dma_start3A_157 = tpu.memref_squeeze %dma_start3A_156 : memref<1x80x128xf32, #tpu.memory_space<hbm>> -> memref<80x128xf32, #tpu.memory_space<hbm>>
      %dma_start3A_158 = arith.constant 0 : i32
      %dma_start3A_159 = tpu.memref_slice %arg4[%dma_start3A_150, %add3A_148, %dma_start3A_158] : memref<2x320000x128xf32, #tpu.memory_space<hbm>> -> memref<1x80x128xf32, #tpu.memory_space<hbm>>
      %dma_start3A_160 = tpu.memref_squeeze %dma_start3A_159 : memref<1x80x128xf32, #tpu.memory_space<hbm>> -> memref<80x128xf32, #tpu.memory_space<hbm>>
      %dma_start3A_161 = arith.constant 0 : i32
      %dma_start3A_162 = arith.constant 0 : i32
      %dma_start3A_163 = tpu.memref_slice %arg6[%dma_start3A_149, %dma_start3A_161, %dma_start3A_162] : memref<5x80x128xf32, #tpu.memory_space<vmem>> -> memref<1x80x128xf32, #tpu.memory_space<vmem>>
      %dma_start3A_164 = tpu.memref_squeeze %dma_start3A_163 : memref<1x80x128xf32, #tpu.memory_space<vmem>> -> memref<80x128xf32, #tpu.memory_space<vmem>>
      tpu.enqueue_dma source(%dma_start3A_164 : memref<80x128xf32, #tpu.memory_space<vmem>>) target(%dma_start3A_160 : memref<80x128xf32, #tpu.memory_space<hbm>>) target_semaphore(%arg8 : memref<!tpu.dma_semaphore, #tpu.memory_space<semaphore_mem>>)
      %mul3A_165 = arith.constant 10000 : i32
      %mul3A_166 = arith.muli %add3A, %mul3A_165 : i32
      %add3A_167 = arith.addi %mul3A_166, %mul3A_24 : i32
      %add3A_168 = arith.constant 160 : i32
      %add3A_169 = arith.addi %add3A_167, %add3A_168 : i32
      %dma_start3A_170 = arith.constant 2 : i32
      %dma_start3A_171 = arith.constant 1 : i32
      %dma_start3A_172 = arith.constant 0 : i32
      %dma_start3A_173 = arith.constant 0 : i32
      %dma_start3A_174 = tpu.memref_slice %arg6[%dma_start3A_170, %dma_start3A_172, %dma_start3A_173] : memref<5x80x128xf32, #tpu.memory_space<vmem>> -> memref<1x80x128xf32, #tpu.memory_space<vmem>>
      %dma_start3A_175 = tpu.memref_squeeze %dma_start3A_174 : memref<1x80x128xf32, #tpu.memory_space<vmem>> -> memref<80x128xf32, #tpu.memory_space<vmem>>
      %dma_start3A_176 = arith.constant 0 : i32
      %dma_start3A_177 = tpu.memref_slice %arg4[%dma_start3A_171, %add3A_169, %dma_start3A_176] : memref<2x320000x128xf32, #tpu.memory_space<hbm>> -> memref<1x80x128xf32, #tpu.memory_space<hbm>>
      %dma_start3A_178 = tpu.memref_squeeze %dma_start3A_177 : memref<1x80x128xf32, #tpu.memory_space<hbm>> -> memref<80x128xf32, #tpu.memory_space<hbm>>
      %dma_start3A_179 = arith.constant 0 : i32
      %dma_start3A_180 = tpu.memref_slice %arg4[%dma_start3A_171, %add3A_169, %dma_start3A_179] : memref<2x320000x128xf32, #tpu.memory_space<hbm>> -> memref<1x80x128xf32, #tpu.memory_space<hbm>>
      %dma_start3A_181 = tpu.memref_squeeze %dma_start3A_180 : memref<1x80x128xf32, #tpu.memory_space<hbm>> -> memref<80x128xf32, #tpu.memory_space<hbm>>
      %dma_start3A_182 = arith.constant 0 : i32
      %dma_start3A_183 = arith.constant 0 : i32
      %dma_start3A_184 = tpu.memref_slice %arg6[%dma_start3A_170, %dma_start3A_182, %dma_start3A_183] : memref<5x80x128xf32, #tpu.memory_space<vmem>> -> memref<1x80x128xf32, #tpu.memory_space<vmem>>
      %dma_start3A_185 = tpu.memref_squeeze %dma_start3A_184 : memref<1x80x128xf32, #tpu.memory_space<vmem>> -> memref<80x128xf32, #tpu.memory_space<vmem>>
      tpu.enqueue_dma source(%dma_start3A_185 : memref<80x128xf32, #tpu.memory_space<vmem>>) target(%dma_start3A_181 : memref<80x128xf32, #tpu.memory_space<hbm>>) target_semaphore(%arg8 : memref<!tpu.dma_semaphore, #tpu.memory_space<semaphore_mem>>)
      %mul3A_186 = arith.constant 10000 : i32
      %mul3A_187 = arith.muli %add3A, %mul3A_186 : i32
      %add3A_188 = arith.addi %mul3A_187, %mul3A_24 : i32
      %add3A_189 = arith.constant 240 : i32
      %add3A_190 = arith.addi %add3A_188, %add3A_189 : i32
      %dma_start3A_191 = arith.constant 3 : i32
      %dma_start3A_192 = arith.constant 1 : i32
      %dma_start3A_193 = arith.constant 0 : i32
      %dma_start3A_194 = arith.constant 0 : i32
      %dma_start3A_195 = tpu.memref_slice %arg6[%dma_start3A_191, %dma_start3A_193, %dma_start3A_194] : memref<5x80x128xf32, #tpu.memory_space<vmem>> -> memref<1x80x128xf32, #tpu.memory_space<vmem>>
      %dma_start3A_196 = tpu.memref_squeeze %dma_start3A_195 : memref<1x80x128xf32, #tpu.memory_space<vmem>> -> memref<80x128xf32, #tpu.memory_space<vmem>>
      %dma_start3A_197 = arith.constant 0 : i32
      %dma_start3A_198 = tpu.memref_slice %arg4[%dma_start3A_192, %add3A_190, %dma_start3A_197] : memref<2x320000x128xf32, #tpu.memory_space<hbm>> -> memref<1x80x128xf32, #tpu.memory_space<hbm>>
      %dma_start3A_199 = tpu.memref_squeeze %dma_start3A_198 : memref<1x80x128xf32, #tpu.memory_space<hbm>> -> memref<80x128xf32, #tpu.memory_space<hbm>>
      %dma_start3A_200 = arith.constant 0 : i32
      %dma_start3A_201 = tpu.memref_slice %arg4[%dma_start3A_192, %add3A_190, %dma_start3A_200] : memref<2x320000x128xf32, #tpu.memory_space<hbm>> -> memref<1x80x128xf32, #tpu.memory_space<hbm>>
      %dma_start3A_202 = tpu.memref_squeeze %dma_start3A_201 : memref<1x80x128xf32, #tpu.memory_space<hbm>> -> memref<80x128xf32, #tpu.memory_space<hbm>>
      %dma_start3A_203 = arith.constant 0 : i32
      %dma_start3A_204 = arith.constant 0 : i32
      %dma_start3A_205 = tpu.memref_slice %arg6[%dma_start3A_191, %dma_start3A_203, %dma_start3A_204] : memref<5x80x128xf32, #tpu.memory_space<vmem>> -> memref<1x80x128xf32, #tpu.memory_space<vmem>>
      %dma_start3A_206 = tpu.memref_squeeze %dma_start3A_205 : memref<1x80x128xf32, #tpu.memory_space<vmem>> -> memref<80x128xf32, #tpu.memory_space<vmem>>
      tpu.enqueue_dma source(%dma_start3A_206 : memref<80x128xf32, #tpu.memory_space<vmem>>) target(%dma_start3A_202 : memref<80x128xf32, #tpu.memory_space<hbm>>) target_semaphore(%arg8 : memref<!tpu.dma_semaphore, #tpu.memory_space<semaphore_mem>>)
      %mul3A_207 = arith.constant 10000 : i32
      %mul3A_208 = arith.muli %add3A, %mul3A_207 : i32
      %add3A_209 = arith.addi %mul3A_208, %mul3A_24 : i32
      %add3A_210 = arith.constant 320 : i32
      %add3A_211 = arith.addi %add3A_209, %add3A_210 : i32
      %dma_start3A_212 = arith.constant 4 : i32
      %dma_start3A_213 = arith.constant 1 : i32
      %dma_start3A_214 = arith.constant 0 : i32
      %dma_start3A_215 = arith.constant 0 : i32
      %dma_start3A_216 = tpu.memref_slice %arg6[%dma_start3A_212, %dma_start3A_214, %dma_start3A_215] : memref<5x80x128xf32, #tpu.memory_space<vmem>> -> memref<1x80x128xf32, #tpu.memory_space<vmem>>
      %dma_start3A_217 = tpu.memref_squeeze %dma_start3A_216 : memref<1x80x128xf32, #tpu.memory_space<vmem>> -> memref<80x128xf32, #tpu.memory_space<vmem>>
      %dma_start3A_218 = arith.constant 0 : i32
      %dma_start3A_219 = tpu.memref_slice %arg4[%dma_start3A_213, %add3A_211, %dma_start3A_218] : memref<2x320000x128xf32, #tpu.memory_space<hbm>> -> memref<1x80x128xf32, #tpu.memory_space<hbm>>
      %dma_start3A_220 = tpu.memref_squeeze %dma_start3A_219 : memref<1x80x128xf32, #tpu.memory_space<hbm>> -> memref<80x128xf32, #tpu.memory_space<hbm>>
      %dma_start3A_221 = arith.constant 0 : i32
      %dma_start3A_222 = tpu.memref_slice %arg4[%dma_start3A_213, %add3A_211, %dma_start3A_221] : memref<2x320000x128xf32, #tpu.memory_space<hbm>> -> memref<1x80x128xf32, #tpu.memory_space<hbm>>
      %dma_start3A_223 = tpu.memref_squeeze %dma_start3A_222 : memref<1x80x128xf32, #tpu.memory_space<hbm>> -> memref<80x128xf32, #tpu.memory_space<hbm>>
      %dma_start3A_224 = arith.constant 0 : i32
      %dma_start3A_225 = arith.constant 0 : i32
      %dma_start3A_226 = tpu.memref_slice %arg6[%dma_start3A_212, %dma_start3A_224, %dma_start3A_225] : memref<5x80x128xf32, #tpu.memory_space<vmem>> -> memref<1x80x128xf32, #tpu.memory_space<vmem>>
      %dma_start3A_227 = tpu.memref_squeeze %dma_start3A_226 : memref<1x80x128xf32, #tpu.memory_space<vmem>> -> memref<80x128xf32, #tpu.memory_space<vmem>>
      tpu.enqueue_dma source(%dma_start3A_227 : memref<80x128xf32, #tpu.memory_space<vmem>>) target(%dma_start3A_223 : memref<80x128xf32, #tpu.memory_space<hbm>>) target_semaphore(%arg8 : memref<!tpu.dma_semaphore, #tpu.memory_space<semaphore_mem>>)
      %dma_wait3A_228 = arith.constant 0 : i32
      %dma_wait3A_229 = arith.constant 1 : i32
      %dma_wait3A_230 = arith.constant 0 : i32
      %dma_wait3A_231 = arith.constant 0 : i32
      %dma_wait3A_232 = tpu.memref_slice %arg6[%dma_wait3A_228, %dma_wait3A_230, %dma_wait3A_231] : memref<5x80x128xf32, #tpu.memory_space<vmem>> -> memref<1x80x128xf32, #tpu.memory_space<vmem>>
      %dma_wait3A_233 = tpu.memref_squeeze %dma_wait3A_232 : memref<1x80x128xf32, #tpu.memory_space<vmem>> -> memref<80x128xf32, #tpu.memory_space<vmem>>
      %dma_wait3A_234 = arith.constant 0 : i32
      %dma_wait3A_235 = tpu.memref_slice %arg4[%dma_wait3A_229, %add3A_127, %dma_wait3A_234] : memref<2x320000x128xf32, #tpu.memory_space<hbm>> -> memref<1x80x128xf32, #tpu.memory_space<hbm>>
      %dma_wait3A_236 = tpu.memref_squeeze %dma_wait3A_235 : memref<1x80x128xf32, #tpu.memory_space<hbm>> -> memref<80x128xf32, #tpu.memory_space<hbm>>
      %dma_wait3A_237 = arith.constant 0 : i32
      %dma_wait3A_238 = tpu.memref_slice %arg4[%dma_wait3A_229, %add3A_127, %dma_wait3A_237] : memref<2x320000x128xf32, #tpu.memory_space<hbm>> -> memref<1x80x128xf32, #tpu.memory_space<hbm>>
      %dma_wait3A_239 = tpu.memref_squeeze %dma_wait3A_238 : memref<1x80x128xf32, #tpu.memory_space<hbm>> -> memref<80x128xf32, #tpu.memory_space<hbm>>
      %dma_wait3A_240 = arith.constant 0 : i32
      %dma_wait3A_241 = arith.constant 0 : i32
      %dma_wait3A_242 = tpu.memref_slice %arg6[%dma_wait3A_228, %dma_wait3A_240, %dma_wait3A_241] : memref<5x80x128xf32, #tpu.memory_space<vmem>> -> memref<1x80x128xf32, #tpu.memory_space<vmem>>
      %dma_wait3A_243 = tpu.memref_squeeze %dma_wait3A_242 : memref<1x80x128xf32, #tpu.memory_space<vmem>> -> memref<80x128xf32, #tpu.memory_space<vmem>>
      tpu.wait_dma2 semaphore(%arg8 : memref<!tpu.dma_semaphore, #tpu.memory_space<semaphore_mem>>) src(%dma_wait3A_243 : memref<80x128xf32, #tpu.memory_space<vmem>>) dst(%dma_wait3A_239 : memref<80x128xf32, #tpu.memory_space<hbm>>)
      %dma_wait3A_244 = arith.constant 1 : i32
      %dma_wait3A_245 = arith.constant 1 : i32
      %dma_wait3A_246 = arith.constant 0 : i32
      %dma_wait3A_247 = arith.constant 0 : i32
      %dma_wait3A_248 = tpu.memref_slice %arg6[%dma_wait3A_244, %dma_wait3A_246, %dma_wait3A_247] : memref<5x80x128xf32, #tpu.memory_space<vmem>> -> memref<1x80x128xf32, #tpu.memory_space<vmem>>
      %dma_wait3A_249 = tpu.memref_squeeze %dma_wait3A_248 : memref<1x80x128xf32, #tpu.memory_space<vmem>> -> memref<80x128xf32, #tpu.memory_space<vmem>>
      %dma_wait3A_250 = arith.constant 0 : i32
      %dma_wait3A_251 = tpu.memref_slice %arg4[%dma_wait3A_245, %add3A_148, %dma_wait3A_250] : memref<2x320000x128xf32, #tpu.memory_space<hbm>> -> memref<1x80x128xf32, #tpu.memory_space<hbm>>
      %dma_wait3A_252 = tpu.memref_squeeze %dma_wait3A_251 : memref<1x80x128xf32, #tpu.memory_space<hbm>> -> memref<80x128xf32, #tpu.memory_space<hbm>>
      %dma_wait3A_253 = arith.constant 0 : i32
      %dma_wait3A_254 = tpu.memref_slice %arg4[%dma_wait3A_245, %add3A_148, %dma_wait3A_253] : memref<2x320000x128xf32, #tpu.memory_space<hbm>> -> memref<1x80x128xf32, #tpu.memory_space<hbm>>
      %dma_wait3A_255 = tpu.memref_squeeze %dma_wait3A_254 : memref<1x80x128xf32, #tpu.memory_space<hbm>> -> memref<80x128xf32, #tpu.memory_space<hbm>>
      %dma_wait3A_256 = arith.constant 0 : i32
      %dma_wait3A_257 = arith.constant 0 : i32
      %dma_wait3A_258 = tpu.memref_slice %arg6[%dma_wait3A_244, %dma_wait3A_256, %dma_wait3A_257] : memref<5x80x128xf32, #tpu.memory_space<vmem>> -> memref<1x80x128xf32, #tpu.memory_space<vmem>>
      %dma_wait3A_259 = tpu.memref_squeeze %dma_wait3A_258 : memref<1x80x128xf32, #tpu.memory_space<vmem>> -> memref<80x128xf32, #tpu.memory_space<vmem>>
      tpu.wait_dma2 semaphore(%arg8 : memref<!tpu.dma_semaphore, #tpu.memory_space<semaphore_mem>>) src(%dma_wait3A_259 : memref<80x128xf32, #tpu.memory_space<vmem>>) dst(%dma_wait3A_255 : memref<80x128xf32, #tpu.memory_space<hbm>>)
      %dma_wait3A_260 = arith.constant 2 : i32
      %dma_wait3A_261 = arith.constant 1 : i32
      %dma_wait3A_262 = arith.constant 0 : i32
      %dma_wait3A_263 = arith.constant 0 : i32
      %dma_wait3A_264 = tpu.memref_slice %arg6[%dma_wait3A_260, %dma_wait3A_262, %dma_wait3A_263] : memref<5x80x128xf32, #tpu.memory_space<vmem>> -> memref<1x80x128xf32, #tpu.memory_space<vmem>>
      %dma_wait3A_265 = tpu.memref_squeeze %dma_wait3A_264 : memref<1x80x128xf32, #tpu.memory_space<vmem>> -> memref<80x128xf32, #tpu.memory_space<vmem>>
      %dma_wait3A_266 = arith.constant 0 : i32
      %dma_wait3A_267 = tpu.memref_slice %arg4[%dma_wait3A_261, %add3A_169, %dma_wait3A_266] : memref<2x320000x128xf32, #tpu.memory_space<hbm>> -> memref<1x80x128xf32, #tpu.memory_space<hbm>>
      %dma_wait3A_268 = tpu.memref_squeeze %dma_wait3A_267 : memref<1x80x128xf32, #tpu.memory_space<hbm>> -> memref<80x128xf32, #tpu.memory_space<hbm>>
      %dma_wait3A_269 = arith.constant 0 : i32
      %dma_wait3A_270 = tpu.memref_slice %arg4[%dma_wait3A_261, %add3A_169, %dma_wait3A_269] : memref<2x320000x128xf32, #tpu.memory_space<hbm>> -> memref<1x80x128xf32, #tpu.memory_space<hbm>>
      %dma_wait3A_271 = tpu.memref_squeeze %dma_wait3A_270 : memref<1x80x128xf32, #tpu.memory_space<hbm>> -> memref<80x128xf32, #tpu.memory_space<hbm>>
      %dma_wait3A_272 = arith.constant 0 : i32
      %dma_wait3A_273 = arith.constant 0 : i32
      %dma_wait3A_274 = tpu.memref_slice %arg6[%dma_wait3A_260, %dma_wait3A_272, %dma_wait3A_273] : memref<5x80x128xf32, #tpu.memory_space<vmem>> -> memref<1x80x128xf32, #tpu.memory_space<vmem>>
      %dma_wait3A_275 = tpu.memref_squeeze %dma_wait3A_274 : memref<1x80x128xf32, #tpu.memory_space<vmem>> -> memref<80x128xf32, #tpu.memory_space<vmem>>
      tpu.wait_dma2 semaphore(%arg8 : memref<!tpu.dma_semaphore, #tpu.memory_space<semaphore_mem>>) src(%dma_wait3A_275 : memref<80x128xf32, #tpu.memory_space<vmem>>) dst(%dma_wait3A_271 : memref<80x128xf32, #tpu.memory_space<hbm>>)
      %dma_wait3A_276 = arith.constant 3 : i32
      %dma_wait3A_277 = arith.constant 1 : i32
      %dma_wait3A_278 = arith.constant 0 : i32
      %dma_wait3A_279 = arith.constant 0 : i32
      %dma_wait3A_280 = tpu.memref_slice %arg6[%dma_wait3A_276, %dma_wait3A_278, %dma_wait3A_279] : memref<5x80x128xf32, #tpu.memory_space<vmem>> -> memref<1x80x128xf32, #tpu.memory_space<vmem>>
      %dma_wait3A_281 = tpu.memref_squeeze %dma_wait3A_280 : memref<1x80x128xf32, #tpu.memory_space<vmem>> -> memref<80x128xf32, #tpu.memory_space<vmem>>
      %dma_wait3A_282 = arith.constant 0 : i32
      %dma_wait3A_283 = tpu.memref_slice %arg4[%dma_wait3A_277, %add3A_190, %dma_wait3A_282] : memref<2x320000x128xf32, #tpu.memory_space<hbm>> -> memref<1x80x128xf32, #tpu.memory_space<hbm>>
      %dma_wait3A_284 = tpu.memref_squeeze %dma_wait3A_283 : memref<1x80x128xf32, #tpu.memory_space<hbm>> -> memref<80x128xf32, #tpu.memory_space<hbm>>
      %dma_wait3A_285 = arith.constant 0 : i32
      %dma_wait3A_286 = tpu.memref_slice %arg4[%dma_wait3A_277, %add3A_190, %dma_wait3A_285] : memref<2x320000x128xf32, #tpu.memory_space<hbm>> -> memref<1x80x128xf32, #tpu.memory_space<hbm>>
      %dma_wait3A_287 = tpu.memref_squeeze %dma_wait3A_286 : memref<1x80x128xf32, #tpu.memory_space<hbm>> -> memref<80x128xf32, #tpu.memory_space<hbm>>
      %dma_wait3A_288 = arith.constant 0 : i32
      %dma_wait3A_289 = arith.constant 0 : i32
      %dma_wait3A_290 = tpu.memref_slice %arg6[%dma_wait3A_276, %dma_wait3A_288, %dma_wait3A_289] : memref<5x80x128xf32, #tpu.memory_space<vmem>> -> memref<1x80x128xf32, #tpu.memory_space<vmem>>
      %dma_wait3A_291 = tpu.memref_squeeze %dma_wait3A_290 : memref<1x80x128xf32, #tpu.memory_space<vmem>> -> memref<80x128xf32, #tpu.memory_space<vmem>>
      tpu.wait_dma2 semaphore(%arg8 : memref<!tpu.dma_semaphore, #tpu.memory_space<semaphore_mem>>) src(%dma_wait3A_291 : memref<80x128xf32, #tpu.memory_space<vmem>>) dst(%dma_wait3A_287 : memref<80x128xf32, #tpu.memory_space<hbm>>)
      %dma_wait3A_292 = arith.constant 4 : i32
      %dma_wait3A_293 = arith.constant 1 : i32
      %dma_wait3A_294 = arith.constant 0 : i32
      %dma_wait3A_295 = arith.constant 0 : i32
      %dma_wait3A_296 = tpu.memref_slice %arg6[%dma_wait3A_292, %dma_wait3A_294, %dma_wait3A_295] : memref<5x80x128xf32, #tpu.memory_space<vmem>> -> memref<1x80x128xf32, #tpu.memory_space<vmem>>
      %dma_wait3A_297 = tpu.memref_squeeze %dma_wait3A_296 : memref<1x80x128xf32, #tpu.memory_space<vmem>> -> memref<80x128xf32, #tpu.memory_space<vmem>>
      %dma_wait3A_298 = arith.constant 0 : i32
      %dma_wait3A_299 = tpu.memref_slice %arg4[%dma_wait3A_293, %add3A_211, %dma_wait3A_298] : memref<2x320000x128xf32, #tpu.memory_space<hbm>> -> memref<1x80x128xf32, #tpu.memory_space<hbm>>
      %dma_wait3A_300 = tpu.memref_squeeze %dma_wait3A_299 : memref<1x80x128xf32, #tpu.memory_space<hbm>> -> memref<80x128xf32, #tpu.memory_space<hbm>>
      %dma_wait3A_301 = arith.constant 0 : i32
      %dma_wait3A_302 = tpu.memref_slice %arg4[%dma_wait3A_293, %add3A_211, %dma_wait3A_301] : memref<2x320000x128xf32, #tpu.memory_space<hbm>> -> memref<1x80x128xf32, #tpu.memory_space<hbm>>
      %dma_wait3A_303 = tpu.memref_squeeze %dma_wait3A_302 : memref<1x80x128xf32, #tpu.memory_space<hbm>> -> memref<80x128xf32, #tpu.memory_space<hbm>>
      %dma_wait3A_304 = arith.constant 0 : i32
      %dma_wait3A_305 = arith.constant 0 : i32
      %dma_wait3A_306 = tpu.memref_slice %arg6[%dma_wait3A_292, %dma_wait3A_304, %dma_wait3A_305] : memref<5x80x128xf32, #tpu.memory_space<vmem>> -> memref<1x80x128xf32, #tpu.memory_space<vmem>>
      %dma_wait3A_307 = tpu.memref_squeeze %dma_wait3A_306 : memref<1x80x128xf32, #tpu.memory_space<vmem>> -> memref<80x128xf32, #tpu.memory_space<vmem>>
      tpu.wait_dma2 semaphore(%arg8 : memref<!tpu.dma_semaphore, #tpu.memory_space<semaphore_mem>>) src(%dma_wait3A_307 : memref<80x128xf32, #tpu.memory_space<vmem>>) dst(%dma_wait3A_303 : memref<80x128xf32, #tpu.memory_space<hbm>>)
    }
    %scan3A_17 = arith.constant 25 : i32
    return
  }
}

#map = affine_map<(d0, d1) -> (0, 0, 0)>
#map1 = affine_map<(d0, d1) -> (0)>
module attributes {stable_mosaic.version = 14 : i64} {
  func.func @_scatter_body(%arg0: i32, %arg1: i32, %arg2: memref<2x320000x128xf32, #tpu.memory_space<hbm>>, %arg3: memref<1280000xi32, #tpu.memory_space<hbm>>, %arg4: memref<2x10240x128xf32, #tpu.memory_space<hbm>>, %arg5: memref<2x10240x128xf32, #tpu.memory_space<hbm>>, %arg6: memref<2x80xi32, #tpu.memory_space<vmem>>, %arg7: memref<2x80x128xf32, #tpu.memory_space<vmem>>, %arg8: memref<64x128xf32, #tpu.memory_space<vmem>>, %arg9: memref<5128x128xf32, #tpu.memory_space<vmem_shared>>, %arg10: memref<!tpu.dma_semaphore, #tpu.memory_space<semaphore_mem>>, %arg11: memref<!tpu.dma_semaphore, #tpu.memory_space<semaphore_mem>>, %arg12: memref<!tpu.dma_semaphore, #tpu.memory_space<semaphore_mem>>) attributes {dimension_semantics = [#tpu.dimension_semantics<core_parallel>, #tpu.dimension_semantics<subcore_parallel>], iteration_bounds = array<i64: 2, 16>, scalar_prefetch = 0 : i64, scratch_operands = 7 : i64, tpu.core_type = #tpu.core_type<sc_vector_subcore>, window_params = [{transform_indices = #map}, {transform_indices = #map1}, {transform_indices = #map}, {transform_indices = #map}]} {
    %scan3A = arith.constant 0 : i32
    %scan3A_0 = arith.constant 64 : i32
    %scan3A_1 = arith.addi %scan3A, %scan3A_0 : i32
    %scan3A_2 = arith.constant 1 : i32
    scf.for %scan3A_277 = %scan3A to %scan3A_1 step %scan3A_2  : i32 {
      %mul3A_278 = arith.constant 1 : i32
      %mul3A_279 = arith.muli %scan3A_277, %mul3A_278 : i32
      %add3A_280 = arith.constant 0 : i32
      %add3A_281 = arith.addi %add3A_280, %mul3A_279 : i32
      %broadcast_in_dim3A = arith.constant 0.000000e+00 : f32
      %broadcast_in_dim3A_282 = vector.broadcast %broadcast_in_dim3A : f32 to vector<16xf32>
      %swap3A = arith.index_cast %add3A_281 : i32 to index
      %swap3A_283 = arith.constant 0 : index
      %swap3A_284 = tpu.vector_load %arg8[%swap3A, %swap3A_283] {strides = array<i32>} : memref<64x128xf32, #tpu.memory_space<vmem>>, vector<1x16xf32>,
      %swap3A_285 = vector.shape_cast %swap3A_284 : vector<1x16xf32> to vector<16xf32>
      %swap3A_286 = vector.shape_cast %broadcast_in_dim3A_282 : vector<16xf32> to vector<1x16xf32>
      tpu.vector_store %arg8[%swap3A, %swap3A_283], %swap3A_286 {strides = array<i32>} : memref<64x128xf32, #tpu.memory_space<vmem>>, vector<1x16xf32>,
      %broadcast_in_dim3A_287 = arith.constant 0.000000e+00 : f32
      %broadcast_in_dim3A_288 = vector.broadcast %broadcast_in_dim3A_287 : f32 to vector<16xf32>
      %swap3A_289 = arith.index_cast %add3A_281 : i32 to index
      %swap3A_290 = arith.constant 16 : index
      %swap3A_291 = tpu.vector_load %arg8[%swap3A_289, %swap3A_290] {strides = array<i32>} : memref<64x128xf32, #tpu.memory_space<vmem>>, vector<1x16xf32>,
      %swap3A_292 = vector.shape_cast %swap3A_291 : vector<1x16xf32> to vector<16xf32>
      %swap3A_293 = vector.shape_cast %broadcast_in_dim3A_288 : vector<16xf32> to vector<1x16xf32>
      tpu.vector_store %arg8[%swap3A_289, %swap3A_290], %swap3A_293 {strides = array<i32>} : memref<64x128xf32, #tpu.memory_space<vmem>>, vector<1x16xf32>,
      %broadcast_in_dim3A_294 = arith.constant 0.000000e+00 : f32
      %broadcast_in_dim3A_295 = vector.broadcast %broadcast_in_dim3A_294 : f32 to vector<16xf32>
      %swap3A_296 = arith.index_cast %add3A_281 : i32 to index
      %swap3A_297 = arith.constant 32 : index
      %swap3A_298 = tpu.vector_load %arg8[%swap3A_296, %swap3A_297] {strides = array<i32>} : memref<64x128xf32, #tpu.memory_space<vmem>>, vector<1x16xf32>,
      %swap3A_299 = vector.shape_cast %swap3A_298 : vector<1x16xf32> to vector<16xf32>
      %swap3A_300 = vector.shape_cast %broadcast_in_dim3A_295 : vector<16xf32> to vector<1x16xf32>
      tpu.vector_store %arg8[%swap3A_296, %swap3A_297], %swap3A_300 {strides = array<i32>} : memref<64x128xf32, #tpu.memory_space<vmem>>, vector<1x16xf32>,
      %broadcast_in_dim3A_301 = arith.constant 0.000000e+00 : f32
      %broadcast_in_dim3A_302 = vector.broadcast %broadcast_in_dim3A_301 : f32 to vector<16xf32>
      %swap3A_303 = arith.index_cast %add3A_281 : i32 to index
      %swap3A_304 = arith.constant 48 : index
      %swap3A_305 = tpu.vector_load %arg8[%swap3A_303, %swap3A_304] {strides = array<i32>} : memref<64x128xf32, #tpu.memory_space<vmem>>, vector<1x16xf32>,
      %swap3A_306 = vector.shape_cast %swap3A_305 : vector<1x16xf32> to vector<16xf32>
      %swap3A_307 = vector.shape_cast %broadcast_in_dim3A_302 : vector<16xf32> to vector<1x16xf32>
      tpu.vector_store %arg8[%swap3A_303, %swap3A_304], %swap3A_307 {strides = array<i32>} : memref<64x128xf32, #tpu.memory_space<vmem>>, vector<1x16xf32>,
      %broadcast_in_dim3A_308 = arith.constant 0.000000e+00 : f32
      %broadcast_in_dim3A_309 = vector.broadcast %broadcast_in_dim3A_308 : f32 to vector<16xf32>
      %swap3A_310 = arith.index_cast %add3A_281 : i32 to index
      %swap3A_311 = arith.constant 64 : index
      %swap3A_312 = tpu.vector_load %arg8[%swap3A_310, %swap3A_311] {strides = array<i32>} : memref<64x128xf32, #tpu.memory_space<vmem>>, vector<1x16xf32>,
      %swap3A_313 = vector.shape_cast %swap3A_312 : vector<1x16xf32> to vector<16xf32>
      %swap3A_314 = vector.shape_cast %broadcast_in_dim3A_309 : vector<16xf32> to vector<1x16xf32>
      tpu.vector_store %arg8[%swap3A_310, %swap3A_311], %swap3A_314 {strides = array<i32>} : memref<64x128xf32, #tpu.memory_space<vmem>>, vector<1x16xf32>,
      %broadcast_in_dim3A_315 = arith.constant 0.000000e+00 : f32
      %broadcast_in_dim3A_316 = vector.broadcast %broadcast_in_dim3A_315 : f32 to vector<16xf32>
      %swap3A_317 = arith.index_cast %add3A_281 : i32 to index
      %swap3A_318 = arith.constant 80 : index
      %swap3A_319 = tpu.vector_load %arg8[%swap3A_317, %swap3A_318] {strides = array<i32>} : memref<64x128xf32, #tpu.memory_space<vmem>>, vector<1x16xf32>,
      %swap3A_320 = vector.shape_cast %swap3A_319 : vector<1x16xf32> to vector<16xf32>
      %swap3A_321 = vector.shape_cast %broadcast_in_dim3A_316 : vector<16xf32> to vector<1x16xf32>
      tpu.vector_store %arg8[%swap3A_317, %swap3A_318], %swap3A_321 {strides = array<i32>} : memref<64x128xf32, #tpu.memory_space<vmem>>, vector<1x16xf32>,
      %broadcast_in_dim3A_322 = arith.constant 0.000000e+00 : f32
      %broadcast_in_dim3A_323 = vector.broadcast %broadcast_in_dim3A_322 : f32 to vector<16xf32>
      %swap3A_324 = arith.index_cast %add3A_281 : i32 to index
      %swap3A_325 = arith.constant 96 : index
      %swap3A_326 = tpu.vector_load %arg8[%swap3A_324, %swap3A_325] {strides = array<i32>} : memref<64x128xf32, #tpu.memory_space<vmem>>, vector<1x16xf32>,
      %swap3A_327 = vector.shape_cast %swap3A_326 : vector<1x16xf32> to vector<16xf32>
      %swap3A_328 = vector.shape_cast %broadcast_in_dim3A_323 : vector<16xf32> to vector<1x16xf32>
      tpu.vector_store %arg8[%swap3A_324, %swap3A_325], %swap3A_328 {strides = array<i32>} : memref<64x128xf32, #tpu.memory_space<vmem>>, vector<1x16xf32>,
      %broadcast_in_dim3A_329 = arith.constant 0.000000e+00 : f32
      %broadcast_in_dim3A_330 = vector.broadcast %broadcast_in_dim3A_329 : f32 to vector<16xf32>
      %swap3A_331 = arith.index_cast %add3A_281 : i32 to index
      %swap3A_332 = arith.constant 112 : index
      %swap3A_333 = tpu.vector_load %arg8[%swap3A_331, %swap3A_332] {strides = array<i32>} : memref<64x128xf32, #tpu.memory_space<vmem>>, vector<1x16xf32>,
      %swap3A_334 = vector.shape_cast %swap3A_333 : vector<1x16xf32> to vector<16xf32>
      %swap3A_335 = vector.shape_cast %broadcast_in_dim3A_330 : vector<16xf32> to vector<1x16xf32>
      tpu.vector_store %arg8[%swap3A_331, %swap3A_332], %swap3A_335 {strides = array<i32>} : memref<64x128xf32, #tpu.memory_space<vmem>>, vector<1x16xf32>,
    }
    %scan3A_3 = arith.constant 64 : i32
    %mul3A = arith.constant 20000 : i32
    %mul3A_4 = arith.muli %arg1, %mul3A : i32
    %mul3A_5 = arith.constant 320 : i32
    %mul3A_6 = arith.muli %arg1, %mul3A_5 : i32
    %add3A = arith.constant 0 : i32
    %add3A_7 = arith.addi %mul3A_6, %add3A : i32
    "tpu.region"() ({
      %run_scoped3A = tpu.sem_alloc : memref<!tpu.dma_semaphore, #tpu.memory_space<semaphore_mem>>
      %dma_start3A = arith.constant 0 : i32
      %dma_start3A_277 = tpu.memref_slice %arg9[%add3A_7, %dma_start3A] : memref<5128x128xf32, #tpu.memory_space<vmem_shared>> -> memref<64x128xf32, #tpu.memory_space<vmem_shared>>
      %dma_start3A_278 = arith.constant 0 : i32
      %dma_start3A_279 = tpu.memref_slice %arg9[%add3A_7, %dma_start3A_278] : memref<5128x128xf32, #tpu.memory_space<vmem_shared>> -> memref<64x128xf32, #tpu.memory_space<vmem_shared>>
      tpu.enqueue_dma source(%arg8 : memref<64x128xf32, #tpu.memory_space<vmem>>) target(%dma_start3A_279 : memref<64x128xf32, #tpu.memory_space<vmem_shared>>) target_semaphore(%run_scoped3A : memref<!tpu.dma_semaphore, #tpu.memory_space<semaphore_mem>>)
      %dma_wait3A = arith.constant 0 : i32
      %dma_wait3A_280 = tpu.memref_slice %arg9[%add3A_7, %dma_wait3A] : memref<5128x128xf32, #tpu.memory_space<vmem_shared>> -> memref<64x128xf32, #tpu.memory_space<vmem_shared>>
      %dma_wait3A_281 = arith.constant 0 : i32
      %dma_wait3A_282 = tpu.memref_slice %arg9[%add3A_7, %dma_wait3A_281] : memref<5128x128xf32, #tpu.memory_space<vmem_shared>> -> memref<64x128xf32, #tpu.memory_space<vmem_shared>>
      tpu.wait_dma2 semaphore(%run_scoped3A : memref<!tpu.dma_semaphore, #tpu.memory_space<semaphore_mem>>) src(%arg8 : memref<64x128xf32, #tpu.memory_space<vmem>>) dst(%dma_wait3A_282 : memref<64x128xf32, #tpu.memory_space<vmem_shared>>)
      tpu.yield
    }) : () -> ()
    %mul3A_8 = arith.constant 320 : i32
    %mul3A_9 = arith.muli %arg1, %mul3A_8 : i32
    %add3A_10 = arith.constant 64 : i32
    %add3A_11 = arith.addi %mul3A_9, %add3A_10 : i32
    "tpu.region"() ({
      %run_scoped3A = tpu.sem_alloc : memref<!tpu.dma_semaphore, #tpu.memory_space<semaphore_mem>>
      %dma_start3A = arith.constant 0 : i32
      %dma_start3A_277 = tpu.memref_slice %arg9[%add3A_11, %dma_start3A] : memref<5128x128xf32, #tpu.memory_space<vmem_shared>> -> memref<64x128xf32, #tpu.memory_space<vmem_shared>>
      %dma_start3A_278 = arith.constant 0 : i32
      %dma_start3A_279 = tpu.memref_slice %arg9[%add3A_11, %dma_start3A_278] : memref<5128x128xf32, #tpu.memory_space<vmem_shared>> -> memref<64x128xf32, #tpu.memory_space<vmem_shared>>
      tpu.enqueue_dma source(%arg8 : memref<64x128xf32, #tpu.memory_space<vmem>>) target(%dma_start3A_279 : memref<64x128xf32, #tpu.memory_space<vmem_shared>>) target_semaphore(%run_scoped3A : memref<!tpu.dma_semaphore, #tpu.memory_space<semaphore_mem>>)
      %dma_wait3A = arith.constant 0 : i32
      %dma_wait3A_280 = tpu.memref_slice %arg9[%add3A_11, %dma_wait3A] : memref<5128x128xf32, #tpu.memory_space<vmem_shared>> -> memref<64x128xf32, #tpu.memory_space<vmem_shared>>
      %dma_wait3A_281 = arith.constant 0 : i32
      %dma_wait3A_282 = tpu.memref_slice %arg9[%add3A_11, %dma_wait3A_281] : memref<5128x128xf32, #tpu.memory_space<vmem_shared>> -> memref<64x128xf32, #tpu.memory_space<vmem_shared>>
      tpu.wait_dma2 semaphore(%run_scoped3A : memref<!tpu.dma_semaphore, #tpu.memory_space<semaphore_mem>>) src(%arg8 : memref<64x128xf32, #tpu.memory_space<vmem>>) dst(%dma_wait3A_282 : memref<64x128xf32, #tpu.memory_space<vmem_shared>>)
      tpu.yield
    }) : () -> ()
    %mul3A_12 = arith.constant 320 : i32
    %mul3A_13 = arith.muli %arg1, %mul3A_12 : i32
    %add3A_14 = arith.constant 128 : i32
    %add3A_15 = arith.addi %mul3A_13, %add3A_14 : i32
    "tpu.region"() ({
      %run_scoped3A = tpu.sem_alloc : memref<!tpu.dma_semaphore, #tpu.memory_space<semaphore_mem>>
      %dma_start3A = arith.constant 0 : i32
      %dma_start3A_277 = tpu.memref_slice %arg9[%add3A_15, %dma_start3A] : memref<5128x128xf32, #tpu.memory_space<vmem_shared>> -> memref<64x128xf32, #tpu.memory_space<vmem_shared>>
      %dma_start3A_278 = arith.constant 0 : i32
      %dma_start3A_279 = tpu.memref_slice %arg9[%add3A_15, %dma_start3A_278] : memref<5128x128xf32, #tpu.memory_space<vmem_shared>> -> memref<64x128xf32, #tpu.memory_space<vmem_shared>>
      tpu.enqueue_dma source(%arg8 : memref<64x128xf32, #tpu.memory_space<vmem>>) target(%dma_start3A_279 : memref<64x128xf32, #tpu.memory_space<vmem_shared>>) target_semaphore(%run_scoped3A : memref<!tpu.dma_semaphore, #tpu.memory_space<semaphore_mem>>)
      %dma_wait3A = arith.constant 0 : i32
      %dma_wait3A_280 = tpu.memref_slice %arg9[%add3A_15, %dma_wait3A] : memref<5128x128xf32, #tpu.memory_space<vmem_shared>> -> memref<64x128xf32, #tpu.memory_space<vmem_shared>>
      %dma_wait3A_281 = arith.constant 0 : i32
      %dma_wait3A_282 = tpu.memref_slice %arg9[%add3A_15, %dma_wait3A_281] : memref<5128x128xf32, #tpu.memory_space<vmem_shared>> -> memref<64x128xf32, #tpu.memory_space<vmem_shared>>
      tpu.wait_dma2 semaphore(%run_scoped3A : memref<!tpu.dma_semaphore, #tpu.memory_space<semaphore_mem>>) src(%arg8 : memref<64x128xf32, #tpu.memory_space<vmem>>) dst(%dma_wait3A_282 : memref<64x128xf32, #tpu.memory_space<vmem_shared>>)
      tpu.yield
    }) : () -> ()
    %mul3A_16 = arith.constant 320 : i32
    %mul3A_17 = arith.muli %arg1, %mul3A_16 : i32
    %add3A_18 = arith.constant 192 : i32
    %add3A_19 = arith.addi %mul3A_17, %add3A_18 : i32
    "tpu.region"() ({
      %run_scoped3A = tpu.sem_alloc : memref<!tpu.dma_semaphore, #tpu.memory_space<semaphore_mem>>
      %dma_start3A = arith.constant 0 : i32
      %dma_start3A_277 = tpu.memref_slice %arg9[%add3A_19, %dma_start3A] : memref<5128x128xf32, #tpu.memory_space<vmem_shared>> -> memref<64x128xf32, #tpu.memory_space<vmem_shared>>
      %dma_start3A_278 = arith.constant 0 : i32
      %dma_start3A_279 = tpu.memref_slice %arg9[%add3A_19, %dma_start3A_278] : memref<5128x128xf32, #tpu.memory_space<vmem_shared>> -> memref<64x128xf32, #tpu.memory_space<vmem_shared>>
      tpu.enqueue_dma source(%arg8 : memref<64x128xf32, #tpu.memory_space<vmem>>) target(%dma_start3A_279 : memref<64x128xf32, #tpu.memory_space<vmem_shared>>) target_semaphore(%run_scoped3A : memref<!tpu.dma_semaphore, #tpu.memory_space<semaphore_mem>>)
      %dma_wait3A = arith.constant 0 : i32
      %dma_wait3A_280 = tpu.memref_slice %arg9[%add3A_19, %dma_wait3A] : memref<5128x128xf32, #tpu.memory_space<vmem_shared>> -> memref<64x128xf32, #tpu.memory_space<vmem_shared>>
      %dma_wait3A_281 = arith.constant 0 : i32
      %dma_wait3A_282 = tpu.memref_slice %arg9[%add3A_19, %dma_wait3A_281] : memref<5128x128xf32, #tpu.memory_space<vmem_shared>> -> memref<64x128xf32, #tpu.memory_space<vmem_shared>>
      tpu.wait_dma2 semaphore(%run_scoped3A : memref<!tpu.dma_semaphore, #tpu.memory_space<semaphore_mem>>) src(%arg8 : memref<64x128xf32, #tpu.memory_space<vmem>>) dst(%dma_wait3A_282 : memref<64x128xf32, #tpu.memory_space<vmem_shared>>)
      tpu.yield
    }) : () -> ()
    %mul3A_20 = arith.constant 320 : i32
    %mul3A_21 = arith.muli %arg1, %mul3A_20 : i32
    %add3A_22 = arith.constant 256 : i32
    %add3A_23 = arith.addi %mul3A_21, %add3A_22 : i32
    "tpu.region"() ({
      %run_scoped3A = tpu.sem_alloc : memref<!tpu.dma_semaphore, #tpu.memory_space<semaphore_mem>>
      %dma_start3A = arith.constant 0 : i32
      %dma_start3A_277 = tpu.memref_slice %arg9[%add3A_23, %dma_start3A] : memref<5128x128xf32, #tpu.memory_space<vmem_shared>> -> memref<64x128xf32, #tpu.memory_space<vmem_shared>>
      %dma_start3A_278 = arith.constant 0 : i32
      %dma_start3A_279 = tpu.memref_slice %arg9[%add3A_23, %dma_start3A_278] : memref<5128x128xf32, #tpu.memory_space<vmem_shared>> -> memref<64x128xf32, #tpu.memory_space<vmem_shared>>
      tpu.enqueue_dma source(%arg8 : memref<64x128xf32, #tpu.memory_space<vmem>>) target(%dma_start3A_279 : memref<64x128xf32, #tpu.memory_space<vmem_shared>>) target_semaphore(%run_scoped3A : memref<!tpu.dma_semaphore, #tpu.memory_space<semaphore_mem>>)
      %dma_wait3A = arith.constant 0 : i32
      %dma_wait3A_280 = tpu.memref_slice %arg9[%add3A_23, %dma_wait3A] : memref<5128x128xf32, #tpu.memory_space<vmem_shared>> -> memref<64x128xf32, #tpu.memory_space<vmem_shared>>
      %dma_wait3A_281 = arith.constant 0 : i32
      %dma_wait3A_282 = tpu.memref_slice %arg9[%add3A_23, %dma_wait3A_281] : memref<5128x128xf32, #tpu.memory_space<vmem_shared>> -> memref<64x128xf32, #tpu.memory_space<vmem_shared>>
      tpu.wait_dma2 semaphore(%run_scoped3A : memref<!tpu.dma_semaphore, #tpu.memory_space<semaphore_mem>>) src(%arg8 : memref<64x128xf32, #tpu.memory_space<vmem>>) dst(%dma_wait3A_282 : memref<64x128xf32, #tpu.memory_space<vmem_shared>>)
      tpu.yield
    }) : () -> ()
    %eq3A = arith.constant 0 : i32
    %eq3A_24 = arith.cmpi eq, %arg1, %eq3A : i32
    %convert_element_type3A = arith.extui %eq3A_24 : i1 to i32
    %cond3A = arith.constant 0 : i32
    %cond3A_25 = arith.cmpi ne, %convert_element_type3A, %cond3A : i32
    scf.if %cond3A_25 {
      "tpu.region"() ({
        %run_scoped3A = tpu.sem_alloc : memref<!tpu.dma_semaphore, #tpu.memory_space<semaphore_mem>>
        %dma_start3A = arith.constant 0 : i32
        %dma_start3A_277 = arith.constant 0 : i32
        %dma_start3A_278 = tpu.memref_slice %arg8[%dma_start3A, %dma_start3A_277] : memref<64x128xf32, #tpu.memory_space<vmem>> -> memref<8x128xf32, #tpu.memory_space<vmem>>
        %dma_start3A_279 = arith.constant 5120 : i32
        %dma_start3A_280 = arith.constant 0 : i32
        %dma_start3A_281 = tpu.memref_slice %arg9[%dma_start3A_279, %dma_start3A_280] : memref<5128x128xf32, #tpu.memory_space<vmem_shared>> -> memref<8x128xf32, #tpu.memory_space<vmem_shared>>
        %dma_start3A_282 = arith.constant 5120 : i32
        %dma_start3A_283 = arith.constant 0 : i32
        %dma_start3A_284 = tpu.memref_slice %arg9[%dma_start3A_282, %dma_start3A_283] : memref<5128x128xf32, #tpu.memory_space<vmem_shared>> -> memref<8x128xf32, #tpu.memory_space<vmem_shared>>
        %dma_start3A_285 = arith.constant 0 : i32
        %dma_start3A_286 = arith.constant 0 : i32
        %dma_start3A_287 = tpu.memref_slice %arg8[%dma_start3A_285, %dma_start3A_286] : memref<64x128xf32, #tpu.memory_space<vmem>> -> memref<8x128xf32, #tpu.memory_space<vmem>>
        tpu.enqueue_dma source(%dma_start3A_287 : memref<8x128xf32, #tpu.memory_space<vmem>>) target(%dma_start3A_284 : memref<8x128xf32, #tpu.memory_space<vmem_shared>>) target_semaphore(%run_scoped3A : memref<!tpu.dma_semaphore, #tpu.memory_space<semaphore_mem>>)
        %dma_wait3A = arith.constant 0 : i32
        %dma_wait3A_288 = arith.constant 0 : i32
        %dma_wait3A_289 = tpu.memref_slice %arg8[%dma_wait3A, %dma_wait3A_288] : memref<64x128xf32, #tpu.memory_space<vmem>> -> memref<8x128xf32, #tpu.memory_space<vmem>>
        %dma_wait3A_290 = arith.constant 5120 : i32
        %dma_wait3A_291 = arith.constant 0 : i32
        %dma_wait3A_292 = tpu.memref_slice %arg9[%dma_wait3A_290, %dma_wait3A_291] : memref<5128x128xf32, #tpu.memory_space<vmem_shared>> -> memref<8x128xf32, #tpu.memory_space<vmem_shared>>
        %dma_wait3A_293 = arith.constant 5120 : i32
        %dma_wait3A_294 = arith.constant 0 : i32
        %dma_wait3A_295 = tpu.memref_slice %arg9[%dma_wait3A_293, %dma_wait3A_294] : memref<5128x128xf32, #tpu.memory_space<vmem_shared>> -> memref<8x128xf32, #tpu.memory_space<vmem_shared>>
        %dma_wait3A_296 = arith.constant 0 : i32
        %dma_wait3A_297 = arith.constant 0 : i32
        %dma_wait3A_298 = tpu.memref_slice %arg8[%dma_wait3A_296, %dma_wait3A_297] : memref<64x128xf32, #tpu.memory_space<vmem>> -> memref<8x128xf32, #tpu.memory_space<vmem>>
        tpu.wait_dma2 semaphore(%run_scoped3A : memref<!tpu.dma_semaphore, #tpu.memory_space<semaphore_mem>>) src(%dma_wait3A_298 : memref<8x128xf32, #tpu.memory_space<vmem>>) dst(%dma_wait3A_295 : memref<8x128xf32, #tpu.memory_space<vmem_shared>>)
        tpu.yield
      }) : () -> ()
    } else {
    }
    %barrier3A = arith.constant 0 : index
    tpu.barrier barrier_id(%barrier3A)
    %scan3A_26 = arith.constant 0 : i32
    %scan3A_27 = arith.constant 125 : i32
    %scan3A_28 = arith.addi %scan3A_26, %scan3A_27 : i32
    %scan3A_29 = arith.constant 1 : i32
    scf.for %scan3A_277 = %scan3A_26 to %scan3A_28 step %scan3A_29  : i32 {
      %mul3A_278 = arith.constant 1 : i32
      %mul3A_279 = arith.muli %scan3A_277, %mul3A_278 : i32
      %add3A_280 = arith.constant 0 : i32
      %add3A_281 = arith.addi %add3A_280, %mul3A_279 : i32
      %mul3A_282 = arith.constant 160 : i32
      %mul3A_283 = arith.muli %add3A_281, %mul3A_282 : i32
      %add3A_284 = arith.addi %mul3A_4, %mul3A_283 : i32
      %add3A_285 = arith.constant 0 : i32
      %add3A_286 = arith.addi %add3A_285, %arg0 : i32
      %mul3A_287 = arith.constant 320000 : i32
      %mul3A_288 = arith.muli %add3A_286, %mul3A_287 : i32
      %add3A_289 = arith.addi %mul3A_288, %add3A_284 : i32
      %add3A_290 = arith.constant 0 : i32
      %add3A_291 = arith.addi %add3A_289, %add3A_290 : i32
      %dma_start3A = arith.constant 0 : i32
      %dma_start3A_292 = arith.constant 0 : i32
      %dma_start3A_293 = tpu.memref_slice %arg6[%dma_start3A, %dma_start3A_292] : memref<2x80xi32, #tpu.memory_space<vmem>> -> memref<1x80xi32, #tpu.memory_space<vmem>>
      %dma_start3A_294 = tpu.memref_squeeze %dma_start3A_293 : memref<1x80xi32, #tpu.memory_space<vmem>> -> memref<80xi32, #tpu.memory_space<vmem>>
      %dma_start3A_295 = tpu.memref_slice %arg3[%add3A_291] : memref<1280000xi32, #tpu.memory_space<hbm>> -> memref<80xi32, #tpu.memory_space<hbm>>
      %dma_start3A_296 = arith.constant 0 : i32
      %dma_start3A_297 = tpu.memref_slice %arg6[%dma_start3A, %dma_start3A_296] : memref<2x80xi32, #tpu.memory_space<vmem>> -> memref<1x80xi32, #tpu.memory_space<vmem>>
      %dma_start3A_298 = tpu.memref_squeeze %dma_start3A_297 : memref<1x80xi32, #tpu.memory_space<vmem>> -> memref<80xi32, #tpu.memory_space<vmem>>
      %dma_start3A_299 = tpu.memref_slice %arg3[%add3A_291] : memref<1280000xi32, #tpu.memory_space<hbm>> -> memref<80xi32, #tpu.memory_space<hbm>>
      tpu.enqueue_dma source(%dma_start3A_299 : memref<80xi32, #tpu.memory_space<hbm>>) target(%dma_start3A_298 : memref<80xi32, #tpu.memory_space<vmem>>) target_semaphore(%arg10 : memref<!tpu.dma_semaphore, #tpu.memory_space<semaphore_mem>>)
      %add3A_300 = arith.constant 0 : i32
      %add3A_301 = arith.addi %add3A_284, %add3A_300 : i32
      %dma_start3A_302 = arith.constant 0 : i32
      %dma_start3A_303 = arith.constant 0 : i32
      %dma_start3A_304 = arith.constant 0 : i32
      %dma_start3A_305 = tpu.memref_slice %arg7[%dma_start3A_302, %dma_start3A_303, %dma_start3A_304] : memref<2x80x128xf32, #tpu.memory_space<vmem>> -> memref<1x80x128xf32, #tpu.memory_space<vmem>>
      %dma_start3A_306 = tpu.memref_squeeze %dma_start3A_305 : memref<1x80x128xf32, #tpu.memory_space<vmem>> -> memref<80x128xf32, #tpu.memory_space<vmem>>
      %dma_start3A_307 = arith.constant 0 : i32
      %dma_start3A_308 = tpu.memref_slice %arg2[%arg0, %add3A_301, %dma_start3A_307] : memref<2x320000x128xf32, #tpu.memory_space<hbm>> -> memref<1x80x128xf32, #tpu.memory_space<hbm>>
      %dma_start3A_309 = tpu.memref_squeeze %dma_start3A_308 : memref<1x80x128xf32, #tpu.memory_space<hbm>> -> memref<80x128xf32, #tpu.memory_space<hbm>>
      %dma_start3A_310 = arith.constant 0 : i32
      %dma_start3A_311 = arith.constant 0 : i32
      %dma_start3A_312 = tpu.memref_slice %arg7[%dma_start3A_302, %dma_start3A_310, %dma_start3A_311] : memref<2x80x128xf32, #tpu.memory_space<vmem>> -> memref<1x80x128xf32, #tpu.memory_space<vmem>>
      %dma_start3A_313 = tpu.memref_squeeze %dma_start3A_312 : memref<1x80x128xf32, #tpu.memory_space<vmem>> -> memref<80x128xf32, #tpu.memory_space<vmem>>
      %dma_start3A_314 = arith.constant 0 : i32
      %dma_start3A_315 = tpu.memref_slice %arg2[%arg0, %add3A_301, %dma_start3A_314] : memref<2x320000x128xf32, #tpu.memory_space<hbm>> -> memref<1x80x128xf32, #tpu.memory_space<hbm>>
      %dma_start3A_316 = tpu.memref_squeeze %dma_start3A_315 : memref<1x80x128xf32, #tpu.memory_space<hbm>> -> memref<80x128xf32, #tpu.memory_space<hbm>>
      tpu.enqueue_dma source(%dma_start3A_316 : memref<80x128xf32, #tpu.memory_space<hbm>>) target(%dma_start3A_313 : memref<80x128xf32, #tpu.memory_space<vmem>>) target_semaphore(%arg11 : memref<!tpu.dma_semaphore, #tpu.memory_space<semaphore_mem>>)
      %add3A_317 = arith.constant 0 : i32
      %add3A_318 = arith.addi %add3A_317, %arg0 : i32
      %mul3A_319 = arith.constant 320000 : i32
      %mul3A_320 = arith.muli %add3A_318, %mul3A_319 : i32
      %add3A_321 = arith.addi %mul3A_320, %add3A_284 : i32
      %add3A_322 = arith.constant 80 : i32
      %add3A_323 = arith.addi %add3A_321, %add3A_322 : i32
      %dma_start3A_324 = arith.constant 1 : i32
      %dma_start3A_325 = arith.constant 0 : i32
      %dma_start3A_326 = tpu.memref_slice %arg6[%dma_start3A_324, %dma_start3A_325] : memref<2x80xi32, #tpu.memory_space<vmem>> -> memref<1x80xi32, #tpu.memory_space<vmem>>
      %dma_start3A_327 = tpu.memref_squeeze %dma_start3A_326 : memref<1x80xi32, #tpu.memory_space<vmem>> -> memref<80xi32, #tpu.memory_space<vmem>>
      %dma_start3A_328 = tpu.memref_slice %arg3[%add3A_323] : memref<1280000xi32, #tpu.memory_space<hbm>> -> memref<80xi32, #tpu.memory_space<hbm>>
      %dma_start3A_329 = arith.constant 0 : i32
      %dma_start3A_330 = tpu.memref_slice %arg6[%dma_start3A_324, %dma_start3A_329] : memref<2x80xi32, #tpu.memory_space<vmem>> -> memref<1x80xi32, #tpu.memory_space<vmem>>
      %dma_start3A_331 = tpu.memref_squeeze %dma_start3A_330 : memref<1x80xi32, #tpu.memory_space<vmem>> -> memref<80xi32, #tpu.memory_space<vmem>>
      %dma_start3A_332 = tpu.memref_slice %arg3[%add3A_323] : memref<1280000xi32, #tpu.memory_space<hbm>> -> memref<80xi32, #tpu.memory_space<hbm>>
      tpu.enqueue_dma source(%dma_start3A_332 : memref<80xi32, #tpu.memory_space<hbm>>) target(%dma_start3A_331 : memref<80xi32, #tpu.memory_space<vmem>>) target_semaphore(%arg10 : memref<!tpu.dma_semaphore, #tpu.memory_space<semaphore_mem>>)
      %add3A_333 = arith.constant 80 : i32
      %add3A_334 = arith.addi %add3A_284, %add3A_333 : i32
      %dma_start3A_335 = arith.constant 1 : i32
      %dma_start3A_336 = arith.constant 0 : i32
      %dma_start3A_337 = arith.constant 0 : i32
      %dma_start3A_338 = tpu.memref_slice %arg7[%dma_start3A_335, %dma_start3A_336, %dma_start3A_337] : memref<2x80x128xf32, #tpu.memory_space<vmem>> -> memref<1x80x128xf32, #tpu.memory_space<vmem>>
      %dma_start3A_339 = tpu.memref_squeeze %dma_start3A_338 : memref<1x80x128xf32, #tpu.memory_space<vmem>> -> memref<80x128xf32, #tpu.memory_space<vmem>>
      %dma_start3A_340 = arith.constant 0 : i32
      %dma_start3A_341 = tpu.memref_slice %arg2[%arg0, %add3A_334, %dma_start3A_340] : memref<2x320000x128xf32, #tpu.memory_space<hbm>> -> memref<1x80x128xf32, #tpu.memory_space<hbm>>
      %dma_start3A_342 = tpu.memref_squeeze %dma_start3A_341 : memref<1x80x128xf32, #tpu.memory_space<hbm>> -> memref<80x128xf32, #tpu.memory_space<hbm>>
      %dma_start3A_343 = arith.constant 0 : i32
      %dma_start3A_344 = arith.constant 0 : i32
      %dma_start3A_345 = tpu.memref_slice %arg7[%dma_start3A_335, %dma_start3A_343, %dma_start3A_344] : memref<2x80x128xf32, #tpu.memory_space<vmem>> -> memref<1x80x128xf32, #tpu.memory_space<vmem>>
      %dma_start3A_346 = tpu.memref_squeeze %dma_start3A_345 : memref<1x80x128xf32, #tpu.memory_space<vmem>> -> memref<80x128xf32, #tpu.memory_space<vmem>>
      %dma_start3A_347 = arith.constant 0 : i32
      %dma_start3A_348 = tpu.memref_slice %arg2[%arg0, %add3A_334, %dma_start3A_347] : memref<2x320000x128xf32, #tpu.memory_space<hbm>> -> memref<1x80x128xf32, #tpu.memory_space<hbm>>
      %dma_start3A_349 = tpu.memref_squeeze %dma_start3A_348 : memref<1x80x128xf32, #tpu.memory_space<hbm>> -> memref<80x128xf32, #tpu.memory_space<hbm>>
      tpu.enqueue_dma source(%dma_start3A_349 : memref<80x128xf32, #tpu.memory_space<hbm>>) target(%dma_start3A_346 : memref<80x128xf32, #tpu.memory_space<vmem>>) target_semaphore(%arg11 : memref<!tpu.dma_semaphore, #tpu.memory_space<semaphore_mem>>)
      %dma_wait3A = arith.constant 0 : i32
      %dma_wait3A_350 = arith.constant 0 : i32
      %dma_wait3A_351 = tpu.memref_slice %arg6[%dma_wait3A, %dma_wait3A_350] : memref<2x80xi32, #tpu.memory_space<vmem>> -> memref<1x80xi32, #tpu.memory_space<vmem>>
      %dma_wait3A_352 = tpu.memref_squeeze %dma_wait3A_351 : memref<1x80xi32, #tpu.memory_space<vmem>> -> memref<80xi32, #tpu.memory_space<vmem>>
      %dma_wait3A_353 = tpu.memref_slice %arg3[%add3A_291] : memref<1280000xi32, #tpu.memory_space<hbm>> -> memref<80xi32, #tpu.memory_space<hbm>>
      %dma_wait3A_354 = arith.constant 0 : i32
      %dma_wait3A_355 = tpu.memref_slice %arg6[%dma_wait3A, %dma_wait3A_354] : memref<2x80xi32, #tpu.memory_space<vmem>> -> memref<1x80xi32, #tpu.memory_space<vmem>>
      %dma_wait3A_356 = tpu.memref_squeeze %dma_wait3A_355 : memref<1x80xi32, #tpu.memory_space<vmem>> -> memref<80xi32, #tpu.memory_space<vmem>>
      %dma_wait3A_357 = tpu.memref_slice %arg3[%add3A_291] : memref<1280000xi32, #tpu.memory_space<hbm>> -> memref<80xi32, #tpu.memory_space<hbm>>
      tpu.wait_dma2 semaphore(%arg10 : memref<!tpu.dma_semaphore, #tpu.memory_space<semaphore_mem>>) src(%dma_wait3A_357 : memref<80xi32, #tpu.memory_space<hbm>>) dst(%dma_wait3A_356 : memref<80xi32, #tpu.memory_space<vmem>>)
      %dma_wait3A_358 = arith.constant 0 : i32
      %dma_wait3A_359 = arith.constant 0 : i32
      %dma_wait3A_360 = arith.constant 0 : i32
      %dma_wait3A_361 = tpu.memref_slice %arg7[%dma_wait3A_358, %dma_wait3A_359, %dma_wait3A_360] : memref<2x80x128xf32, #tpu.memory_space<vmem>> -> memref<1x80x128xf32, #tpu.memory_space<vmem>>
      %dma_wait3A_362 = tpu.memref_squeeze %dma_wait3A_361 : memref<1x80x128xf32, #tpu.memory_space<vmem>> -> memref<80x128xf32, #tpu.memory_space<vmem>>
      %dma_wait3A_363 = arith.constant 0 : i32
      %dma_wait3A_364 = tpu.memref_slice %arg2[%arg0, %add3A_301, %dma_wait3A_363] : memref<2x320000x128xf32, #tpu.memory_space<hbm>> -> memref<1x80x128xf32, #tpu.memory_space<hbm>>
      %dma_wait3A_365 = tpu.memref_squeeze %dma_wait3A_364 : memref<1x80x128xf32, #tpu.memory_space<hbm>> -> memref<80x128xf32, #tpu.memory_space<hbm>>
      %dma_wait3A_366 = arith.constant 0 : i32
      %dma_wait3A_367 = arith.constant 0 : i32
      %dma_wait3A_368 = tpu.memref_slice %arg7[%dma_wait3A_358, %dma_wait3A_366, %dma_wait3A_367] : memref<2x80x128xf32, #tpu.memory_space<vmem>> -> memref<1x80x128xf32, #tpu.memory_space<vmem>>
      %dma_wait3A_369 = tpu.memref_squeeze %dma_wait3A_368 : memref<1x80x128xf32, #tpu.memory_space<vmem>> -> memref<80x128xf32, #tpu.memory_space<vmem>>
      %dma_wait3A_370 = arith.constant 0 : i32
      %dma_wait3A_371 = tpu.memref_slice %arg2[%arg0, %add3A_301, %dma_wait3A_370] : memref<2x320000x128xf32, #tpu.memory_space<hbm>> -> memref<1x80x128xf32, #tpu.memory_space<hbm>>
      %dma_wait3A_372 = tpu.memref_squeeze %dma_wait3A_371 : memref<1x80x128xf32, #tpu.memory_space<hbm>> -> memref<80x128xf32, #tpu.memory_space<hbm>>
      tpu.wait_dma2 semaphore(%arg11 : memref<!tpu.dma_semaphore, #tpu.memory_space<semaphore_mem>>) src(%dma_wait3A_372 : memref<80x128xf32, #tpu.memory_space<hbm>>) dst(%dma_wait3A_369 : memref<80x128xf32, #tpu.memory_space<vmem>>)
      %dma_wait3A_373 = arith.constant 1 : i32
      %dma_wait3A_374 = arith.constant 0 : i32
      %dma_wait3A_375 = tpu.memref_slice %arg6[%dma_wait3A_373, %dma_wait3A_374] : memref<2x80xi32, #tpu.memory_space<vmem>> -> memref<1x80xi32, #tpu.memory_space<vmem>>
      %dma_wait3A_376 = tpu.memref_squeeze %dma_wait3A_375 : memref<1x80xi32, #tpu.memory_space<vmem>> -> memref<80xi32, #tpu.memory_space<vmem>>
      %dma_wait3A_377 = tpu.memref_slice %arg3[%add3A_323] : memref<1280000xi32, #tpu.memory_space<hbm>> -> memref<80xi32, #tpu.memory_space<hbm>>
      %dma_wait3A_378 = arith.constant 0 : i32
      %dma_wait3A_379 = tpu.memref_slice %arg6[%dma_wait3A_373, %dma_wait3A_378] : memref<2x80xi32, #tpu.memory_space<vmem>> -> memref<1x80xi32, #tpu.memory_space<vmem>>
      %dma_wait3A_380 = tpu.memref_squeeze %dma_wait3A_379 : memref<1x80xi32, #tpu.memory_space<vmem>> -> memref<80xi32, #tpu.memory_space<vmem>>
      %dma_wait3A_381 = tpu.memref_slice %arg3[%add3A_323] : memref<1280000xi32, #tpu.memory_space<hbm>> -> memref<80xi32, #tpu.memory_space<hbm>>
      tpu.wait_dma2 semaphore(%arg10 : memref<!tpu.dma_semaphore, #tpu.memory_space<semaphore_mem>>) src(%dma_wait3A_381 : memref<80xi32, #tpu.memory_space<hbm>>) dst(%dma_wait3A_380 : memref<80xi32, #tpu.memory_space<vmem>>)
      %dma_wait3A_382 = arith.constant 1 : i32
      %dma_wait3A_383 = arith.constant 0 : i32
      %dma_wait3A_384 = arith.constant 0 : i32
      %dma_wait3A_385 = tpu.memref_slice %arg7[%dma_wait3A_382, %dma_wait3A_383, %dma_wait3A_384] : memref<2x80x128xf32, #tpu.memory_space<vmem>> -> memref<1x80x128xf32, #tpu.memory_space<vmem>>
      %dma_wait3A_386 = tpu.memref_squeeze %dma_wait3A_385 : memref<1x80x128xf32, #tpu.memory_space<vmem>> -> memref<80x128xf32, #tpu.memory_space<vmem>>
      %dma_wait3A_387 = arith.constant 0 : i32
      %dma_wait3A_388 = tpu.memref_slice %arg2[%arg0, %add3A_334, %dma_wait3A_387] : memref<2x320000x128xf32, #tpu.memory_space<hbm>> -> memref<1x80x128xf32, #tpu.memory_space<hbm>>
      %dma_wait3A_389 = tpu.memref_squeeze %dma_wait3A_388 : memref<1x80x128xf32, #tpu.memory_space<hbm>> -> memref<80x128xf32, #tpu.memory_space<hbm>>
      %dma_wait3A_390 = arith.constant 0 : i32
      %dma_wait3A_391 = arith.constant 0 : i32
      %dma_wait3A_392 = tpu.memref_slice %arg7[%dma_wait3A_382, %dma_wait3A_390, %dma_wait3A_391] : memref<2x80x128xf32, #tpu.memory_space<vmem>> -> memref<1x80x128xf32, #tpu.memory_space<vmem>>
      %dma_wait3A_393 = tpu.memref_squeeze %dma_wait3A_392 : memref<1x80x128xf32, #tpu.memory_space<vmem>> -> memref<80x128xf32, #tpu.memory_space<vmem>>
      %dma_wait3A_394 = arith.constant 0 : i32
      %dma_wait3A_395 = tpu.memref_slice %arg2[%arg0, %add3A_334, %dma_wait3A_394] : memref<2x320000x128xf32, #tpu.memory_space<hbm>> -> memref<1x80x128xf32, #tpu.memory_space<hbm>>
      %dma_wait3A_396 = tpu.memref_squeeze %dma_wait3A_395 : memref<1x80x128xf32, #tpu.memory_space<hbm>> -> memref<80x128xf32, #tpu.memory_space<hbm>>
      tpu.wait_dma2 semaphore(%arg11 : memref<!tpu.dma_semaphore, #tpu.memory_space<semaphore_mem>>) src(%dma_wait3A_396 : memref<80x128xf32, #tpu.memory_space<hbm>>) dst(%dma_wait3A_393 : memref<80x128xf32, #tpu.memory_space<vmem>>)
      %dma_start3A_397 = arith.constant 0 : i32
      %dma_start3A_398 = arith.constant 0 : i32
      %dma_start3A_399 = arith.constant 0 : i32
      %dma_start3A_400 = arith.constant 0 : i32
      %dma_start3A_401 = tpu.memref_slice %arg7[%dma_start3A_397, %dma_start3A_399, %dma_start3A_400] : memref<2x80x128xf32, #tpu.memory_space<vmem>> -> memref<1x80x128xf32, #tpu.memory_space<vmem>>
      %dma_start3A_402 = tpu.memref_squeeze %dma_start3A_401 : memref<1x80x128xf32, #tpu.memory_space<vmem>> -> memref<80x128xf32, #tpu.memory_space<vmem>>
      %dma_start3A_403 = arith.constant 0 : i32
      %dma_start3A_404 = tpu.memref_slice %arg6[%dma_start3A_398, %dma_start3A_403] : memref<2x80xi32, #tpu.memory_space<vmem>> -> memref<1x80xi32, #tpu.memory_space<vmem>>
      %dma_start3A_405 = tpu.memref_squeeze %dma_start3A_404 : memref<1x80xi32, #tpu.memory_space<vmem>> -> memref<80xi32, #tpu.memory_space<vmem>>
      %dma_start3A_406 = arith.constant 0 : i32
      %dma_start3A_407 = arith.constant 0 : i32
      %dma_start3A_408 = tpu.memref_slice %arg9[%dma_start3A_406, %dma_start3A_407] : memref<5128x128xf32, #tpu.memory_space<vmem_shared>> -> memref<5128x128xf32, #tpu.memory_space<vmem_shared>>
      tpu.enqueue_indirect_dma source(%dma_start3A_402 : memref<80x128xf32, #tpu.memory_space<vmem>>) target(%dma_start3A_408 : memref<5128x128xf32, #tpu.memory_space<vmem_shared>>) offsets(%dma_start3A_405 : memref<80xi32, #tpu.memory_space<vmem>>) semaphore(%arg12 : memref<!tpu.dma_semaphore, #tpu.memory_space<semaphore_mem>>) {add = true}
      %dma_start3A_409 = arith.constant 1 : i32
      %dma_start3A_410 = arith.constant 1 : i32
      %dma_start3A_411 = arith.constant 0 : i32
      %dma_start3A_412 = arith.constant 0 : i32
      %dma_start3A_413 = tpu.memref_slice %arg7[%dma_start3A_409, %dma_start3A_411, %dma_start3A_412] : memref<2x80x128xf32, #tpu.memory_space<vmem>> -> memref<1x80x128xf32, #tpu.memory_space<vmem>>
      %dma_start3A_414 = tpu.memref_squeeze %dma_start3A_413 : memref<1x80x128xf32, #tpu.memory_space<vmem>> -> memref<80x128xf32, #tpu.memory_space<vmem>>
      %dma_start3A_415 = arith.constant 0 : i32
      %dma_start3A_416 = tpu.memref_slice %arg6[%dma_start3A_410, %dma_start3A_415] : memref<2x80xi32, #tpu.memory_space<vmem>> -> memref<1x80xi32, #tpu.memory_space<vmem>>
      %dma_start3A_417 = tpu.memref_squeeze %dma_start3A_416 : memref<1x80xi32, #tpu.memory_space<vmem>> -> memref<80xi32, #tpu.memory_space<vmem>>
      %dma_start3A_418 = arith.constant 0 : i32
      %dma_start3A_419 = arith.constant 0 : i32
      %dma_start3A_420 = tpu.memref_slice %arg9[%dma_start3A_418, %dma_start3A_419] : memref<5128x128xf32, #tpu.memory_space<vmem_shared>> -> memref<5128x128xf32, #tpu.memory_space<vmem_shared>>
      tpu.enqueue_indirect_dma source(%dma_start3A_414 : memref<80x128xf32, #tpu.memory_space<vmem>>) target(%dma_start3A_420 : memref<5128x128xf32, #tpu.memory_space<vmem_shared>>) offsets(%dma_start3A_417 : memref<80xi32, #tpu.memory_space<vmem>>) semaphore(%arg12 : memref<!tpu.dma_semaphore, #tpu.memory_space<semaphore_mem>>) {add = true}
      %dma_wait3A_421 = arith.constant 0 : i32
      %dma_wait3A_422 = arith.constant 0 : i32
      %dma_wait3A_423 = arith.constant 0 : i32
      %dma_wait3A_424 = arith.constant 0 : i32
      %dma_wait3A_425 = tpu.memref_slice %arg7[%dma_wait3A_421, %dma_wait3A_423, %dma_wait3A_424] : memref<2x80x128xf32, #tpu.memory_space<vmem>> -> memref<1x80x128xf32, #tpu.memory_space<vmem>>
      %dma_wait3A_426 = tpu.memref_squeeze %dma_wait3A_425 : memref<1x80x128xf32, #tpu.memory_space<vmem>> -> memref<80x128xf32, #tpu.memory_space<vmem>>
      %dma_wait3A_427 = arith.constant 0 : i32
      %dma_wait3A_428 = tpu.memref_slice %arg6[%dma_wait3A_422, %dma_wait3A_427] : memref<2x80xi32, #tpu.memory_space<vmem>> -> memref<1x80xi32, #tpu.memory_space<vmem>>
      %dma_wait3A_429 = tpu.memref_squeeze %dma_wait3A_428 : memref<1x80xi32, #tpu.memory_space<vmem>> -> memref<80xi32, #tpu.memory_space<vmem>>
      %dma_wait3A_430 = arith.constant 0 : i32
      %dma_wait3A_431 = arith.constant 0 : i32
      %dma_wait3A_432 = tpu.memref_slice %arg9[%dma_wait3A_430, %dma_wait3A_431] : memref<5128x128xf32, #tpu.memory_space<vmem_shared>> -> memref<5128x128xf32, #tpu.memory_space<vmem_shared>>
      tpu.wait_indirect_dma semaphore(%arg12 : memref<!tpu.dma_semaphore, #tpu.memory_space<semaphore_mem>>) src(%dma_wait3A_426 : memref<80x128xf32, #tpu.memory_space<vmem>>) dst(%dma_wait3A_432 : memref<5128x128xf32, #tpu.memory_space<vmem_shared>>)
      %dma_wait3A_433 = arith.constant 1 : i32
      %dma_wait3A_434 = arith.constant 1 : i32
      %dma_wait3A_435 = arith.constant 0 : i32
      %dma_wait3A_436 = arith.constant 0 : i32
      %dma_wait3A_437 = tpu.memref_slice %arg7[%dma_wait3A_433, %dma_wait3A_435, %dma_wait3A_436] : memref<2x80x128xf32, #tpu.memory_space<vmem>> -> memref<1x80x128xf32, #tpu.memory_space<vmem>>
      %dma_wait3A_438 = tpu.memref_squeeze %dma_wait3A_437 : memref<1x80x128xf32, #tpu.memory_space<vmem>> -> memref<80x128xf32, #tpu.memory_space<vmem>>
      %dma_wait3A_439 = arith.constant 0 : i32
      %dma_wait3A_440 = tpu.memref_slice %arg6[%dma_wait3A_434, %dma_wait3A_439] : memref<2x80xi32, #tpu.memory_space<vmem>> -> memref<1x80xi32, #tpu.memory_space<vmem>>
      %dma_wait3A_441 = tpu.memref_squeeze %dma_wait3A_440 : memref<1x80xi32, #tpu.memory_space<vmem>> -> memref<80xi32, #tpu.memory_space<vmem>>
      %dma_wait3A_442 = arith.constant 0 : i32
      %dma_wait3A_443 = arith.constant 0 : i32
      %dma_wait3A_444 = tpu.memref_slice %arg9[%dma_wait3A_442, %dma_wait3A_443] : memref<5128x128xf32, #tpu.memory_space<vmem_shared>> -> memref<5128x128xf32, #tpu.memory_space<vmem_shared>>
      tpu.wait_indirect_dma semaphore(%arg12 : memref<!tpu.dma_semaphore, #tpu.memory_space<semaphore_mem>>) src(%dma_wait3A_438 : memref<80x128xf32, #tpu.memory_space<vmem>>) dst(%dma_wait3A_444 : memref<5128x128xf32, #tpu.memory_space<vmem_shared>>)
    }
    %scan3A_30 = arith.constant 125 : i32
    %barrier3A_31 = arith.constant 0 : index
    tpu.barrier barrier_id(%barrier3A_31)
    %mul3A_32 = arith.constant 320 : i32
    %mul3A_33 = arith.muli %arg1, %mul3A_32 : i32
    %add3A_34 = arith.constant 0 : i32
    %add3A_35 = arith.addi %mul3A_33, %add3A_34 : i32
    "tpu.region"() ({
      %run_scoped3A = tpu.sem_alloc : memref<!tpu.dma_semaphore, #tpu.memory_space<semaphore_mem>>
      %dma_start3A = arith.constant 0 : i32
      %dma_start3A_277 = tpu.memref_slice %arg9[%add3A_35, %dma_start3A] : memref<5128x128xf32, #tpu.memory_space<vmem_shared>> -> memref<64x128xf32, #tpu.memory_space<vmem_shared>>
      %dma_start3A_278 = arith.constant 0 : i32
      %dma_start3A_279 = tpu.memref_slice %arg9[%add3A_35, %dma_start3A_278] : memref<5128x128xf32, #tpu.memory_space<vmem_shared>> -> memref<64x128xf32, #tpu.memory_space<vmem_shared>>
      tpu.enqueue_dma source(%dma_start3A_279 : memref<64x128xf32, #tpu.memory_space<vmem_shared>>) target(%arg8 : memref<64x128xf32, #tpu.memory_space<vmem>>) target_semaphore(%run_scoped3A : memref<!tpu.dma_semaphore, #tpu.memory_space<semaphore_mem>>)
      %dma_wait3A = arith.constant 0 : i32
      %dma_wait3A_280 = tpu.memref_slice %arg9[%add3A_35, %dma_wait3A] : memref<5128x128xf32, #tpu.memory_space<vmem_shared>> -> memref<64x128xf32, #tpu.memory_space<vmem_shared>>
      %dma_wait3A_281 = arith.constant 0 : i32
      %dma_wait3A_282 = tpu.memref_slice %arg9[%add3A_35, %dma_wait3A_281] : memref<5128x128xf32, #tpu.memory_space<vmem_shared>> -> memref<64x128xf32, #tpu.memory_space<vmem_shared>>
      tpu.wait_dma2 semaphore(%run_scoped3A : memref<!tpu.dma_semaphore, #tpu.memory_space<semaphore_mem>>) src(%dma_wait3A_282 : memref<64x128xf32, #tpu.memory_space<vmem_shared>>) dst(%arg8 : memref<64x128xf32, #tpu.memory_space<vmem>>)
      tpu.yield
    }) : () -> ()
    %add3A_36 = arith.constant 0 : i32
    %add3A_37 = arith.addi %add3A_36, %add3A_35 : i32
    "tpu.region"() ({
      %run_scoped3A = tpu.sem_alloc : memref<!tpu.dma_semaphore, #tpu.memory_space<semaphore_mem>>
      %dma_start3A = arith.constant 0 : i32
      %dma_start3A_277 = tpu.memref_slice %arg4[%arg0, %add3A_37, %dma_start3A] : memref<2x10240x128xf32, #tpu.memory_space<hbm>> -> memref<1x64x128xf32, #tpu.memory_space<hbm>>
      %dma_start3A_278 = tpu.memref_squeeze %dma_start3A_277 : memref<1x64x128xf32, #tpu.memory_space<hbm>> -> memref<64x128xf32, #tpu.memory_space<hbm>>
      %dma_start3A_279 = arith.constant 0 : i32
      %dma_start3A_280 = tpu.memref_slice %arg4[%arg0, %add3A_37, %dma_start3A_279] : memref<2x10240x128xf32, #tpu.memory_space<hbm>> -> memref<1x64x128xf32, #tpu.memory_space<hbm>>
      %dma_start3A_281 = tpu.memref_squeeze %dma_start3A_280 : memref<1x64x128xf32, #tpu.memory_space<hbm>> -> memref<64x128xf32, #tpu.memory_space<hbm>>
      tpu.enqueue_dma source(%arg8 : memref<64x128xf32, #tpu.memory_space<vmem>>) target(%dma_start3A_281 : memref<64x128xf32, #tpu.memory_space<hbm>>) target_semaphore(%run_scoped3A : memref<!tpu.dma_semaphore, #tpu.memory_space<semaphore_mem>>)
      %dma_wait3A = arith.constant 0 : i32
      %dma_wait3A_282 = tpu.memref_slice %arg4[%arg0, %add3A_37, %dma_wait3A] : memref<2x10240x128xf32, #tpu.memory_space<hbm>> -> memref<1x64x128xf32, #tpu.memory_space<hbm>>
      %dma_wait3A_283 = tpu.memref_squeeze %dma_wait3A_282 : memref<1x64x128xf32, #tpu.memory_space<hbm>> -> memref<64x128xf32, #tpu.memory_space<hbm>>
      %dma_wait3A_284 = arith.constant 0 : i32
      %dma_wait3A_285 = tpu.memref_slice %arg4[%arg0, %add3A_37, %dma_wait3A_284] : memref<2x10240x128xf32, #tpu.memory_space<hbm>> -> memref<1x64x128xf32, #tpu.memory_space<hbm>>
      %dma_wait3A_286 = tpu.memref_squeeze %dma_wait3A_285 : memref<1x64x128xf32, #tpu.memory_space<hbm>> -> memref<64x128xf32, #tpu.memory_space<hbm>>
      tpu.wait_dma2 semaphore(%run_scoped3A : memref<!tpu.dma_semaphore, #tpu.memory_space<semaphore_mem>>) src(%arg8 : memref<64x128xf32, #tpu.memory_space<vmem>>) dst(%dma_wait3A_286 : memref<64x128xf32, #tpu.memory_space<hbm>>)
      tpu.yield
    }) : () -> ()
    %mul3A_38 = arith.constant 320 : i32
    %mul3A_39 = arith.muli %arg1, %mul3A_38 : i32
    %add3A_40 = arith.constant 64 : i32
    %add3A_41 = arith.addi %mul3A_39, %add3A_40 : i32
    "tpu.region"() ({
      %run_scoped3A = tpu.sem_alloc : memref<!tpu.dma_semaphore, #tpu.memory_space<semaphore_mem>>
      %dma_start3A = arith.constant 0 : i32
      %dma_start3A_277 = tpu.memref_slice %arg9[%add3A_41, %dma_start3A] : memref<5128x128xf32, #tpu.memory_space<vmem_shared>> -> memref<64x128xf32, #tpu.memory_space<vmem_shared>>
      %dma_start3A_278 = arith.constant 0 : i32
      %dma_start3A_279 = tpu.memref_slice %arg9[%add3A_41, %dma_start3A_278] : memref<5128x128xf32, #tpu.memory_space<vmem_shared>> -> memref<64x128xf32, #tpu.memory_space<vmem_shared>>
      tpu.enqueue_dma source(%dma_start3A_279 : memref<64x128xf32, #tpu.memory_space<vmem_shared>>) target(%arg8 : memref<64x128xf32, #tpu.memory_space<vmem>>) target_semaphore(%run_scoped3A : memref<!tpu.dma_semaphore, #tpu.memory_space<semaphore_mem>>)
      %dma_wait3A = arith.constant 0 : i32
      %dma_wait3A_280 = tpu.memref_slice %arg9[%add3A_41, %dma_wait3A] : memref<5128x128xf32, #tpu.memory_space<vmem_shared>> -> memref<64x128xf32, #tpu.memory_space<vmem_shared>>
      %dma_wait3A_281 = arith.constant 0 : i32
      %dma_wait3A_282 = tpu.memref_slice %arg9[%add3A_41, %dma_wait3A_281] : memref<5128x128xf32, #tpu.memory_space<vmem_shared>> -> memref<64x128xf32, #tpu.memory_space<vmem_shared>>
      tpu.wait_dma2 semaphore(%run_scoped3A : memref<!tpu.dma_semaphore, #tpu.memory_space<semaphore_mem>>) src(%dma_wait3A_282 : memref<64x128xf32, #tpu.memory_space<vmem_shared>>) dst(%arg8 : memref<64x128xf32, #tpu.memory_space<vmem>>)
      tpu.yield
    }) : () -> ()
    %add3A_42 = arith.constant 0 : i32
    %add3A_43 = arith.addi %add3A_42, %add3A_41 : i32
    "tpu.region"() ({
      %run_scoped3A = tpu.sem_alloc : memref<!tpu.dma_semaphore, #tpu.memory_space<semaphore_mem>>
      %dma_start3A = arith.constant 0 : i32
      %dma_start3A_277 = tpu.memref_slice %arg4[%arg0, %add3A_43, %dma_start3A] : memref<2x10240x128xf32, #tpu.memory_space<hbm>> -> memref<1x64x128xf32, #tpu.memory_space<hbm>>
      %dma_start3A_278 = tpu.memref_squeeze %dma_start3A_277 : memref<1x64x128xf32, #tpu.memory_space<hbm>> -> memref<64x128xf32, #tpu.memory_space<hbm>>
      %dma_start3A_279 = arith.constant 0 : i32
      %dma_start3A_280 = tpu.memref_slice %arg4[%arg0, %add3A_43, %dma_start3A_279] : memref<2x10240x128xf32, #tpu.memory_space<hbm>> -> memref<1x64x128xf32, #tpu.memory_space<hbm>>
      %dma_start3A_281 = tpu.memref_squeeze %dma_start3A_280 : memref<1x64x128xf32, #tpu.memory_space<hbm>> -> memref<64x128xf32, #tpu.memory_space<hbm>>
      tpu.enqueue_dma source(%arg8 : memref<64x128xf32, #tpu.memory_space<vmem>>) target(%dma_start3A_281 : memref<64x128xf32, #tpu.memory_space<hbm>>) target_semaphore(%run_scoped3A : memref<!tpu.dma_semaphore, #tpu.memory_space<semaphore_mem>>)
      %dma_wait3A = arith.constant 0 : i32
      %dma_wait3A_282 = tpu.memref_slice %arg4[%arg0, %add3A_43, %dma_wait3A] : memref<2x10240x128xf32, #tpu.memory_space<hbm>> -> memref<1x64x128xf32, #tpu.memory_space<hbm>>
      %dma_wait3A_283 = tpu.memref_squeeze %dma_wait3A_282 : memref<1x64x128xf32, #tpu.memory_space<hbm>> -> memref<64x128xf32, #tpu.memory_space<hbm>>
      %dma_wait3A_284 = arith.constant 0 : i32
      %dma_wait3A_285 = tpu.memref_slice %arg4[%arg0, %add3A_43, %dma_wait3A_284] : memref<2x10240x128xf32, #tpu.memory_space<hbm>> -> memref<1x64x128xf32, #tpu.memory_space<hbm>>
      %dma_wait3A_286 = tpu.memref_squeeze %dma_wait3A_285 : memref<1x64x128xf32, #tpu.memory_space<hbm>> -> memref<64x128xf32, #tpu.memory_space<hbm>>
      tpu.wait_dma2 semaphore(%run_scoped3A : memref<!tpu.dma_semaphore, #tpu.memory_space<semaphore_mem>>) src(%arg8 : memref<64x128xf32, #tpu.memory_space<vmem>>) dst(%dma_wait3A_286 : memref<64x128xf32, #tpu.memory_space<hbm>>)
      tpu.yield
    }) : () -> ()
    %mul3A_44 = arith.constant 320 : i32
    %mul3A_45 = arith.muli %arg1, %mul3A_44 : i32
    %add3A_46 = arith.constant 128 : i32
    %add3A_47 = arith.addi %mul3A_45, %add3A_46 : i32
    "tpu.region"() ({
      %run_scoped3A = tpu.sem_alloc : memref<!tpu.dma_semaphore, #tpu.memory_space<semaphore_mem>>
      %dma_start3A = arith.constant 0 : i32
      %dma_start3A_277 = tpu.memref_slice %arg9[%add3A_47, %dma_start3A] : memref<5128x128xf32, #tpu.memory_space<vmem_shared>> -> memref<64x128xf32, #tpu.memory_space<vmem_shared>>
      %dma_start3A_278 = arith.constant 0 : i32
      %dma_start3A_279 = tpu.memref_slice %arg9[%add3A_47, %dma_start3A_278] : memref<5128x128xf32, #tpu.memory_space<vmem_shared>> -> memref<64x128xf32, #tpu.memory_space<vmem_shared>>
      tpu.enqueue_dma source(%dma_start3A_279 : memref<64x128xf32, #tpu.memory_space<vmem_shared>>) target(%arg8 : memref<64x128xf32, #tpu.memory_space<vmem>>) target_semaphore(%run_scoped3A : memref<!tpu.dma_semaphore, #tpu.memory_space<semaphore_mem>>)
      %dma_wait3A = arith.constant 0 : i32
      %dma_wait3A_280 = tpu.memref_slice %arg9[%add3A_47, %dma_wait3A] : memref<5128x128xf32, #tpu.memory_space<vmem_shared>> -> memref<64x128xf32, #tpu.memory_space<vmem_shared>>
      %dma_wait3A_281 = arith.constant 0 : i32
      %dma_wait3A_282 = tpu.memref_slice %arg9[%add3A_47, %dma_wait3A_281] : memref<5128x128xf32, #tpu.memory_space<vmem_shared>> -> memref<64x128xf32, #tpu.memory_space<vmem_shared>>
      tpu.wait_dma2 semaphore(%run_scoped3A : memref<!tpu.dma_semaphore, #tpu.memory_space<semaphore_mem>>) src(%dma_wait3A_282 : memref<64x128xf32, #tpu.memory_space<vmem_shared>>) dst(%arg8 : memref<64x128xf32, #tpu.memory_space<vmem>>)
      tpu.yield
    }) : () -> ()
    %add3A_48 = arith.constant 0 : i32
    %add3A_49 = arith.addi %add3A_48, %add3A_47 : i32
    "tpu.region"() ({
      %run_scoped3A = tpu.sem_alloc : memref<!tpu.dma_semaphore, #tpu.memory_space<semaphore_mem>>
      %dma_start3A = arith.constant 0 : i32
      %dma_start3A_277 = tpu.memref_slice %arg4[%arg0, %add3A_49, %dma_start3A] : memref<2x10240x128xf32, #tpu.memory_space<hbm>> -> memref<1x64x128xf32, #tpu.memory_space<hbm>>
      %dma_start3A_278 = tpu.memref_squeeze %dma_start3A_277 : memref<1x64x128xf32, #tpu.memory_space<hbm>> -> memref<64x128xf32, #tpu.memory_space<hbm>>
      %dma_start3A_279 = arith.constant 0 : i32
      %dma_start3A_280 = tpu.memref_slice %arg4[%arg0, %add3A_49, %dma_start3A_279] : memref<2x10240x128xf32, #tpu.memory_space<hbm>> -> memref<1x64x128xf32, #tpu.memory_space<hbm>>
      %dma_start3A_281 = tpu.memref_squeeze %dma_start3A_280 : memref<1x64x128xf32, #tpu.memory_space<hbm>> -> memref<64x128xf32, #tpu.memory_space<hbm>>
      tpu.enqueue_dma source(%arg8 : memref<64x128xf32, #tpu.memory_space<vmem>>) target(%dma_start3A_281 : memref<64x128xf32, #tpu.memory_space<hbm>>) target_semaphore(%run_scoped3A : memref<!tpu.dma_semaphore, #tpu.memory_space<semaphore_mem>>)
      %dma_wait3A = arith.constant 0 : i32
      %dma_wait3A_282 = tpu.memref_slice %arg4[%arg0, %add3A_49, %dma_wait3A] : memref<2x10240x128xf32, #tpu.memory_space<hbm>> -> memref<1x64x128xf32, #tpu.memory_space<hbm>>
      %dma_wait3A_283 = tpu.memref_squeeze %dma_wait3A_282 : memref<1x64x128xf32, #tpu.memory_space<hbm>> -> memref<64x128xf32, #tpu.memory_space<hbm>>
      %dma_wait3A_284 = arith.constant 0 : i32
      %dma_wait3A_285 = tpu.memref_slice %arg4[%arg0, %add3A_49, %dma_wait3A_284] : memref<2x10240x128xf32, #tpu.memory_space<hbm>> -> memref<1x64x128xf32, #tpu.memory_space<hbm>>
      %dma_wait3A_286 = tpu.memref_squeeze %dma_wait3A_285 : memref<1x64x128xf32, #tpu.memory_space<hbm>> -> memref<64x128xf32, #tpu.memory_space<hbm>>
      tpu.wait_dma2 semaphore(%run_scoped3A : memref<!tpu.dma_semaphore, #tpu.memory_space<semaphore_mem>>) src(%arg8 : memref<64x128xf32, #tpu.memory_space<vmem>>) dst(%dma_wait3A_286 : memref<64x128xf32, #tpu.memory_space<hbm>>)
      tpu.yield
    }) : () -> ()
    %mul3A_50 = arith.constant 320 : i32
    %mul3A_51 = arith.muli %arg1, %mul3A_50 : i32
    %add3A_52 = arith.constant 192 : i32
    %add3A_53 = arith.addi %mul3A_51, %add3A_52 : i32
    "tpu.region"() ({
      %run_scoped3A = tpu.sem_alloc : memref<!tpu.dma_semaphore, #tpu.memory_space<semaphore_mem>>
      %dma_start3A = arith.constant 0 : i32
      %dma_start3A_277 = tpu.memref_slice %arg9[%add3A_53, %dma_start3A] : memref<5128x128xf32, #tpu.memory_space<vmem_shared>> -> memref<64x128xf32, #tpu.memory_space<vmem_shared>>
      %dma_start3A_278 = arith.constant 0 : i32
      %dma_start3A_279 = tpu.memref_slice %arg9[%add3A_53, %dma_start3A_278] : memref<5128x128xf32, #tpu.memory_space<vmem_shared>> -> memref<64x128xf32, #tpu.memory_space<vmem_shared>>
      tpu.enqueue_dma source(%dma_start3A_279 : memref<64x128xf32, #tpu.memory_space<vmem_shared>>) target(%arg8 : memref<64x128xf32, #tpu.memory_space<vmem>>) target_semaphore(%run_scoped3A : memref<!tpu.dma_semaphore, #tpu.memory_space<semaphore_mem>>)
      %dma_wait3A = arith.constant 0 : i32
      %dma_wait3A_280 = tpu.memref_slice %arg9[%add3A_53, %dma_wait3A] : memref<5128x128xf32, #tpu.memory_space<vmem_shared>> -> memref<64x128xf32, #tpu.memory_space<vmem_shared>>
      %dma_wait3A_281 = arith.constant 0 : i32
      %dma_wait3A_282 = tpu.memref_slice %arg9[%add3A_53, %dma_wait3A_281] : memref<5128x128xf32, #tpu.memory_space<vmem_shared>> -> memref<64x128xf32, #tpu.memory_space<vmem_shared>>
      tpu.wait_dma2 semaphore(%run_scoped3A : memref<!tpu.dma_semaphore, #tpu.memory_space<semaphore_mem>>) src(%dma_wait3A_282 : memref<64x128xf32, #tpu.memory_space<vmem_shared>>) dst(%arg8 : memref<64x128xf32, #tpu.memory_space<vmem>>)
      tpu.yield
    }) : () -> ()
    %add3A_54 = arith.constant 0 : i32
    %add3A_55 = arith.addi %add3A_54, %add3A_53 : i32
    "tpu.region"() ({
      %run_scoped3A = tpu.sem_alloc : memref<!tpu.dma_semaphore, #tpu.memory_space<semaphore_mem>>
      %dma_start3A = arith.constant 0 : i32
      %dma_start3A_277 = tpu.memref_slice %arg4[%arg0, %add3A_55, %dma_start3A] : memref<2x10240x128xf32, #tpu.memory_space<hbm>> -> memref<1x64x128xf32, #tpu.memory_space<hbm>>
      %dma_start3A_278 = tpu.memref_squeeze %dma_start3A_277 : memref<1x64x128xf32, #tpu.memory_space<hbm>> -> memref<64x128xf32, #tpu.memory_space<hbm>>
      %dma_start3A_279 = arith.constant 0 : i32
      %dma_start3A_280 = tpu.memref_slice %arg4[%arg0, %add3A_55, %dma_start3A_279] : memref<2x10240x128xf32, #tpu.memory_space<hbm>> -> memref<1x64x128xf32, #tpu.memory_space<hbm>>
      %dma_start3A_281 = tpu.memref_squeeze %dma_start3A_280 : memref<1x64x128xf32, #tpu.memory_space<hbm>> -> memref<64x128xf32, #tpu.memory_space<hbm>>
      tpu.enqueue_dma source(%arg8 : memref<64x128xf32, #tpu.memory_space<vmem>>) target(%dma_start3A_281 : memref<64x128xf32, #tpu.memory_space<hbm>>) target_semaphore(%run_scoped3A : memref<!tpu.dma_semaphore, #tpu.memory_space<semaphore_mem>>)
      %dma_wait3A = arith.constant 0 : i32
      %dma_wait3A_282 = tpu.memref_slice %arg4[%arg0, %add3A_55, %dma_wait3A] : memref<2x10240x128xf32, #tpu.memory_space<hbm>> -> memref<1x64x128xf32, #tpu.memory_space<hbm>>
      %dma_wait3A_283 = tpu.memref_squeeze %dma_wait3A_282 : memref<1x64x128xf32, #tpu.memory_space<hbm>> -> memref<64x128xf32, #tpu.memory_space<hbm>>
      %dma_wait3A_284 = arith.constant 0 : i32
      %dma_wait3A_285 = tpu.memref_slice %arg4[%arg0, %add3A_55, %dma_wait3A_284] : memref<2x10240x128xf32, #tpu.memory_space<hbm>> -> memref<1x64x128xf32, #tpu.memory_space<hbm>>
      %dma_wait3A_286 = tpu.memref_squeeze %dma_wait3A_285 : memref<1x64x128xf32, #tpu.memory_space<hbm>> -> memref<64x128xf32, #tpu.memory_space<hbm>>
      tpu.wait_dma2 semaphore(%run_scoped3A : memref<!tpu.dma_semaphore, #tpu.memory_space<semaphore_mem>>) src(%arg8 : memref<64x128xf32, #tpu.memory_space<vmem>>) dst(%dma_wait3A_286 : memref<64x128xf32, #tpu.memory_space<hbm>>)
      tpu.yield
    }) : () -> ()
    %mul3A_56 = arith.constant 320 : i32
    %mul3A_57 = arith.muli %arg1, %mul3A_56 : i32
    %add3A_58 = arith.constant 256 : i32
    %add3A_59 = arith.addi %mul3A_57, %add3A_58 : i32
    "tpu.region"() ({
      %run_scoped3A = tpu.sem_alloc : memref<!tpu.dma_semaphore, #tpu.memory_space<semaphore_mem>>
      %dma_start3A = arith.constant 0 : i32
      %dma_start3A_277 = tpu.memref_slice %arg9[%add3A_59, %dma_start3A] : memref<5128x128xf32, #tpu.memory_space<vmem_shared>> -> memref<64x128xf32, #tpu.memory_space<vmem_shared>>
      %dma_start3A_278 = arith.constant 0 : i32
      %dma_start3A_279 = tpu.memref_slice %arg9[%add3A_59, %dma_start3A_278] : memref<5128x128xf32, #tpu.memory_space<vmem_shared>> -> memref<64x128xf32, #tpu.memory_space<vmem_shared>>
      tpu.enqueue_dma source(%dma_start3A_279 : memref<64x128xf32, #tpu.memory_space<vmem_shared>>) target(%arg8 : memref<64x128xf32, #tpu.memory_space<vmem>>) target_semaphore(%run_scoped3A : memref<!tpu.dma_semaphore, #tpu.memory_space<semaphore_mem>>)
      %dma_wait3A = arith.constant 0 : i32
      %dma_wait3A_280 = tpu.memref_slice %arg9[%add3A_59, %dma_wait3A] : memref<5128x128xf32, #tpu.memory_space<vmem_shared>> -> memref<64x128xf32, #tpu.memory_space<vmem_shared>>
      %dma_wait3A_281 = arith.constant 0 : i32
      %dma_wait3A_282 = tpu.memref_slice %arg9[%add3A_59, %dma_wait3A_281] : memref<5128x128xf32, #tpu.memory_space<vmem_shared>> -> memref<64x128xf32, #tpu.memory_space<vmem_shared>>
      tpu.wait_dma2 semaphore(%run_scoped3A : memref<!tpu.dma_semaphore, #tpu.memory_space<semaphore_mem>>) src(%dma_wait3A_282 : memref<64x128xf32, #tpu.memory_space<vmem_shared>>) dst(%arg8 : memref<64x128xf32, #tpu.memory_space<vmem>>)
      tpu.yield
    }) : () -> ()
    %add3A_60 = arith.constant 0 : i32
    %add3A_61 = arith.addi %add3A_60, %add3A_59 : i32
    "tpu.region"() ({
      %run_scoped3A = tpu.sem_alloc : memref<!tpu.dma_semaphore, #tpu.memory_space<semaphore_mem>>
      %dma_start3A = arith.constant 0 : i32
      %dma_start3A_277 = tpu.memref_slice %arg4[%arg0, %add3A_61, %dma_start3A] : memref<2x10240x128xf32, #tpu.memory_space<hbm>> -> memref<1x64x128xf32, #tpu.memory_space<hbm>>
      %dma_start3A_278 = tpu.memref_squeeze %dma_start3A_277 : memref<1x64x128xf32, #tpu.memory_space<hbm>> -> memref<64x128xf32, #tpu.memory_space<hbm>>
      %dma_start3A_279 = arith.constant 0 : i32
      %dma_start3A_280 = tpu.memref_slice %arg4[%arg0, %add3A_61, %dma_start3A_279] : memref<2x10240x128xf32, #tpu.memory_space<hbm>> -> memref<1x64x128xf32, #tpu.memory_space<hbm>>
      %dma_start3A_281 = tpu.memref_squeeze %dma_start3A_280 : memref<1x64x128xf32, #tpu.memory_space<hbm>> -> memref<64x128xf32, #tpu.memory_space<hbm>>
      tpu.enqueue_dma source(%arg8 : memref<64x128xf32, #tpu.memory_space<vmem>>) target(%dma_start3A_281 : memref<64x128xf32, #tpu.memory_space<hbm>>) target_semaphore(%run_scoped3A : memref<!tpu.dma_semaphore, #tpu.memory_space<semaphore_mem>>)
      %dma_wait3A = arith.constant 0 : i32
      %dma_wait3A_282 = tpu.memref_slice %arg4[%arg0, %add3A_61, %dma_wait3A] : memref<2x10240x128xf32, #tpu.memory_space<hbm>> -> memref<1x64x128xf32, #tpu.memory_space<hbm>>
      %dma_wait3A_283 = tpu.memref_squeeze %dma_wait3A_282 : memref<1x64x128xf32, #tpu.memory_space<hbm>> -> memref<64x128xf32, #tpu.memory_space<hbm>>
      %dma_wait3A_284 = arith.constant 0 : i32
      %dma_wait3A_285 = tpu.memref_slice %arg4[%arg0, %add3A_61, %dma_wait3A_284] : memref<2x10240x128xf32, #tpu.memory_space<hbm>> -> memref<1x64x128xf32, #tpu.memory_space<hbm>>
      %dma_wait3A_286 = tpu.memref_squeeze %dma_wait3A_285 : memref<1x64x128xf32, #tpu.memory_space<hbm>> -> memref<64x128xf32, #tpu.memory_space<hbm>>
      tpu.wait_dma2 semaphore(%run_scoped3A : memref<!tpu.dma_semaphore, #tpu.memory_space<semaphore_mem>>) src(%arg8 : memref<64x128xf32, #tpu.memory_space<vmem>>) dst(%dma_wait3A_286 : memref<64x128xf32, #tpu.memory_space<hbm>>)
      tpu.yield
    }) : () -> ()
    %scan3A_62 = arith.constant 0 : i32
    %scan3A_63 = arith.constant 64 : i32
    %scan3A_64 = arith.addi %scan3A_62, %scan3A_63 : i32
    %scan3A_65 = arith.constant 1 : i32
    scf.for %scan3A_277 = %scan3A_62 to %scan3A_64 step %scan3A_65  : i32 {
      %mul3A_278 = arith.constant 1 : i32
      %mul3A_279 = arith.muli %scan3A_277, %mul3A_278 : i32
      %add3A_280 = arith.constant 0 : i32
      %add3A_281 = arith.addi %add3A_280, %mul3A_279 : i32
      %broadcast_in_dim3A = arith.constant 0.000000e+00 : f32
      %broadcast_in_dim3A_282 = vector.broadcast %broadcast_in_dim3A : f32 to vector<16xf32>
      %swap3A = arith.index_cast %add3A_281 : i32 to index
      %swap3A_283 = arith.constant 0 : index
      %swap3A_284 = tpu.vector_load %arg8[%swap3A, %swap3A_283] {strides = array<i32>} : memref<64x128xf32, #tpu.memory_space<vmem>>, vector<1x16xf32>,
      %swap3A_285 = vector.shape_cast %swap3A_284 : vector<1x16xf32> to vector<16xf32>
      %swap3A_286 = vector.shape_cast %broadcast_in_dim3A_282 : vector<16xf32> to vector<1x16xf32>
      tpu.vector_store %arg8[%swap3A, %swap3A_283], %swap3A_286 {strides = array<i32>} : memref<64x128xf32, #tpu.memory_space<vmem>>, vector<1x16xf32>,
      %broadcast_in_dim3A_287 = arith.constant 0.000000e+00 : f32
      %broadcast_in_dim3A_288 = vector.broadcast %broadcast_in_dim3A_287 : f32 to vector<16xf32>
      %swap3A_289 = arith.index_cast %add3A_281 : i32 to index
      %swap3A_290 = arith.constant 16 : index
      %swap3A_291 = tpu.vector_load %arg8[%swap3A_289, %swap3A_290] {strides = array<i32>} : memref<64x128xf32, #tpu.memory_space<vmem>>, vector<1x16xf32>,
      %swap3A_292 = vector.shape_cast %swap3A_291 : vector<1x16xf32> to vector<16xf32>
      %swap3A_293 = vector.shape_cast %broadcast_in_dim3A_288 : vector<16xf32> to vector<1x16xf32>
      tpu.vector_store %arg8[%swap3A_289, %swap3A_290], %swap3A_293 {strides = array<i32>} : memref<64x128xf32, #tpu.memory_space<vmem>>, vector<1x16xf32>,
      %broadcast_in_dim3A_294 = arith.constant 0.000000e+00 : f32
      %broadcast_in_dim3A_295 = vector.broadcast %broadcast_in_dim3A_294 : f32 to vector<16xf32>
      %swap3A_296 = arith.index_cast %add3A_281 : i32 to index
      %swap3A_297 = arith.constant 32 : index
      %swap3A_298 = tpu.vector_load %arg8[%swap3A_296, %swap3A_297] {strides = array<i32>} : memref<64x128xf32, #tpu.memory_space<vmem>>, vector<1x16xf32>,
      %swap3A_299 = vector.shape_cast %swap3A_298 : vector<1x16xf32> to vector<16xf32>
      %swap3A_300 = vector.shape_cast %broadcast_in_dim3A_295 : vector<16xf32> to vector<1x16xf32>
      tpu.vector_store %arg8[%swap3A_296, %swap3A_297], %swap3A_300 {strides = array<i32>} : memref<64x128xf32, #tpu.memory_space<vmem>>, vector<1x16xf32>,
      %broadcast_in_dim3A_301 = arith.constant 0.000000e+00 : f32
      %broadcast_in_dim3A_302 = vector.broadcast %broadcast_in_dim3A_301 : f32 to vector<16xf32>
      %swap3A_303 = arith.index_cast %add3A_281 : i32 to index
      %swap3A_304 = arith.constant 48 : index
      %swap3A_305 = tpu.vector_load %arg8[%swap3A_303, %swap3A_304] {strides = array<i32>} : memref<64x128xf32, #tpu.memory_space<vmem>>, vector<1x16xf32>,
      %swap3A_306 = vector.shape_cast %swap3A_305 : vector<1x16xf32> to vector<16xf32>
      %swap3A_307 = vector.shape_cast %broadcast_in_dim3A_302 : vector<16xf32> to vector<1x16xf32>
      tpu.vector_store %arg8[%swap3A_303, %swap3A_304], %swap3A_307 {strides = array<i32>} : memref<64x128xf32, #tpu.memory_space<vmem>>, vector<1x16xf32>,
      %broadcast_in_dim3A_308 = arith.constant 0.000000e+00 : f32
      %broadcast_in_dim3A_309 = vector.broadcast %broadcast_in_dim3A_308 : f32 to vector<16xf32>
      %swap3A_310 = arith.index_cast %add3A_281 : i32 to index
      %swap3A_311 = arith.constant 64 : index
      %swap3A_312 = tpu.vector_load %arg8[%swap3A_310, %swap3A_311] {strides = array<i32>} : memref<64x128xf32, #tpu.memory_space<vmem>>, vector<1x16xf32>,
      %swap3A_313 = vector.shape_cast %swap3A_312 : vector<1x16xf32> to vector<16xf32>
      %swap3A_314 = vector.shape_cast %broadcast_in_dim3A_309 : vector<16xf32> to vector<1x16xf32>
      tpu.vector_store %arg8[%swap3A_310, %swap3A_311], %swap3A_314 {strides = array<i32>} : memref<64x128xf32, #tpu.memory_space<vmem>>, vector<1x16xf32>,
      %broadcast_in_dim3A_315 = arith.constant 0.000000e+00 : f32
      %broadcast_in_dim3A_316 = vector.broadcast %broadcast_in_dim3A_315 : f32 to vector<16xf32>
      %swap3A_317 = arith.index_cast %add3A_281 : i32 to index
      %swap3A_318 = arith.constant 80 : index
      %swap3A_319 = tpu.vector_load %arg8[%swap3A_317, %swap3A_318] {strides = array<i32>} : memref<64x128xf32, #tpu.memory_space<vmem>>, vector<1x16xf32>,
      %swap3A_320 = vector.shape_cast %swap3A_319 : vector<1x16xf32> to vector<16xf32>
      %swap3A_321 = vector.shape_cast %broadcast_in_dim3A_316 : vector<16xf32> to vector<1x16xf32>
      tpu.vector_store %arg8[%swap3A_317, %swap3A_318], %swap3A_321 {strides = array<i32>} : memref<64x128xf32, #tpu.memory_space<vmem>>, vector<1x16xf32>,
      %broadcast_in_dim3A_322 = arith.constant 0.000000e+00 : f32
      %broadcast_in_dim3A_323 = vector.broadcast %broadcast_in_dim3A_322 : f32 to vector<16xf32>
      %swap3A_324 = arith.index_cast %add3A_281 : i32 to index
      %swap3A_325 = arith.constant 96 : index
      %swap3A_326 = tpu.vector_load %arg8[%swap3A_324, %swap3A_325] {strides = array<i32>} : memref<64x128xf32, #tpu.memory_space<vmem>>, vector<1x16xf32>,
      %swap3A_327 = vector.shape_cast %swap3A_326 : vector<1x16xf32> to vector<16xf32>
      %swap3A_328 = vector.shape_cast %broadcast_in_dim3A_323 : vector<16xf32> to vector<1x16xf32>
      tpu.vector_store %arg8[%swap3A_324, %swap3A_325], %swap3A_328 {strides = array<i32>} : memref<64x128xf32, #tpu.memory_space<vmem>>, vector<1x16xf32>,
      %broadcast_in_dim3A_329 = arith.constant 0.000000e+00 : f32
      %broadcast_in_dim3A_330 = vector.broadcast %broadcast_in_dim3A_329 : f32 to vector<16xf32>
      %swap3A_331 = arith.index_cast %add3A_281 : i32 to index
      %swap3A_332 = arith.constant 112 : index
      %swap3A_333 = tpu.vector_load %arg8[%swap3A_331, %swap3A_332] {strides = array<i32>} : memref<64x128xf32, #tpu.memory_space<vmem>>, vector<1x16xf32>,
      %swap3A_334 = vector.shape_cast %swap3A_333 : vector<1x16xf32> to vector<16xf32>
      %swap3A_335 = vector.shape_cast %broadcast_in_dim3A_330 : vector<16xf32> to vector<1x16xf32>
      tpu.vector_store %arg8[%swap3A_331, %swap3A_332], %swap3A_335 {strides = array<i32>} : memref<64x128xf32, #tpu.memory_space<vmem>>, vector<1x16xf32>,
    }
    %scan3A_66 = arith.constant 64 : i32
    %barrier3A_67 = arith.constant 0 : index
    tpu.barrier barrier_id(%barrier3A_67)
    %mul3A_68 = arith.constant 320 : i32
    %mul3A_69 = arith.muli %arg1, %mul3A_68 : i32
    %add3A_70 = arith.constant 0 : i32
    %add3A_71 = arith.addi %mul3A_69, %add3A_70 : i32
    "tpu.region"() ({
      %run_scoped3A = tpu.sem_alloc : memref<!tpu.dma_semaphore, #tpu.memory_space<semaphore_mem>>
      %dma_start3A = arith.constant 0 : i32
      %dma_start3A_277 = tpu.memref_slice %arg9[%add3A_71, %dma_start3A] : memref<5128x128xf32, #tpu.memory_space<vmem_shared>> -> memref<64x128xf32, #tpu.memory_space<vmem_shared>>
      %dma_start3A_278 = arith.constant 0 : i32
      %dma_start3A_279 = tpu.memref_slice %arg9[%add3A_71, %dma_start3A_278] : memref<5128x128xf32, #tpu.memory_space<vmem_shared>> -> memref<64x128xf32, #tpu.memory_space<vmem_shared>>
      tpu.enqueue_dma source(%arg8 : memref<64x128xf32, #tpu.memory_space<vmem>>) target(%dma_start3A_279 : memref<64x128xf32, #tpu.memory_space<vmem_shared>>) target_semaphore(%run_scoped3A : memref<!tpu.dma_semaphore, #tpu.memory_space<semaphore_mem>>)
      %dma_wait3A = arith.constant 0 : i32
      %dma_wait3A_280 = tpu.memref_slice %arg9[%add3A_71, %dma_wait3A] : memref<5128x128xf32, #tpu.memory_space<vmem_shared>> -> memref<64x128xf32, #tpu.memory_space<vmem_shared>>
      %dma_wait3A_281 = arith.constant 0 : i32
      %dma_wait3A_282 = tpu.memref_slice %arg9[%add3A_71, %dma_wait3A_281] : memref<5128x128xf32, #tpu.memory_space<vmem_shared>> -> memref<64x128xf32, #tpu.memory_space<vmem_shared>>
      tpu.wait_dma2 semaphore(%run_scoped3A : memref<!tpu.dma_semaphore, #tpu.memory_space<semaphore_mem>>) src(%arg8 : memref<64x128xf32, #tpu.memory_space<vmem>>) dst(%dma_wait3A_282 : memref<64x128xf32, #tpu.memory_space<vmem_shared>>)
      tpu.yield
    }) : () -> ()
    %mul3A_72 = arith.constant 320 : i32
    %mul3A_73 = arith.muli %arg1, %mul3A_72 : i32
    %add3A_74 = arith.constant 64 : i32
    %add3A_75 = arith.addi %mul3A_73, %add3A_74 : i32
    "tpu.region"() ({
      %run_scoped3A = tpu.sem_alloc : memref<!tpu.dma_semaphore, #tpu.memory_space<semaphore_mem>>
      %dma_start3A = arith.constant 0 : i32
      %dma_start3A_277 = tpu.memref_slice %arg9[%add3A_75, %dma_start3A] : memref<5128x128xf32, #tpu.memory_space<vmem_shared>> -> memref<64x128xf32, #tpu.memory_space<vmem_shared>>
      %dma_start3A_278 = arith.constant 0 : i32
      %dma_start3A_279 = tpu.memref_slice %arg9[%add3A_75, %dma_start3A_278] : memref<5128x128xf32, #tpu.memory_space<vmem_shared>> -> memref<64x128xf32, #tpu.memory_space<vmem_shared>>
      tpu.enqueue_dma source(%arg8 : memref<64x128xf32, #tpu.memory_space<vmem>>) target(%dma_start3A_279 : memref<64x128xf32, #tpu.memory_space<vmem_shared>>) target_semaphore(%run_scoped3A : memref<!tpu.dma_semaphore, #tpu.memory_space<semaphore_mem>>)
      %dma_wait3A = arith.constant 0 : i32
      %dma_wait3A_280 = tpu.memref_slice %arg9[%add3A_75, %dma_wait3A] : memref<5128x128xf32, #tpu.memory_space<vmem_shared>> -> memref<64x128xf32, #tpu.memory_space<vmem_shared>>
      %dma_wait3A_281 = arith.constant 0 : i32
      %dma_wait3A_282 = tpu.memref_slice %arg9[%add3A_75, %dma_wait3A_281] : memref<5128x128xf32, #tpu.memory_space<vmem_shared>> -> memref<64x128xf32, #tpu.memory_space<vmem_shared>>
      tpu.wait_dma2 semaphore(%run_scoped3A : memref<!tpu.dma_semaphore, #tpu.memory_space<semaphore_mem>>) src(%arg8 : memref<64x128xf32, #tpu.memory_space<vmem>>) dst(%dma_wait3A_282 : memref<64x128xf32, #tpu.memory_space<vmem_shared>>)
      tpu.yield
    }) : () -> ()
    %mul3A_76 = arith.constant 320 : i32
    %mul3A_77 = arith.muli %arg1, %mul3A_76 : i32
    %add3A_78 = arith.constant 128 : i32
    %add3A_79 = arith.addi %mul3A_77, %add3A_78 : i32
    "tpu.region"() ({
      %run_scoped3A = tpu.sem_alloc : memref<!tpu.dma_semaphore, #tpu.memory_space<semaphore_mem>>
      %dma_start3A = arith.constant 0 : i32
      %dma_start3A_277 = tpu.memref_slice %arg9[%add3A_79, %dma_start3A] : memref<5128x128xf32, #tpu.memory_space<vmem_shared>> -> memref<64x128xf32, #tpu.memory_space<vmem_shared>>
      %dma_start3A_278 = arith.constant 0 : i32
      %dma_start3A_279 = tpu.memref_slice %arg9[%add3A_79, %dma_start3A_278] : memref<5128x128xf32, #tpu.memory_space<vmem_shared>> -> memref<64x128xf32, #tpu.memory_space<vmem_shared>>
      tpu.enqueue_dma source(%arg8 : memref<64x128xf32, #tpu.memory_space<vmem>>) target(%dma_start3A_279 : memref<64x128xf32, #tpu.memory_space<vmem_shared>>) target_semaphore(%run_scoped3A : memref<!tpu.dma_semaphore, #tpu.memory_space<semaphore_mem>>)
      %dma_wait3A = arith.constant 0 : i32
      %dma_wait3A_280 = tpu.memref_slice %arg9[%add3A_79, %dma_wait3A] : memref<5128x128xf32, #tpu.memory_space<vmem_shared>> -> memref<64x128xf32, #tpu.memory_space<vmem_shared>>
      %dma_wait3A_281 = arith.constant 0 : i32
      %dma_wait3A_282 = tpu.memref_slice %arg9[%add3A_79, %dma_wait3A_281] : memref<5128x128xf32, #tpu.memory_space<vmem_shared>> -> memref<64x128xf32, #tpu.memory_space<vmem_shared>>
      tpu.wait_dma2 semaphore(%run_scoped3A : memref<!tpu.dma_semaphore, #tpu.memory_space<semaphore_mem>>) src(%arg8 : memref<64x128xf32, #tpu.memory_space<vmem>>) dst(%dma_wait3A_282 : memref<64x128xf32, #tpu.memory_space<vmem_shared>>)
      tpu.yield
    }) : () -> ()
    %mul3A_80 = arith.constant 320 : i32
    %mul3A_81 = arith.muli %arg1, %mul3A_80 : i32
    %add3A_82 = arith.constant 192 : i32
    %add3A_83 = arith.addi %mul3A_81, %add3A_82 : i32
    "tpu.region"() ({
      %run_scoped3A = tpu.sem_alloc : memref<!tpu.dma_semaphore, #tpu.memory_space<semaphore_mem>>
      %dma_start3A = arith.constant 0 : i32
      %dma_start3A_277 = tpu.memref_slice %arg9[%add3A_83, %dma_start3A] : memref<5128x128xf32, #tpu.memory_space<vmem_shared>> -> memref<64x128xf32, #tpu.memory_space<vmem_shared>>
      %dma_start3A_278 = arith.constant 0 : i32
      %dma_start3A_279 = tpu.memref_slice %arg9[%add3A_83, %dma_start3A_278] : memref<5128x128xf32, #tpu.memory_space<vmem_shared>> -> memref<64x128xf32, #tpu.memory_space<vmem_shared>>
      tpu.enqueue_dma source(%arg8 : memref<64x128xf32, #tpu.memory_space<vmem>>) target(%dma_start3A_279 : memref<64x128xf32, #tpu.memory_space<vmem_shared>>) target_semaphore(%run_scoped3A : memref<!tpu.dma_semaphore, #tpu.memory_space<semaphore_mem>>)
      %dma_wait3A = arith.constant 0 : i32
      %dma_wait3A_280 = tpu.memref_slice %arg9[%add3A_83, %dma_wait3A] : memref<5128x128xf32, #tpu.memory_space<vmem_shared>> -> memref<64x128xf32, #tpu.memory_space<vmem_shared>>
      %dma_wait3A_281 = arith.constant 0 : i32
      %dma_wait3A_282 = tpu.memref_slice %arg9[%add3A_83, %dma_wait3A_281] : memref<5128x128xf32, #tpu.memory_space<vmem_shared>> -> memref<64x128xf32, #tpu.memory_space<vmem_shared>>
      tpu.wait_dma2 semaphore(%run_scoped3A : memref<!tpu.dma_semaphore, #tpu.memory_space<semaphore_mem>>) src(%arg8 : memref<64x128xf32, #tpu.memory_space<vmem>>) dst(%dma_wait3A_282 : memref<64x128xf32, #tpu.memory_space<vmem_shared>>)
      tpu.yield
    }) : () -> ()
    %mul3A_84 = arith.constant 320 : i32
    %mul3A_85 = arith.muli %arg1, %mul3A_84 : i32
    %add3A_86 = arith.constant 256 : i32
    %add3A_87 = arith.addi %mul3A_85, %add3A_86 : i32
    "tpu.region"() ({
      %run_scoped3A = tpu.sem_alloc : memref<!tpu.dma_semaphore, #tpu.memory_space<semaphore_mem>>
      %dma_start3A = arith.constant 0 : i32
      %dma_start3A_277 = tpu.memref_slice %arg9[%add3A_87, %dma_start3A] : memref<5128x128xf32, #tpu.memory_space<vmem_shared>> -> memref<64x128xf32, #tpu.memory_space<vmem_shared>>
      %dma_start3A_278 = arith.constant 0 : i32
      %dma_start3A_279 = tpu.memref_slice %arg9[%add3A_87, %dma_start3A_278] : memref<5128x128xf32, #tpu.memory_space<vmem_shared>> -> memref<64x128xf32, #tpu.memory_space<vmem_shared>>
      tpu.enqueue_dma source(%arg8 : memref<64x128xf32, #tpu.memory_space<vmem>>) target(%dma_start3A_279 : memref<64x128xf32, #tpu.memory_space<vmem_shared>>) target_semaphore(%run_scoped3A : memref<!tpu.dma_semaphore, #tpu.memory_space<semaphore_mem>>)
      %dma_wait3A = arith.constant 0 : i32
      %dma_wait3A_280 = tpu.memref_slice %arg9[%add3A_87, %dma_wait3A] : memref<5128x128xf32, #tpu.memory_space<vmem_shared>> -> memref<64x128xf32, #tpu.memory_space<vmem_shared>>
      %dma_wait3A_281 = arith.constant 0 : i32
      %dma_wait3A_282 = tpu.memref_slice %arg9[%add3A_87, %dma_wait3A_281] : memref<5128x128xf32, #tpu.memory_space<vmem_shared>> -> memref<64x128xf32, #tpu.memory_space<vmem_shared>>
      tpu.wait_dma2 semaphore(%run_scoped3A : memref<!tpu.dma_semaphore, #tpu.memory_space<semaphore_mem>>) src(%arg8 : memref<64x128xf32, #tpu.memory_space<vmem>>) dst(%dma_wait3A_282 : memref<64x128xf32, #tpu.memory_space<vmem_shared>>)
      tpu.yield
    }) : () -> ()
    %eq3A_88 = arith.constant 0 : i32
    %eq3A_89 = arith.cmpi eq, %arg1, %eq3A_88 : i32
    %convert_element_type3A_90 = arith.extui %eq3A_89 : i1 to i32
    %cond3A_91 = arith.constant 0 : i32
    %cond3A_92 = arith.cmpi ne, %convert_element_type3A_90, %cond3A_91 : i32
    scf.if %cond3A_92 {
      "tpu.region"() ({
        %run_scoped3A = tpu.sem_alloc : memref<!tpu.dma_semaphore, #tpu.memory_space<semaphore_mem>>
        %dma_start3A = arith.constant 0 : i32
        %dma_start3A_277 = arith.constant 0 : i32
        %dma_start3A_278 = tpu.memref_slice %arg8[%dma_start3A, %dma_start3A_277] : memref<64x128xf32, #tpu.memory_space<vmem>> -> memref<8x128xf32, #tpu.memory_space<vmem>>
        %dma_start3A_279 = arith.constant 5120 : i32
        %dma_start3A_280 = arith.constant 0 : i32
        %dma_start3A_281 = tpu.memref_slice %arg9[%dma_start3A_279, %dma_start3A_280] : memref<5128x128xf32, #tpu.memory_space<vmem_shared>> -> memref<8x128xf32, #tpu.memory_space<vmem_shared>>
        %dma_start3A_282 = arith.constant 5120 : i32
        %dma_start3A_283 = arith.constant 0 : i32
        %dma_start3A_284 = tpu.memref_slice %arg9[%dma_start3A_282, %dma_start3A_283] : memref<5128x128xf32, #tpu.memory_space<vmem_shared>> -> memref<8x128xf32, #tpu.memory_space<vmem_shared>>
        %dma_start3A_285 = arith.constant 0 : i32
        %dma_start3A_286 = arith.constant 0 : i32
        %dma_start3A_287 = tpu.memref_slice %arg8[%dma_start3A_285, %dma_start3A_286] : memref<64x128xf32, #tpu.memory_space<vmem>> -> memref<8x128xf32, #tpu.memory_space<vmem>>
        tpu.enqueue_dma source(%dma_start3A_287 : memref<8x128xf32, #tpu.memory_space<vmem>>) target(%dma_start3A_284 : memref<8x128xf32, #tpu.memory_space<vmem_shared>>) target_semaphore(%run_scoped3A : memref<!tpu.dma_semaphore, #tpu.memory_space<semaphore_mem>>)
        %dma_wait3A = arith.constant 0 : i32
        %dma_wait3A_288 = arith.constant 0 : i32
        %dma_wait3A_289 = tpu.memref_slice %arg8[%dma_wait3A, %dma_wait3A_288] : memref<64x128xf32, #tpu.memory_space<vmem>> -> memref<8x128xf32, #tpu.memory_space<vmem>>
        %dma_wait3A_290 = arith.constant 5120 : i32
        %dma_wait3A_291 = arith.constant 0 : i32
        %dma_wait3A_292 = tpu.memref_slice %arg9[%dma_wait3A_290, %dma_wait3A_291] : memref<5128x128xf32, #tpu.memory_space<vmem_shared>> -> memref<8x128xf32, #tpu.memory_space<vmem_shared>>
        %dma_wait3A_293 = arith.constant 5120 : i32
        %dma_wait3A_294 = arith.constant 0 : i32
        %dma_wait3A_295 = tpu.memref_slice %arg9[%dma_wait3A_293, %dma_wait3A_294] : memref<5128x128xf32, #tpu.memory_space<vmem_shared>> -> memref<8x128xf32, #tpu.memory_space<vmem_shared>>
        %dma_wait3A_296 = arith.constant 0 : i32
        %dma_wait3A_297 = arith.constant 0 : i32
        %dma_wait3A_298 = tpu.memref_slice %arg8[%dma_wait3A_296, %dma_wait3A_297] : memref<64x128xf32, #tpu.memory_space<vmem>> -> memref<8x128xf32, #tpu.memory_space<vmem>>
        tpu.wait_dma2 semaphore(%run_scoped3A : memref<!tpu.dma_semaphore, #tpu.memory_space<semaphore_mem>>) src(%dma_wait3A_298 : memref<8x128xf32, #tpu.memory_space<vmem>>) dst(%dma_wait3A_295 : memref<8x128xf32, #tpu.memory_space<vmem_shared>>)
        tpu.yield
      }) : () -> ()
    } else {
    }
    %barrier3A_93 = arith.constant 0 : index
    tpu.barrier barrier_id(%barrier3A_93)
    %scan3A_94 = arith.constant 0 : i32
    %scan3A_95 = arith.constant 125 : i32
    %scan3A_96 = arith.addi %scan3A_94, %scan3A_95 : i32
    %scan3A_97 = arith.constant 1 : i32
    scf.for %scan3A_277 = %scan3A_94 to %scan3A_96 step %scan3A_97  : i32 {
      %mul3A_278 = arith.constant 1 : i32
      %mul3A_279 = arith.muli %scan3A_277, %mul3A_278 : i32
      %add3A_280 = arith.constant 0 : i32
      %add3A_281 = arith.addi %add3A_280, %mul3A_279 : i32
      %mul3A_282 = arith.constant 160 : i32
      %mul3A_283 = arith.muli %add3A_281, %mul3A_282 : i32
      %add3A_284 = arith.addi %mul3A_4, %mul3A_283 : i32
      %add3A_285 = arith.constant 2 : i32
      %add3A_286 = arith.addi %add3A_285, %arg0 : i32
      %mul3A_287 = arith.constant 320000 : i32
      %mul3A_288 = arith.muli %add3A_286, %mul3A_287 : i32
      %add3A_289 = arith.addi %mul3A_288, %add3A_284 : i32
      %add3A_290 = arith.constant 0 : i32
      %add3A_291 = arith.addi %add3A_289, %add3A_290 : i32
      %dma_start3A = arith.constant 0 : i32
      %dma_start3A_292 = arith.constant 0 : i32
      %dma_start3A_293 = tpu.memref_slice %arg6[%dma_start3A, %dma_start3A_292] : memref<2x80xi32, #tpu.memory_space<vmem>> -> memref<1x80xi32, #tpu.memory_space<vmem>>
      %dma_start3A_294 = tpu.memref_squeeze %dma_start3A_293 : memref<1x80xi32, #tpu.memory_space<vmem>> -> memref<80xi32, #tpu.memory_space<vmem>>
      %dma_start3A_295 = tpu.memref_slice %arg3[%add3A_291] : memref<1280000xi32, #tpu.memory_space<hbm>> -> memref<80xi32, #tpu.memory_space<hbm>>
      %dma_start3A_296 = arith.constant 0 : i32
      %dma_start3A_297 = tpu.memref_slice %arg6[%dma_start3A, %dma_start3A_296] : memref<2x80xi32, #tpu.memory_space<vmem>> -> memref<1x80xi32, #tpu.memory_space<vmem>>
      %dma_start3A_298 = tpu.memref_squeeze %dma_start3A_297 : memref<1x80xi32, #tpu.memory_space<vmem>> -> memref<80xi32, #tpu.memory_space<vmem>>
      %dma_start3A_299 = tpu.memref_slice %arg3[%add3A_291] : memref<1280000xi32, #tpu.memory_space<hbm>> -> memref<80xi32, #tpu.memory_space<hbm>>
      tpu.enqueue_dma source(%dma_start3A_299 : memref<80xi32, #tpu.memory_space<hbm>>) target(%dma_start3A_298 : memref<80xi32, #tpu.memory_space<vmem>>) target_semaphore(%arg10 : memref<!tpu.dma_semaphore, #tpu.memory_space<semaphore_mem>>)
      %add3A_300 = arith.constant 0 : i32
      %add3A_301 = arith.addi %add3A_284, %add3A_300 : i32
      %dma_start3A_302 = arith.constant 0 : i32
      %dma_start3A_303 = arith.constant 0 : i32
      %dma_start3A_304 = arith.constant 0 : i32
      %dma_start3A_305 = tpu.memref_slice %arg7[%dma_start3A_302, %dma_start3A_303, %dma_start3A_304] : memref<2x80x128xf32, #tpu.memory_space<vmem>> -> memref<1x80x128xf32, #tpu.memory_space<vmem>>
      %dma_start3A_306 = tpu.memref_squeeze %dma_start3A_305 : memref<1x80x128xf32, #tpu.memory_space<vmem>> -> memref<80x128xf32, #tpu.memory_space<vmem>>
      %dma_start3A_307 = arith.constant 0 : i32
      %dma_start3A_308 = tpu.memref_slice %arg2[%arg0, %add3A_301, %dma_start3A_307] : memref<2x320000x128xf32, #tpu.memory_space<hbm>> -> memref<1x80x128xf32, #tpu.memory_space<hbm>>
      %dma_start3A_309 = tpu.memref_squeeze %dma_start3A_308 : memref<1x80x128xf32, #tpu.memory_space<hbm>> -> memref<80x128xf32, #tpu.memory_space<hbm>>
      %dma_start3A_310 = arith.constant 0 : i32
      %dma_start3A_311 = arith.constant 0 : i32
      %dma_start3A_312 = tpu.memref_slice %arg7[%dma_start3A_302, %dma_start3A_310, %dma_start3A_311] : memref<2x80x128xf32, #tpu.memory_space<vmem>> -> memref<1x80x128xf32, #tpu.memory_space<vmem>>
      %dma_start3A_313 = tpu.memref_squeeze %dma_start3A_312 : memref<1x80x128xf32, #tpu.memory_space<vmem>> -> memref<80x128xf32, #tpu.memory_space<vmem>>
      %dma_start3A_314 = arith.constant 0 : i32
      %dma_start3A_315 = tpu.memref_slice %arg2[%arg0, %add3A_301, %dma_start3A_314] : memref<2x320000x128xf32, #tpu.memory_space<hbm>> -> memref<1x80x128xf32, #tpu.memory_space<hbm>>
      %dma_start3A_316 = tpu.memref_squeeze %dma_start3A_315 : memref<1x80x128xf32, #tpu.memory_space<hbm>> -> memref<80x128xf32, #tpu.memory_space<hbm>>
      tpu.enqueue_dma source(%dma_start3A_316 : memref<80x128xf32, #tpu.memory_space<hbm>>) target(%dma_start3A_313 : memref<80x128xf32, #tpu.memory_space<vmem>>) target_semaphore(%arg11 : memref<!tpu.dma_semaphore, #tpu.memory_space<semaphore_mem>>)
      %add3A_317 = arith.constant 2 : i32
      %add3A_318 = arith.addi %add3A_317, %arg0 : i32
      %mul3A_319 = arith.constant 320000 : i32
      %mul3A_320 = arith.muli %add3A_318, %mul3A_319 : i32
      %add3A_321 = arith.addi %mul3A_320, %add3A_284 : i32
      %add3A_322 = arith.constant 80 : i32
      %add3A_323 = arith.addi %add3A_321, %add3A_322 : i32
      %dma_start3A_324 = arith.constant 1 : i32
      %dma_start3A_325 = arith.constant 0 : i32
      %dma_start3A_326 = tpu.memref_slice %arg6[%dma_start3A_324, %dma_start3A_325] : memref<2x80xi32, #tpu.memory_space<vmem>> -> memref<1x80xi32, #tpu.memory_space<vmem>>
      %dma_start3A_327 = tpu.memref_squeeze %dma_start3A_326 : memref<1x80xi32, #tpu.memory_space<vmem>> -> memref<80xi32, #tpu.memory_space<vmem>>
      %dma_start3A_328 = tpu.memref_slice %arg3[%add3A_323] : memref<1280000xi32, #tpu.memory_space<hbm>> -> memref<80xi32, #tpu.memory_space<hbm>>
      %dma_start3A_329 = arith.constant 0 : i32
      %dma_start3A_330 = tpu.memref_slice %arg6[%dma_start3A_324, %dma_start3A_329] : memref<2x80xi32, #tpu.memory_space<vmem>> -> memref<1x80xi32, #tpu.memory_space<vmem>>
      %dma_start3A_331 = tpu.memref_squeeze %dma_start3A_330 : memref<1x80xi32, #tpu.memory_space<vmem>> -> memref<80xi32, #tpu.memory_space<vmem>>
      %dma_start3A_332 = tpu.memref_slice %arg3[%add3A_323] : memref<1280000xi32, #tpu.memory_space<hbm>> -> memref<80xi32, #tpu.memory_space<hbm>>
      tpu.enqueue_dma source(%dma_start3A_332 : memref<80xi32, #tpu.memory_space<hbm>>) target(%dma_start3A_331 : memref<80xi32, #tpu.memory_space<vmem>>) target_semaphore(%arg10 : memref<!tpu.dma_semaphore, #tpu.memory_space<semaphore_mem>>)
      %add3A_333 = arith.constant 80 : i32
      %add3A_334 = arith.addi %add3A_284, %add3A_333 : i32
      %dma_start3A_335 = arith.constant 1 : i32
      %dma_start3A_336 = arith.constant 0 : i32
      %dma_start3A_337 = arith.constant 0 : i32
      %dma_start3A_338 = tpu.memref_slice %arg7[%dma_start3A_335, %dma_start3A_336, %dma_start3A_337] : memref<2x80x128xf32, #tpu.memory_space<vmem>> -> memref<1x80x128xf32, #tpu.memory_space<vmem>>
      %dma_start3A_339 = tpu.memref_squeeze %dma_start3A_338 : memref<1x80x128xf32, #tpu.memory_space<vmem>> -> memref<80x128xf32, #tpu.memory_space<vmem>>
      %dma_start3A_340 = arith.constant 0 : i32
      %dma_start3A_341 = tpu.memref_slice %arg2[%arg0, %add3A_334, %dma_start3A_340] : memref<2x320000x128xf32, #tpu.memory_space<hbm>> -> memref<1x80x128xf32, #tpu.memory_space<hbm>>
      %dma_start3A_342 = tpu.memref_squeeze %dma_start3A_341 : memref<1x80x128xf32, #tpu.memory_space<hbm>> -> memref<80x128xf32, #tpu.memory_space<hbm>>
      %dma_start3A_343 = arith.constant 0 : i32
      %dma_start3A_344 = arith.constant 0 : i32
      %dma_start3A_345 = tpu.memref_slice %arg7[%dma_start3A_335, %dma_start3A_343, %dma_start3A_344] : memref<2x80x128xf32, #tpu.memory_space<vmem>> -> memref<1x80x128xf32, #tpu.memory_space<vmem>>
      %dma_start3A_346 = tpu.memref_squeeze %dma_start3A_345 : memref<1x80x128xf32, #tpu.memory_space<vmem>> -> memref<80x128xf32, #tpu.memory_space<vmem>>
      %dma_start3A_347 = arith.constant 0 : i32
      %dma_start3A_348 = tpu.memref_slice %arg2[%arg0, %add3A_334, %dma_start3A_347] : memref<2x320000x128xf32, #tpu.memory_space<hbm>> -> memref<1x80x128xf32, #tpu.memory_space<hbm>>
      %dma_start3A_349 = tpu.memref_squeeze %dma_start3A_348 : memref<1x80x128xf32, #tpu.memory_space<hbm>> -> memref<80x128xf32, #tpu.memory_space<hbm>>
      tpu.enqueue_dma source(%dma_start3A_349 : memref<80x128xf32, #tpu.memory_space<hbm>>) target(%dma_start3A_346 : memref<80x128xf32, #tpu.memory_space<vmem>>) target_semaphore(%arg11 : memref<!tpu.dma_semaphore, #tpu.memory_space<semaphore_mem>>)
      %dma_wait3A = arith.constant 0 : i32
      %dma_wait3A_350 = arith.constant 0 : i32
      %dma_wait3A_351 = tpu.memref_slice %arg6[%dma_wait3A, %dma_wait3A_350] : memref<2x80xi32, #tpu.memory_space<vmem>> -> memref<1x80xi32, #tpu.memory_space<vmem>>
      %dma_wait3A_352 = tpu.memref_squeeze %dma_wait3A_351 : memref<1x80xi32, #tpu.memory_space<vmem>> -> memref<80xi32, #tpu.memory_space<vmem>>
      %dma_wait3A_353 = tpu.memref_slice %arg3[%add3A_291] : memref<1280000xi32, #tpu.memory_space<hbm>> -> memref<80xi32, #tpu.memory_space<hbm>>
      %dma_wait3A_354 = arith.constant 0 : i32
      %dma_wait3A_355 = tpu.memref_slice %arg6[%dma_wait3A, %dma_wait3A_354] : memref<2x80xi32, #tpu.memory_space<vmem>> -> memref<1x80xi32, #tpu.memory_space<vmem>>
      %dma_wait3A_356 = tpu.memref_squeeze %dma_wait3A_355 : memref<1x80xi32, #tpu.memory_space<vmem>> -> memref<80xi32, #tpu.memory_space<vmem>>
      %dma_wait3A_357 = tpu.memref_slice %arg3[%add3A_291] : memref<1280000xi32, #tpu.memory_space<hbm>> -> memref<80xi32, #tpu.memory_space<hbm>>
      tpu.wait_dma2 semaphore(%arg10 : memref<!tpu.dma_semaphore, #tpu.memory_space<semaphore_mem>>) src(%dma_wait3A_357 : memref<80xi32, #tpu.memory_space<hbm>>) dst(%dma_wait3A_356 : memref<80xi32, #tpu.memory_space<vmem>>)
      %dma_wait3A_358 = arith.constant 0 : i32
      %dma_wait3A_359 = arith.constant 0 : i32
      %dma_wait3A_360 = arith.constant 0 : i32
      %dma_wait3A_361 = tpu.memref_slice %arg7[%dma_wait3A_358, %dma_wait3A_359, %dma_wait3A_360] : memref<2x80x128xf32, #tpu.memory_space<vmem>> -> memref<1x80x128xf32, #tpu.memory_space<vmem>>
      %dma_wait3A_362 = tpu.memref_squeeze %dma_wait3A_361 : memref<1x80x128xf32, #tpu.memory_space<vmem>> -> memref<80x128xf32, #tpu.memory_space<vmem>>
      %dma_wait3A_363 = arith.constant 0 : i32
      %dma_wait3A_364 = tpu.memref_slice %arg2[%arg0, %add3A_301, %dma_wait3A_363] : memref<2x320000x128xf32, #tpu.memory_space<hbm>> -> memref<1x80x128xf32, #tpu.memory_space<hbm>>
      %dma_wait3A_365 = tpu.memref_squeeze %dma_wait3A_364 : memref<1x80x128xf32, #tpu.memory_space<hbm>> -> memref<80x128xf32, #tpu.memory_space<hbm>>
      %dma_wait3A_366 = arith.constant 0 : i32
      %dma_wait3A_367 = arith.constant 0 : i32
      %dma_wait3A_368 = tpu.memref_slice %arg7[%dma_wait3A_358, %dma_wait3A_366, %dma_wait3A_367] : memref<2x80x128xf32, #tpu.memory_space<vmem>> -> memref<1x80x128xf32, #tpu.memory_space<vmem>>
      %dma_wait3A_369 = tpu.memref_squeeze %dma_wait3A_368 : memref<1x80x128xf32, #tpu.memory_space<vmem>> -> memref<80x128xf32, #tpu.memory_space<vmem>>
      %dma_wait3A_370 = arith.constant 0 : i32
      %dma_wait3A_371 = tpu.memref_slice %arg2[%arg0, %add3A_301, %dma_wait3A_370] : memref<2x320000x128xf32, #tpu.memory_space<hbm>> -> memref<1x80x128xf32, #tpu.memory_space<hbm>>
      %dma_wait3A_372 = tpu.memref_squeeze %dma_wait3A_371 : memref<1x80x128xf32, #tpu.memory_space<hbm>> -> memref<80x128xf32, #tpu.memory_space<hbm>>
      tpu.wait_dma2 semaphore(%arg11 : memref<!tpu.dma_semaphore, #tpu.memory_space<semaphore_mem>>) src(%dma_wait3A_372 : memref<80x128xf32, #tpu.memory_space<hbm>>) dst(%dma_wait3A_369 : memref<80x128xf32, #tpu.memory_space<vmem>>)
      %dma_wait3A_373 = arith.constant 1 : i32
      %dma_wait3A_374 = arith.constant 0 : i32
      %dma_wait3A_375 = tpu.memref_slice %arg6[%dma_wait3A_373, %dma_wait3A_374] : memref<2x80xi32, #tpu.memory_space<vmem>> -> memref<1x80xi32, #tpu.memory_space<vmem>>
      %dma_wait3A_376 = tpu.memref_squeeze %dma_wait3A_375 : memref<1x80xi32, #tpu.memory_space<vmem>> -> memref<80xi32, #tpu.memory_space<vmem>>
      %dma_wait3A_377 = tpu.memref_slice %arg3[%add3A_323] : memref<1280000xi32, #tpu.memory_space<hbm>> -> memref<80xi32, #tpu.memory_space<hbm>>
      %dma_wait3A_378 = arith.constant 0 : i32
      %dma_wait3A_379 = tpu.memref_slice %arg6[%dma_wait3A_373, %dma_wait3A_378] : memref<2x80xi32, #tpu.memory_space<vmem>> -> memref<1x80xi32, #tpu.memory_space<vmem>>
      %dma_wait3A_380 = tpu.memref_squeeze %dma_wait3A_379 : memref<1x80xi32, #tpu.memory_space<vmem>> -> memref<80xi32, #tpu.memory_space<vmem>>
      %dma_wait3A_381 = tpu.memref_slice %arg3[%add3A_323] : memref<1280000xi32, #tpu.memory_space<hbm>> -> memref<80xi32, #tpu.memory_space<hbm>>
      tpu.wait_dma2 semaphore(%arg10 : memref<!tpu.dma_semaphore, #tpu.memory_space<semaphore_mem>>) src(%dma_wait3A_381 : memref<80xi32, #tpu.memory_space<hbm>>) dst(%dma_wait3A_380 : memref<80xi32, #tpu.memory_space<vmem>>)
      %dma_wait3A_382 = arith.constant 1 : i32
      %dma_wait3A_383 = arith.constant 0 : i32
      %dma_wait3A_384 = arith.constant 0 : i32
      %dma_wait3A_385 = tpu.memref_slice %arg7[%dma_wait3A_382, %dma_wait3A_383, %dma_wait3A_384] : memref<2x80x128xf32, #tpu.memory_space<vmem>> -> memref<1x80x128xf32, #tpu.memory_space<vmem>>
      %dma_wait3A_386 = tpu.memref_squeeze %dma_wait3A_385 : memref<1x80x128xf32, #tpu.memory_space<vmem>> -> memref<80x128xf32, #tpu.memory_space<vmem>>
      %dma_wait3A_387 = arith.constant 0 : i32
      %dma_wait3A_388 = tpu.memref_slice %arg2[%arg0, %add3A_334, %dma_wait3A_387] : memref<2x320000x128xf32, #tpu.memory_space<hbm>> -> memref<1x80x128xf32, #tpu.memory_space<hbm>>
      %dma_wait3A_389 = tpu.memref_squeeze %dma_wait3A_388 : memref<1x80x128xf32, #tpu.memory_space<hbm>> -> memref<80x128xf32, #tpu.memory_space<hbm>>
      %dma_wait3A_390 = arith.constant 0 : i32
      %dma_wait3A_391 = arith.constant 0 : i32
      %dma_wait3A_392 = tpu.memref_slice %arg7[%dma_wait3A_382, %dma_wait3A_390, %dma_wait3A_391] : memref<2x80x128xf32, #tpu.memory_space<vmem>> -> memref<1x80x128xf32, #tpu.memory_space<vmem>>
      %dma_wait3A_393 = tpu.memref_squeeze %dma_wait3A_392 : memref<1x80x128xf32, #tpu.memory_space<vmem>> -> memref<80x128xf32, #tpu.memory_space<vmem>>
      %dma_wait3A_394 = arith.constant 0 : i32
      %dma_wait3A_395 = tpu.memref_slice %arg2[%arg0, %add3A_334, %dma_wait3A_394] : memref<2x320000x128xf32, #tpu.memory_space<hbm>> -> memref<1x80x128xf32, #tpu.memory_space<hbm>>
      %dma_wait3A_396 = tpu.memref_squeeze %dma_wait3A_395 : memref<1x80x128xf32, #tpu.memory_space<hbm>> -> memref<80x128xf32, #tpu.memory_space<hbm>>
      tpu.wait_dma2 semaphore(%arg11 : memref<!tpu.dma_semaphore, #tpu.memory_space<semaphore_mem>>) src(%dma_wait3A_396 : memref<80x128xf32, #tpu.memory_space<hbm>>) dst(%dma_wait3A_393 : memref<80x128xf32, #tpu.memory_space<vmem>>)
      %dma_start3A_397 = arith.constant 0 : i32
      %dma_start3A_398 = arith.constant 0 : i32
      %dma_start3A_399 = arith.constant 0 : i32
      %dma_start3A_400 = arith.constant 0 : i32
      %dma_start3A_401 = tpu.memref_slice %arg7[%dma_start3A_397, %dma_start3A_399, %dma_start3A_400] : memref<2x80x128xf32, #tpu.memory_space<vmem>> -> memref<1x80x128xf32, #tpu.memory_space<vmem>>
      %dma_start3A_402 = tpu.memref_squeeze %dma_start3A_401 : memref<1x80x128xf32, #tpu.memory_space<vmem>> -> memref<80x128xf32, #tpu.memory_space<vmem>>
      %dma_start3A_403 = arith.constant 0 : i32
      %dma_start3A_404 = tpu.memref_slice %arg6[%dma_start3A_398, %dma_start3A_403] : memref<2x80xi32, #tpu.memory_space<vmem>> -> memref<1x80xi32, #tpu.memory_space<vmem>>
      %dma_start3A_405 = tpu.memref_squeeze %dma_start3A_404 : memref<1x80xi32, #tpu.memory_space<vmem>> -> memref<80xi32, #tpu.memory_space<vmem>>
      %dma_start3A_406 = arith.constant 0 : i32
      %dma_start3A_407 = arith.constant 0 : i32
      %dma_start3A_408 = tpu.memref_slice %arg9[%dma_start3A_406, %dma_start3A_407] : memref<5128x128xf32, #tpu.memory_space<vmem_shared>> -> memref<5128x128xf32, #tpu.memory_space<vmem_shared>>
      tpu.enqueue_indirect_dma source(%dma_start3A_402 : memref<80x128xf32, #tpu.memory_space<vmem>>) target(%dma_start3A_408 : memref<5128x128xf32, #tpu.memory_space<vmem_shared>>) offsets(%dma_start3A_405 : memref<80xi32, #tpu.memory_space<vmem>>) semaphore(%arg12 : memref<!tpu.dma_semaphore, #tpu.memory_space<semaphore_mem>>) {add = true}
      %dma_start3A_409 = arith.constant 1 : i32
      %dma_start3A_410 = arith.constant 1 : i32
      %dma_start3A_411 = arith.constant 0 : i32
      %dma_start3A_412 = arith.constant 0 : i32
      %dma_start3A_413 = tpu.memref_slice %arg7[%dma_start3A_409, %dma_start3A_411, %dma_start3A_412] : memref<2x80x128xf32, #tpu.memory_space<vmem>> -> memref<1x80x128xf32, #tpu.memory_space<vmem>>
      %dma_start3A_414 = tpu.memref_squeeze %dma_start3A_413 : memref<1x80x128xf32, #tpu.memory_space<vmem>> -> memref<80x128xf32, #tpu.memory_space<vmem>>
      %dma_start3A_415 = arith.constant 0 : i32
      %dma_start3A_416 = tpu.memref_slice %arg6[%dma_start3A_410, %dma_start3A_415] : memref<2x80xi32, #tpu.memory_space<vmem>> -> memref<1x80xi32, #tpu.memory_space<vmem>>
      %dma_start3A_417 = tpu.memref_squeeze %dma_start3A_416 : memref<1x80xi32, #tpu.memory_space<vmem>> -> memref<80xi32, #tpu.memory_space<vmem>>
      %dma_start3A_418 = arith.constant 0 : i32
      %dma_start3A_419 = arith.constant 0 : i32
      %dma_start3A_420 = tpu.memref_slice %arg9[%dma_start3A_418, %dma_start3A_419] : memref<5128x128xf32, #tpu.memory_space<vmem_shared>> -> memref<5128x128xf32, #tpu.memory_space<vmem_shared>>
      tpu.enqueue_indirect_dma source(%dma_start3A_414 : memref<80x128xf32, #tpu.memory_space<vmem>>) target(%dma_start3A_420 : memref<5128x128xf32, #tpu.memory_space<vmem_shared>>) offsets(%dma_start3A_417 : memref<80xi32, #tpu.memory_space<vmem>>) semaphore(%arg12 : memref<!tpu.dma_semaphore, #tpu.memory_space<semaphore_mem>>) {add = true}
      %dma_wait3A_421 = arith.constant 0 : i32
      %dma_wait3A_422 = arith.constant 0 : i32
      %dma_wait3A_423 = arith.constant 0 : i32
      %dma_wait3A_424 = arith.constant 0 : i32
      %dma_wait3A_425 = tpu.memref_slice %arg7[%dma_wait3A_421, %dma_wait3A_423, %dma_wait3A_424] : memref<2x80x128xf32, #tpu.memory_space<vmem>> -> memref<1x80x128xf32, #tpu.memory_space<vmem>>
      %dma_wait3A_426 = tpu.memref_squeeze %dma_wait3A_425 : memref<1x80x128xf32, #tpu.memory_space<vmem>> -> memref<80x128xf32, #tpu.memory_space<vmem>>
      %dma_wait3A_427 = arith.constant 0 : i32
      %dma_wait3A_428 = tpu.memref_slice %arg6[%dma_wait3A_422, %dma_wait3A_427] : memref<2x80xi32, #tpu.memory_space<vmem>> -> memref<1x80xi32, #tpu.memory_space<vmem>>
      %dma_wait3A_429 = tpu.memref_squeeze %dma_wait3A_428 : memref<1x80xi32, #tpu.memory_space<vmem>> -> memref<80xi32, #tpu.memory_space<vmem>>
      %dma_wait3A_430 = arith.constant 0 : i32
      %dma_wait3A_431 = arith.constant 0 : i32
      %dma_wait3A_432 = tpu.memref_slice %arg9[%dma_wait3A_430, %dma_wait3A_431] : memref<5128x128xf32, #tpu.memory_space<vmem_shared>> -> memref<5128x128xf32, #tpu.memory_space<vmem_shared>>
      tpu.wait_indirect_dma semaphore(%arg12 : memref<!tpu.dma_semaphore, #tpu.memory_space<semaphore_mem>>) src(%dma_wait3A_426 : memref<80x128xf32, #tpu.memory_space<vmem>>) dst(%dma_wait3A_432 : memref<5128x128xf32, #tpu.memory_space<vmem_shared>>)
      %dma_wait3A_433 = arith.constant 1 : i32
      %dma_wait3A_434 = arith.constant 1 : i32
      %dma_wait3A_435 = arith.constant 0 : i32
      %dma_wait3A_436 = arith.constant 0 : i32
      %dma_wait3A_437 = tpu.memref_slice %arg7[%dma_wait3A_433, %dma_wait3A_435, %dma_wait3A_436] : memref<2x80x128xf32, #tpu.memory_space<vmem>> -> memref<1x80x128xf32, #tpu.memory_space<vmem>>
      %dma_wait3A_438 = tpu.memref_squeeze %dma_wait3A_437 : memref<1x80x128xf32, #tpu.memory_space<vmem>> -> memref<80x128xf32, #tpu.memory_space<vmem>>
      %dma_wait3A_439 = arith.constant 0 : i32
      %dma_wait3A_440 = tpu.memref_slice %arg6[%dma_wait3A_434, %dma_wait3A_439] : memref<2x80xi32, #tpu.memory_space<vmem>> -> memref<1x80xi32, #tpu.memory_space<vmem>>
      %dma_wait3A_441 = tpu.memref_squeeze %dma_wait3A_440 : memref<1x80xi32, #tpu.memory_space<vmem>> -> memref<80xi32, #tpu.memory_space<vmem>>
      %dma_wait3A_442 = arith.constant 0 : i32
      %dma_wait3A_443 = arith.constant 0 : i32
      %dma_wait3A_444 = tpu.memref_slice %arg9[%dma_wait3A_442, %dma_wait3A_443] : memref<5128x128xf32, #tpu.memory_space<vmem_shared>> -> memref<5128x128xf32, #tpu.memory_space<vmem_shared>>
      tpu.wait_indirect_dma semaphore(%arg12 : memref<!tpu.dma_semaphore, #tpu.memory_space<semaphore_mem>>) src(%dma_wait3A_438 : memref<80x128xf32, #tpu.memory_space<vmem>>) dst(%dma_wait3A_444 : memref<5128x128xf32, #tpu.memory_space<vmem_shared>>)
    }
    %scan3A_98 = arith.constant 125 : i32
    %barrier3A_99 = arith.constant 0 : index
    tpu.barrier barrier_id(%barrier3A_99)
    %mul3A_100 = arith.constant 320 : i32
    %mul3A_101 = arith.muli %arg1, %mul3A_100 : i32
    %add3A_102 = arith.constant 0 : i32
    %add3A_103 = arith.addi %mul3A_101, %add3A_102 : i32
    "tpu.region"() ({
      %run_scoped3A = tpu.sem_alloc : memref<!tpu.dma_semaphore, #tpu.memory_space<semaphore_mem>>
      %dma_start3A = arith.constant 0 : i32
      %dma_start3A_277 = tpu.memref_slice %arg9[%add3A_103, %dma_start3A] : memref<5128x128xf32, #tpu.memory_space<vmem_shared>> -> memref<64x128xf32, #tpu.memory_space<vmem_shared>>
      %dma_start3A_278 = arith.constant 0 : i32
      %dma_start3A_279 = tpu.memref_slice %arg9[%add3A_103, %dma_start3A_278] : memref<5128x128xf32, #tpu.memory_space<vmem_shared>> -> memref<64x128xf32, #tpu.memory_space<vmem_shared>>
      tpu.enqueue_dma source(%dma_start3A_279 : memref<64x128xf32, #tpu.memory_space<vmem_shared>>) target(%arg8 : memref<64x128xf32, #tpu.memory_space<vmem>>) target_semaphore(%run_scoped3A : memref<!tpu.dma_semaphore, #tpu.memory_space<semaphore_mem>>)
      %dma_wait3A = arith.constant 0 : i32
      %dma_wait3A_280 = tpu.memref_slice %arg9[%add3A_103, %dma_wait3A] : memref<5128x128xf32, #tpu.memory_space<vmem_shared>> -> memref<64x128xf32, #tpu.memory_space<vmem_shared>>
      %dma_wait3A_281 = arith.constant 0 : i32
      %dma_wait3A_282 = tpu.memref_slice %arg9[%add3A_103, %dma_wait3A_281] : memref<5128x128xf32, #tpu.memory_space<vmem_shared>> -> memref<64x128xf32, #tpu.memory_space<vmem_shared>>
      tpu.wait_dma2 semaphore(%run_scoped3A : memref<!tpu.dma_semaphore, #tpu.memory_space<semaphore_mem>>) src(%dma_wait3A_282 : memref<64x128xf32, #tpu.memory_space<vmem_shared>>) dst(%arg8 : memref<64x128xf32, #tpu.memory_space<vmem>>)
      tpu.yield
    }) : () -> ()
    %add3A_104 = arith.constant 5120 : i32
    %add3A_105 = arith.addi %add3A_104, %add3A_103 : i32
    "tpu.region"() ({
      %run_scoped3A = tpu.sem_alloc : memref<!tpu.dma_semaphore, #tpu.memory_space<semaphore_mem>>
      %dma_start3A = arith.constant 0 : i32
      %dma_start3A_277 = tpu.memref_slice %arg4[%arg0, %add3A_105, %dma_start3A] : memref<2x10240x128xf32, #tpu.memory_space<hbm>> -> memref<1x64x128xf32, #tpu.memory_space<hbm>>
      %dma_start3A_278 = tpu.memref_squeeze %dma_start3A_277 : memref<1x64x128xf32, #tpu.memory_space<hbm>> -> memref<64x128xf32, #tpu.memory_space<hbm>>
      %dma_start3A_279 = arith.constant 0 : i32
      %dma_start3A_280 = tpu.memref_slice %arg4[%arg0, %add3A_105, %dma_start3A_279] : memref<2x10240x128xf32, #tpu.memory_space<hbm>> -> memref<1x64x128xf32, #tpu.memory_space<hbm>>
      %dma_start3A_281 = tpu.memref_squeeze %dma_start3A_280 : memref<1x64x128xf32, #tpu.memory_space<hbm>> -> memref<64x128xf32, #tpu.memory_space<hbm>>
      tpu.enqueue_dma source(%arg8 : memref<64x128xf32, #tpu.memory_space<vmem>>) target(%dma_start3A_281 : memref<64x128xf32, #tpu.memory_space<hbm>>) target_semaphore(%run_scoped3A : memref<!tpu.dma_semaphore, #tpu.memory_space<semaphore_mem>>)
      %dma_wait3A = arith.constant 0 : i32
      %dma_wait3A_282 = tpu.memref_slice %arg4[%arg0, %add3A_105, %dma_wait3A] : memref<2x10240x128xf32, #tpu.memory_space<hbm>> -> memref<1x64x128xf32, #tpu.memory_space<hbm>>
      %dma_wait3A_283 = tpu.memref_squeeze %dma_wait3A_282 : memref<1x64x128xf32, #tpu.memory_space<hbm>> -> memref<64x128xf32, #tpu.memory_space<hbm>>
      %dma_wait3A_284 = arith.constant 0 : i32
      %dma_wait3A_285 = tpu.memref_slice %arg4[%arg0, %add3A_105, %dma_wait3A_284] : memref<2x10240x128xf32, #tpu.memory_space<hbm>> -> memref<1x64x128xf32, #tpu.memory_space<hbm>>
      %dma_wait3A_286 = tpu.memref_squeeze %dma_wait3A_285 : memref<1x64x128xf32, #tpu.memory_space<hbm>> -> memref<64x128xf32, #tpu.memory_space<hbm>>
      tpu.wait_dma2 semaphore(%run_scoped3A : memref<!tpu.dma_semaphore, #tpu.memory_space<semaphore_mem>>) src(%arg8 : memref<64x128xf32, #tpu.memory_space<vmem>>) dst(%dma_wait3A_286 : memref<64x128xf32, #tpu.memory_space<hbm>>)
      tpu.yield
    }) : () -> ()
    %mul3A_106 = arith.constant 320 : i32
    %mul3A_107 = arith.muli %arg1, %mul3A_106 : i32
    %add3A_108 = arith.constant 64 : i32
    %add3A_109 = arith.addi %mul3A_107, %add3A_108 : i32
    "tpu.region"() ({
      %run_scoped3A = tpu.sem_alloc : memref<!tpu.dma_semaphore, #tpu.memory_space<semaphore_mem>>
      %dma_start3A = arith.constant 0 : i32
      %dma_start3A_277 = tpu.memref_slice %arg9[%add3A_109, %dma_start3A] : memref<5128x128xf32, #tpu.memory_space<vmem_shared>> -> memref<64x128xf32, #tpu.memory_space<vmem_shared>>
      %dma_start3A_278 = arith.constant 0 : i32
      %dma_start3A_279 = tpu.memref_slice %arg9[%add3A_109, %dma_start3A_278] : memref<5128x128xf32, #tpu.memory_space<vmem_shared>> -> memref<64x128xf32, #tpu.memory_space<vmem_shared>>
      tpu.enqueue_dma source(%dma_start3A_279 : memref<64x128xf32, #tpu.memory_space<vmem_shared>>) target(%arg8 : memref<64x128xf32, #tpu.memory_space<vmem>>) target_semaphore(%run_scoped3A : memref<!tpu.dma_semaphore, #tpu.memory_space<semaphore_mem>>)
      %dma_wait3A = arith.constant 0 : i32
      %dma_wait3A_280 = tpu.memref_slice %arg9[%add3A_109, %dma_wait3A] : memref<5128x128xf32, #tpu.memory_space<vmem_shared>> -> memref<64x128xf32, #tpu.memory_space<vmem_shared>>
      %dma_wait3A_281 = arith.constant 0 : i32
      %dma_wait3A_282 = tpu.memref_slice %arg9[%add3A_109, %dma_wait3A_281] : memref<5128x128xf32, #tpu.memory_space<vmem_shared>> -> memref<64x128xf32, #tpu.memory_space<vmem_shared>>
      tpu.wait_dma2 semaphore(%run_scoped3A : memref<!tpu.dma_semaphore, #tpu.memory_space<semaphore_mem>>) src(%dma_wait3A_282 : memref<64x128xf32, #tpu.memory_space<vmem_shared>>) dst(%arg8 : memref<64x128xf32, #tpu.memory_space<vmem>>)
      tpu.yield
    }) : () -> ()
    %add3A_110 = arith.constant 5120 : i32
    %add3A_111 = arith.addi %add3A_110, %add3A_109 : i32
    "tpu.region"() ({
      %run_scoped3A = tpu.sem_alloc : memref<!tpu.dma_semaphore, #tpu.memory_space<semaphore_mem>>
      %dma_start3A = arith.constant 0 : i32
      %dma_start3A_277 = tpu.memref_slice %arg4[%arg0, %add3A_111, %dma_start3A] : memref<2x10240x128xf32, #tpu.memory_space<hbm>> -> memref<1x64x128xf32, #tpu.memory_space<hbm>>
      %dma_start3A_278 = tpu.memref_squeeze %dma_start3A_277 : memref<1x64x128xf32, #tpu.memory_space<hbm>> -> memref<64x128xf32, #tpu.memory_space<hbm>>
      %dma_start3A_279 = arith.constant 0 : i32
      %dma_start3A_280 = tpu.memref_slice %arg4[%arg0, %add3A_111, %dma_start3A_279] : memref<2x10240x128xf32, #tpu.memory_space<hbm>> -> memref<1x64x128xf32, #tpu.memory_space<hbm>>
      %dma_start3A_281 = tpu.memref_squeeze %dma_start3A_280 : memref<1x64x128xf32, #tpu.memory_space<hbm>> -> memref<64x128xf32, #tpu.memory_space<hbm>>
      tpu.enqueue_dma source(%arg8 : memref<64x128xf32, #tpu.memory_space<vmem>>) target(%dma_start3A_281 : memref<64x128xf32, #tpu.memory_space<hbm>>) target_semaphore(%run_scoped3A : memref<!tpu.dma_semaphore, #tpu.memory_space<semaphore_mem>>)
      %dma_wait3A = arith.constant 0 : i32
      %dma_wait3A_282 = tpu.memref_slice %arg4[%arg0, %add3A_111, %dma_wait3A] : memref<2x10240x128xf32, #tpu.memory_space<hbm>> -> memref<1x64x128xf32, #tpu.memory_space<hbm>>
      %dma_wait3A_283 = tpu.memref_squeeze %dma_wait3A_282 : memref<1x64x128xf32, #tpu.memory_space<hbm>> -> memref<64x128xf32, #tpu.memory_space<hbm>>
      %dma_wait3A_284 = arith.constant 0 : i32
      %dma_wait3A_285 = tpu.memref_slice %arg4[%arg0, %add3A_111, %dma_wait3A_284] : memref<2x10240x128xf32, #tpu.memory_space<hbm>> -> memref<1x64x128xf32, #tpu.memory_space<hbm>>
      %dma_wait3A_286 = tpu.memref_squeeze %dma_wait3A_285 : memref<1x64x128xf32, #tpu.memory_space<hbm>> -> memref<64x128xf32, #tpu.memory_space<hbm>>
      tpu.wait_dma2 semaphore(%run_scoped3A : memref<!tpu.dma_semaphore, #tpu.memory_space<semaphore_mem>>) src(%arg8 : memref<64x128xf32, #tpu.memory_space<vmem>>) dst(%dma_wait3A_286 : memref<64x128xf32, #tpu.memory_space<hbm>>)
      tpu.yield
    }) : () -> ()
    %mul3A_112 = arith.constant 320 : i32
    %mul3A_113 = arith.muli %arg1, %mul3A_112 : i32
    %add3A_114 = arith.constant 128 : i32
    %add3A_115 = arith.addi %mul3A_113, %add3A_114 : i32
    "tpu.region"() ({
      %run_scoped3A = tpu.sem_alloc : memref<!tpu.dma_semaphore, #tpu.memory_space<semaphore_mem>>
      %dma_start3A = arith.constant 0 : i32
      %dma_start3A_277 = tpu.memref_slice %arg9[%add3A_115, %dma_start3A] : memref<5128x128xf32, #tpu.memory_space<vmem_shared>> -> memref<64x128xf32, #tpu.memory_space<vmem_shared>>
      %dma_start3A_278 = arith.constant 0 : i32
      %dma_start3A_279 = tpu.memref_slice %arg9[%add3A_115, %dma_start3A_278] : memref<5128x128xf32, #tpu.memory_space<vmem_shared>> -> memref<64x128xf32, #tpu.memory_space<vmem_shared>>
      tpu.enqueue_dma source(%dma_start3A_279 : memref<64x128xf32, #tpu.memory_space<vmem_shared>>) target(%arg8 : memref<64x128xf32, #tpu.memory_space<vmem>>) target_semaphore(%run_scoped3A : memref<!tpu.dma_semaphore, #tpu.memory_space<semaphore_mem>>)
      %dma_wait3A = arith.constant 0 : i32
      %dma_wait3A_280 = tpu.memref_slice %arg9[%add3A_115, %dma_wait3A] : memref<5128x128xf32, #tpu.memory_space<vmem_shared>> -> memref<64x128xf32, #tpu.memory_space<vmem_shared>>
      %dma_wait3A_281 = arith.constant 0 : i32
      %dma_wait3A_282 = tpu.memref_slice %arg9[%add3A_115, %dma_wait3A_281] : memref<5128x128xf32, #tpu.memory_space<vmem_shared>> -> memref<64x128xf32, #tpu.memory_space<vmem_shared>>
      tpu.wait_dma2 semaphore(%run_scoped3A : memref<!tpu.dma_semaphore, #tpu.memory_space<semaphore_mem>>) src(%dma_wait3A_282 : memref<64x128xf32, #tpu.memory_space<vmem_shared>>) dst(%arg8 : memref<64x128xf32, #tpu.memory_space<vmem>>)
      tpu.yield
    }) : () -> ()
    %add3A_116 = arith.constant 5120 : i32
    %add3A_117 = arith.addi %add3A_116, %add3A_115 : i32
    "tpu.region"() ({
      %run_scoped3A = tpu.sem_alloc : memref<!tpu.dma_semaphore, #tpu.memory_space<semaphore_mem>>
      %dma_start3A = arith.constant 0 : i32
      %dma_start3A_277 = tpu.memref_slice %arg4[%arg0, %add3A_117, %dma_start3A] : memref<2x10240x128xf32, #tpu.memory_space<hbm>> -> memref<1x64x128xf32, #tpu.memory_space<hbm>>
      %dma_start3A_278 = tpu.memref_squeeze %dma_start3A_277 : memref<1x64x128xf32, #tpu.memory_space<hbm>> -> memref<64x128xf32, #tpu.memory_space<hbm>>
      %dma_start3A_279 = arith.constant 0 : i32
      %dma_start3A_280 = tpu.memref_slice %arg4[%arg0, %add3A_117, %dma_start3A_279] : memref<2x10240x128xf32, #tpu.memory_space<hbm>> -> memref<1x64x128xf32, #tpu.memory_space<hbm>>
      %dma_start3A_281 = tpu.memref_squeeze %dma_start3A_280 : memref<1x64x128xf32, #tpu.memory_space<hbm>> -> memref<64x128xf32, #tpu.memory_space<hbm>>
      tpu.enqueue_dma source(%arg8 : memref<64x128xf32, #tpu.memory_space<vmem>>) target(%dma_start3A_281 : memref<64x128xf32, #tpu.memory_space<hbm>>) target_semaphore(%run_scoped3A : memref<!tpu.dma_semaphore, #tpu.memory_space<semaphore_mem>>)
      %dma_wait3A = arith.constant 0 : i32
      %dma_wait3A_282 = tpu.memref_slice %arg4[%arg0, %add3A_117, %dma_wait3A] : memref<2x10240x128xf32, #tpu.memory_space<hbm>> -> memref<1x64x128xf32, #tpu.memory_space<hbm>>
      %dma_wait3A_283 = tpu.memref_squeeze %dma_wait3A_282 : memref<1x64x128xf32, #tpu.memory_space<hbm>> -> memref<64x128xf32, #tpu.memory_space<hbm>>
      %dma_wait3A_284 = arith.constant 0 : i32
      %dma_wait3A_285 = tpu.memref_slice %arg4[%arg0, %add3A_117, %dma_wait3A_284] : memref<2x10240x128xf32, #tpu.memory_space<hbm>> -> memref<1x64x128xf32, #tpu.memory_space<hbm>>
      %dma_wait3A_286 = tpu.memref_squeeze %dma_wait3A_285 : memref<1x64x128xf32, #tpu.memory_space<hbm>> -> memref<64x128xf32, #tpu.memory_space<hbm>>
      tpu.wait_dma2 semaphore(%run_scoped3A : memref<!tpu.dma_semaphore, #tpu.memory_space<semaphore_mem>>) src(%arg8 : memref<64x128xf32, #tpu.memory_space<vmem>>) dst(%dma_wait3A_286 : memref<64x128xf32, #tpu.memory_space<hbm>>)
      tpu.yield
    }) : () -> ()
    %mul3A_118 = arith.constant 320 : i32
    %mul3A_119 = arith.muli %arg1, %mul3A_118 : i32
    %add3A_120 = arith.constant 192 : i32
    %add3A_121 = arith.addi %mul3A_119, %add3A_120 : i32
    "tpu.region"() ({
      %run_scoped3A = tpu.sem_alloc : memref<!tpu.dma_semaphore, #tpu.memory_space<semaphore_mem>>
      %dma_start3A = arith.constant 0 : i32
      %dma_start3A_277 = tpu.memref_slice %arg9[%add3A_121, %dma_start3A] : memref<5128x128xf32, #tpu.memory_space<vmem_shared>> -> memref<64x128xf32, #tpu.memory_space<vmem_shared>>
      %dma_start3A_278 = arith.constant 0 : i32
      %dma_start3A_279 = tpu.memref_slice %arg9[%add3A_121, %dma_start3A_278] : memref<5128x128xf32, #tpu.memory_space<vmem_shared>> -> memref<64x128xf32, #tpu.memory_space<vmem_shared>>
      tpu.enqueue_dma source(%dma_start3A_279 : memref<64x128xf32, #tpu.memory_space<vmem_shared>>) target(%arg8 : memref<64x128xf32, #tpu.memory_space<vmem>>) target_semaphore(%run_scoped3A : memref<!tpu.dma_semaphore, #tpu.memory_space<semaphore_mem>>)
      %dma_wait3A = arith.constant 0 : i32
      %dma_wait3A_280 = tpu.memref_slice %arg9[%add3A_121, %dma_wait3A] : memref<5128x128xf32, #tpu.memory_space<vmem_shared>> -> memref<64x128xf32, #tpu.memory_space<vmem_shared>>
      %dma_wait3A_281 = arith.constant 0 : i32
      %dma_wait3A_282 = tpu.memref_slice %arg9[%add3A_121, %dma_wait3A_281] : memref<5128x128xf32, #tpu.memory_space<vmem_shared>> -> memref<64x128xf32, #tpu.memory_space<vmem_shared>>
      tpu.wait_dma2 semaphore(%run_scoped3A : memref<!tpu.dma_semaphore, #tpu.memory_space<semaphore_mem>>) src(%dma_wait3A_282 : memref<64x128xf32, #tpu.memory_space<vmem_shared>>) dst(%arg8 : memref<64x128xf32, #tpu.memory_space<vmem>>)
      tpu.yield
    }) : () -> ()
    %add3A_122 = arith.constant 5120 : i32
    %add3A_123 = arith.addi %add3A_122, %add3A_121 : i32
    "tpu.region"() ({
      %run_scoped3A = tpu.sem_alloc : memref<!tpu.dma_semaphore, #tpu.memory_space<semaphore_mem>>
      %dma_start3A = arith.constant 0 : i32
      %dma_start3A_277 = tpu.memref_slice %arg4[%arg0, %add3A_123, %dma_start3A] : memref<2x10240x128xf32, #tpu.memory_space<hbm>> -> memref<1x64x128xf32, #tpu.memory_space<hbm>>
      %dma_start3A_278 = tpu.memref_squeeze %dma_start3A_277 : memref<1x64x128xf32, #tpu.memory_space<hbm>> -> memref<64x128xf32, #tpu.memory_space<hbm>>
      %dma_start3A_279 = arith.constant 0 : i32
      %dma_start3A_280 = tpu.memref_slice %arg4[%arg0, %add3A_123, %dma_start3A_279] : memref<2x10240x128xf32, #tpu.memory_space<hbm>> -> memref<1x64x128xf32, #tpu.memory_space<hbm>>
      %dma_start3A_281 = tpu.memref_squeeze %dma_start3A_280 : memref<1x64x128xf32, #tpu.memory_space<hbm>> -> memref<64x128xf32, #tpu.memory_space<hbm>>
      tpu.enqueue_dma source(%arg8 : memref<64x128xf32, #tpu.memory_space<vmem>>) target(%dma_start3A_281 : memref<64x128xf32, #tpu.memory_space<hbm>>) target_semaphore(%run_scoped3A : memref<!tpu.dma_semaphore, #tpu.memory_space<semaphore_mem>>)
      %dma_wait3A = arith.constant 0 : i32
      %dma_wait3A_282 = tpu.memref_slice %arg4[%arg0, %add3A_123, %dma_wait3A] : memref<2x10240x128xf32, #tpu.memory_space<hbm>> -> memref<1x64x128xf32, #tpu.memory_space<hbm>>
      %dma_wait3A_283 = tpu.memref_squeeze %dma_wait3A_282 : memref<1x64x128xf32, #tpu.memory_space<hbm>> -> memref<64x128xf32, #tpu.memory_space<hbm>>
      %dma_wait3A_284 = arith.constant 0 : i32
      %dma_wait3A_285 = tpu.memref_slice %arg4[%arg0, %add3A_123, %dma_wait3A_284] : memref<2x10240x128xf32, #tpu.memory_space<hbm>> -> memref<1x64x128xf32, #tpu.memory_space<hbm>>
      %dma_wait3A_286 = tpu.memref_squeeze %dma_wait3A_285 : memref<1x64x128xf32, #tpu.memory_space<hbm>> -> memref<64x128xf32, #tpu.memory_space<hbm>>
      tpu.wait_dma2 semaphore(%run_scoped3A : memref<!tpu.dma_semaphore, #tpu.memory_space<semaphore_mem>>) src(%arg8 : memref<64x128xf32, #tpu.memory_space<vmem>>) dst(%dma_wait3A_286 : memref<64x128xf32, #tpu.memory_space<hbm>>)
      tpu.yield
    }) : () -> ()
    %mul3A_124 = arith.constant 320 : i32
    %mul3A_125 = arith.muli %arg1, %mul3A_124 : i32
    %add3A_126 = arith.constant 256 : i32
    %add3A_127 = arith.addi %mul3A_125, %add3A_126 : i32
    "tpu.region"() ({
      %run_scoped3A = tpu.sem_alloc : memref<!tpu.dma_semaphore, #tpu.memory_space<semaphore_mem>>
      %dma_start3A = arith.constant 0 : i32
      %dma_start3A_277 = tpu.memref_slice %arg9[%add3A_127, %dma_start3A] : memref<5128x128xf32, #tpu.memory_space<vmem_shared>> -> memref<64x128xf32, #tpu.memory_space<vmem_shared>>
      %dma_start3A_278 = arith.constant 0 : i32
      %dma_start3A_279 = tpu.memref_slice %arg9[%add3A_127, %dma_start3A_278] : memref<5128x128xf32, #tpu.memory_space<vmem_shared>> -> memref<64x128xf32, #tpu.memory_space<vmem_shared>>
      tpu.enqueue_dma source(%dma_start3A_279 : memref<64x128xf32, #tpu.memory_space<vmem_shared>>) target(%arg8 : memref<64x128xf32, #tpu.memory_space<vmem>>) target_semaphore(%run_scoped3A : memref<!tpu.dma_semaphore, #tpu.memory_space<semaphore_mem>>)
      %dma_wait3A = arith.constant 0 : i32
      %dma_wait3A_280 = tpu.memref_slice %arg9[%add3A_127, %dma_wait3A] : memref<5128x128xf32, #tpu.memory_space<vmem_shared>> -> memref<64x128xf32, #tpu.memory_space<vmem_shared>>
      %dma_wait3A_281 = arith.constant 0 : i32
      %dma_wait3A_282 = tpu.memref_slice %arg9[%add3A_127, %dma_wait3A_281] : memref<5128x128xf32, #tpu.memory_space<vmem_shared>> -> memref<64x128xf32, #tpu.memory_space<vmem_shared>>
      tpu.wait_dma2 semaphore(%run_scoped3A : memref<!tpu.dma_semaphore, #tpu.memory_space<semaphore_mem>>) src(%dma_wait3A_282 : memref<64x128xf32, #tpu.memory_space<vmem_shared>>) dst(%arg8 : memref<64x128xf32, #tpu.memory_space<vmem>>)
      tpu.yield
    }) : () -> ()
    %add3A_128 = arith.constant 5120 : i32
    %add3A_129 = arith.addi %add3A_128, %add3A_127 : i32
    "tpu.region"() ({
      %run_scoped3A = tpu.sem_alloc : memref<!tpu.dma_semaphore, #tpu.memory_space<semaphore_mem>>
      %dma_start3A = arith.constant 0 : i32
      %dma_start3A_277 = tpu.memref_slice %arg4[%arg0, %add3A_129, %dma_start3A] : memref<2x10240x128xf32, #tpu.memory_space<hbm>> -> memref<1x64x128xf32, #tpu.memory_space<hbm>>
      %dma_start3A_278 = tpu.memref_squeeze %dma_start3A_277 : memref<1x64x128xf32, #tpu.memory_space<hbm>> -> memref<64x128xf32, #tpu.memory_space<hbm>>
      %dma_start3A_279 = arith.constant 0 : i32
      %dma_start3A_280 = tpu.memref_slice %arg4[%arg0, %add3A_129, %dma_start3A_279] : memref<2x10240x128xf32, #tpu.memory_space<hbm>> -> memref<1x64x128xf32, #tpu.memory_space<hbm>>
      %dma_start3A_281 = tpu.memref_squeeze %dma_start3A_280 : memref<1x64x128xf32, #tpu.memory_space<hbm>> -> memref<64x128xf32, #tpu.memory_space<hbm>>
      tpu.enqueue_dma source(%arg8 : memref<64x128xf32, #tpu.memory_space<vmem>>) target(%dma_start3A_281 : memref<64x128xf32, #tpu.memory_space<hbm>>) target_semaphore(%run_scoped3A : memref<!tpu.dma_semaphore, #tpu.memory_space<semaphore_mem>>)
      %dma_wait3A = arith.constant 0 : i32
      %dma_wait3A_282 = tpu.memref_slice %arg4[%arg0, %add3A_129, %dma_wait3A] : memref<2x10240x128xf32, #tpu.memory_space<hbm>> -> memref<1x64x128xf32, #tpu.memory_space<hbm>>
      %dma_wait3A_283 = tpu.memref_squeeze %dma_wait3A_282 : memref<1x64x128xf32, #tpu.memory_space<hbm>> -> memref<64x128xf32, #tpu.memory_space<hbm>>
      %dma_wait3A_284 = arith.constant 0 : i32
      %dma_wait3A_285 = tpu.memref_slice %arg4[%arg0, %add3A_129, %dma_wait3A_284] : memref<2x10240x128xf32, #tpu.memory_space<hbm>> -> memref<1x64x128xf32, #tpu.memory_space<hbm>>
      %dma_wait3A_286 = tpu.memref_squeeze %dma_wait3A_285 : memref<1x64x128xf32, #tpu.memory_space<hbm>> -> memref<64x128xf32, #tpu.memory_space<hbm>>
      tpu.wait_dma2 semaphore(%run_scoped3A : memref<!tpu.dma_semaphore, #tpu.memory_space<semaphore_mem>>) src(%arg8 : memref<64x128xf32, #tpu.memory_space<vmem>>) dst(%dma_wait3A_286 : memref<64x128xf32, #tpu.memory_space<hbm>>)
      tpu.yield
    }) : () -> ()
    %scan3A_130 = arith.constant 0 : i32
    %scan3A_131 = arith.constant 64 : i32
    %scan3A_132 = arith.addi %scan3A_130, %scan3A_131 : i32
    %scan3A_133 = arith.constant 1 : i32
    scf.for %scan3A_277 = %scan3A_130 to %scan3A_132 step %scan3A_133  : i32 {
      %mul3A_278 = arith.constant 1 : i32
      %mul3A_279 = arith.muli %scan3A_277, %mul3A_278 : i32
      %add3A_280 = arith.constant 0 : i32
      %add3A_281 = arith.addi %add3A_280, %mul3A_279 : i32
      %broadcast_in_dim3A = arith.constant 0.000000e+00 : f32
      %broadcast_in_dim3A_282 = vector.broadcast %broadcast_in_dim3A : f32 to vector<16xf32>
      %swap3A = arith.index_cast %add3A_281 : i32 to index
      %swap3A_283 = arith.constant 0 : index
      %swap3A_284 = tpu.vector_load %arg8[%swap3A, %swap3A_283] {strides = array<i32>} : memref<64x128xf32, #tpu.memory_space<vmem>>, vector<1x16xf32>,
      %swap3A_285 = vector.shape_cast %swap3A_284 : vector<1x16xf32> to vector<16xf32>
      %swap3A_286 = vector.shape_cast %broadcast_in_dim3A_282 : vector<16xf32> to vector<1x16xf32>
      tpu.vector_store %arg8[%swap3A, %swap3A_283], %swap3A_286 {strides = array<i32>} : memref<64x128xf32, #tpu.memory_space<vmem>>, vector<1x16xf32>,
      %broadcast_in_dim3A_287 = arith.constant 0.000000e+00 : f32
      %broadcast_in_dim3A_288 = vector.broadcast %broadcast_in_dim3A_287 : f32 to vector<16xf32>
      %swap3A_289 = arith.index_cast %add3A_281 : i32 to index
      %swap3A_290 = arith.constant 16 : index
      %swap3A_291 = tpu.vector_load %arg8[%swap3A_289, %swap3A_290] {strides = array<i32>} : memref<64x128xf32, #tpu.memory_space<vmem>>, vector<1x16xf32>,
      %swap3A_292 = vector.shape_cast %swap3A_291 : vector<1x16xf32> to vector<16xf32>
      %swap3A_293 = vector.shape_cast %broadcast_in_dim3A_288 : vector<16xf32> to vector<1x16xf32>
      tpu.vector_store %arg8[%swap3A_289, %swap3A_290], %swap3A_293 {strides = array<i32>} : memref<64x128xf32, #tpu.memory_space<vmem>>, vector<1x16xf32>,
      %broadcast_in_dim3A_294 = arith.constant 0.000000e+00 : f32
      %broadcast_in_dim3A_295 = vector.broadcast %broadcast_in_dim3A_294 : f32 to vector<16xf32>
      %swap3A_296 = arith.index_cast %add3A_281 : i32 to index
      %swap3A_297 = arith.constant 32 : index
      %swap3A_298 = tpu.vector_load %arg8[%swap3A_296, %swap3A_297] {strides = array<i32>} : memref<64x128xf32, #tpu.memory_space<vmem>>, vector<1x16xf32>,
      %swap3A_299 = vector.shape_cast %swap3A_298 : vector<1x16xf32> to vector<16xf32>
      %swap3A_300 = vector.shape_cast %broadcast_in_dim3A_295 : vector<16xf32> to vector<1x16xf32>
      tpu.vector_store %arg8[%swap3A_296, %swap3A_297], %swap3A_300 {strides = array<i32>} : memref<64x128xf32, #tpu.memory_space<vmem>>, vector<1x16xf32>,
      %broadcast_in_dim3A_301 = arith.constant 0.000000e+00 : f32
      %broadcast_in_dim3A_302 = vector.broadcast %broadcast_in_dim3A_301 : f32 to vector<16xf32>
      %swap3A_303 = arith.index_cast %add3A_281 : i32 to index
      %swap3A_304 = arith.constant 48 : index
      %swap3A_305 = tpu.vector_load %arg8[%swap3A_303, %swap3A_304] {strides = array<i32>} : memref<64x128xf32, #tpu.memory_space<vmem>>, vector<1x16xf32>,
      %swap3A_306 = vector.shape_cast %swap3A_305 : vector<1x16xf32> to vector<16xf32>
      %swap3A_307 = vector.shape_cast %broadcast_in_dim3A_302 : vector<16xf32> to vector<1x16xf32>
      tpu.vector_store %arg8[%swap3A_303, %swap3A_304], %swap3A_307 {strides = array<i32>} : memref<64x128xf32, #tpu.memory_space<vmem>>, vector<1x16xf32>,
      %broadcast_in_dim3A_308 = arith.constant 0.000000e+00 : f32
      %broadcast_in_dim3A_309 = vector.broadcast %broadcast_in_dim3A_308 : f32 to vector<16xf32>
      %swap3A_310 = arith.index_cast %add3A_281 : i32 to index
      %swap3A_311 = arith.constant 64 : index
      %swap3A_312 = tpu.vector_load %arg8[%swap3A_310, %swap3A_311] {strides = array<i32>} : memref<64x128xf32, #tpu.memory_space<vmem>>, vector<1x16xf32>,
      %swap3A_313 = vector.shape_cast %swap3A_312 : vector<1x16xf32> to vector<16xf32>
      %swap3A_314 = vector.shape_cast %broadcast_in_dim3A_309 : vector<16xf32> to vector<1x16xf32>
      tpu.vector_store %arg8[%swap3A_310, %swap3A_311], %swap3A_314 {strides = array<i32>} : memref<64x128xf32, #tpu.memory_space<vmem>>, vector<1x16xf32>,
      %broadcast_in_dim3A_315 = arith.constant 0.000000e+00 : f32
      %broadcast_in_dim3A_316 = vector.broadcast %broadcast_in_dim3A_315 : f32 to vector<16xf32>
      %swap3A_317 = arith.index_cast %add3A_281 : i32 to index
      %swap3A_318 = arith.constant 80 : index
      %swap3A_319 = tpu.vector_load %arg8[%swap3A_317, %swap3A_318] {strides = array<i32>} : memref<64x128xf32, #tpu.memory_space<vmem>>, vector<1x16xf32>,
      %swap3A_320 = vector.shape_cast %swap3A_319 : vector<1x16xf32> to vector<16xf32>
      %swap3A_321 = vector.shape_cast %broadcast_in_dim3A_316 : vector<16xf32> to vector<1x16xf32>
      tpu.vector_store %arg8[%swap3A_317, %swap3A_318], %swap3A_321 {strides = array<i32>} : memref<64x128xf32, #tpu.memory_space<vmem>>, vector<1x16xf32>,
      %broadcast_in_dim3A_322 = arith.constant 0.000000e+00 : f32
      %broadcast_in_dim3A_323 = vector.broadcast %broadcast_in_dim3A_322 : f32 to vector<16xf32>
      %swap3A_324 = arith.index_cast %add3A_281 : i32 to index
      %swap3A_325 = arith.constant 96 : index
      %swap3A_326 = tpu.vector_load %arg8[%swap3A_324, %swap3A_325] {strides = array<i32>} : memref<64x128xf32, #tpu.memory_space<vmem>>, vector<1x16xf32>,
      %swap3A_327 = vector.shape_cast %swap3A_326 : vector<1x16xf32> to vector<16xf32>
      %swap3A_328 = vector.shape_cast %broadcast_in_dim3A_323 : vector<16xf32> to vector<1x16xf32>
      tpu.vector_store %arg8[%swap3A_324, %swap3A_325], %swap3A_328 {strides = array<i32>} : memref<64x128xf32, #tpu.memory_space<vmem>>, vector<1x16xf32>,
      %broadcast_in_dim3A_329 = arith.constant 0.000000e+00 : f32
      %broadcast_in_dim3A_330 = vector.broadcast %broadcast_in_dim3A_329 : f32 to vector<16xf32>
      %swap3A_331 = arith.index_cast %add3A_281 : i32 to index
      %swap3A_332 = arith.constant 112 : index
      %swap3A_333 = tpu.vector_load %arg8[%swap3A_331, %swap3A_332] {strides = array<i32>} : memref<64x128xf32, #tpu.memory_space<vmem>>, vector<1x16xf32>,
      %swap3A_334 = vector.shape_cast %swap3A_333 : vector<1x16xf32> to vector<16xf32>
      %swap3A_335 = vector.shape_cast %broadcast_in_dim3A_330 : vector<16xf32> to vector<1x16xf32>
      tpu.vector_store %arg8[%swap3A_331, %swap3A_332], %swap3A_335 {strides = array<i32>} : memref<64x128xf32, #tpu.memory_space<vmem>>, vector<1x16xf32>,
    }
    %scan3A_134 = arith.constant 64 : i32
    %barrier3A_135 = arith.constant 0 : index
    tpu.barrier barrier_id(%barrier3A_135)
    %scan3A_136 = arith.constant 0 : i32
    %scan3A_137 = arith.constant 80 : i32
    %scan3A_138 = arith.addi %scan3A_136, %scan3A_137 : i32
    %scan3A_139 = arith.constant 1 : i32
    scf.for %scan3A_277 = %scan3A_136 to %scan3A_138 step %scan3A_139  : i32 {
      %mul3A_278 = arith.constant 1 : i32
      %mul3A_279 = arith.muli %scan3A_277, %mul3A_278 : i32
      %add3A_280 = arith.constant 0 : i32
      %add3A_281 = arith.addi %add3A_280, %mul3A_279 : i32
      %broadcast_in_dim3A = arith.constant 1.000000e+00 : f32
      %broadcast_in_dim3A_282 = vector.broadcast %broadcast_in_dim3A : f32 to vector<16xf32>
      %swap3A = arith.constant 0 : i32
      %swap3A_283 = arith.index_cast %swap3A : i32 to index
      %swap3A_284 = arith.index_cast %add3A_281 : i32 to index
      %swap3A_285 = arith.constant 0 : index
      %swap3A_286 = tpu.vector_load %arg7[%swap3A_283, %swap3A_284, %swap3A_285] {strides = array<i32>} : memref<2x80x128xf32, #tpu.memory_space<vmem>>, vector<1x1x16xf32>,
      %swap3A_287 = vector.shape_cast %swap3A_286 : vector<1x1x16xf32> to vector<16xf32>
      %swap3A_288 = vector.shape_cast %broadcast_in_dim3A_282 : vector<16xf32> to vector<1x1x16xf32>
      tpu.vector_store %arg7[%swap3A_283, %swap3A_284, %swap3A_285], %swap3A_288 {strides = array<i32>} : memref<2x80x128xf32, #tpu.memory_space<vmem>>, vector<1x1x16xf32>,
      %broadcast_in_dim3A_289 = arith.constant 1.000000e+00 : f32
      %broadcast_in_dim3A_290 = vector.broadcast %broadcast_in_dim3A_289 : f32 to vector<16xf32>
      %swap3A_291 = arith.constant 0 : i32
      %swap3A_292 = arith.index_cast %swap3A_291 : i32 to index
      %swap3A_293 = arith.index_cast %add3A_281 : i32 to index
      %swap3A_294 = arith.constant 16 : index
      %swap3A_295 = tpu.vector_load %arg7[%swap3A_292, %swap3A_293, %swap3A_294] {strides = array<i32>} : memref<2x80x128xf32, #tpu.memory_space<vmem>>, vector<1x1x16xf32>,
      %swap3A_296 = vector.shape_cast %swap3A_295 : vector<1x1x16xf32> to vector<16xf32>
      %swap3A_297 = vector.shape_cast %broadcast_in_dim3A_290 : vector<16xf32> to vector<1x1x16xf32>
      tpu.vector_store %arg7[%swap3A_292, %swap3A_293, %swap3A_294], %swap3A_297 {strides = array<i32>} : memref<2x80x128xf32, #tpu.memory_space<vmem>>, vector<1x1x16xf32>,
      %broadcast_in_dim3A_298 = arith.constant 1.000000e+00 : f32
      %broadcast_in_dim3A_299 = vector.broadcast %broadcast_in_dim3A_298 : f32 to vector<16xf32>
      %swap3A_300 = arith.constant 0 : i32
      %swap3A_301 = arith.index_cast %swap3A_300 : i32 to index
      %swap3A_302 = arith.index_cast %add3A_281 : i32 to index
      %swap3A_303 = arith.constant 32 : index
      %swap3A_304 = tpu.vector_load %arg7[%swap3A_301, %swap3A_302, %swap3A_303] {strides = array<i32>} : memref<2x80x128xf32, #tpu.memory_space<vmem>>, vector<1x1x16xf32>,
      %swap3A_305 = vector.shape_cast %swap3A_304 : vector<1x1x16xf32> to vector<16xf32>
      %swap3A_306 = vector.shape_cast %broadcast_in_dim3A_299 : vector<16xf32> to vector<1x1x16xf32>
      tpu.vector_store %arg7[%swap3A_301, %swap3A_302, %swap3A_303], %swap3A_306 {strides = array<i32>} : memref<2x80x128xf32, #tpu.memory_space<vmem>>, vector<1x1x16xf32>,
      %broadcast_in_dim3A_307 = arith.constant 1.000000e+00 : f32
      %broadcast_in_dim3A_308 = vector.broadcast %broadcast_in_dim3A_307 : f32 to vector<16xf32>
      %swap3A_309 = arith.constant 0 : i32
      %swap3A_310 = arith.index_cast %swap3A_309 : i32 to index
      %swap3A_311 = arith.index_cast %add3A_281 : i32 to index
      %swap3A_312 = arith.constant 48 : index
      %swap3A_313 = tpu.vector_load %arg7[%swap3A_310, %swap3A_311, %swap3A_312] {strides = array<i32>} : memref<2x80x128xf32, #tpu.memory_space<vmem>>, vector<1x1x16xf32>,
      %swap3A_314 = vector.shape_cast %swap3A_313 : vector<1x1x16xf32> to vector<16xf32>
      %swap3A_315 = vector.shape_cast %broadcast_in_dim3A_308 : vector<16xf32> to vector<1x1x16xf32>
      tpu.vector_store %arg7[%swap3A_310, %swap3A_311, %swap3A_312], %swap3A_315 {strides = array<i32>} : memref<2x80x128xf32, #tpu.memory_space<vmem>>, vector<1x1x16xf32>,
      %broadcast_in_dim3A_316 = arith.constant 1.000000e+00 : f32
      %broadcast_in_dim3A_317 = vector.broadcast %broadcast_in_dim3A_316 : f32 to vector<16xf32>
      %swap3A_318 = arith.constant 0 : i32
      %swap3A_319 = arith.index_cast %swap3A_318 : i32 to index
      %swap3A_320 = arith.index_cast %add3A_281 : i32 to index
      %swap3A_321 = arith.constant 64 : index
      %swap3A_322 = tpu.vector_load %arg7[%swap3A_319, %swap3A_320, %swap3A_321] {strides = array<i32>} : memref<2x80x128xf32, #tpu.memory_space<vmem>>, vector<1x1x16xf32>,
      %swap3A_323 = vector.shape_cast %swap3A_322 : vector<1x1x16xf32> to vector<16xf32>
      %swap3A_324 = vector.shape_cast %broadcast_in_dim3A_317 : vector<16xf32> to vector<1x1x16xf32>
      tpu.vector_store %arg7[%swap3A_319, %swap3A_320, %swap3A_321], %swap3A_324 {strides = array<i32>} : memref<2x80x128xf32, #tpu.memory_space<vmem>>, vector<1x1x16xf32>,
      %broadcast_in_dim3A_325 = arith.constant 1.000000e+00 : f32
      %broadcast_in_dim3A_326 = vector.broadcast %broadcast_in_dim3A_325 : f32 to vector<16xf32>
      %swap3A_327 = arith.constant 0 : i32
      %swap3A_328 = arith.index_cast %swap3A_327 : i32 to index
      %swap3A_329 = arith.index_cast %add3A_281 : i32 to index
      %swap3A_330 = arith.constant 80 : index
      %swap3A_331 = tpu.vector_load %arg7[%swap3A_328, %swap3A_329, %swap3A_330] {strides = array<i32>} : memref<2x80x128xf32, #tpu.memory_space<vmem>>, vector<1x1x16xf32>,
      %swap3A_332 = vector.shape_cast %swap3A_331 : vector<1x1x16xf32> to vector<16xf32>
      %swap3A_333 = vector.shape_cast %broadcast_in_dim3A_326 : vector<16xf32> to vector<1x1x16xf32>
      tpu.vector_store %arg7[%swap3A_328, %swap3A_329, %swap3A_330], %swap3A_333 {strides = array<i32>} : memref<2x80x128xf32, #tpu.memory_space<vmem>>, vector<1x1x16xf32>,
      %broadcast_in_dim3A_334 = arith.constant 1.000000e+00 : f32
      %broadcast_in_dim3A_335 = vector.broadcast %broadcast_in_dim3A_334 : f32 to vector<16xf32>
      %swap3A_336 = arith.constant 0 : i32
      %swap3A_337 = arith.index_cast %swap3A_336 : i32 to index
      %swap3A_338 = arith.index_cast %add3A_281 : i32 to index
      %swap3A_339 = arith.constant 96 : index
      %swap3A_340 = tpu.vector_load %arg7[%swap3A_337, %swap3A_338, %swap3A_339] {strides = array<i32>} : memref<2x80x128xf32, #tpu.memory_space<vmem>>, vector<1x1x16xf32>,
      %swap3A_341 = vector.shape_cast %swap3A_340 : vector<1x1x16xf32> to vector<16xf32>
      %swap3A_342 = vector.shape_cast %broadcast_in_dim3A_335 : vector<16xf32> to vector<1x1x16xf32>
      tpu.vector_store %arg7[%swap3A_337, %swap3A_338, %swap3A_339], %swap3A_342 {strides = array<i32>} : memref<2x80x128xf32, #tpu.memory_space<vmem>>, vector<1x1x16xf32>,
      %broadcast_in_dim3A_343 = arith.constant 1.000000e+00 : f32
      %broadcast_in_dim3A_344 = vector.broadcast %broadcast_in_dim3A_343 : f32 to vector<16xf32>
      %swap3A_345 = arith.constant 0 : i32
      %swap3A_346 = arith.index_cast %swap3A_345 : i32 to index
      %swap3A_347 = arith.index_cast %add3A_281 : i32 to index
      %swap3A_348 = arith.constant 112 : index
      %swap3A_349 = tpu.vector_load %arg7[%swap3A_346, %swap3A_347, %swap3A_348] {strides = array<i32>} : memref<2x80x128xf32, #tpu.memory_space<vmem>>, vector<1x1x16xf32>,
      %swap3A_350 = vector.shape_cast %swap3A_349 : vector<1x1x16xf32> to vector<16xf32>
      %swap3A_351 = vector.shape_cast %broadcast_in_dim3A_344 : vector<16xf32> to vector<1x1x16xf32>
      tpu.vector_store %arg7[%swap3A_346, %swap3A_347, %swap3A_348], %swap3A_351 {strides = array<i32>} : memref<2x80x128xf32, #tpu.memory_space<vmem>>, vector<1x1x16xf32>,
      %broadcast_in_dim3A_352 = arith.constant 1.000000e+00 : f32
      %broadcast_in_dim3A_353 = vector.broadcast %broadcast_in_dim3A_352 : f32 to vector<16xf32>
      %swap3A_354 = arith.constant 1 : i32
      %swap3A_355 = arith.index_cast %swap3A_354 : i32 to index
      %swap3A_356 = arith.index_cast %add3A_281 : i32 to index
      %swap3A_357 = arith.constant 0 : index
      %swap3A_358 = tpu.vector_load %arg7[%swap3A_355, %swap3A_356, %swap3A_357] {strides = array<i32>} : memref<2x80x128xf32, #tpu.memory_space<vmem>>, vector<1x1x16xf32>,
      %swap3A_359 = vector.shape_cast %swap3A_358 : vector<1x1x16xf32> to vector<16xf32>
      %swap3A_360 = vector.shape_cast %broadcast_in_dim3A_353 : vector<16xf32> to vector<1x1x16xf32>
      tpu.vector_store %arg7[%swap3A_355, %swap3A_356, %swap3A_357], %swap3A_360 {strides = array<i32>} : memref<2x80x128xf32, #tpu.memory_space<vmem>>, vector<1x1x16xf32>,
      %broadcast_in_dim3A_361 = arith.constant 1.000000e+00 : f32
      %broadcast_in_dim3A_362 = vector.broadcast %broadcast_in_dim3A_361 : f32 to vector<16xf32>
      %swap3A_363 = arith.constant 1 : i32
      %swap3A_364 = arith.index_cast %swap3A_363 : i32 to index
      %swap3A_365 = arith.index_cast %add3A_281 : i32 to index
      %swap3A_366 = arith.constant 16 : index
      %swap3A_367 = tpu.vector_load %arg7[%swap3A_364, %swap3A_365, %swap3A_366] {strides = array<i32>} : memref<2x80x128xf32, #tpu.memory_space<vmem>>, vector<1x1x16xf32>,
      %swap3A_368 = vector.shape_cast %swap3A_367 : vector<1x1x16xf32> to vector<16xf32>
      %swap3A_369 = vector.shape_cast %broadcast_in_dim3A_362 : vector<16xf32> to vector<1x1x16xf32>
      tpu.vector_store %arg7[%swap3A_364, %swap3A_365, %swap3A_366], %swap3A_369 {strides = array<i32>} : memref<2x80x128xf32, #tpu.memory_space<vmem>>, vector<1x1x16xf32>,
      %broadcast_in_dim3A_370 = arith.constant 1.000000e+00 : f32
      %broadcast_in_dim3A_371 = vector.broadcast %broadcast_in_dim3A_370 : f32 to vector<16xf32>
      %swap3A_372 = arith.constant 1 : i32
      %swap3A_373 = arith.index_cast %swap3A_372 : i32 to index
      %swap3A_374 = arith.index_cast %add3A_281 : i32 to index
      %swap3A_375 = arith.constant 32 : index
      %swap3A_376 = tpu.vector_load %arg7[%swap3A_373, %swap3A_374, %swap3A_375] {strides = array<i32>} : memref<2x80x128xf32, #tpu.memory_space<vmem>>, vector<1x1x16xf32>,
      %swap3A_377 = vector.shape_cast %swap3A_376 : vector<1x1x16xf32> to vector<16xf32>
      %swap3A_378 = vector.shape_cast %broadcast_in_dim3A_371 : vector<16xf32> to vector<1x1x16xf32>
      tpu.vector_store %arg7[%swap3A_373, %swap3A_374, %swap3A_375], %swap3A_378 {strides = array<i32>} : memref<2x80x128xf32, #tpu.memory_space<vmem>>, vector<1x1x16xf32>,
      %broadcast_in_dim3A_379 = arith.constant 1.000000e+00 : f32
      %broadcast_in_dim3A_380 = vector.broadcast %broadcast_in_dim3A_379 : f32 to vector<16xf32>
      %swap3A_381 = arith.constant 1 : i32
      %swap3A_382 = arith.index_cast %swap3A_381 : i32 to index
      %swap3A_383 = arith.index_cast %add3A_281 : i32 to index
      %swap3A_384 = arith.constant 48 : index
      %swap3A_385 = tpu.vector_load %arg7[%swap3A_382, %swap3A_383, %swap3A_384] {strides = array<i32>} : memref<2x80x128xf32, #tpu.memory_space<vmem>>, vector<1x1x16xf32>,
      %swap3A_386 = vector.shape_cast %swap3A_385 : vector<1x1x16xf32> to vector<16xf32>
      %swap3A_387 = vector.shape_cast %broadcast_in_dim3A_380 : vector<16xf32> to vector<1x1x16xf32>
      tpu.vector_store %arg7[%swap3A_382, %swap3A_383, %swap3A_384], %swap3A_387 {strides = array<i32>} : memref<2x80x128xf32, #tpu.memory_space<vmem>>, vector<1x1x16xf32>,
      %broadcast_in_dim3A_388 = arith.constant 1.000000e+00 : f32
      %broadcast_in_dim3A_389 = vector.broadcast %broadcast_in_dim3A_388 : f32 to vector<16xf32>
      %swap3A_390 = arith.constant 1 : i32
      %swap3A_391 = arith.index_cast %swap3A_390 : i32 to index
      %swap3A_392 = arith.index_cast %add3A_281 : i32 to index
      %swap3A_393 = arith.constant 64 : index
      %swap3A_394 = tpu.vector_load %arg7[%swap3A_391, %swap3A_392, %swap3A_393] {strides = array<i32>} : memref<2x80x128xf32, #tpu.memory_space<vmem>>, vector<1x1x16xf32>,
      %swap3A_395 = vector.shape_cast %swap3A_394 : vector<1x1x16xf32> to vector<16xf32>
      %swap3A_396 = vector.shape_cast %broadcast_in_dim3A_389 : vector<16xf32> to vector<1x1x16xf32>
      tpu.vector_store %arg7[%swap3A_391, %swap3A_392, %swap3A_393], %swap3A_396 {strides = array<i32>} : memref<2x80x128xf32, #tpu.memory_space<vmem>>, vector<1x1x16xf32>,
      %broadcast_in_dim3A_397 = arith.constant 1.000000e+00 : f32
      %broadcast_in_dim3A_398 = vector.broadcast %broadcast_in_dim3A_397 : f32 to vector<16xf32>
      %swap3A_399 = arith.constant 1 : i32
      %swap3A_400 = arith.index_cast %swap3A_399 : i32 to index
      %swap3A_401 = arith.index_cast %add3A_281 : i32 to index
      %swap3A_402 = arith.constant 80 : index
      %swap3A_403 = tpu.vector_load %arg7[%swap3A_400, %swap3A_401, %swap3A_402] {strides = array<i32>} : memref<2x80x128xf32, #tpu.memory_space<vmem>>, vector<1x1x16xf32>,
      %swap3A_404 = vector.shape_cast %swap3A_403 : vector<1x1x16xf32> to vector<16xf32>
      %swap3A_405 = vector.shape_cast %broadcast_in_dim3A_398 : vector<16xf32> to vector<1x1x16xf32>
      tpu.vector_store %arg7[%swap3A_400, %swap3A_401, %swap3A_402], %swap3A_405 {strides = array<i32>} : memref<2x80x128xf32, #tpu.memory_space<vmem>>, vector<1x1x16xf32>,
      %broadcast_in_dim3A_406 = arith.constant 1.000000e+00 : f32
      %broadcast_in_dim3A_407 = vector.broadcast %broadcast_in_dim3A_406 : f32 to vector<16xf32>
      %swap3A_408 = arith.constant 1 : i32
      %swap3A_409 = arith.index_cast %swap3A_408 : i32 to index
      %swap3A_410 = arith.index_cast %add3A_281 : i32 to index
      %swap3A_411 = arith.constant 96 : index
      %swap3A_412 = tpu.vector_load %arg7[%swap3A_409, %swap3A_410, %swap3A_411] {strides = array<i32>} : memref<2x80x128xf32, #tpu.memory_space<vmem>>, vector<1x1x16xf32>,
      %swap3A_413 = vector.shape_cast %swap3A_412 : vector<1x1x16xf32> to vector<16xf32>
      %swap3A_414 = vector.shape_cast %broadcast_in_dim3A_407 : vector<16xf32> to vector<1x1x16xf32>
      tpu.vector_store %arg7[%swap3A_409, %swap3A_410, %swap3A_411], %swap3A_414 {strides = array<i32>} : memref<2x80x128xf32, #tpu.memory_space<vmem>>, vector<1x1x16xf32>,
      %broadcast_in_dim3A_415 = arith.constant 1.000000e+00 : f32
      %broadcast_in_dim3A_416 = vector.broadcast %broadcast_in_dim3A_415 : f32 to vector<16xf32>
      %swap3A_417 = arith.constant 1 : i32
      %swap3A_418 = arith.index_cast %swap3A_417 : i32 to index
      %swap3A_419 = arith.index_cast %add3A_281 : i32 to index
      %swap3A_420 = arith.constant 112 : index
      %swap3A_421 = tpu.vector_load %arg7[%swap3A_418, %swap3A_419, %swap3A_420] {strides = array<i32>} : memref<2x80x128xf32, #tpu.memory_space<vmem>>, vector<1x1x16xf32>,
      %swap3A_422 = vector.shape_cast %swap3A_421 : vector<1x1x16xf32> to vector<16xf32>
      %swap3A_423 = vector.shape_cast %broadcast_in_dim3A_416 : vector<16xf32> to vector<1x1x16xf32>
      tpu.vector_store %arg7[%swap3A_418, %swap3A_419, %swap3A_420], %swap3A_423 {strides = array<i32>} : memref<2x80x128xf32, #tpu.memory_space<vmem>>, vector<1x1x16xf32>,
    }
    %scan3A_140 = arith.constant 80 : i32
    %mul3A_141 = arith.constant 320 : i32
    %mul3A_142 = arith.muli %arg1, %mul3A_141 : i32
    %add3A_143 = arith.constant 0 : i32
    %add3A_144 = arith.addi %mul3A_142, %add3A_143 : i32
    "tpu.region"() ({
      %run_scoped3A = tpu.sem_alloc : memref<!tpu.dma_semaphore, #tpu.memory_space<semaphore_mem>>
      %dma_start3A = arith.constant 0 : i32
      %dma_start3A_277 = tpu.memref_slice %arg9[%add3A_144, %dma_start3A] : memref<5128x128xf32, #tpu.memory_space<vmem_shared>> -> memref<64x128xf32, #tpu.memory_space<vmem_shared>>
      %dma_start3A_278 = arith.constant 0 : i32
      %dma_start3A_279 = tpu.memref_slice %arg9[%add3A_144, %dma_start3A_278] : memref<5128x128xf32, #tpu.memory_space<vmem_shared>> -> memref<64x128xf32, #tpu.memory_space<vmem_shared>>
      tpu.enqueue_dma source(%arg8 : memref<64x128xf32, #tpu.memory_space<vmem>>) target(%dma_start3A_279 : memref<64x128xf32, #tpu.memory_space<vmem_shared>>) target_semaphore(%run_scoped3A : memref<!tpu.dma_semaphore, #tpu.memory_space<semaphore_mem>>)
      %dma_wait3A = arith.constant 0 : i32
      %dma_wait3A_280 = tpu.memref_slice %arg9[%add3A_144, %dma_wait3A] : memref<5128x128xf32, #tpu.memory_space<vmem_shared>> -> memref<64x128xf32, #tpu.memory_space<vmem_shared>>
      %dma_wait3A_281 = arith.constant 0 : i32
      %dma_wait3A_282 = tpu.memref_slice %arg9[%add3A_144, %dma_wait3A_281] : memref<5128x128xf32, #tpu.memory_space<vmem_shared>> -> memref<64x128xf32, #tpu.memory_space<vmem_shared>>
      tpu.wait_dma2 semaphore(%run_scoped3A : memref<!tpu.dma_semaphore, #tpu.memory_space<semaphore_mem>>) src(%arg8 : memref<64x128xf32, #tpu.memory_space<vmem>>) dst(%dma_wait3A_282 : memref<64x128xf32, #tpu.memory_space<vmem_shared>>)
      tpu.yield
    }) : () -> ()
    %mul3A_145 = arith.constant 320 : i32
    %mul3A_146 = arith.muli %arg1, %mul3A_145 : i32
    %add3A_147 = arith.constant 64 : i32
    %add3A_148 = arith.addi %mul3A_146, %add3A_147 : i32
    "tpu.region"() ({
      %run_scoped3A = tpu.sem_alloc : memref<!tpu.dma_semaphore, #tpu.memory_space<semaphore_mem>>
      %dma_start3A = arith.constant 0 : i32
      %dma_start3A_277 = tpu.memref_slice %arg9[%add3A_148, %dma_start3A] : memref<5128x128xf32, #tpu.memory_space<vmem_shared>> -> memref<64x128xf32, #tpu.memory_space<vmem_shared>>
      %dma_start3A_278 = arith.constant 0 : i32
      %dma_start3A_279 = tpu.memref_slice %arg9[%add3A_148, %dma_start3A_278] : memref<5128x128xf32, #tpu.memory_space<vmem_shared>> -> memref<64x128xf32, #tpu.memory_space<vmem_shared>>
      tpu.enqueue_dma source(%arg8 : memref<64x128xf32, #tpu.memory_space<vmem>>) target(%dma_start3A_279 : memref<64x128xf32, #tpu.memory_space<vmem_shared>>) target_semaphore(%run_scoped3A : memref<!tpu.dma_semaphore, #tpu.memory_space<semaphore_mem>>)
      %dma_wait3A = arith.constant 0 : i32
      %dma_wait3A_280 = tpu.memref_slice %arg9[%add3A_148, %dma_wait3A] : memref<5128x128xf32, #tpu.memory_space<vmem_shared>> -> memref<64x128xf32, #tpu.memory_space<vmem_shared>>
      %dma_wait3A_281 = arith.constant 0 : i32
      %dma_wait3A_282 = tpu.memref_slice %arg9[%add3A_148, %dma_wait3A_281] : memref<5128x128xf32, #tpu.memory_space<vmem_shared>> -> memref<64x128xf32, #tpu.memory_space<vmem_shared>>
      tpu.wait_dma2 semaphore(%run_scoped3A : memref<!tpu.dma_semaphore, #tpu.memory_space<semaphore_mem>>) src(%arg8 : memref<64x128xf32, #tpu.memory_space<vmem>>) dst(%dma_wait3A_282 : memref<64x128xf32, #tpu.memory_space<vmem_shared>>)
      tpu.yield
    }) : () -> ()
    %mul3A_149 = arith.constant 320 : i32
    %mul3A_150 = arith.muli %arg1, %mul3A_149 : i32
    %add3A_151 = arith.constant 128 : i32
    %add3A_152 = arith.addi %mul3A_150, %add3A_151 : i32
    "tpu.region"() ({
      %run_scoped3A = tpu.sem_alloc : memref<!tpu.dma_semaphore, #tpu.memory_space<semaphore_mem>>
      %dma_start3A = arith.constant 0 : i32
      %dma_start3A_277 = tpu.memref_slice %arg9[%add3A_152, %dma_start3A] : memref<5128x128xf32, #tpu.memory_space<vmem_shared>> -> memref<64x128xf32, #tpu.memory_space<vmem_shared>>
      %dma_start3A_278 = arith.constant 0 : i32
      %dma_start3A_279 = tpu.memref_slice %arg9[%add3A_152, %dma_start3A_278] : memref<5128x128xf32, #tpu.memory_space<vmem_shared>> -> memref<64x128xf32, #tpu.memory_space<vmem_shared>>
      tpu.enqueue_dma source(%arg8 : memref<64x128xf32, #tpu.memory_space<vmem>>) target(%dma_start3A_279 : memref<64x128xf32, #tpu.memory_space<vmem_shared>>) target_semaphore(%run_scoped3A : memref<!tpu.dma_semaphore, #tpu.memory_space<semaphore_mem>>)
      %dma_wait3A = arith.constant 0 : i32
      %dma_wait3A_280 = tpu.memref_slice %arg9[%add3A_152, %dma_wait3A] : memref<5128x128xf32, #tpu.memory_space<vmem_shared>> -> memref<64x128xf32, #tpu.memory_space<vmem_shared>>
      %dma_wait3A_281 = arith.constant 0 : i32
      %dma_wait3A_282 = tpu.memref_slice %arg9[%add3A_152, %dma_wait3A_281] : memref<5128x128xf32, #tpu.memory_space<vmem_shared>> -> memref<64x128xf32, #tpu.memory_space<vmem_shared>>
      tpu.wait_dma2 semaphore(%run_scoped3A : memref<!tpu.dma_semaphore, #tpu.memory_space<semaphore_mem>>) src(%arg8 : memref<64x128xf32, #tpu.memory_space<vmem>>) dst(%dma_wait3A_282 : memref<64x128xf32, #tpu.memory_space<vmem_shared>>)
      tpu.yield
    }) : () -> ()
    %mul3A_153 = arith.constant 320 : i32
    %mul3A_154 = arith.muli %arg1, %mul3A_153 : i32
    %add3A_155 = arith.constant 192 : i32
    %add3A_156 = arith.addi %mul3A_154, %add3A_155 : i32
    "tpu.region"() ({
      %run_scoped3A = tpu.sem_alloc : memref<!tpu.dma_semaphore, #tpu.memory_space<semaphore_mem>>
      %dma_start3A = arith.constant 0 : i32
      %dma_start3A_277 = tpu.memref_slice %arg9[%add3A_156, %dma_start3A] : memref<5128x128xf32, #tpu.memory_space<vmem_shared>> -> memref<64x128xf32, #tpu.memory_space<vmem_shared>>
      %dma_start3A_278 = arith.constant 0 : i32
      %dma_start3A_279 = tpu.memref_slice %arg9[%add3A_156, %dma_start3A_278] : memref<5128x128xf32, #tpu.memory_space<vmem_shared>> -> memref<64x128xf32, #tpu.memory_space<vmem_shared>>
      tpu.enqueue_dma source(%arg8 : memref<64x128xf32, #tpu.memory_space<vmem>>) target(%dma_start3A_279 : memref<64x128xf32, #tpu.memory_space<vmem_shared>>) target_semaphore(%run_scoped3A : memref<!tpu.dma_semaphore, #tpu.memory_space<semaphore_mem>>)
      %dma_wait3A = arith.constant 0 : i32
      %dma_wait3A_280 = tpu.memref_slice %arg9[%add3A_156, %dma_wait3A] : memref<5128x128xf32, #tpu.memory_space<vmem_shared>> -> memref<64x128xf32, #tpu.memory_space<vmem_shared>>
      %dma_wait3A_281 = arith.constant 0 : i32
      %dma_wait3A_282 = tpu.memref_slice %arg9[%add3A_156, %dma_wait3A_281] : memref<5128x128xf32, #tpu.memory_space<vmem_shared>> -> memref<64x128xf32, #tpu.memory_space<vmem_shared>>
      tpu.wait_dma2 semaphore(%run_scoped3A : memref<!tpu.dma_semaphore, #tpu.memory_space<semaphore_mem>>) src(%arg8 : memref<64x128xf32, #tpu.memory_space<vmem>>) dst(%dma_wait3A_282 : memref<64x128xf32, #tpu.memory_space<vmem_shared>>)
      tpu.yield
    }) : () -> ()
    %mul3A_157 = arith.constant 320 : i32
    %mul3A_158 = arith.muli %arg1, %mul3A_157 : i32
    %add3A_159 = arith.constant 256 : i32
    %add3A_160 = arith.addi %mul3A_158, %add3A_159 : i32
    "tpu.region"() ({
      %run_scoped3A = tpu.sem_alloc : memref<!tpu.dma_semaphore, #tpu.memory_space<semaphore_mem>>
      %dma_start3A = arith.constant 0 : i32
      %dma_start3A_277 = tpu.memref_slice %arg9[%add3A_160, %dma_start3A] : memref<5128x128xf32, #tpu.memory_space<vmem_shared>> -> memref<64x128xf32, #tpu.memory_space<vmem_shared>>
      %dma_start3A_278 = arith.constant 0 : i32
      %dma_start3A_279 = tpu.memref_slice %arg9[%add3A_160, %dma_start3A_278] : memref<5128x128xf32, #tpu.memory_space<vmem_shared>> -> memref<64x128xf32, #tpu.memory_space<vmem_shared>>
      tpu.enqueue_dma source(%arg8 : memref<64x128xf32, #tpu.memory_space<vmem>>) target(%dma_start3A_279 : memref<64x128xf32, #tpu.memory_space<vmem_shared>>) target_semaphore(%run_scoped3A : memref<!tpu.dma_semaphore, #tpu.memory_space<semaphore_mem>>)
      %dma_wait3A = arith.constant 0 : i32
      %dma_wait3A_280 = tpu.memref_slice %arg9[%add3A_160, %dma_wait3A] : memref<5128x128xf32, #tpu.memory_space<vmem_shared>> -> memref<64x128xf32, #tpu.memory_space<vmem_shared>>
      %dma_wait3A_281 = arith.constant 0 : i32
      %dma_wait3A_282 = tpu.memref_slice %arg9[%add3A_160, %dma_wait3A_281] : memref<5128x128xf32, #tpu.memory_space<vmem_shared>> -> memref<64x128xf32, #tpu.memory_space<vmem_shared>>
      tpu.wait_dma2 semaphore(%run_scoped3A : memref<!tpu.dma_semaphore, #tpu.memory_space<semaphore_mem>>) src(%arg8 : memref<64x128xf32, #tpu.memory_space<vmem>>) dst(%dma_wait3A_282 : memref<64x128xf32, #tpu.memory_space<vmem_shared>>)
      tpu.yield
    }) : () -> ()
    %eq3A_161 = arith.constant 0 : i32
    %eq3A_162 = arith.cmpi eq, %arg1, %eq3A_161 : i32
    %convert_element_type3A_163 = arith.extui %eq3A_162 : i1 to i32
    %cond3A_164 = arith.constant 0 : i32
    %cond3A_165 = arith.cmpi ne, %convert_element_type3A_163, %cond3A_164 : i32
    scf.if %cond3A_165 {
      "tpu.region"() ({
        %run_scoped3A = tpu.sem_alloc : memref<!tpu.dma_semaphore, #tpu.memory_space<semaphore_mem>>
        %dma_start3A = arith.constant 0 : i32
        %dma_start3A_277 = arith.constant 0 : i32
        %dma_start3A_278 = tpu.memref_slice %arg8[%dma_start3A, %dma_start3A_277] : memref<64x128xf32, #tpu.memory_space<vmem>> -> memref<8x128xf32, #tpu.memory_space<vmem>>
        %dma_start3A_279 = arith.constant 5120 : i32
        %dma_start3A_280 = arith.constant 0 : i32
        %dma_start3A_281 = tpu.memref_slice %arg9[%dma_start3A_279, %dma_start3A_280] : memref<5128x128xf32, #tpu.memory_space<vmem_shared>> -> memref<8x128xf32, #tpu.memory_space<vmem_shared>>
        %dma_start3A_282 = arith.constant 5120 : i32
        %dma_start3A_283 = arith.constant 0 : i32
        %dma_start3A_284 = tpu.memref_slice %arg9[%dma_start3A_282, %dma_start3A_283] : memref<5128x128xf32, #tpu.memory_space<vmem_shared>> -> memref<8x128xf32, #tpu.memory_space<vmem_shared>>
        %dma_start3A_285 = arith.constant 0 : i32
        %dma_start3A_286 = arith.constant 0 : i32
        %dma_start3A_287 = tpu.memref_slice %arg8[%dma_start3A_285, %dma_start3A_286] : memref<64x128xf32, #tpu.memory_space<vmem>> -> memref<8x128xf32, #tpu.memory_space<vmem>>
        tpu.enqueue_dma source(%dma_start3A_287 : memref<8x128xf32, #tpu.memory_space<vmem>>) target(%dma_start3A_284 : memref<8x128xf32, #tpu.memory_space<vmem_shared>>) target_semaphore(%run_scoped3A : memref<!tpu.dma_semaphore, #tpu.memory_space<semaphore_mem>>)
        %dma_wait3A = arith.constant 0 : i32
        %dma_wait3A_288 = arith.constant 0 : i32
        %dma_wait3A_289 = tpu.memref_slice %arg8[%dma_wait3A, %dma_wait3A_288] : memref<64x128xf32, #tpu.memory_space<vmem>> -> memref<8x128xf32, #tpu.memory_space<vmem>>
        %dma_wait3A_290 = arith.constant 5120 : i32
        %dma_wait3A_291 = arith.constant 0 : i32
        %dma_wait3A_292 = tpu.memref_slice %arg9[%dma_wait3A_290, %dma_wait3A_291] : memref<5128x128xf32, #tpu.memory_space<vmem_shared>> -> memref<8x128xf32, #tpu.memory_space<vmem_shared>>
        %dma_wait3A_293 = arith.constant 5120 : i32
        %dma_wait3A_294 = arith.constant 0 : i32
        %dma_wait3A_295 = tpu.memref_slice %arg9[%dma_wait3A_293, %dma_wait3A_294] : memref<5128x128xf32, #tpu.memory_space<vmem_shared>> -> memref<8x128xf32, #tpu.memory_space<vmem_shared>>
        %dma_wait3A_296 = arith.constant 0 : i32
        %dma_wait3A_297 = arith.constant 0 : i32
        %dma_wait3A_298 = tpu.memref_slice %arg8[%dma_wait3A_296, %dma_wait3A_297] : memref<64x128xf32, #tpu.memory_space<vmem>> -> memref<8x128xf32, #tpu.memory_space<vmem>>
        tpu.wait_dma2 semaphore(%run_scoped3A : memref<!tpu.dma_semaphore, #tpu.memory_space<semaphore_mem>>) src(%dma_wait3A_298 : memref<8x128xf32, #tpu.memory_space<vmem>>) dst(%dma_wait3A_295 : memref<8x128xf32, #tpu.memory_space<vmem_shared>>)
        tpu.yield
      }) : () -> ()
    } else {
    }
    %barrier3A_166 = arith.constant 0 : index
    tpu.barrier barrier_id(%barrier3A_166)
    %scan3A_167 = arith.constant 0 : i32
    %scan3A_168 = arith.constant 125 : i32
    %scan3A_169 = arith.addi %scan3A_167, %scan3A_168 : i32
    %scan3A_170 = arith.constant 1 : i32
    scf.for %scan3A_277 = %scan3A_167 to %scan3A_169 step %scan3A_170  : i32 {
      %mul3A_278 = arith.constant 1 : i32
      %mul3A_279 = arith.muli %scan3A_277, %mul3A_278 : i32
      %add3A_280 = arith.constant 0 : i32
      %add3A_281 = arith.addi %add3A_280, %mul3A_279 : i32
      %mul3A_282 = arith.constant 160 : i32
      %mul3A_283 = arith.muli %add3A_281, %mul3A_282 : i32
      %add3A_284 = arith.addi %mul3A_4, %mul3A_283 : i32
      %add3A_285 = arith.constant 0 : i32
      %add3A_286 = arith.addi %add3A_285, %arg0 : i32
      %mul3A_287 = arith.constant 320000 : i32
      %mul3A_288 = arith.muli %add3A_286, %mul3A_287 : i32
      %add3A_289 = arith.addi %mul3A_288, %add3A_284 : i32
      %add3A_290 = arith.constant 0 : i32
      %add3A_291 = arith.addi %add3A_289, %add3A_290 : i32
      %dma_start3A = arith.constant 0 : i32
      %dma_start3A_292 = arith.constant 0 : i32
      %dma_start3A_293 = tpu.memref_slice %arg6[%dma_start3A, %dma_start3A_292] : memref<2x80xi32, #tpu.memory_space<vmem>> -> memref<1x80xi32, #tpu.memory_space<vmem>>
      %dma_start3A_294 = tpu.memref_squeeze %dma_start3A_293 : memref<1x80xi32, #tpu.memory_space<vmem>> -> memref<80xi32, #tpu.memory_space<vmem>>
      %dma_start3A_295 = tpu.memref_slice %arg3[%add3A_291] : memref<1280000xi32, #tpu.memory_space<hbm>> -> memref<80xi32, #tpu.memory_space<hbm>>
      %dma_start3A_296 = arith.constant 0 : i32
      %dma_start3A_297 = tpu.memref_slice %arg6[%dma_start3A, %dma_start3A_296] : memref<2x80xi32, #tpu.memory_space<vmem>> -> memref<1x80xi32, #tpu.memory_space<vmem>>
      %dma_start3A_298 = tpu.memref_squeeze %dma_start3A_297 : memref<1x80xi32, #tpu.memory_space<vmem>> -> memref<80xi32, #tpu.memory_space<vmem>>
      %dma_start3A_299 = tpu.memref_slice %arg3[%add3A_291] : memref<1280000xi32, #tpu.memory_space<hbm>> -> memref<80xi32, #tpu.memory_space<hbm>>
      tpu.enqueue_dma source(%dma_start3A_299 : memref<80xi32, #tpu.memory_space<hbm>>) target(%dma_start3A_298 : memref<80xi32, #tpu.memory_space<vmem>>) target_semaphore(%arg10 : memref<!tpu.dma_semaphore, #tpu.memory_space<semaphore_mem>>)
      %add3A_300 = arith.constant 0 : i32
      %add3A_301 = arith.addi %add3A_300, %arg0 : i32
      %mul3A_302 = arith.constant 320000 : i32
      %mul3A_303 = arith.muli %add3A_301, %mul3A_302 : i32
      %add3A_304 = arith.addi %mul3A_303, %add3A_284 : i32
      %add3A_305 = arith.constant 80 : i32
      %add3A_306 = arith.addi %add3A_304, %add3A_305 : i32
      %dma_start3A_307 = arith.constant 1 : i32
      %dma_start3A_308 = arith.constant 0 : i32
      %dma_start3A_309 = tpu.memref_slice %arg6[%dma_start3A_307, %dma_start3A_308] : memref<2x80xi32, #tpu.memory_space<vmem>> -> memref<1x80xi32, #tpu.memory_space<vmem>>
      %dma_start3A_310 = tpu.memref_squeeze %dma_start3A_309 : memref<1x80xi32, #tpu.memory_space<vmem>> -> memref<80xi32, #tpu.memory_space<vmem>>
      %dma_start3A_311 = tpu.memref_slice %arg3[%add3A_306] : memref<1280000xi32, #tpu.memory_space<hbm>> -> memref<80xi32, #tpu.memory_space<hbm>>
      %dma_start3A_312 = arith.constant 0 : i32
      %dma_start3A_313 = tpu.memref_slice %arg6[%dma_start3A_307, %dma_start3A_312] : memref<2x80xi32, #tpu.memory_space<vmem>> -> memref<1x80xi32, #tpu.memory_space<vmem>>
      %dma_start3A_314 = tpu.memref_squeeze %dma_start3A_313 : memref<1x80xi32, #tpu.memory_space<vmem>> -> memref<80xi32, #tpu.memory_space<vmem>>
      %dma_start3A_315 = tpu.memref_slice %arg3[%add3A_306] : memref<1280000xi32, #tpu.memory_space<hbm>> -> memref<80xi32, #tpu.memory_space<hbm>>
      tpu.enqueue_dma source(%dma_start3A_315 : memref<80xi32, #tpu.memory_space<hbm>>) target(%dma_start3A_314 : memref<80xi32, #tpu.memory_space<vmem>>) target_semaphore(%arg10 : memref<!tpu.dma_semaphore, #tpu.memory_space<semaphore_mem>>)
      %dma_wait3A = arith.constant 0 : i32
      %dma_wait3A_316 = arith.constant 0 : i32
      %dma_wait3A_317 = tpu.memref_slice %arg6[%dma_wait3A, %dma_wait3A_316] : memref<2x80xi32, #tpu.memory_space<vmem>> -> memref<1x80xi32, #tpu.memory_space<vmem>>
      %dma_wait3A_318 = tpu.memref_squeeze %dma_wait3A_317 : memref<1x80xi32, #tpu.memory_space<vmem>> -> memref<80xi32, #tpu.memory_space<vmem>>
      %dma_wait3A_319 = tpu.memref_slice %arg3[%add3A_291] : memref<1280000xi32, #tpu.memory_space<hbm>> -> memref<80xi32, #tpu.memory_space<hbm>>
      %dma_wait3A_320 = arith.constant 0 : i32
      %dma_wait3A_321 = tpu.memref_slice %arg6[%dma_wait3A, %dma_wait3A_320] : memref<2x80xi32, #tpu.memory_space<vmem>> -> memref<1x80xi32, #tpu.memory_space<vmem>>
      %dma_wait3A_322 = tpu.memref_squeeze %dma_wait3A_321 : memref<1x80xi32, #tpu.memory_space<vmem>> -> memref<80xi32, #tpu.memory_space<vmem>>
      %dma_wait3A_323 = tpu.memref_slice %arg3[%add3A_291] : memref<1280000xi32, #tpu.memory_space<hbm>> -> memref<80xi32, #tpu.memory_space<hbm>>
      tpu.wait_dma2 semaphore(%arg10 : memref<!tpu.dma_semaphore, #tpu.memory_space<semaphore_mem>>) src(%dma_wait3A_323 : memref<80xi32, #tpu.memory_space<hbm>>) dst(%dma_wait3A_322 : memref<80xi32, #tpu.memory_space<vmem>>)
      %dma_wait3A_324 = arith.constant 1 : i32
      %dma_wait3A_325 = arith.constant 0 : i32
      %dma_wait3A_326 = tpu.memref_slice %arg6[%dma_wait3A_324, %dma_wait3A_325] : memref<2x80xi32, #tpu.memory_space<vmem>> -> memref<1x80xi32, #tpu.memory_space<vmem>>
      %dma_wait3A_327 = tpu.memref_squeeze %dma_wait3A_326 : memref<1x80xi32, #tpu.memory_space<vmem>> -> memref<80xi32, #tpu.memory_space<vmem>>
      %dma_wait3A_328 = tpu.memref_slice %arg3[%add3A_306] : memref<1280000xi32, #tpu.memory_space<hbm>> -> memref<80xi32, #tpu.memory_space<hbm>>
      %dma_wait3A_329 = arith.constant 0 : i32
      %dma_wait3A_330 = tpu.memref_slice %arg6[%dma_wait3A_324, %dma_wait3A_329] : memref<2x80xi32, #tpu.memory_space<vmem>> -> memref<1x80xi32, #tpu.memory_space<vmem>>
      %dma_wait3A_331 = tpu.memref_squeeze %dma_wait3A_330 : memref<1x80xi32, #tpu.memory_space<vmem>> -> memref<80xi32, #tpu.memory_space<vmem>>
      %dma_wait3A_332 = tpu.memref_slice %arg3[%add3A_306] : memref<1280000xi32, #tpu.memory_space<hbm>> -> memref<80xi32, #tpu.memory_space<hbm>>
      tpu.wait_dma2 semaphore(%arg10 : memref<!tpu.dma_semaphore, #tpu.memory_space<semaphore_mem>>) src(%dma_wait3A_332 : memref<80xi32, #tpu.memory_space<hbm>>) dst(%dma_wait3A_331 : memref<80xi32, #tpu.memory_space<vmem>>)
      %dma_start3A_333 = arith.constant 0 : i32
      %dma_start3A_334 = arith.constant 0 : i32
      %dma_start3A_335 = arith.constant 0 : i32
      %dma_start3A_336 = arith.constant 0 : i32
      %dma_start3A_337 = tpu.memref_slice %arg7[%dma_start3A_333, %dma_start3A_335, %dma_start3A_336] : memref<2x80x128xf32, #tpu.memory_space<vmem>> -> memref<1x80x128xf32, #tpu.memory_space<vmem>>
      %dma_start3A_338 = tpu.memref_squeeze %dma_start3A_337 : memref<1x80x128xf32, #tpu.memory_space<vmem>> -> memref<80x128xf32, #tpu.memory_space<vmem>>
      %dma_start3A_339 = arith.constant 0 : i32
      %dma_start3A_340 = tpu.memref_slice %arg6[%dma_start3A_334, %dma_start3A_339] : memref<2x80xi32, #tpu.memory_space<vmem>> -> memref<1x80xi32, #tpu.memory_space<vmem>>
      %dma_start3A_341 = tpu.memref_squeeze %dma_start3A_340 : memref<1x80xi32, #tpu.memory_space<vmem>> -> memref<80xi32, #tpu.memory_space<vmem>>
      %dma_start3A_342 = arith.constant 0 : i32
      %dma_start3A_343 = arith.constant 0 : i32
      %dma_start3A_344 = tpu.memref_slice %arg9[%dma_start3A_342, %dma_start3A_343] : memref<5128x128xf32, #tpu.memory_space<vmem_shared>> -> memref<5128x128xf32, #tpu.memory_space<vmem_shared>>
      tpu.enqueue_indirect_dma source(%dma_start3A_338 : memref<80x128xf32, #tpu.memory_space<vmem>>) target(%dma_start3A_344 : memref<5128x128xf32, #tpu.memory_space<vmem_shared>>) offsets(%dma_start3A_341 : memref<80xi32, #tpu.memory_space<vmem>>) semaphore(%arg12 : memref<!tpu.dma_semaphore, #tpu.memory_space<semaphore_mem>>) {add = true}
      %dma_start3A_345 = arith.constant 1 : i32
      %dma_start3A_346 = arith.constant 1 : i32
      %dma_start3A_347 = arith.constant 0 : i32
      %dma_start3A_348 = arith.constant 0 : i32
      %dma_start3A_349 = tpu.memref_slice %arg7[%dma_start3A_345, %dma_start3A_347, %dma_start3A_348] : memref<2x80x128xf32, #tpu.memory_space<vmem>> -> memref<1x80x128xf32, #tpu.memory_space<vmem>>
      %dma_start3A_350 = tpu.memref_squeeze %dma_start3A_349 : memref<1x80x128xf32, #tpu.memory_space<vmem>> -> memref<80x128xf32, #tpu.memory_space<vmem>>
      %dma_start3A_351 = arith.constant 0 : i32
      %dma_start3A_352 = tpu.memref_slice %arg6[%dma_start3A_346, %dma_start3A_351] : memref<2x80xi32, #tpu.memory_space<vmem>> -> memref<1x80xi32, #tpu.memory_space<vmem>>
      %dma_start3A_353 = tpu.memref_squeeze %dma_start3A_352 : memref<1x80xi32, #tpu.memory_space<vmem>> -> memref<80xi32, #tpu.memory_space<vmem>>
      %dma_start3A_354 = arith.constant 0 : i32
      %dma_start3A_355 = arith.constant 0 : i32
      %dma_start3A_356 = tpu.memref_slice %arg9[%dma_start3A_354, %dma_start3A_355] : memref<5128x128xf32, #tpu.memory_space<vmem_shared>> -> memref<5128x128xf32, #tpu.memory_space<vmem_shared>>
      tpu.enqueue_indirect_dma source(%dma_start3A_350 : memref<80x128xf32, #tpu.memory_space<vmem>>) target(%dma_start3A_356 : memref<5128x128xf32, #tpu.memory_space<vmem_shared>>) offsets(%dma_start3A_353 : memref<80xi32, #tpu.memory_space<vmem>>) semaphore(%arg12 : memref<!tpu.dma_semaphore, #tpu.memory_space<semaphore_mem>>) {add = true}
      %dma_wait3A_357 = arith.constant 0 : i32
      %dma_wait3A_358 = arith.constant 0 : i32
      %dma_wait3A_359 = arith.constant 0 : i32
      %dma_wait3A_360 = arith.constant 0 : i32
      %dma_wait3A_361 = tpu.memref_slice %arg7[%dma_wait3A_357, %dma_wait3A_359, %dma_wait3A_360] : memref<2x80x128xf32, #tpu.memory_space<vmem>> -> memref<1x80x128xf32, #tpu.memory_space<vmem>>
      %dma_wait3A_362 = tpu.memref_squeeze %dma_wait3A_361 : memref<1x80x128xf32, #tpu.memory_space<vmem>> -> memref<80x128xf32, #tpu.memory_space<vmem>>
      %dma_wait3A_363 = arith.constant 0 : i32
      %dma_wait3A_364 = tpu.memref_slice %arg6[%dma_wait3A_358, %dma_wait3A_363] : memref<2x80xi32, #tpu.memory_space<vmem>> -> memref<1x80xi32, #tpu.memory_space<vmem>>
      %dma_wait3A_365 = tpu.memref_squeeze %dma_wait3A_364 : memref<1x80xi32, #tpu.memory_space<vmem>> -> memref<80xi32, #tpu.memory_space<vmem>>
      %dma_wait3A_366 = arith.constant 0 : i32
      %dma_wait3A_367 = arith.constant 0 : i32
      %dma_wait3A_368 = tpu.memref_slice %arg9[%dma_wait3A_366, %dma_wait3A_367] : memref<5128x128xf32, #tpu.memory_space<vmem_shared>> -> memref<5128x128xf32, #tpu.memory_space<vmem_shared>>
      tpu.wait_indirect_dma semaphore(%arg12 : memref<!tpu.dma_semaphore, #tpu.memory_space<semaphore_mem>>) src(%dma_wait3A_362 : memref<80x128xf32, #tpu.memory_space<vmem>>) dst(%dma_wait3A_368 : memref<5128x128xf32, #tpu.memory_space<vmem_shared>>)
      %dma_wait3A_369 = arith.constant 1 : i32
      %dma_wait3A_370 = arith.constant 1 : i32
      %dma_wait3A_371 = arith.constant 0 : i32
      %dma_wait3A_372 = arith.constant 0 : i32
      %dma_wait3A_373 = tpu.memref_slice %arg7[%dma_wait3A_369, %dma_wait3A_371, %dma_wait3A_372] : memref<2x80x128xf32, #tpu.memory_space<vmem>> -> memref<1x80x128xf32, #tpu.memory_space<vmem>>
      %dma_wait3A_374 = tpu.memref_squeeze %dma_wait3A_373 : memref<1x80x128xf32, #tpu.memory_space<vmem>> -> memref<80x128xf32, #tpu.memory_space<vmem>>
      %dma_wait3A_375 = arith.constant 0 : i32
      %dma_wait3A_376 = tpu.memref_slice %arg6[%dma_wait3A_370, %dma_wait3A_375] : memref<2x80xi32, #tpu.memory_space<vmem>> -> memref<1x80xi32, #tpu.memory_space<vmem>>
      %dma_wait3A_377 = tpu.memref_squeeze %dma_wait3A_376 : memref<1x80xi32, #tpu.memory_space<vmem>> -> memref<80xi32, #tpu.memory_space<vmem>>
      %dma_wait3A_378 = arith.constant 0 : i32
      %dma_wait3A_379 = arith.constant 0 : i32
      %dma_wait3A_380 = tpu.memref_slice %arg9[%dma_wait3A_378, %dma_wait3A_379] : memref<5128x128xf32, #tpu.memory_space<vmem_shared>> -> memref<5128x128xf32, #tpu.memory_space<vmem_shared>>
      tpu.wait_indirect_dma semaphore(%arg12 : memref<!tpu.dma_semaphore, #tpu.memory_space<semaphore_mem>>) src(%dma_wait3A_374 : memref<80x128xf32, #tpu.memory_space<vmem>>) dst(%dma_wait3A_380 : memref<5128x128xf32, #tpu.memory_space<vmem_shared>>)
    }
    %scan3A_171 = arith.constant 125 : i32
    %barrier3A_172 = arith.constant 0 : index
    tpu.barrier barrier_id(%barrier3A_172)
    %mul3A_173 = arith.constant 320 : i32
    %mul3A_174 = arith.muli %arg1, %mul3A_173 : i32
    %add3A_175 = arith.constant 0 : i32
    %add3A_176 = arith.addi %mul3A_174, %add3A_175 : i32
    "tpu.region"() ({
      %run_scoped3A = tpu.sem_alloc : memref<!tpu.dma_semaphore, #tpu.memory_space<semaphore_mem>>
      %dma_start3A = arith.constant 0 : i32
      %dma_start3A_277 = tpu.memref_slice %arg9[%add3A_176, %dma_start3A] : memref<5128x128xf32, #tpu.memory_space<vmem_shared>> -> memref<64x128xf32, #tpu.memory_space<vmem_shared>>
      %dma_start3A_278 = arith.constant 0 : i32
      %dma_start3A_279 = tpu.memref_slice %arg9[%add3A_176, %dma_start3A_278] : memref<5128x128xf32, #tpu.memory_space<vmem_shared>> -> memref<64x128xf32, #tpu.memory_space<vmem_shared>>
      tpu.enqueue_dma source(%dma_start3A_279 : memref<64x128xf32, #tpu.memory_space<vmem_shared>>) target(%arg8 : memref<64x128xf32, #tpu.memory_space<vmem>>) target_semaphore(%run_scoped3A : memref<!tpu.dma_semaphore, #tpu.memory_space<semaphore_mem>>)
      %dma_wait3A = arith.constant 0 : i32
      %dma_wait3A_280 = tpu.memref_slice %arg9[%add3A_176, %dma_wait3A] : memref<5128x128xf32, #tpu.memory_space<vmem_shared>> -> memref<64x128xf32, #tpu.memory_space<vmem_shared>>
      %dma_wait3A_281 = arith.constant 0 : i32
      %dma_wait3A_282 = tpu.memref_slice %arg9[%add3A_176, %dma_wait3A_281] : memref<5128x128xf32, #tpu.memory_space<vmem_shared>> -> memref<64x128xf32, #tpu.memory_space<vmem_shared>>
      tpu.wait_dma2 semaphore(%run_scoped3A : memref<!tpu.dma_semaphore, #tpu.memory_space<semaphore_mem>>) src(%dma_wait3A_282 : memref<64x128xf32, #tpu.memory_space<vmem_shared>>) dst(%arg8 : memref<64x128xf32, #tpu.memory_space<vmem>>)
      tpu.yield
    }) : () -> ()
    %add3A_177 = arith.constant 0 : i32
    %add3A_178 = arith.addi %add3A_177, %add3A_176 : i32
    "tpu.region"() ({
      %run_scoped3A = tpu.sem_alloc : memref<!tpu.dma_semaphore, #tpu.memory_space<semaphore_mem>>
      %dma_start3A = arith.constant 0 : i32
      %dma_start3A_277 = tpu.memref_slice %arg5[%arg0, %add3A_178, %dma_start3A] : memref<2x10240x128xf32, #tpu.memory_space<hbm>> -> memref<1x64x128xf32, #tpu.memory_space<hbm>>
      %dma_start3A_278 = tpu.memref_squeeze %dma_start3A_277 : memref<1x64x128xf32, #tpu.memory_space<hbm>> -> memref<64x128xf32, #tpu.memory_space<hbm>>
      %dma_start3A_279 = arith.constant 0 : i32
      %dma_start3A_280 = tpu.memref_slice %arg5[%arg0, %add3A_178, %dma_start3A_279] : memref<2x10240x128xf32, #tpu.memory_space<hbm>> -> memref<1x64x128xf32, #tpu.memory_space<hbm>>
      %dma_start3A_281 = tpu.memref_squeeze %dma_start3A_280 : memref<1x64x128xf32, #tpu.memory_space<hbm>> -> memref<64x128xf32, #tpu.memory_space<hbm>>
      tpu.enqueue_dma source(%arg8 : memref<64x128xf32, #tpu.memory_space<vmem>>) target(%dma_start3A_281 : memref<64x128xf32, #tpu.memory_space<hbm>>) target_semaphore(%run_scoped3A : memref<!tpu.dma_semaphore, #tpu.memory_space<semaphore_mem>>)
      %dma_wait3A = arith.constant 0 : i32
      %dma_wait3A_282 = tpu.memref_slice %arg5[%arg0, %add3A_178, %dma_wait3A] : memref<2x10240x128xf32, #tpu.memory_space<hbm>> -> memref<1x64x128xf32, #tpu.memory_space<hbm>>
      %dma_wait3A_283 = tpu.memref_squeeze %dma_wait3A_282 : memref<1x64x128xf32, #tpu.memory_space<hbm>> -> memref<64x128xf32, #tpu.memory_space<hbm>>
      %dma_wait3A_284 = arith.constant 0 : i32
      %dma_wait3A_285 = tpu.memref_slice %arg5[%arg0, %add3A_178, %dma_wait3A_284] : memref<2x10240x128xf32, #tpu.memory_space<hbm>> -> memref<1x64x128xf32, #tpu.memory_space<hbm>>
      %dma_wait3A_286 = tpu.memref_squeeze %dma_wait3A_285 : memref<1x64x128xf32, #tpu.memory_space<hbm>> -> memref<64x128xf32, #tpu.memory_space<hbm>>
      tpu.wait_dma2 semaphore(%run_scoped3A : memref<!tpu.dma_semaphore, #tpu.memory_space<semaphore_mem>>) src(%arg8 : memref<64x128xf32, #tpu.memory_space<vmem>>) dst(%dma_wait3A_286 : memref<64x128xf32, #tpu.memory_space<hbm>>)
      tpu.yield
    }) : () -> ()
    %mul3A_179 = arith.constant 320 : i32
    %mul3A_180 = arith.muli %arg1, %mul3A_179 : i32
    %add3A_181 = arith.constant 64 : i32
    %add3A_182 = arith.addi %mul3A_180, %add3A_181 : i32
    "tpu.region"() ({
      %run_scoped3A = tpu.sem_alloc : memref<!tpu.dma_semaphore, #tpu.memory_space<semaphore_mem>>
      %dma_start3A = arith.constant 0 : i32
      %dma_start3A_277 = tpu.memref_slice %arg9[%add3A_182, %dma_start3A] : memref<5128x128xf32, #tpu.memory_space<vmem_shared>> -> memref<64x128xf32, #tpu.memory_space<vmem_shared>>
      %dma_start3A_278 = arith.constant 0 : i32
      %dma_start3A_279 = tpu.memref_slice %arg9[%add3A_182, %dma_start3A_278] : memref<5128x128xf32, #tpu.memory_space<vmem_shared>> -> memref<64x128xf32, #tpu.memory_space<vmem_shared>>
      tpu.enqueue_dma source(%dma_start3A_279 : memref<64x128xf32, #tpu.memory_space<vmem_shared>>) target(%arg8 : memref<64x128xf32, #tpu.memory_space<vmem>>) target_semaphore(%run_scoped3A : memref<!tpu.dma_semaphore, #tpu.memory_space<semaphore_mem>>)
      %dma_wait3A = arith.constant 0 : i32
      %dma_wait3A_280 = tpu.memref_slice %arg9[%add3A_182, %dma_wait3A] : memref<5128x128xf32, #tpu.memory_space<vmem_shared>> -> memref<64x128xf32, #tpu.memory_space<vmem_shared>>
      %dma_wait3A_281 = arith.constant 0 : i32
      %dma_wait3A_282 = tpu.memref_slice %arg9[%add3A_182, %dma_wait3A_281] : memref<5128x128xf32, #tpu.memory_space<vmem_shared>> -> memref<64x128xf32, #tpu.memory_space<vmem_shared>>
      tpu.wait_dma2 semaphore(%run_scoped3A : memref<!tpu.dma_semaphore, #tpu.memory_space<semaphore_mem>>) src(%dma_wait3A_282 : memref<64x128xf32, #tpu.memory_space<vmem_shared>>) dst(%arg8 : memref<64x128xf32, #tpu.memory_space<vmem>>)
      tpu.yield
    }) : () -> ()
    %add3A_183 = arith.constant 0 : i32
    %add3A_184 = arith.addi %add3A_183, %add3A_182 : i32
    "tpu.region"() ({
      %run_scoped3A = tpu.sem_alloc : memref<!tpu.dma_semaphore, #tpu.memory_space<semaphore_mem>>
      %dma_start3A = arith.constant 0 : i32
      %dma_start3A_277 = tpu.memref_slice %arg5[%arg0, %add3A_184, %dma_start3A] : memref<2x10240x128xf32, #tpu.memory_space<hbm>> -> memref<1x64x128xf32, #tpu.memory_space<hbm>>
      %dma_start3A_278 = tpu.memref_squeeze %dma_start3A_277 : memref<1x64x128xf32, #tpu.memory_space<hbm>> -> memref<64x128xf32, #tpu.memory_space<hbm>>
      %dma_start3A_279 = arith.constant 0 : i32
      %dma_start3A_280 = tpu.memref_slice %arg5[%arg0, %add3A_184, %dma_start3A_279] : memref<2x10240x128xf32, #tpu.memory_space<hbm>> -> memref<1x64x128xf32, #tpu.memory_space<hbm>>
      %dma_start3A_281 = tpu.memref_squeeze %dma_start3A_280 : memref<1x64x128xf32, #tpu.memory_space<hbm>> -> memref<64x128xf32, #tpu.memory_space<hbm>>
      tpu.enqueue_dma source(%arg8 : memref<64x128xf32, #tpu.memory_space<vmem>>) target(%dma_start3A_281 : memref<64x128xf32, #tpu.memory_space<hbm>>) target_semaphore(%run_scoped3A : memref<!tpu.dma_semaphore, #tpu.memory_space<semaphore_mem>>)
      %dma_wait3A = arith.constant 0 : i32
      %dma_wait3A_282 = tpu.memref_slice %arg5[%arg0, %add3A_184, %dma_wait3A] : memref<2x10240x128xf32, #tpu.memory_space<hbm>> -> memref<1x64x128xf32, #tpu.memory_space<hbm>>
      %dma_wait3A_283 = tpu.memref_squeeze %dma_wait3A_282 : memref<1x64x128xf32, #tpu.memory_space<hbm>> -> memref<64x128xf32, #tpu.memory_space<hbm>>
      %dma_wait3A_284 = arith.constant 0 : i32
      %dma_wait3A_285 = tpu.memref_slice %arg5[%arg0, %add3A_184, %dma_wait3A_284] : memref<2x10240x128xf32, #tpu.memory_space<hbm>> -> memref<1x64x128xf32, #tpu.memory_space<hbm>>
      %dma_wait3A_286 = tpu.memref_squeeze %dma_wait3A_285 : memref<1x64x128xf32, #tpu.memory_space<hbm>> -> memref<64x128xf32, #tpu.memory_space<hbm>>
      tpu.wait_dma2 semaphore(%run_scoped3A : memref<!tpu.dma_semaphore, #tpu.memory_space<semaphore_mem>>) src(%arg8 : memref<64x128xf32, #tpu.memory_space<vmem>>) dst(%dma_wait3A_286 : memref<64x128xf32, #tpu.memory_space<hbm>>)
      tpu.yield
    }) : () -> ()
    %mul3A_185 = arith.constant 320 : i32
    %mul3A_186 = arith.muli %arg1, %mul3A_185 : i32
    %add3A_187 = arith.constant 128 : i32
    %add3A_188 = arith.addi %mul3A_186, %add3A_187 : i32
    "tpu.region"() ({
      %run_scoped3A = tpu.sem_alloc : memref<!tpu.dma_semaphore, #tpu.memory_space<semaphore_mem>>
      %dma_start3A = arith.constant 0 : i32
      %dma_start3A_277 = tpu.memref_slice %arg9[%add3A_188, %dma_start3A] : memref<5128x128xf32, #tpu.memory_space<vmem_shared>> -> memref<64x128xf32, #tpu.memory_space<vmem_shared>>
      %dma_start3A_278 = arith.constant 0 : i32
      %dma_start3A_279 = tpu.memref_slice %arg9[%add3A_188, %dma_start3A_278] : memref<5128x128xf32, #tpu.memory_space<vmem_shared>> -> memref<64x128xf32, #tpu.memory_space<vmem_shared>>
      tpu.enqueue_dma source(%dma_start3A_279 : memref<64x128xf32, #tpu.memory_space<vmem_shared>>) target(%arg8 : memref<64x128xf32, #tpu.memory_space<vmem>>) target_semaphore(%run_scoped3A : memref<!tpu.dma_semaphore, #tpu.memory_space<semaphore_mem>>)
      %dma_wait3A = arith.constant 0 : i32
      %dma_wait3A_280 = tpu.memref_slice %arg9[%add3A_188, %dma_wait3A] : memref<5128x128xf32, #tpu.memory_space<vmem_shared>> -> memref<64x128xf32, #tpu.memory_space<vmem_shared>>
      %dma_wait3A_281 = arith.constant 0 : i32
      %dma_wait3A_282 = tpu.memref_slice %arg9[%add3A_188, %dma_wait3A_281] : memref<5128x128xf32, #tpu.memory_space<vmem_shared>> -> memref<64x128xf32, #tpu.memory_space<vmem_shared>>
      tpu.wait_dma2 semaphore(%run_scoped3A : memref<!tpu.dma_semaphore, #tpu.memory_space<semaphore_mem>>) src(%dma_wait3A_282 : memref<64x128xf32, #tpu.memory_space<vmem_shared>>) dst(%arg8 : memref<64x128xf32, #tpu.memory_space<vmem>>)
      tpu.yield
    }) : () -> ()
    %add3A_189 = arith.constant 0 : i32
    %add3A_190 = arith.addi %add3A_189, %add3A_188 : i32
    "tpu.region"() ({
      %run_scoped3A = tpu.sem_alloc : memref<!tpu.dma_semaphore, #tpu.memory_space<semaphore_mem>>
      %dma_start3A = arith.constant 0 : i32
      %dma_start3A_277 = tpu.memref_slice %arg5[%arg0, %add3A_190, %dma_start3A] : memref<2x10240x128xf32, #tpu.memory_space<hbm>> -> memref<1x64x128xf32, #tpu.memory_space<hbm>>
      %dma_start3A_278 = tpu.memref_squeeze %dma_start3A_277 : memref<1x64x128xf32, #tpu.memory_space<hbm>> -> memref<64x128xf32, #tpu.memory_space<hbm>>
      %dma_start3A_279 = arith.constant 0 : i32
      %dma_start3A_280 = tpu.memref_slice %arg5[%arg0, %add3A_190, %dma_start3A_279] : memref<2x10240x128xf32, #tpu.memory_space<hbm>> -> memref<1x64x128xf32, #tpu.memory_space<hbm>>
      %dma_start3A_281 = tpu.memref_squeeze %dma_start3A_280 : memref<1x64x128xf32, #tpu.memory_space<hbm>> -> memref<64x128xf32, #tpu.memory_space<hbm>>
      tpu.enqueue_dma source(%arg8 : memref<64x128xf32, #tpu.memory_space<vmem>>) target(%dma_start3A_281 : memref<64x128xf32, #tpu.memory_space<hbm>>) target_semaphore(%run_scoped3A : memref<!tpu.dma_semaphore, #tpu.memory_space<semaphore_mem>>)
      %dma_wait3A = arith.constant 0 : i32
      %dma_wait3A_282 = tpu.memref_slice %arg5[%arg0, %add3A_190, %dma_wait3A] : memref<2x10240x128xf32, #tpu.memory_space<hbm>> -> memref<1x64x128xf32, #tpu.memory_space<hbm>>
      %dma_wait3A_283 = tpu.memref_squeeze %dma_wait3A_282 : memref<1x64x128xf32, #tpu.memory_space<hbm>> -> memref<64x128xf32, #tpu.memory_space<hbm>>
      %dma_wait3A_284 = arith.constant 0 : i32
      %dma_wait3A_285 = tpu.memref_slice %arg5[%arg0, %add3A_190, %dma_wait3A_284] : memref<2x10240x128xf32, #tpu.memory_space<hbm>> -> memref<1x64x128xf32, #tpu.memory_space<hbm>>
      %dma_wait3A_286 = tpu.memref_squeeze %dma_wait3A_285 : memref<1x64x128xf32, #tpu.memory_space<hbm>> -> memref<64x128xf32, #tpu.memory_space<hbm>>
      tpu.wait_dma2 semaphore(%run_scoped3A : memref<!tpu.dma_semaphore, #tpu.memory_space<semaphore_mem>>) src(%arg8 : memref<64x128xf32, #tpu.memory_space<vmem>>) dst(%dma_wait3A_286 : memref<64x128xf32, #tpu.memory_space<hbm>>)
      tpu.yield
    }) : () -> ()
    %mul3A_191 = arith.constant 320 : i32
    %mul3A_192 = arith.muli %arg1, %mul3A_191 : i32
    %add3A_193 = arith.constant 192 : i32
    %add3A_194 = arith.addi %mul3A_192, %add3A_193 : i32
    "tpu.region"() ({
      %run_scoped3A = tpu.sem_alloc : memref<!tpu.dma_semaphore, #tpu.memory_space<semaphore_mem>>
      %dma_start3A = arith.constant 0 : i32
      %dma_start3A_277 = tpu.memref_slice %arg9[%add3A_194, %dma_start3A] : memref<5128x128xf32, #tpu.memory_space<vmem_shared>> -> memref<64x128xf32, #tpu.memory_space<vmem_shared>>
      %dma_start3A_278 = arith.constant 0 : i32
      %dma_start3A_279 = tpu.memref_slice %arg9[%add3A_194, %dma_start3A_278] : memref<5128x128xf32, #tpu.memory_space<vmem_shared>> -> memref<64x128xf32, #tpu.memory_space<vmem_shared>>
      tpu.enqueue_dma source(%dma_start3A_279 : memref<64x128xf32, #tpu.memory_space<vmem_shared>>) target(%arg8 : memref<64x128xf32, #tpu.memory_space<vmem>>) target_semaphore(%run_scoped3A : memref<!tpu.dma_semaphore, #tpu.memory_space<semaphore_mem>>)
      %dma_wait3A = arith.constant 0 : i32
      %dma_wait3A_280 = tpu.memref_slice %arg9[%add3A_194, %dma_wait3A] : memref<5128x128xf32, #tpu.memory_space<vmem_shared>> -> memref<64x128xf32, #tpu.memory_space<vmem_shared>>
      %dma_wait3A_281 = arith.constant 0 : i32
      %dma_wait3A_282 = tpu.memref_slice %arg9[%add3A_194, %dma_wait3A_281] : memref<5128x128xf32, #tpu.memory_space<vmem_shared>> -> memref<64x128xf32, #tpu.memory_space<vmem_shared>>
      tpu.wait_dma2 semaphore(%run_scoped3A : memref<!tpu.dma_semaphore, #tpu.memory_space<semaphore_mem>>) src(%dma_wait3A_282 : memref<64x128xf32, #tpu.memory_space<vmem_shared>>) dst(%arg8 : memref<64x128xf32, #tpu.memory_space<vmem>>)
      tpu.yield
    }) : () -> ()
    %add3A_195 = arith.constant 0 : i32
    %add3A_196 = arith.addi %add3A_195, %add3A_194 : i32
    "tpu.region"() ({
      %run_scoped3A = tpu.sem_alloc : memref<!tpu.dma_semaphore, #tpu.memory_space<semaphore_mem>>
      %dma_start3A = arith.constant 0 : i32
      %dma_start3A_277 = tpu.memref_slice %arg5[%arg0, %add3A_196, %dma_start3A] : memref<2x10240x128xf32, #tpu.memory_space<hbm>> -> memref<1x64x128xf32, #tpu.memory_space<hbm>>
      %dma_start3A_278 = tpu.memref_squeeze %dma_start3A_277 : memref<1x64x128xf32, #tpu.memory_space<hbm>> -> memref<64x128xf32, #tpu.memory_space<hbm>>
      %dma_start3A_279 = arith.constant 0 : i32
      %dma_start3A_280 = tpu.memref_slice %arg5[%arg0, %add3A_196, %dma_start3A_279] : memref<2x10240x128xf32, #tpu.memory_space<hbm>> -> memref<1x64x128xf32, #tpu.memory_space<hbm>>
      %dma_start3A_281 = tpu.memref_squeeze %dma_start3A_280 : memref<1x64x128xf32, #tpu.memory_space<hbm>> -> memref<64x128xf32, #tpu.memory_space<hbm>>
      tpu.enqueue_dma source(%arg8 : memref<64x128xf32, #tpu.memory_space<vmem>>) target(%dma_start3A_281 : memref<64x128xf32, #tpu.memory_space<hbm>>) target_semaphore(%run_scoped3A : memref<!tpu.dma_semaphore, #tpu.memory_space<semaphore_mem>>)
      %dma_wait3A = arith.constant 0 : i32
      %dma_wait3A_282 = tpu.memref_slice %arg5[%arg0, %add3A_196, %dma_wait3A] : memref<2x10240x128xf32, #tpu.memory_space<hbm>> -> memref<1x64x128xf32, #tpu.memory_space<hbm>>
      %dma_wait3A_283 = tpu.memref_squeeze %dma_wait3A_282 : memref<1x64x128xf32, #tpu.memory_space<hbm>> -> memref<64x128xf32, #tpu.memory_space<hbm>>
      %dma_wait3A_284 = arith.constant 0 : i32
      %dma_wait3A_285 = tpu.memref_slice %arg5[%arg0, %add3A_196, %dma_wait3A_284] : memref<2x10240x128xf32, #tpu.memory_space<hbm>> -> memref<1x64x128xf32, #tpu.memory_space<hbm>>
      %dma_wait3A_286 = tpu.memref_squeeze %dma_wait3A_285 : memref<1x64x128xf32, #tpu.memory_space<hbm>> -> memref<64x128xf32, #tpu.memory_space<hbm>>
      tpu.wait_dma2 semaphore(%run_scoped3A : memref<!tpu.dma_semaphore, #tpu.memory_space<semaphore_mem>>) src(%arg8 : memref<64x128xf32, #tpu.memory_space<vmem>>) dst(%dma_wait3A_286 : memref<64x128xf32, #tpu.memory_space<hbm>>)
      tpu.yield
    }) : () -> ()
    %mul3A_197 = arith.constant 320 : i32
    %mul3A_198 = arith.muli %arg1, %mul3A_197 : i32
    %add3A_199 = arith.constant 256 : i32
    %add3A_200 = arith.addi %mul3A_198, %add3A_199 : i32
    "tpu.region"() ({
      %run_scoped3A = tpu.sem_alloc : memref<!tpu.dma_semaphore, #tpu.memory_space<semaphore_mem>>
      %dma_start3A = arith.constant 0 : i32
      %dma_start3A_277 = tpu.memref_slice %arg9[%add3A_200, %dma_start3A] : memref<5128x128xf32, #tpu.memory_space<vmem_shared>> -> memref<64x128xf32, #tpu.memory_space<vmem_shared>>
      %dma_start3A_278 = arith.constant 0 : i32
      %dma_start3A_279 = tpu.memref_slice %arg9[%add3A_200, %dma_start3A_278] : memref<5128x128xf32, #tpu.memory_space<vmem_shared>> -> memref<64x128xf32, #tpu.memory_space<vmem_shared>>
      tpu.enqueue_dma source(%dma_start3A_279 : memref<64x128xf32, #tpu.memory_space<vmem_shared>>) target(%arg8 : memref<64x128xf32, #tpu.memory_space<vmem>>) target_semaphore(%run_scoped3A : memref<!tpu.dma_semaphore, #tpu.memory_space<semaphore_mem>>)
      %dma_wait3A = arith.constant 0 : i32
      %dma_wait3A_280 = tpu.memref_slice %arg9[%add3A_200, %dma_wait3A] : memref<5128x128xf32, #tpu.memory_space<vmem_shared>> -> memref<64x128xf32, #tpu.memory_space<vmem_shared>>
      %dma_wait3A_281 = arith.constant 0 : i32
      %dma_wait3A_282 = tpu.memref_slice %arg9[%add3A_200, %dma_wait3A_281] : memref<5128x128xf32, #tpu.memory_space<vmem_shared>> -> memref<64x128xf32, #tpu.memory_space<vmem_shared>>
      tpu.wait_dma2 semaphore(%run_scoped3A : memref<!tpu.dma_semaphore, #tpu.memory_space<semaphore_mem>>) src(%dma_wait3A_282 : memref<64x128xf32, #tpu.memory_space<vmem_shared>>) dst(%arg8 : memref<64x128xf32, #tpu.memory_space<vmem>>)
      tpu.yield
    }) : () -> ()
    %add3A_201 = arith.constant 0 : i32
    %add3A_202 = arith.addi %add3A_201, %add3A_200 : i32
    "tpu.region"() ({
      %run_scoped3A = tpu.sem_alloc : memref<!tpu.dma_semaphore, #tpu.memory_space<semaphore_mem>>
      %dma_start3A = arith.constant 0 : i32
      %dma_start3A_277 = tpu.memref_slice %arg5[%arg0, %add3A_202, %dma_start3A] : memref<2x10240x128xf32, #tpu.memory_space<hbm>> -> memref<1x64x128xf32, #tpu.memory_space<hbm>>
      %dma_start3A_278 = tpu.memref_squeeze %dma_start3A_277 : memref<1x64x128xf32, #tpu.memory_space<hbm>> -> memref<64x128xf32, #tpu.memory_space<hbm>>
      %dma_start3A_279 = arith.constant 0 : i32
      %dma_start3A_280 = tpu.memref_slice %arg5[%arg0, %add3A_202, %dma_start3A_279] : memref<2x10240x128xf32, #tpu.memory_space<hbm>> -> memref<1x64x128xf32, #tpu.memory_space<hbm>>
      %dma_start3A_281 = tpu.memref_squeeze %dma_start3A_280 : memref<1x64x128xf32, #tpu.memory_space<hbm>> -> memref<64x128xf32, #tpu.memory_space<hbm>>
      tpu.enqueue_dma source(%arg8 : memref<64x128xf32, #tpu.memory_space<vmem>>) target(%dma_start3A_281 : memref<64x128xf32, #tpu.memory_space<hbm>>) target_semaphore(%run_scoped3A : memref<!tpu.dma_semaphore, #tpu.memory_space<semaphore_mem>>)
      %dma_wait3A = arith.constant 0 : i32
      %dma_wait3A_282 = tpu.memref_slice %arg5[%arg0, %add3A_202, %dma_wait3A] : memref<2x10240x128xf32, #tpu.memory_space<hbm>> -> memref<1x64x128xf32, #tpu.memory_space<hbm>>
      %dma_wait3A_283 = tpu.memref_squeeze %dma_wait3A_282 : memref<1x64x128xf32, #tpu.memory_space<hbm>> -> memref<64x128xf32, #tpu.memory_space<hbm>>
      %dma_wait3A_284 = arith.constant 0 : i32
      %dma_wait3A_285 = tpu.memref_slice %arg5[%arg0, %add3A_202, %dma_wait3A_284] : memref<2x10240x128xf32, #tpu.memory_space<hbm>> -> memref<1x64x128xf32, #tpu.memory_space<hbm>>
      %dma_wait3A_286 = tpu.memref_squeeze %dma_wait3A_285 : memref<1x64x128xf32, #tpu.memory_space<hbm>> -> memref<64x128xf32, #tpu.memory_space<hbm>>
      tpu.wait_dma2 semaphore(%run_scoped3A : memref<!tpu.dma_semaphore, #tpu.memory_space<semaphore_mem>>) src(%arg8 : memref<64x128xf32, #tpu.memory_space<vmem>>) dst(%dma_wait3A_286 : memref<64x128xf32, #tpu.memory_space<hbm>>)
      tpu.yield
    }) : () -> ()
    %scan3A_203 = arith.constant 0 : i32
    %scan3A_204 = arith.constant 64 : i32
    %scan3A_205 = arith.addi %scan3A_203, %scan3A_204 : i32
    %scan3A_206 = arith.constant 1 : i32
    scf.for %scan3A_277 = %scan3A_203 to %scan3A_205 step %scan3A_206  : i32 {
      %mul3A_278 = arith.constant 1 : i32
      %mul3A_279 = arith.muli %scan3A_277, %mul3A_278 : i32
      %add3A_280 = arith.constant 0 : i32
      %add3A_281 = arith.addi %add3A_280, %mul3A_279 : i32
      %broadcast_in_dim3A = arith.constant 0.000000e+00 : f32
      %broadcast_in_dim3A_282 = vector.broadcast %broadcast_in_dim3A : f32 to vector<16xf32>
      %swap3A = arith.index_cast %add3A_281 : i32 to index
      %swap3A_283 = arith.constant 0 : index
      %swap3A_284 = tpu.vector_load %arg8[%swap3A, %swap3A_283] {strides = array<i32>} : memref<64x128xf32, #tpu.memory_space<vmem>>, vector<1x16xf32>,
      %swap3A_285 = vector.shape_cast %swap3A_284 : vector<1x16xf32> to vector<16xf32>
      %swap3A_286 = vector.shape_cast %broadcast_in_dim3A_282 : vector<16xf32> to vector<1x16xf32>
      tpu.vector_store %arg8[%swap3A, %swap3A_283], %swap3A_286 {strides = array<i32>} : memref<64x128xf32, #tpu.memory_space<vmem>>, vector<1x16xf32>,
      %broadcast_in_dim3A_287 = arith.constant 0.000000e+00 : f32
      %broadcast_in_dim3A_288 = vector.broadcast %broadcast_in_dim3A_287 : f32 to vector<16xf32>
      %swap3A_289 = arith.index_cast %add3A_281 : i32 to index
      %swap3A_290 = arith.constant 16 : index
      %swap3A_291 = tpu.vector_load %arg8[%swap3A_289, %swap3A_290] {strides = array<i32>} : memref<64x128xf32, #tpu.memory_space<vmem>>, vector<1x16xf32>,
      %swap3A_292 = vector.shape_cast %swap3A_291 : vector<1x16xf32> to vector<16xf32>
      %swap3A_293 = vector.shape_cast %broadcast_in_dim3A_288 : vector<16xf32> to vector<1x16xf32>
      tpu.vector_store %arg8[%swap3A_289, %swap3A_290], %swap3A_293 {strides = array<i32>} : memref<64x128xf32, #tpu.memory_space<vmem>>, vector<1x16xf32>,
      %broadcast_in_dim3A_294 = arith.constant 0.000000e+00 : f32
      %broadcast_in_dim3A_295 = vector.broadcast %broadcast_in_dim3A_294 : f32 to vector<16xf32>
      %swap3A_296 = arith.index_cast %add3A_281 : i32 to index
      %swap3A_297 = arith.constant 32 : index
      %swap3A_298 = tpu.vector_load %arg8[%swap3A_296, %swap3A_297] {strides = array<i32>} : memref<64x128xf32, #tpu.memory_space<vmem>>, vector<1x16xf32>,
      %swap3A_299 = vector.shape_cast %swap3A_298 : vector<1x16xf32> to vector<16xf32>
      %swap3A_300 = vector.shape_cast %broadcast_in_dim3A_295 : vector<16xf32> to vector<1x16xf32>
      tpu.vector_store %arg8[%swap3A_296, %swap3A_297], %swap3A_300 {strides = array<i32>} : memref<64x128xf32, #tpu.memory_space<vmem>>, vector<1x16xf32>,
      %broadcast_in_dim3A_301 = arith.constant 0.000000e+00 : f32
      %broadcast_in_dim3A_302 = vector.broadcast %broadcast_in_dim3A_301 : f32 to vector<16xf32>
      %swap3A_303 = arith.index_cast %add3A_281 : i32 to index
      %swap3A_304 = arith.constant 48 : index
      %swap3A_305 = tpu.vector_load %arg8[%swap3A_303, %swap3A_304] {strides = array<i32>} : memref<64x128xf32, #tpu.memory_space<vmem>>, vector<1x16xf32>,
      %swap3A_306 = vector.shape_cast %swap3A_305 : vector<1x16xf32> to vector<16xf32>
      %swap3A_307 = vector.shape_cast %broadcast_in_dim3A_302 : vector<16xf32> to vector<1x16xf32>
      tpu.vector_store %arg8[%swap3A_303, %swap3A_304], %swap3A_307 {strides = array<i32>} : memref<64x128xf32, #tpu.memory_space<vmem>>, vector<1x16xf32>,
      %broadcast_in_dim3A_308 = arith.constant 0.000000e+00 : f32
      %broadcast_in_dim3A_309 = vector.broadcast %broadcast_in_dim3A_308 : f32 to vector<16xf32>
      %swap3A_310 = arith.index_cast %add3A_281 : i32 to index
      %swap3A_311 = arith.constant 64 : index
      %swap3A_312 = tpu.vector_load %arg8[%swap3A_310, %swap3A_311] {strides = array<i32>} : memref<64x128xf32, #tpu.memory_space<vmem>>, vector<1x16xf32>,
      %swap3A_313 = vector.shape_cast %swap3A_312 : vector<1x16xf32> to vector<16xf32>
      %swap3A_314 = vector.shape_cast %broadcast_in_dim3A_309 : vector<16xf32> to vector<1x16xf32>
      tpu.vector_store %arg8[%swap3A_310, %swap3A_311], %swap3A_314 {strides = array<i32>} : memref<64x128xf32, #tpu.memory_space<vmem>>, vector<1x16xf32>,
      %broadcast_in_dim3A_315 = arith.constant 0.000000e+00 : f32
      %broadcast_in_dim3A_316 = vector.broadcast %broadcast_in_dim3A_315 : f32 to vector<16xf32>
      %swap3A_317 = arith.index_cast %add3A_281 : i32 to index
      %swap3A_318 = arith.constant 80 : index
      %swap3A_319 = tpu.vector_load %arg8[%swap3A_317, %swap3A_318] {strides = array<i32>} : memref<64x128xf32, #tpu.memory_space<vmem>>, vector<1x16xf32>,
      %swap3A_320 = vector.shape_cast %swap3A_319 : vector<1x16xf32> to vector<16xf32>
      %swap3A_321 = vector.shape_cast %broadcast_in_dim3A_316 : vector<16xf32> to vector<1x16xf32>
      tpu.vector_store %arg8[%swap3A_317, %swap3A_318], %swap3A_321 {strides = array<i32>} : memref<64x128xf32, #tpu.memory_space<vmem>>, vector<1x16xf32>,
      %broadcast_in_dim3A_322 = arith.constant 0.000000e+00 : f32
      %broadcast_in_dim3A_323 = vector.broadcast %broadcast_in_dim3A_322 : f32 to vector<16xf32>
      %swap3A_324 = arith.index_cast %add3A_281 : i32 to index
      %swap3A_325 = arith.constant 96 : index
      %swap3A_326 = tpu.vector_load %arg8[%swap3A_324, %swap3A_325] {strides = array<i32>} : memref<64x128xf32, #tpu.memory_space<vmem>>, vector<1x16xf32>,
      %swap3A_327 = vector.shape_cast %swap3A_326 : vector<1x16xf32> to vector<16xf32>
      %swap3A_328 = vector.shape_cast %broadcast_in_dim3A_323 : vector<16xf32> to vector<1x16xf32>
      tpu.vector_store %arg8[%swap3A_324, %swap3A_325], %swap3A_328 {strides = array<i32>} : memref<64x128xf32, #tpu.memory_space<vmem>>, vector<1x16xf32>,
      %broadcast_in_dim3A_329 = arith.constant 0.000000e+00 : f32
      %broadcast_in_dim3A_330 = vector.broadcast %broadcast_in_dim3A_329 : f32 to vector<16xf32>
      %swap3A_331 = arith.index_cast %add3A_281 : i32 to index
      %swap3A_332 = arith.constant 112 : index
      %swap3A_333 = tpu.vector_load %arg8[%swap3A_331, %swap3A_332] {strides = array<i32>} : memref<64x128xf32, #tpu.memory_space<vmem>>, vector<1x16xf32>,
      %swap3A_334 = vector.shape_cast %swap3A_333 : vector<1x16xf32> to vector<16xf32>
      %swap3A_335 = vector.shape_cast %broadcast_in_dim3A_330 : vector<16xf32> to vector<1x16xf32>
      tpu.vector_store %arg8[%swap3A_331, %swap3A_332], %swap3A_335 {strides = array<i32>} : memref<64x128xf32, #tpu.memory_space<vmem>>, vector<1x16xf32>,
    }
    %scan3A_207 = arith.constant 64 : i32
    %barrier3A_208 = arith.constant 0 : index
    tpu.barrier barrier_id(%barrier3A_208)
    %mul3A_209 = arith.constant 320 : i32
    %mul3A_210 = arith.muli %arg1, %mul3A_209 : i32
    %add3A_211 = arith.constant 0 : i32
    %add3A_212 = arith.addi %mul3A_210, %add3A_211 : i32
    "tpu.region"() ({
      %run_scoped3A = tpu.sem_alloc : memref<!tpu.dma_semaphore, #tpu.memory_space<semaphore_mem>>
      %dma_start3A = arith.constant 0 : i32
      %dma_start3A_277 = tpu.memref_slice %arg9[%add3A_212, %dma_start3A] : memref<5128x128xf32, #tpu.memory_space<vmem_shared>> -> memref<64x128xf32, #tpu.memory_space<vmem_shared>>
      %dma_start3A_278 = arith.constant 0 : i32
      %dma_start3A_279 = tpu.memref_slice %arg9[%add3A_212, %dma_start3A_278] : memref<5128x128xf32, #tpu.memory_space<vmem_shared>> -> memref<64x128xf32, #tpu.memory_space<vmem_shared>>
      tpu.enqueue_dma source(%arg8 : memref<64x128xf32, #tpu.memory_space<vmem>>) target(%dma_start3A_279 : memref<64x128xf32, #tpu.memory_space<vmem_shared>>) target_semaphore(%run_scoped3A : memref<!tpu.dma_semaphore, #tpu.memory_space<semaphore_mem>>)
      %dma_wait3A = arith.constant 0 : i32
      %dma_wait3A_280 = tpu.memref_slice %arg9[%add3A_212, %dma_wait3A] : memref<5128x128xf32, #tpu.memory_space<vmem_shared>> -> memref<64x128xf32, #tpu.memory_space<vmem_shared>>
      %dma_wait3A_281 = arith.constant 0 : i32
      %dma_wait3A_282 = tpu.memref_slice %arg9[%add3A_212, %dma_wait3A_281] : memref<5128x128xf32, #tpu.memory_space<vmem_shared>> -> memref<64x128xf32, #tpu.memory_space<vmem_shared>>
      tpu.wait_dma2 semaphore(%run_scoped3A : memref<!tpu.dma_semaphore, #tpu.memory_space<semaphore_mem>>) src(%arg8 : memref<64x128xf32, #tpu.memory_space<vmem>>) dst(%dma_wait3A_282 : memref<64x128xf32, #tpu.memory_space<vmem_shared>>)
      tpu.yield
    }) : () -> ()
    %mul3A_213 = arith.constant 320 : i32
    %mul3A_214 = arith.muli %arg1, %mul3A_213 : i32
    %add3A_215 = arith.constant 64 : i32
    %add3A_216 = arith.addi %mul3A_214, %add3A_215 : i32
    "tpu.region"() ({
      %run_scoped3A = tpu.sem_alloc : memref<!tpu.dma_semaphore, #tpu.memory_space<semaphore_mem>>
      %dma_start3A = arith.constant 0 : i32
      %dma_start3A_277 = tpu.memref_slice %arg9[%add3A_216, %dma_start3A] : memref<5128x128xf32, #tpu.memory_space<vmem_shared>> -> memref<64x128xf32, #tpu.memory_space<vmem_shared>>
      %dma_start3A_278 = arith.constant 0 : i32
      %dma_start3A_279 = tpu.memref_slice %arg9[%add3A_216, %dma_start3A_278] : memref<5128x128xf32, #tpu.memory_space<vmem_shared>> -> memref<64x128xf32, #tpu.memory_space<vmem_shared>>
      tpu.enqueue_dma source(%arg8 : memref<64x128xf32, #tpu.memory_space<vmem>>) target(%dma_start3A_279 : memref<64x128xf32, #tpu.memory_space<vmem_shared>>) target_semaphore(%run_scoped3A : memref<!tpu.dma_semaphore, #tpu.memory_space<semaphore_mem>>)
      %dma_wait3A = arith.constant 0 : i32
      %dma_wait3A_280 = tpu.memref_slice %arg9[%add3A_216, %dma_wait3A] : memref<5128x128xf32, #tpu.memory_space<vmem_shared>> -> memref<64x128xf32, #tpu.memory_space<vmem_shared>>
      %dma_wait3A_281 = arith.constant 0 : i32
      %dma_wait3A_282 = tpu.memref_slice %arg9[%add3A_216, %dma_wait3A_281] : memref<5128x128xf32, #tpu.memory_space<vmem_shared>> -> memref<64x128xf32, #tpu.memory_space<vmem_shared>>
      tpu.wait_dma2 semaphore(%run_scoped3A : memref<!tpu.dma_semaphore, #tpu.memory_space<semaphore_mem>>) src(%arg8 : memref<64x128xf32, #tpu.memory_space<vmem>>) dst(%dma_wait3A_282 : memref<64x128xf32, #tpu.memory_space<vmem_shared>>)
      tpu.yield
    }) : () -> ()
    %mul3A_217 = arith.constant 320 : i32
    %mul3A_218 = arith.muli %arg1, %mul3A_217 : i32
    %add3A_219 = arith.constant 128 : i32
    %add3A_220 = arith.addi %mul3A_218, %add3A_219 : i32
    "tpu.region"() ({
      %run_scoped3A = tpu.sem_alloc : memref<!tpu.dma_semaphore, #tpu.memory_space<semaphore_mem>>
      %dma_start3A = arith.constant 0 : i32
      %dma_start3A_277 = tpu.memref_slice %arg9[%add3A_220, %dma_start3A] : memref<5128x128xf32, #tpu.memory_space<vmem_shared>> -> memref<64x128xf32, #tpu.memory_space<vmem_shared>>
      %dma_start3A_278 = arith.constant 0 : i32
      %dma_start3A_279 = tpu.memref_slice %arg9[%add3A_220, %dma_start3A_278] : memref<5128x128xf32, #tpu.memory_space<vmem_shared>> -> memref<64x128xf32, #tpu.memory_space<vmem_shared>>
      tpu.enqueue_dma source(%arg8 : memref<64x128xf32, #tpu.memory_space<vmem>>) target(%dma_start3A_279 : memref<64x128xf32, #tpu.memory_space<vmem_shared>>) target_semaphore(%run_scoped3A : memref<!tpu.dma_semaphore, #tpu.memory_space<semaphore_mem>>)
      %dma_wait3A = arith.constant 0 : i32
      %dma_wait3A_280 = tpu.memref_slice %arg9[%add3A_220, %dma_wait3A] : memref<5128x128xf32, #tpu.memory_space<vmem_shared>> -> memref<64x128xf32, #tpu.memory_space<vmem_shared>>
      %dma_wait3A_281 = arith.constant 0 : i32
      %dma_wait3A_282 = tpu.memref_slice %arg9[%add3A_220, %dma_wait3A_281] : memref<5128x128xf32, #tpu.memory_space<vmem_shared>> -> memref<64x128xf32, #tpu.memory_space<vmem_shared>>
      tpu.wait_dma2 semaphore(%run_scoped3A : memref<!tpu.dma_semaphore, #tpu.memory_space<semaphore_mem>>) src(%arg8 : memref<64x128xf32, #tpu.memory_space<vmem>>) dst(%dma_wait3A_282 : memref<64x128xf32, #tpu.memory_space<vmem_shared>>)
      tpu.yield
    }) : () -> ()
    %mul3A_221 = arith.constant 320 : i32
    %mul3A_222 = arith.muli %arg1, %mul3A_221 : i32
    %add3A_223 = arith.constant 192 : i32
    %add3A_224 = arith.addi %mul3A_222, %add3A_223 : i32
    "tpu.region"() ({
      %run_scoped3A = tpu.sem_alloc : memref<!tpu.dma_semaphore, #tpu.memory_space<semaphore_mem>>
      %dma_start3A = arith.constant 0 : i32
      %dma_start3A_277 = tpu.memref_slice %arg9[%add3A_224, %dma_start3A] : memref<5128x128xf32, #tpu.memory_space<vmem_shared>> -> memref<64x128xf32, #tpu.memory_space<vmem_shared>>
      %dma_start3A_278 = arith.constant 0 : i32
      %dma_start3A_279 = tpu.memref_slice %arg9[%add3A_224, %dma_start3A_278] : memref<5128x128xf32, #tpu.memory_space<vmem_shared>> -> memref<64x128xf32, #tpu.memory_space<vmem_shared>>
      tpu.enqueue_dma source(%arg8 : memref<64x128xf32, #tpu.memory_space<vmem>>) target(%dma_start3A_279 : memref<64x128xf32, #tpu.memory_space<vmem_shared>>) target_semaphore(%run_scoped3A : memref<!tpu.dma_semaphore, #tpu.memory_space<semaphore_mem>>)
      %dma_wait3A = arith.constant 0 : i32
      %dma_wait3A_280 = tpu.memref_slice %arg9[%add3A_224, %dma_wait3A] : memref<5128x128xf32, #tpu.memory_space<vmem_shared>> -> memref<64x128xf32, #tpu.memory_space<vmem_shared>>
      %dma_wait3A_281 = arith.constant 0 : i32
      %dma_wait3A_282 = tpu.memref_slice %arg9[%add3A_224, %dma_wait3A_281] : memref<5128x128xf32, #tpu.memory_space<vmem_shared>> -> memref<64x128xf32, #tpu.memory_space<vmem_shared>>
      tpu.wait_dma2 semaphore(%run_scoped3A : memref<!tpu.dma_semaphore, #tpu.memory_space<semaphore_mem>>) src(%arg8 : memref<64x128xf32, #tpu.memory_space<vmem>>) dst(%dma_wait3A_282 : memref<64x128xf32, #tpu.memory_space<vmem_shared>>)
      tpu.yield
    }) : () -> ()
    %mul3A_225 = arith.constant 320 : i32
    %mul3A_226 = arith.muli %arg1, %mul3A_225 : i32
    %add3A_227 = arith.constant 256 : i32
    %add3A_228 = arith.addi %mul3A_226, %add3A_227 : i32
    "tpu.region"() ({
      %run_scoped3A = tpu.sem_alloc : memref<!tpu.dma_semaphore, #tpu.memory_space<semaphore_mem>>
      %dma_start3A = arith.constant 0 : i32
      %dma_start3A_277 = tpu.memref_slice %arg9[%add3A_228, %dma_start3A] : memref<5128x128xf32, #tpu.memory_space<vmem_shared>> -> memref<64x128xf32, #tpu.memory_space<vmem_shared>>
      %dma_start3A_278 = arith.constant 0 : i32
      %dma_start3A_279 = tpu.memref_slice %arg9[%add3A_228, %dma_start3A_278] : memref<5128x128xf32, #tpu.memory_space<vmem_shared>> -> memref<64x128xf32, #tpu.memory_space<vmem_shared>>
      tpu.enqueue_dma source(%arg8 : memref<64x128xf32, #tpu.memory_space<vmem>>) target(%dma_start3A_279 : memref<64x128xf32, #tpu.memory_space<vmem_shared>>) target_semaphore(%run_scoped3A : memref<!tpu.dma_semaphore, #tpu.memory_space<semaphore_mem>>)
      %dma_wait3A = arith.constant 0 : i32
      %dma_wait3A_280 = tpu.memref_slice %arg9[%add3A_228, %dma_wait3A] : memref<5128x128xf32, #tpu.memory_space<vmem_shared>> -> memref<64x128xf32, #tpu.memory_space<vmem_shared>>
      %dma_wait3A_281 = arith.constant 0 : i32
      %dma_wait3A_282 = tpu.memref_slice %arg9[%add3A_228, %dma_wait3A_281] : memref<5128x128xf32, #tpu.memory_space<vmem_shared>> -> memref<64x128xf32, #tpu.memory_space<vmem_shared>>
      tpu.wait_dma2 semaphore(%run_scoped3A : memref<!tpu.dma_semaphore, #tpu.memory_space<semaphore_mem>>) src(%arg8 : memref<64x128xf32, #tpu.memory_space<vmem>>) dst(%dma_wait3A_282 : memref<64x128xf32, #tpu.memory_space<vmem_shared>>)
      tpu.yield
    }) : () -> ()
    %eq3A_229 = arith.constant 0 : i32
    %eq3A_230 = arith.cmpi eq, %arg1, %eq3A_229 : i32
    %convert_element_type3A_231 = arith.extui %eq3A_230 : i1 to i32
    %cond3A_232 = arith.constant 0 : i32
    %cond3A_233 = arith.cmpi ne, %convert_element_type3A_231, %cond3A_232 : i32
    scf.if %cond3A_233 {
      "tpu.region"() ({
        %run_scoped3A = tpu.sem_alloc : memref<!tpu.dma_semaphore, #tpu.memory_space<semaphore_mem>>
        %dma_start3A = arith.constant 0 : i32
        %dma_start3A_277 = arith.constant 0 : i32
        %dma_start3A_278 = tpu.memref_slice %arg8[%dma_start3A, %dma_start3A_277] : memref<64x128xf32, #tpu.memory_space<vmem>> -> memref<8x128xf32, #tpu.memory_space<vmem>>
        %dma_start3A_279 = arith.constant 5120 : i32
        %dma_start3A_280 = arith.constant 0 : i32
        %dma_start3A_281 = tpu.memref_slice %arg9[%dma_start3A_279, %dma_start3A_280] : memref<5128x128xf32, #tpu.memory_space<vmem_shared>> -> memref<8x128xf32, #tpu.memory_space<vmem_shared>>
        %dma_start3A_282 = arith.constant 5120 : i32
        %dma_start3A_283 = arith.constant 0 : i32
        %dma_start3A_284 = tpu.memref_slice %arg9[%dma_start3A_282, %dma_start3A_283] : memref<5128x128xf32, #tpu.memory_space<vmem_shared>> -> memref<8x128xf32, #tpu.memory_space<vmem_shared>>
        %dma_start3A_285 = arith.constant 0 : i32
        %dma_start3A_286 = arith.constant 0 : i32
        %dma_start3A_287 = tpu.memref_slice %arg8[%dma_start3A_285, %dma_start3A_286] : memref<64x128xf32, #tpu.memory_space<vmem>> -> memref<8x128xf32, #tpu.memory_space<vmem>>
        tpu.enqueue_dma source(%dma_start3A_287 : memref<8x128xf32, #tpu.memory_space<vmem>>) target(%dma_start3A_284 : memref<8x128xf32, #tpu.memory_space<vmem_shared>>) target_semaphore(%run_scoped3A : memref<!tpu.dma_semaphore, #tpu.memory_space<semaphore_mem>>)
        %dma_wait3A = arith.constant 0 : i32
        %dma_wait3A_288 = arith.constant 0 : i32
        %dma_wait3A_289 = tpu.memref_slice %arg8[%dma_wait3A, %dma_wait3A_288] : memref<64x128xf32, #tpu.memory_space<vmem>> -> memref<8x128xf32, #tpu.memory_space<vmem>>
        %dma_wait3A_290 = arith.constant 5120 : i32
        %dma_wait3A_291 = arith.constant 0 : i32
        %dma_wait3A_292 = tpu.memref_slice %arg9[%dma_wait3A_290, %dma_wait3A_291] : memref<5128x128xf32, #tpu.memory_space<vmem_shared>> -> memref<8x128xf32, #tpu.memory_space<vmem_shared>>
        %dma_wait3A_293 = arith.constant 5120 : i32
        %dma_wait3A_294 = arith.constant 0 : i32
        %dma_wait3A_295 = tpu.memref_slice %arg9[%dma_wait3A_293, %dma_wait3A_294] : memref<5128x128xf32, #tpu.memory_space<vmem_shared>> -> memref<8x128xf32, #tpu.memory_space<vmem_shared>>
        %dma_wait3A_296 = arith.constant 0 : i32
        %dma_wait3A_297 = arith.constant 0 : i32
        %dma_wait3A_298 = tpu.memref_slice %arg8[%dma_wait3A_296, %dma_wait3A_297] : memref<64x128xf32, #tpu.memory_space<vmem>> -> memref<8x128xf32, #tpu.memory_space<vmem>>
        tpu.wait_dma2 semaphore(%run_scoped3A : memref<!tpu.dma_semaphore, #tpu.memory_space<semaphore_mem>>) src(%dma_wait3A_298 : memref<8x128xf32, #tpu.memory_space<vmem>>) dst(%dma_wait3A_295 : memref<8x128xf32, #tpu.memory_space<vmem_shared>>)
        tpu.yield
      }) : () -> ()
    } else {
    }
    %barrier3A_234 = arith.constant 0 : index
    tpu.barrier barrier_id(%barrier3A_234)
    %scan3A_235 = arith.constant 0 : i32
    %scan3A_236 = arith.constant 125 : i32
    %scan3A_237 = arith.addi %scan3A_235, %scan3A_236 : i32
    %scan3A_238 = arith.constant 1 : i32
    scf.for %scan3A_277 = %scan3A_235 to %scan3A_237 step %scan3A_238  : i32 {
      %mul3A_278 = arith.constant 1 : i32
      %mul3A_279 = arith.muli %scan3A_277, %mul3A_278 : i32
      %add3A_280 = arith.constant 0 : i32
      %add3A_281 = arith.addi %add3A_280, %mul3A_279 : i32
      %mul3A_282 = arith.constant 160 : i32
      %mul3A_283 = arith.muli %add3A_281, %mul3A_282 : i32
      %add3A_284 = arith.addi %mul3A_4, %mul3A_283 : i32
      %add3A_285 = arith.constant 2 : i32
      %add3A_286 = arith.addi %add3A_285, %arg0 : i32
      %mul3A_287 = arith.constant 320000 : i32
      %mul3A_288 = arith.muli %add3A_286, %mul3A_287 : i32
      %add3A_289 = arith.addi %mul3A_288, %add3A_284 : i32
      %add3A_290 = arith.constant 0 : i32
      %add3A_291 = arith.addi %add3A_289, %add3A_290 : i32
      %dma_start3A = arith.constant 0 : i32
      %dma_start3A_292 = arith.constant 0 : i32
      %dma_start3A_293 = tpu.memref_slice %arg6[%dma_start3A, %dma_start3A_292] : memref<2x80xi32, #tpu.memory_space<vmem>> -> memref<1x80xi32, #tpu.memory_space<vmem>>
      %dma_start3A_294 = tpu.memref_squeeze %dma_start3A_293 : memref<1x80xi32, #tpu.memory_space<vmem>> -> memref<80xi32, #tpu.memory_space<vmem>>
      %dma_start3A_295 = tpu.memref_slice %arg3[%add3A_291] : memref<1280000xi32, #tpu.memory_space<hbm>> -> memref<80xi32, #tpu.memory_space<hbm>>
      %dma_start3A_296 = arith.constant 0 : i32
      %dma_start3A_297 = tpu.memref_slice %arg6[%dma_start3A, %dma_start3A_296] : memref<2x80xi32, #tpu.memory_space<vmem>> -> memref<1x80xi32, #tpu.memory_space<vmem>>
      %dma_start3A_298 = tpu.memref_squeeze %dma_start3A_297 : memref<1x80xi32, #tpu.memory_space<vmem>> -> memref<80xi32, #tpu.memory_space<vmem>>
      %dma_start3A_299 = tpu.memref_slice %arg3[%add3A_291] : memref<1280000xi32, #tpu.memory_space<hbm>> -> memref<80xi32, #tpu.memory_space<hbm>>
      tpu.enqueue_dma source(%dma_start3A_299 : memref<80xi32, #tpu.memory_space<hbm>>) target(%dma_start3A_298 : memref<80xi32, #tpu.memory_space<vmem>>) target_semaphore(%arg10 : memref<!tpu.dma_semaphore, #tpu.memory_space<semaphore_mem>>)
      %add3A_300 = arith.constant 2 : i32
      %add3A_301 = arith.addi %add3A_300, %arg0 : i32
      %mul3A_302 = arith.constant 320000 : i32
      %mul3A_303 = arith.muli %add3A_301, %mul3A_302 : i32
      %add3A_304 = arith.addi %mul3A_303, %add3A_284 : i32
      %add3A_305 = arith.constant 80 : i32
      %add3A_306 = arith.addi %add3A_304, %add3A_305 : i32
      %dma_start3A_307 = arith.constant 1 : i32
      %dma_start3A_308 = arith.constant 0 : i32
      %dma_start3A_309 = tpu.memref_slice %arg6[%dma_start3A_307, %dma_start3A_308] : memref<2x80xi32, #tpu.memory_space<vmem>> -> memref<1x80xi32, #tpu.memory_space<vmem>>
      %dma_start3A_310 = tpu.memref_squeeze %dma_start3A_309 : memref<1x80xi32, #tpu.memory_space<vmem>> -> memref<80xi32, #tpu.memory_space<vmem>>
      %dma_start3A_311 = tpu.memref_slice %arg3[%add3A_306] : memref<1280000xi32, #tpu.memory_space<hbm>> -> memref<80xi32, #tpu.memory_space<hbm>>
      %dma_start3A_312 = arith.constant 0 : i32
      %dma_start3A_313 = tpu.memref_slice %arg6[%dma_start3A_307, %dma_start3A_312] : memref<2x80xi32, #tpu.memory_space<vmem>> -> memref<1x80xi32, #tpu.memory_space<vmem>>
      %dma_start3A_314 = tpu.memref_squeeze %dma_start3A_313 : memref<1x80xi32, #tpu.memory_space<vmem>> -> memref<80xi32, #tpu.memory_space<vmem>>
      %dma_start3A_315 = tpu.memref_slice %arg3[%add3A_306] : memref<1280000xi32, #tpu.memory_space<hbm>> -> memref<80xi32, #tpu.memory_space<hbm>>
      tpu.enqueue_dma source(%dma_start3A_315 : memref<80xi32, #tpu.memory_space<hbm>>) target(%dma_start3A_314 : memref<80xi32, #tpu.memory_space<vmem>>) target_semaphore(%arg10 : memref<!tpu.dma_semaphore, #tpu.memory_space<semaphore_mem>>)
      %dma_wait3A = arith.constant 0 : i32
      %dma_wait3A_316 = arith.constant 0 : i32
      %dma_wait3A_317 = tpu.memref_slice %arg6[%dma_wait3A, %dma_wait3A_316] : memref<2x80xi32, #tpu.memory_space<vmem>> -> memref<1x80xi32, #tpu.memory_space<vmem>>
      %dma_wait3A_318 = tpu.memref_squeeze %dma_wait3A_317 : memref<1x80xi32, #tpu.memory_space<vmem>> -> memref<80xi32, #tpu.memory_space<vmem>>
      %dma_wait3A_319 = tpu.memref_slice %arg3[%add3A_291] : memref<1280000xi32, #tpu.memory_space<hbm>> -> memref<80xi32, #tpu.memory_space<hbm>>
      %dma_wait3A_320 = arith.constant 0 : i32
      %dma_wait3A_321 = tpu.memref_slice %arg6[%dma_wait3A, %dma_wait3A_320] : memref<2x80xi32, #tpu.memory_space<vmem>> -> memref<1x80xi32, #tpu.memory_space<vmem>>
      %dma_wait3A_322 = tpu.memref_squeeze %dma_wait3A_321 : memref<1x80xi32, #tpu.memory_space<vmem>> -> memref<80xi32, #tpu.memory_space<vmem>>
      %dma_wait3A_323 = tpu.memref_slice %arg3[%add3A_291] : memref<1280000xi32, #tpu.memory_space<hbm>> -> memref<80xi32, #tpu.memory_space<hbm>>
      tpu.wait_dma2 semaphore(%arg10 : memref<!tpu.dma_semaphore, #tpu.memory_space<semaphore_mem>>) src(%dma_wait3A_323 : memref<80xi32, #tpu.memory_space<hbm>>) dst(%dma_wait3A_322 : memref<80xi32, #tpu.memory_space<vmem>>)
      %dma_wait3A_324 = arith.constant 1 : i32
      %dma_wait3A_325 = arith.constant 0 : i32
      %dma_wait3A_326 = tpu.memref_slice %arg6[%dma_wait3A_324, %dma_wait3A_325] : memref<2x80xi32, #tpu.memory_space<vmem>> -> memref<1x80xi32, #tpu.memory_space<vmem>>
      %dma_wait3A_327 = tpu.memref_squeeze %dma_wait3A_326 : memref<1x80xi32, #tpu.memory_space<vmem>> -> memref<80xi32, #tpu.memory_space<vmem>>
      %dma_wait3A_328 = tpu.memref_slice %arg3[%add3A_306] : memref<1280000xi32, #tpu.memory_space<hbm>> -> memref<80xi32, #tpu.memory_space<hbm>>
      %dma_wait3A_329 = arith.constant 0 : i32
      %dma_wait3A_330 = tpu.memref_slice %arg6[%dma_wait3A_324, %dma_wait3A_329] : memref<2x80xi32, #tpu.memory_space<vmem>> -> memref<1x80xi32, #tpu.memory_space<vmem>>
      %dma_wait3A_331 = tpu.memref_squeeze %dma_wait3A_330 : memref<1x80xi32, #tpu.memory_space<vmem>> -> memref<80xi32, #tpu.memory_space<vmem>>
      %dma_wait3A_332 = tpu.memref_slice %arg3[%add3A_306] : memref<1280000xi32, #tpu.memory_space<hbm>> -> memref<80xi32, #tpu.memory_space<hbm>>
      tpu.wait_dma2 semaphore(%arg10 : memref<!tpu.dma_semaphore, #tpu.memory_space<semaphore_mem>>) src(%dma_wait3A_332 : memref<80xi32, #tpu.memory_space<hbm>>) dst(%dma_wait3A_331 : memref<80xi32, #tpu.memory_space<vmem>>)
      %dma_start3A_333 = arith.constant 0 : i32
      %dma_start3A_334 = arith.constant 0 : i32
      %dma_start3A_335 = arith.constant 0 : i32
      %dma_start3A_336 = arith.constant 0 : i32
      %dma_start3A_337 = tpu.memref_slice %arg7[%dma_start3A_333, %dma_start3A_335, %dma_start3A_336] : memref<2x80x128xf32, #tpu.memory_space<vmem>> -> memref<1x80x128xf32, #tpu.memory_space<vmem>>
      %dma_start3A_338 = tpu.memref_squeeze %dma_start3A_337 : memref<1x80x128xf32, #tpu.memory_space<vmem>> -> memref<80x128xf32, #tpu.memory_space<vmem>>
      %dma_start3A_339 = arith.constant 0 : i32
      %dma_start3A_340 = tpu.memref_slice %arg6[%dma_start3A_334, %dma_start3A_339] : memref<2x80xi32, #tpu.memory_space<vmem>> -> memref<1x80xi32, #tpu.memory_space<vmem>>
      %dma_start3A_341 = tpu.memref_squeeze %dma_start3A_340 : memref<1x80xi32, #tpu.memory_space<vmem>> -> memref<80xi32, #tpu.memory_space<vmem>>
      %dma_start3A_342 = arith.constant 0 : i32
      %dma_start3A_343 = arith.constant 0 : i32
      %dma_start3A_344 = tpu.memref_slice %arg9[%dma_start3A_342, %dma_start3A_343] : memref<5128x128xf32, #tpu.memory_space<vmem_shared>> -> memref<5128x128xf32, #tpu.memory_space<vmem_shared>>
      tpu.enqueue_indirect_dma source(%dma_start3A_338 : memref<80x128xf32, #tpu.memory_space<vmem>>) target(%dma_start3A_344 : memref<5128x128xf32, #tpu.memory_space<vmem_shared>>) offsets(%dma_start3A_341 : memref<80xi32, #tpu.memory_space<vmem>>) semaphore(%arg12 : memref<!tpu.dma_semaphore, #tpu.memory_space<semaphore_mem>>) {add = true}
      %dma_start3A_345 = arith.constant 1 : i32
      %dma_start3A_346 = arith.constant 1 : i32
      %dma_start3A_347 = arith.constant 0 : i32
      %dma_start3A_348 = arith.constant 0 : i32
      %dma_start3A_349 = tpu.memref_slice %arg7[%dma_start3A_345, %dma_start3A_347, %dma_start3A_348] : memref<2x80x128xf32, #tpu.memory_space<vmem>> -> memref<1x80x128xf32, #tpu.memory_space<vmem>>
      %dma_start3A_350 = tpu.memref_squeeze %dma_start3A_349 : memref<1x80x128xf32, #tpu.memory_space<vmem>> -> memref<80x128xf32, #tpu.memory_space<vmem>>
      %dma_start3A_351 = arith.constant 0 : i32
      %dma_start3A_352 = tpu.memref_slice %arg6[%dma_start3A_346, %dma_start3A_351] : memref<2x80xi32, #tpu.memory_space<vmem>> -> memref<1x80xi32, #tpu.memory_space<vmem>>
      %dma_start3A_353 = tpu.memref_squeeze %dma_start3A_352 : memref<1x80xi32, #tpu.memory_space<vmem>> -> memref<80xi32, #tpu.memory_space<vmem>>
      %dma_start3A_354 = arith.constant 0 : i32
      %dma_start3A_355 = arith.constant 0 : i32
      %dma_start3A_356 = tpu.memref_slice %arg9[%dma_start3A_354, %dma_start3A_355] : memref<5128x128xf32, #tpu.memory_space<vmem_shared>> -> memref<5128x128xf32, #tpu.memory_space<vmem_shared>>
      tpu.enqueue_indirect_dma source(%dma_start3A_350 : memref<80x128xf32, #tpu.memory_space<vmem>>) target(%dma_start3A_356 : memref<5128x128xf32, #tpu.memory_space<vmem_shared>>) offsets(%dma_start3A_353 : memref<80xi32, #tpu.memory_space<vmem>>) semaphore(%arg12 : memref<!tpu.dma_semaphore, #tpu.memory_space<semaphore_mem>>) {add = true}
      %dma_wait3A_357 = arith.constant 0 : i32
      %dma_wait3A_358 = arith.constant 0 : i32
      %dma_wait3A_359 = arith.constant 0 : i32
      %dma_wait3A_360 = arith.constant 0 : i32
      %dma_wait3A_361 = tpu.memref_slice %arg7[%dma_wait3A_357, %dma_wait3A_359, %dma_wait3A_360] : memref<2x80x128xf32, #tpu.memory_space<vmem>> -> memref<1x80x128xf32, #tpu.memory_space<vmem>>
      %dma_wait3A_362 = tpu.memref_squeeze %dma_wait3A_361 : memref<1x80x128xf32, #tpu.memory_space<vmem>> -> memref<80x128xf32, #tpu.memory_space<vmem>>
      %dma_wait3A_363 = arith.constant 0 : i32
      %dma_wait3A_364 = tpu.memref_slice %arg6[%dma_wait3A_358, %dma_wait3A_363] : memref<2x80xi32, #tpu.memory_space<vmem>> -> memref<1x80xi32, #tpu.memory_space<vmem>>
      %dma_wait3A_365 = tpu.memref_squeeze %dma_wait3A_364 : memref<1x80xi32, #tpu.memory_space<vmem>> -> memref<80xi32, #tpu.memory_space<vmem>>
      %dma_wait3A_366 = arith.constant 0 : i32
      %dma_wait3A_367 = arith.constant 0 : i32
      %dma_wait3A_368 = tpu.memref_slice %arg9[%dma_wait3A_366, %dma_wait3A_367] : memref<5128x128xf32, #tpu.memory_space<vmem_shared>> -> memref<5128x128xf32, #tpu.memory_space<vmem_shared>>
      tpu.wait_indirect_dma semaphore(%arg12 : memref<!tpu.dma_semaphore, #tpu.memory_space<semaphore_mem>>) src(%dma_wait3A_362 : memref<80x128xf32, #tpu.memory_space<vmem>>) dst(%dma_wait3A_368 : memref<5128x128xf32, #tpu.memory_space<vmem_shared>>)
      %dma_wait3A_369 = arith.constant 1 : i32
      %dma_wait3A_370 = arith.constant 1 : i32
      %dma_wait3A_371 = arith.constant 0 : i32
      %dma_wait3A_372 = arith.constant 0 : i32
      %dma_wait3A_373 = tpu.memref_slice %arg7[%dma_wait3A_369, %dma_wait3A_371, %dma_wait3A_372] : memref<2x80x128xf32, #tpu.memory_space<vmem>> -> memref<1x80x128xf32, #tpu.memory_space<vmem>>
      %dma_wait3A_374 = tpu.memref_squeeze %dma_wait3A_373 : memref<1x80x128xf32, #tpu.memory_space<vmem>> -> memref<80x128xf32, #tpu.memory_space<vmem>>
      %dma_wait3A_375 = arith.constant 0 : i32
      %dma_wait3A_376 = tpu.memref_slice %arg6[%dma_wait3A_370, %dma_wait3A_375] : memref<2x80xi32, #tpu.memory_space<vmem>> -> memref<1x80xi32, #tpu.memory_space<vmem>>
      %dma_wait3A_377 = tpu.memref_squeeze %dma_wait3A_376 : memref<1x80xi32, #tpu.memory_space<vmem>> -> memref<80xi32, #tpu.memory_space<vmem>>
      %dma_wait3A_378 = arith.constant 0 : i32
      %dma_wait3A_379 = arith.constant 0 : i32
      %dma_wait3A_380 = tpu.memref_slice %arg9[%dma_wait3A_378, %dma_wait3A_379] : memref<5128x128xf32, #tpu.memory_space<vmem_shared>> -> memref<5128x128xf32, #tpu.memory_space<vmem_shared>>
      tpu.wait_indirect_dma semaphore(%arg12 : memref<!tpu.dma_semaphore, #tpu.memory_space<semaphore_mem>>) src(%dma_wait3A_374 : memref<80x128xf32, #tpu.memory_space<vmem>>) dst(%dma_wait3A_380 : memref<5128x128xf32, #tpu.memory_space<vmem_shared>>)
    }
    %scan3A_239 = arith.constant 125 : i32
    %barrier3A_240 = arith.constant 0 : index
    tpu.barrier barrier_id(%barrier3A_240)
    %mul3A_241 = arith.constant 320 : i32
    %mul3A_242 = arith.muli %arg1, %mul3A_241 : i32
    %add3A_243 = arith.constant 0 : i32
    %add3A_244 = arith.addi %mul3A_242, %add3A_243 : i32
    "tpu.region"() ({
      %run_scoped3A = tpu.sem_alloc : memref<!tpu.dma_semaphore, #tpu.memory_space<semaphore_mem>>
      %dma_start3A = arith.constant 0 : i32
      %dma_start3A_277 = tpu.memref_slice %arg9[%add3A_244, %dma_start3A] : memref<5128x128xf32, #tpu.memory_space<vmem_shared>> -> memref<64x128xf32, #tpu.memory_space<vmem_shared>>
      %dma_start3A_278 = arith.constant 0 : i32
      %dma_start3A_279 = tpu.memref_slice %arg9[%add3A_244, %dma_start3A_278] : memref<5128x128xf32, #tpu.memory_space<vmem_shared>> -> memref<64x128xf32, #tpu.memory_space<vmem_shared>>
      tpu.enqueue_dma source(%dma_start3A_279 : memref<64x128xf32, #tpu.memory_space<vmem_shared>>) target(%arg8 : memref<64x128xf32, #tpu.memory_space<vmem>>) target_semaphore(%run_scoped3A : memref<!tpu.dma_semaphore, #tpu.memory_space<semaphore_mem>>)
      %dma_wait3A = arith.constant 0 : i32
      %dma_wait3A_280 = tpu.memref_slice %arg9[%add3A_244, %dma_wait3A] : memref<5128x128xf32, #tpu.memory_space<vmem_shared>> -> memref<64x128xf32, #tpu.memory_space<vmem_shared>>
      %dma_wait3A_281 = arith.constant 0 : i32
      %dma_wait3A_282 = tpu.memref_slice %arg9[%add3A_244, %dma_wait3A_281] : memref<5128x128xf32, #tpu.memory_space<vmem_shared>> -> memref<64x128xf32, #tpu.memory_space<vmem_shared>>
      tpu.wait_dma2 semaphore(%run_scoped3A : memref<!tpu.dma_semaphore, #tpu.memory_space<semaphore_mem>>) src(%dma_wait3A_282 : memref<64x128xf32, #tpu.memory_space<vmem_shared>>) dst(%arg8 : memref<64x128xf32, #tpu.memory_space<vmem>>)
      tpu.yield
    }) : () -> ()
    %add3A_245 = arith.constant 5120 : i32
    %add3A_246 = arith.addi %add3A_245, %add3A_244 : i32
    "tpu.region"() ({
      %run_scoped3A = tpu.sem_alloc : memref<!tpu.dma_semaphore, #tpu.memory_space<semaphore_mem>>
      %dma_start3A = arith.constant 0 : i32
      %dma_start3A_277 = tpu.memref_slice %arg5[%arg0, %add3A_246, %dma_start3A] : memref<2x10240x128xf32, #tpu.memory_space<hbm>> -> memref<1x64x128xf32, #tpu.memory_space<hbm>>
      %dma_start3A_278 = tpu.memref_squeeze %dma_start3A_277 : memref<1x64x128xf32, #tpu.memory_space<hbm>> -> memref<64x128xf32, #tpu.memory_space<hbm>>
      %dma_start3A_279 = arith.constant 0 : i32
      %dma_start3A_280 = tpu.memref_slice %arg5[%arg0, %add3A_246, %dma_start3A_279] : memref<2x10240x128xf32, #tpu.memory_space<hbm>> -> memref<1x64x128xf32, #tpu.memory_space<hbm>>
      %dma_start3A_281 = tpu.memref_squeeze %dma_start3A_280 : memref<1x64x128xf32, #tpu.memory_space<hbm>> -> memref<64x128xf32, #tpu.memory_space<hbm>>
      tpu.enqueue_dma source(%arg8 : memref<64x128xf32, #tpu.memory_space<vmem>>) target(%dma_start3A_281 : memref<64x128xf32, #tpu.memory_space<hbm>>) target_semaphore(%run_scoped3A : memref<!tpu.dma_semaphore, #tpu.memory_space<semaphore_mem>>)
      %dma_wait3A = arith.constant 0 : i32
      %dma_wait3A_282 = tpu.memref_slice %arg5[%arg0, %add3A_246, %dma_wait3A] : memref<2x10240x128xf32, #tpu.memory_space<hbm>> -> memref<1x64x128xf32, #tpu.memory_space<hbm>>
      %dma_wait3A_283 = tpu.memref_squeeze %dma_wait3A_282 : memref<1x64x128xf32, #tpu.memory_space<hbm>> -> memref<64x128xf32, #tpu.memory_space<hbm>>
      %dma_wait3A_284 = arith.constant 0 : i32
      %dma_wait3A_285 = tpu.memref_slice %arg5[%arg0, %add3A_246, %dma_wait3A_284] : memref<2x10240x128xf32, #tpu.memory_space<hbm>> -> memref<1x64x128xf32, #tpu.memory_space<hbm>>
      %dma_wait3A_286 = tpu.memref_squeeze %dma_wait3A_285 : memref<1x64x128xf32, #tpu.memory_space<hbm>> -> memref<64x128xf32, #tpu.memory_space<hbm>>
      tpu.wait_dma2 semaphore(%run_scoped3A : memref<!tpu.dma_semaphore, #tpu.memory_space<semaphore_mem>>) src(%arg8 : memref<64x128xf32, #tpu.memory_space<vmem>>) dst(%dma_wait3A_286 : memref<64x128xf32, #tpu.memory_space<hbm>>)
      tpu.yield
    }) : () -> ()
    %mul3A_247 = arith.constant 320 : i32
    %mul3A_248 = arith.muli %arg1, %mul3A_247 : i32
    %add3A_249 = arith.constant 64 : i32
    %add3A_250 = arith.addi %mul3A_248, %add3A_249 : i32
    "tpu.region"() ({
      %run_scoped3A = tpu.sem_alloc : memref<!tpu.dma_semaphore, #tpu.memory_space<semaphore_mem>>
      %dma_start3A = arith.constant 0 : i32
      %dma_start3A_277 = tpu.memref_slice %arg9[%add3A_250, %dma_start3A] : memref<5128x128xf32, #tpu.memory_space<vmem_shared>> -> memref<64x128xf32, #tpu.memory_space<vmem_shared>>
      %dma_start3A_278 = arith.constant 0 : i32
      %dma_start3A_279 = tpu.memref_slice %arg9[%add3A_250, %dma_start3A_278] : memref<5128x128xf32, #tpu.memory_space<vmem_shared>> -> memref<64x128xf32, #tpu.memory_space<vmem_shared>>
      tpu.enqueue_dma source(%dma_start3A_279 : memref<64x128xf32, #tpu.memory_space<vmem_shared>>) target(%arg8 : memref<64x128xf32, #tpu.memory_space<vmem>>) target_semaphore(%run_scoped3A : memref<!tpu.dma_semaphore, #tpu.memory_space<semaphore_mem>>)
      %dma_wait3A = arith.constant 0 : i32
      %dma_wait3A_280 = tpu.memref_slice %arg9[%add3A_250, %dma_wait3A] : memref<5128x128xf32, #tpu.memory_space<vmem_shared>> -> memref<64x128xf32, #tpu.memory_space<vmem_shared>>
      %dma_wait3A_281 = arith.constant 0 : i32
      %dma_wait3A_282 = tpu.memref_slice %arg9[%add3A_250, %dma_wait3A_281] : memref<5128x128xf32, #tpu.memory_space<vmem_shared>> -> memref<64x128xf32, #tpu.memory_space<vmem_shared>>
      tpu.wait_dma2 semaphore(%run_scoped3A : memref<!tpu.dma_semaphore, #tpu.memory_space<semaphore_mem>>) src(%dma_wait3A_282 : memref<64x128xf32, #tpu.memory_space<vmem_shared>>) dst(%arg8 : memref<64x128xf32, #tpu.memory_space<vmem>>)
      tpu.yield
    }) : () -> ()
    %add3A_251 = arith.constant 5120 : i32
    %add3A_252 = arith.addi %add3A_251, %add3A_250 : i32
    "tpu.region"() ({
      %run_scoped3A = tpu.sem_alloc : memref<!tpu.dma_semaphore, #tpu.memory_space<semaphore_mem>>
      %dma_start3A = arith.constant 0 : i32
      %dma_start3A_277 = tpu.memref_slice %arg5[%arg0, %add3A_252, %dma_start3A] : memref<2x10240x128xf32, #tpu.memory_space<hbm>> -> memref<1x64x128xf32, #tpu.memory_space<hbm>>
      %dma_start3A_278 = tpu.memref_squeeze %dma_start3A_277 : memref<1x64x128xf32, #tpu.memory_space<hbm>> -> memref<64x128xf32, #tpu.memory_space<hbm>>
      %dma_start3A_279 = arith.constant 0 : i32
      %dma_start3A_280 = tpu.memref_slice %arg5[%arg0, %add3A_252, %dma_start3A_279] : memref<2x10240x128xf32, #tpu.memory_space<hbm>> -> memref<1x64x128xf32, #tpu.memory_space<hbm>>
      %dma_start3A_281 = tpu.memref_squeeze %dma_start3A_280 : memref<1x64x128xf32, #tpu.memory_space<hbm>> -> memref<64x128xf32, #tpu.memory_space<hbm>>
      tpu.enqueue_dma source(%arg8 : memref<64x128xf32, #tpu.memory_space<vmem>>) target(%dma_start3A_281 : memref<64x128xf32, #tpu.memory_space<hbm>>) target_semaphore(%run_scoped3A : memref<!tpu.dma_semaphore, #tpu.memory_space<semaphore_mem>>)
      %dma_wait3A = arith.constant 0 : i32
      %dma_wait3A_282 = tpu.memref_slice %arg5[%arg0, %add3A_252, %dma_wait3A] : memref<2x10240x128xf32, #tpu.memory_space<hbm>> -> memref<1x64x128xf32, #tpu.memory_space<hbm>>
      %dma_wait3A_283 = tpu.memref_squeeze %dma_wait3A_282 : memref<1x64x128xf32, #tpu.memory_space<hbm>> -> memref<64x128xf32, #tpu.memory_space<hbm>>
      %dma_wait3A_284 = arith.constant 0 : i32
      %dma_wait3A_285 = tpu.memref_slice %arg5[%arg0, %add3A_252, %dma_wait3A_284] : memref<2x10240x128xf32, #tpu.memory_space<hbm>> -> memref<1x64x128xf32, #tpu.memory_space<hbm>>
      %dma_wait3A_286 = tpu.memref_squeeze %dma_wait3A_285 : memref<1x64x128xf32, #tpu.memory_space<hbm>> -> memref<64x128xf32, #tpu.memory_space<hbm>>
      tpu.wait_dma2 semaphore(%run_scoped3A : memref<!tpu.dma_semaphore, #tpu.memory_space<semaphore_mem>>) src(%arg8 : memref<64x128xf32, #tpu.memory_space<vmem>>) dst(%dma_wait3A_286 : memref<64x128xf32, #tpu.memory_space<hbm>>)
      tpu.yield
    }) : () -> ()
    %mul3A_253 = arith.constant 320 : i32
    %mul3A_254 = arith.muli %arg1, %mul3A_253 : i32
    %add3A_255 = arith.constant 128 : i32
    %add3A_256 = arith.addi %mul3A_254, %add3A_255 : i32
    "tpu.region"() ({
      %run_scoped3A = tpu.sem_alloc : memref<!tpu.dma_semaphore, #tpu.memory_space<semaphore_mem>>
      %dma_start3A = arith.constant 0 : i32
      %dma_start3A_277 = tpu.memref_slice %arg9[%add3A_256, %dma_start3A] : memref<5128x128xf32, #tpu.memory_space<vmem_shared>> -> memref<64x128xf32, #tpu.memory_space<vmem_shared>>
      %dma_start3A_278 = arith.constant 0 : i32
      %dma_start3A_279 = tpu.memref_slice %arg9[%add3A_256, %dma_start3A_278] : memref<5128x128xf32, #tpu.memory_space<vmem_shared>> -> memref<64x128xf32, #tpu.memory_space<vmem_shared>>
      tpu.enqueue_dma source(%dma_start3A_279 : memref<64x128xf32, #tpu.memory_space<vmem_shared>>) target(%arg8 : memref<64x128xf32, #tpu.memory_space<vmem>>) target_semaphore(%run_scoped3A : memref<!tpu.dma_semaphore, #tpu.memory_space<semaphore_mem>>)
      %dma_wait3A = arith.constant 0 : i32
      %dma_wait3A_280 = tpu.memref_slice %arg9[%add3A_256, %dma_wait3A] : memref<5128x128xf32, #tpu.memory_space<vmem_shared>> -> memref<64x128xf32, #tpu.memory_space<vmem_shared>>
      %dma_wait3A_281 = arith.constant 0 : i32
      %dma_wait3A_282 = tpu.memref_slice %arg9[%add3A_256, %dma_wait3A_281] : memref<5128x128xf32, #tpu.memory_space<vmem_shared>> -> memref<64x128xf32, #tpu.memory_space<vmem_shared>>
      tpu.wait_dma2 semaphore(%run_scoped3A : memref<!tpu.dma_semaphore, #tpu.memory_space<semaphore_mem>>) src(%dma_wait3A_282 : memref<64x128xf32, #tpu.memory_space<vmem_shared>>) dst(%arg8 : memref<64x128xf32, #tpu.memory_space<vmem>>)
      tpu.yield
    }) : () -> ()
    %add3A_257 = arith.constant 5120 : i32
    %add3A_258 = arith.addi %add3A_257, %add3A_256 : i32
    "tpu.region"() ({
      %run_scoped3A = tpu.sem_alloc : memref<!tpu.dma_semaphore, #tpu.memory_space<semaphore_mem>>
      %dma_start3A = arith.constant 0 : i32
      %dma_start3A_277 = tpu.memref_slice %arg5[%arg0, %add3A_258, %dma_start3A] : memref<2x10240x128xf32, #tpu.memory_space<hbm>> -> memref<1x64x128xf32, #tpu.memory_space<hbm>>
      %dma_start3A_278 = tpu.memref_squeeze %dma_start3A_277 : memref<1x64x128xf32, #tpu.memory_space<hbm>> -> memref<64x128xf32, #tpu.memory_space<hbm>>
      %dma_start3A_279 = arith.constant 0 : i32
      %dma_start3A_280 = tpu.memref_slice %arg5[%arg0, %add3A_258, %dma_start3A_279] : memref<2x10240x128xf32, #tpu.memory_space<hbm>> -> memref<1x64x128xf32, #tpu.memory_space<hbm>>
      %dma_start3A_281 = tpu.memref_squeeze %dma_start3A_280 : memref<1x64x128xf32, #tpu.memory_space<hbm>> -> memref<64x128xf32, #tpu.memory_space<hbm>>
      tpu.enqueue_dma source(%arg8 : memref<64x128xf32, #tpu.memory_space<vmem>>) target(%dma_start3A_281 : memref<64x128xf32, #tpu.memory_space<hbm>>) target_semaphore(%run_scoped3A : memref<!tpu.dma_semaphore, #tpu.memory_space<semaphore_mem>>)
      %dma_wait3A = arith.constant 0 : i32
      %dma_wait3A_282 = tpu.memref_slice %arg5[%arg0, %add3A_258, %dma_wait3A] : memref<2x10240x128xf32, #tpu.memory_space<hbm>> -> memref<1x64x128xf32, #tpu.memory_space<hbm>>
      %dma_wait3A_283 = tpu.memref_squeeze %dma_wait3A_282 : memref<1x64x128xf32, #tpu.memory_space<hbm>> -> memref<64x128xf32, #tpu.memory_space<hbm>>
      %dma_wait3A_284 = arith.constant 0 : i32
      %dma_wait3A_285 = tpu.memref_slice %arg5[%arg0, %add3A_258, %dma_wait3A_284] : memref<2x10240x128xf32, #tpu.memory_space<hbm>> -> memref<1x64x128xf32, #tpu.memory_space<hbm>>
      %dma_wait3A_286 = tpu.memref_squeeze %dma_wait3A_285 : memref<1x64x128xf32, #tpu.memory_space<hbm>> -> memref<64x128xf32, #tpu.memory_space<hbm>>
      tpu.wait_dma2 semaphore(%run_scoped3A : memref<!tpu.dma_semaphore, #tpu.memory_space<semaphore_mem>>) src(%arg8 : memref<64x128xf32, #tpu.memory_space<vmem>>) dst(%dma_wait3A_286 : memref<64x128xf32, #tpu.memory_space<hbm>>)
      tpu.yield
    }) : () -> ()
    %mul3A_259 = arith.constant 320 : i32
    %mul3A_260 = arith.muli %arg1, %mul3A_259 : i32
    %add3A_261 = arith.constant 192 : i32
    %add3A_262 = arith.addi %mul3A_260, %add3A_261 : i32
    "tpu.region"() ({
      %run_scoped3A = tpu.sem_alloc : memref<!tpu.dma_semaphore, #tpu.memory_space<semaphore_mem>>
      %dma_start3A = arith.constant 0 : i32
      %dma_start3A_277 = tpu.memref_slice %arg9[%add3A_262, %dma_start3A] : memref<5128x128xf32, #tpu.memory_space<vmem_shared>> -> memref<64x128xf32, #tpu.memory_space<vmem_shared>>
      %dma_start3A_278 = arith.constant 0 : i32
      %dma_start3A_279 = tpu.memref_slice %arg9[%add3A_262, %dma_start3A_278] : memref<5128x128xf32, #tpu.memory_space<vmem_shared>> -> memref<64x128xf32, #tpu.memory_space<vmem_shared>>
      tpu.enqueue_dma source(%dma_start3A_279 : memref<64x128xf32, #tpu.memory_space<vmem_shared>>) target(%arg8 : memref<64x128xf32, #tpu.memory_space<vmem>>) target_semaphore(%run_scoped3A : memref<!tpu.dma_semaphore, #tpu.memory_space<semaphore_mem>>)
      %dma_wait3A = arith.constant 0 : i32
      %dma_wait3A_280 = tpu.memref_slice %arg9[%add3A_262, %dma_wait3A] : memref<5128x128xf32, #tpu.memory_space<vmem_shared>> -> memref<64x128xf32, #tpu.memory_space<vmem_shared>>
      %dma_wait3A_281 = arith.constant 0 : i32
      %dma_wait3A_282 = tpu.memref_slice %arg9[%add3A_262, %dma_wait3A_281] : memref<5128x128xf32, #tpu.memory_space<vmem_shared>> -> memref<64x128xf32, #tpu.memory_space<vmem_shared>>
      tpu.wait_dma2 semaphore(%run_scoped3A : memref<!tpu.dma_semaphore, #tpu.memory_space<semaphore_mem>>) src(%dma_wait3A_282 : memref<64x128xf32, #tpu.memory_space<vmem_shared>>) dst(%arg8 : memref<64x128xf32, #tpu.memory_space<vmem>>)
      tpu.yield
    }) : () -> ()
    %add3A_263 = arith.constant 5120 : i32
    %add3A_264 = arith.addi %add3A_263, %add3A_262 : i32
    "tpu.region"() ({
      %run_scoped3A = tpu.sem_alloc : memref<!tpu.dma_semaphore, #tpu.memory_space<semaphore_mem>>
      %dma_start3A = arith.constant 0 : i32
      %dma_start3A_277 = tpu.memref_slice %arg5[%arg0, %add3A_264, %dma_start3A] : memref<2x10240x128xf32, #tpu.memory_space<hbm>> -> memref<1x64x128xf32, #tpu.memory_space<hbm>>
      %dma_start3A_278 = tpu.memref_squeeze %dma_start3A_277 : memref<1x64x128xf32, #tpu.memory_space<hbm>> -> memref<64x128xf32, #tpu.memory_space<hbm>>
      %dma_start3A_279 = arith.constant 0 : i32
      %dma_start3A_280 = tpu.memref_slice %arg5[%arg0, %add3A_264, %dma_start3A_279] : memref<2x10240x128xf32, #tpu.memory_space<hbm>> -> memref<1x64x128xf32, #tpu.memory_space<hbm>>
      %dma_start3A_281 = tpu.memref_squeeze %dma_start3A_280 : memref<1x64x128xf32, #tpu.memory_space<hbm>> -> memref<64x128xf32, #tpu.memory_space<hbm>>
      tpu.enqueue_dma source(%arg8 : memref<64x128xf32, #tpu.memory_space<vmem>>) target(%dma_start3A_281 : memref<64x128xf32, #tpu.memory_space<hbm>>) target_semaphore(%run_scoped3A : memref<!tpu.dma_semaphore, #tpu.memory_space<semaphore_mem>>)
      %dma_wait3A = arith.constant 0 : i32
      %dma_wait3A_282 = tpu.memref_slice %arg5[%arg0, %add3A_264, %dma_wait3A] : memref<2x10240x128xf32, #tpu.memory_space<hbm>> -> memref<1x64x128xf32, #tpu.memory_space<hbm>>
      %dma_wait3A_283 = tpu.memref_squeeze %dma_wait3A_282 : memref<1x64x128xf32, #tpu.memory_space<hbm>> -> memref<64x128xf32, #tpu.memory_space<hbm>>
      %dma_wait3A_284 = arith.constant 0 : i32
      %dma_wait3A_285 = tpu.memref_slice %arg5[%arg0, %add3A_264, %dma_wait3A_284] : memref<2x10240x128xf32, #tpu.memory_space<hbm>> -> memref<1x64x128xf32, #tpu.memory_space<hbm>>
      %dma_wait3A_286 = tpu.memref_squeeze %dma_wait3A_285 : memref<1x64x128xf32, #tpu.memory_space<hbm>> -> memref<64x128xf32, #tpu.memory_space<hbm>>
      tpu.wait_dma2 semaphore(%run_scoped3A : memref<!tpu.dma_semaphore, #tpu.memory_space<semaphore_mem>>) src(%arg8 : memref<64x128xf32, #tpu.memory_space<vmem>>) dst(%dma_wait3A_286 : memref<64x128xf32, #tpu.memory_space<hbm>>)
      tpu.yield
    }) : () -> ()
    %mul3A_265 = arith.constant 320 : i32
    %mul3A_266 = arith.muli %arg1, %mul3A_265 : i32
    %add3A_267 = arith.constant 256 : i32
    %add3A_268 = arith.addi %mul3A_266, %add3A_267 : i32
    "tpu.region"() ({
      %run_scoped3A = tpu.sem_alloc : memref<!tpu.dma_semaphore, #tpu.memory_space<semaphore_mem>>
      %dma_start3A = arith.constant 0 : i32
      %dma_start3A_277 = tpu.memref_slice %arg9[%add3A_268, %dma_start3A] : memref<5128x128xf32, #tpu.memory_space<vmem_shared>> -> memref<64x128xf32, #tpu.memory_space<vmem_shared>>
      %dma_start3A_278 = arith.constant 0 : i32
      %dma_start3A_279 = tpu.memref_slice %arg9[%add3A_268, %dma_start3A_278] : memref<5128x128xf32, #tpu.memory_space<vmem_shared>> -> memref<64x128xf32, #tpu.memory_space<vmem_shared>>
      tpu.enqueue_dma source(%dma_start3A_279 : memref<64x128xf32, #tpu.memory_space<vmem_shared>>) target(%arg8 : memref<64x128xf32, #tpu.memory_space<vmem>>) target_semaphore(%run_scoped3A : memref<!tpu.dma_semaphore, #tpu.memory_space<semaphore_mem>>)
      %dma_wait3A = arith.constant 0 : i32
      %dma_wait3A_280 = tpu.memref_slice %arg9[%add3A_268, %dma_wait3A] : memref<5128x128xf32, #tpu.memory_space<vmem_shared>> -> memref<64x128xf32, #tpu.memory_space<vmem_shared>>
      %dma_wait3A_281 = arith.constant 0 : i32
      %dma_wait3A_282 = tpu.memref_slice %arg9[%add3A_268, %dma_wait3A_281] : memref<5128x128xf32, #tpu.memory_space<vmem_shared>> -> memref<64x128xf32, #tpu.memory_space<vmem_shared>>
      tpu.wait_dma2 semaphore(%run_scoped3A : memref<!tpu.dma_semaphore, #tpu.memory_space<semaphore_mem>>) src(%dma_wait3A_282 : memref<64x128xf32, #tpu.memory_space<vmem_shared>>) dst(%arg8 : memref<64x128xf32, #tpu.memory_space<vmem>>)
      tpu.yield
    }) : () -> ()
    %add3A_269 = arith.constant 5120 : i32
    %add3A_270 = arith.addi %add3A_269, %add3A_268 : i32
    "tpu.region"() ({
      %run_scoped3A = tpu.sem_alloc : memref<!tpu.dma_semaphore, #tpu.memory_space<semaphore_mem>>
      %dma_start3A = arith.constant 0 : i32
      %dma_start3A_277 = tpu.memref_slice %arg5[%arg0, %add3A_270, %dma_start3A] : memref<2x10240x128xf32, #tpu.memory_space<hbm>> -> memref<1x64x128xf32, #tpu.memory_space<hbm>>
      %dma_start3A_278 = tpu.memref_squeeze %dma_start3A_277 : memref<1x64x128xf32, #tpu.memory_space<hbm>> -> memref<64x128xf32, #tpu.memory_space<hbm>>
      %dma_start3A_279 = arith.constant 0 : i32
      %dma_start3A_280 = tpu.memref_slice %arg5[%arg0, %add3A_270, %dma_start3A_279] : memref<2x10240x128xf32, #tpu.memory_space<hbm>> -> memref<1x64x128xf32, #tpu.memory_space<hbm>>
      %dma_start3A_281 = tpu.memref_squeeze %dma_start3A_280 : memref<1x64x128xf32, #tpu.memory_space<hbm>> -> memref<64x128xf32, #tpu.memory_space<hbm>>
      tpu.enqueue_dma source(%arg8 : memref<64x128xf32, #tpu.memory_space<vmem>>) target(%dma_start3A_281 : memref<64x128xf32, #tpu.memory_space<hbm>>) target_semaphore(%run_scoped3A : memref<!tpu.dma_semaphore, #tpu.memory_space<semaphore_mem>>)
      %dma_wait3A = arith.constant 0 : i32
      %dma_wait3A_282 = tpu.memref_slice %arg5[%arg0, %add3A_270, %dma_wait3A] : memref<2x10240x128xf32, #tpu.memory_space<hbm>> -> memref<1x64x128xf32, #tpu.memory_space<hbm>>
      %dma_wait3A_283 = tpu.memref_squeeze %dma_wait3A_282 : memref<1x64x128xf32, #tpu.memory_space<hbm>> -> memref<64x128xf32, #tpu.memory_space<hbm>>
      %dma_wait3A_284 = arith.constant 0 : i32
      %dma_wait3A_285 = tpu.memref_slice %arg5[%arg0, %add3A_270, %dma_wait3A_284] : memref<2x10240x128xf32, #tpu.memory_space<hbm>> -> memref<1x64x128xf32, #tpu.memory_space<hbm>>
      %dma_wait3A_286 = tpu.memref_squeeze %dma_wait3A_285 : memref<1x64x128xf32, #tpu.memory_space<hbm>> -> memref<64x128xf32, #tpu.memory_space<hbm>>
      tpu.wait_dma2 semaphore(%run_scoped3A : memref<!tpu.dma_semaphore, #tpu.memory_space<semaphore_mem>>) src(%arg8 : memref<64x128xf32, #tpu.memory_space<vmem>>) dst(%dma_wait3A_286 : memref<64x128xf32, #tpu.memory_space<hbm>>)
      tpu.yield
    }) : () -> ()
    %scan3A_271 = arith.constant 0 : i32
    %scan3A_272 = arith.constant 64 : i32
    %scan3A_273 = arith.addi %scan3A_271, %scan3A_272 : i32
    %scan3A_274 = arith.constant 1 : i32
    scf.for %scan3A_277 = %scan3A_271 to %scan3A_273 step %scan3A_274  : i32 {
      %mul3A_278 = arith.constant 1 : i32
      %mul3A_279 = arith.muli %scan3A_277, %mul3A_278 : i32
      %add3A_280 = arith.constant 0 : i32
      %add3A_281 = arith.addi %add3A_280, %mul3A_279 : i32
      %broadcast_in_dim3A = arith.constant 0.000000e+00 : f32
      %broadcast_in_dim3A_282 = vector.broadcast %broadcast_in_dim3A : f32 to vector<16xf32>
      %swap3A = arith.index_cast %add3A_281 : i32 to index
      %swap3A_283 = arith.constant 0 : index
      %swap3A_284 = tpu.vector_load %arg8[%swap3A, %swap3A_283] {strides = array<i32>} : memref<64x128xf32, #tpu.memory_space<vmem>>, vector<1x16xf32>,
      %swap3A_285 = vector.shape_cast %swap3A_284 : vector<1x16xf32> to vector<16xf32>
      %swap3A_286 = vector.shape_cast %broadcast_in_dim3A_282 : vector<16xf32> to vector<1x16xf32>
      tpu.vector_store %arg8[%swap3A, %swap3A_283], %swap3A_286 {strides = array<i32>} : memref<64x128xf32, #tpu.memory_space<vmem>>, vector<1x16xf32>,
      %broadcast_in_dim3A_287 = arith.constant 0.000000e+00 : f32
      %broadcast_in_dim3A_288 = vector.broadcast %broadcast_in_dim3A_287 : f32 to vector<16xf32>
      %swap3A_289 = arith.index_cast %add3A_281 : i32 to index
      %swap3A_290 = arith.constant 16 : index
      %swap3A_291 = tpu.vector_load %arg8[%swap3A_289, %swap3A_290] {strides = array<i32>} : memref<64x128xf32, #tpu.memory_space<vmem>>, vector<1x16xf32>,
      %swap3A_292 = vector.shape_cast %swap3A_291 : vector<1x16xf32> to vector<16xf32>
      %swap3A_293 = vector.shape_cast %broadcast_in_dim3A_288 : vector<16xf32> to vector<1x16xf32>
      tpu.vector_store %arg8[%swap3A_289, %swap3A_290], %swap3A_293 {strides = array<i32>} : memref<64x128xf32, #tpu.memory_space<vmem>>, vector<1x16xf32>,
      %broadcast_in_dim3A_294 = arith.constant 0.000000e+00 : f32
      %broadcast_in_dim3A_295 = vector.broadcast %broadcast_in_dim3A_294 : f32 to vector<16xf32>
      %swap3A_296 = arith.index_cast %add3A_281 : i32 to index
      %swap3A_297 = arith.constant 32 : index
      %swap3A_298 = tpu.vector_load %arg8[%swap3A_296, %swap3A_297] {strides = array<i32>} : memref<64x128xf32, #tpu.memory_space<vmem>>, vector<1x16xf32>,
      %swap3A_299 = vector.shape_cast %swap3A_298 : vector<1x16xf32> to vector<16xf32>
      %swap3A_300 = vector.shape_cast %broadcast_in_dim3A_295 : vector<16xf32> to vector<1x16xf32>
      tpu.vector_store %arg8[%swap3A_296, %swap3A_297], %swap3A_300 {strides = array<i32>} : memref<64x128xf32, #tpu.memory_space<vmem>>, vector<1x16xf32>,
      %broadcast_in_dim3A_301 = arith.constant 0.000000e+00 : f32
      %broadcast_in_dim3A_302 = vector.broadcast %broadcast_in_dim3A_301 : f32 to vector<16xf32>
      %swap3A_303 = arith.index_cast %add3A_281 : i32 to index
      %swap3A_304 = arith.constant 48 : index
      %swap3A_305 = tpu.vector_load %arg8[%swap3A_303, %swap3A_304] {strides = array<i32>} : memref<64x128xf32, #tpu.memory_space<vmem>>, vector<1x16xf32>,
      %swap3A_306 = vector.shape_cast %swap3A_305 : vector<1x16xf32> to vector<16xf32>
      %swap3A_307 = vector.shape_cast %broadcast_in_dim3A_302 : vector<16xf32> to vector<1x16xf32>
      tpu.vector_store %arg8[%swap3A_303, %swap3A_304], %swap3A_307 {strides = array<i32>} : memref<64x128xf32, #tpu.memory_space<vmem>>, vector<1x16xf32>,
      %broadcast_in_dim3A_308 = arith.constant 0.000000e+00 : f32
      %broadcast_in_dim3A_309 = vector.broadcast %broadcast_in_dim3A_308 : f32 to vector<16xf32>
      %swap3A_310 = arith.index_cast %add3A_281 : i32 to index
      %swap3A_311 = arith.constant 64 : index
      %swap3A_312 = tpu.vector_load %arg8[%swap3A_310, %swap3A_311] {strides = array<i32>} : memref<64x128xf32, #tpu.memory_space<vmem>>, vector<1x16xf32>,
      %swap3A_313 = vector.shape_cast %swap3A_312 : vector<1x16xf32> to vector<16xf32>
      %swap3A_314 = vector.shape_cast %broadcast_in_dim3A_309 : vector<16xf32> to vector<1x16xf32>
      tpu.vector_store %arg8[%swap3A_310, %swap3A_311], %swap3A_314 {strides = array<i32>} : memref<64x128xf32, #tpu.memory_space<vmem>>, vector<1x16xf32>,
      %broadcast_in_dim3A_315 = arith.constant 0.000000e+00 : f32
      %broadcast_in_dim3A_316 = vector.broadcast %broadcast_in_dim3A_315 : f32 to vector<16xf32>
      %swap3A_317 = arith.index_cast %add3A_281 : i32 to index
      %swap3A_318 = arith.constant 80 : index
      %swap3A_319 = tpu.vector_load %arg8[%swap3A_317, %swap3A_318] {strides = array<i32>} : memref<64x128xf32, #tpu.memory_space<vmem>>, vector<1x16xf32>,
      %swap3A_320 = vector.shape_cast %swap3A_319 : vector<1x16xf32> to vector<16xf32>
      %swap3A_321 = vector.shape_cast %broadcast_in_dim3A_316 : vector<16xf32> to vector<1x16xf32>
      tpu.vector_store %arg8[%swap3A_317, %swap3A_318], %swap3A_321 {strides = array<i32>} : memref<64x128xf32, #tpu.memory_space<vmem>>, vector<1x16xf32>,
      %broadcast_in_dim3A_322 = arith.constant 0.000000e+00 : f32
      %broadcast_in_dim3A_323 = vector.broadcast %broadcast_in_dim3A_322 : f32 to vector<16xf32>
      %swap3A_324 = arith.index_cast %add3A_281 : i32 to index
      %swap3A_325 = arith.constant 96 : index
      %swap3A_326 = tpu.vector_load %arg8[%swap3A_324, %swap3A_325] {strides = array<i32>} : memref<64x128xf32, #tpu.memory_space<vmem>>, vector<1x16xf32>,
      %swap3A_327 = vector.shape_cast %swap3A_326 : vector<1x16xf32> to vector<16xf32>
      %swap3A_328 = vector.shape_cast %broadcast_in_dim3A_323 : vector<16xf32> to vector<1x16xf32>
      tpu.vector_store %arg8[%swap3A_324, %swap3A_325], %swap3A_328 {strides = array<i32>} : memref<64x128xf32, #tpu.memory_space<vmem>>, vector<1x16xf32>,
      %broadcast_in_dim3A_329 = arith.constant 0.000000e+00 : f32
      %broadcast_in_dim3A_330 = vector.broadcast %broadcast_in_dim3A_329 : f32 to vector<16xf32>
      %swap3A_331 = arith.index_cast %add3A_281 : i32 to index
      %swap3A_332 = arith.constant 112 : index
      %swap3A_333 = tpu.vector_load %arg8[%swap3A_331, %swap3A_332] {strides = array<i32>} : memref<64x128xf32, #tpu.memory_space<vmem>>, vector<1x16xf32>,
      %swap3A_334 = vector.shape_cast %swap3A_333 : vector<1x16xf32> to vector<16xf32>
      %swap3A_335 = vector.shape_cast %broadcast_in_dim3A_330 : vector<16xf32> to vector<1x16xf32>
      tpu.vector_store %arg8[%swap3A_331, %swap3A_332], %swap3A_335 {strides = array<i32>} : memref<64x128xf32, #tpu.memory_space<vmem>>, vector<1x16xf32>,
    }
    %scan3A_275 = arith.constant 64 : i32
    %barrier3A_276 = arith.constant 0 : index
    tpu.barrier barrier_id(%barrier3A_276)
    return
  }
}

module attributes {stable_mosaic.version = 14 : i64} {
  func.func @_mlp_body(%arg0: i32, %arg1: i32, %arg2: memref<1x2560x128xf32, #tpu.memory_space<vmem>>, %arg3: memref<1x16x2560xbf16, #tpu.memory_space<vmem>>, %arg4: memref<1x128x256xbf16, #tpu.memory_space<vmem>>, %arg5: memref<1x16x256xbf16, #tpu.memory_space<vmem>>, %arg6: memref<1x1x256xf32, #tpu.memory_space<vmem>>, %arg7: memref<1x256x128xbf16, #tpu.memory_space<vmem>>, %arg8: memref<1x1x128xf32, #tpu.memory_space<vmem>>, %arg9: memref<1x2560x128xf32, #tpu.memory_space<vmem>>) attributes {dimension_semantics = [#tpu.dimension_semantics<arbitrary>, #tpu.dimension_semantics<arbitrary>], iteration_bounds = array<i64: 2, 125>, scalar_prefetch = 0 : i64, scratch_operands = 0 : i64, tpu.core_type = #tpu.core_type<tc>, window_params = [{transform_indices = @transform_0, window_bounds = array<i64: 1, 2560, 128>}, {transform_indices = @transform_1, window_bounds = array<i64: 1, 16, 2560>}, {transform_indices = @transform_2, window_bounds = array<i64: 1, 128, 256>}, {transform_indices = @transform_3, window_bounds = array<i64: 1, 16, 256>}, {transform_indices = @transform_4, window_bounds = array<i64: 1, 1, 256>}, {transform_indices = @transform_5, window_bounds = array<i64: 1, 256, 128>}, {transform_indices = @transform_6, window_bounds = array<i64: 1, 1, 128>}, {transform_indices = @transform_7, window_bounds = array<i64: 1, 2560, 128>}]} {
    %get3A = arith.constant 0 : index
    %get3A_0 = arith.constant 0 : index
    %get3A_1 = arith.constant 0 : index
    %get3A_2 = vector.load %arg2[%get3A, %get3A_0, %get3A_1] : memref<1x2560x128xf32, #tpu.memory_space<vmem>>, vector<1x2560x128xf32>
    %get3A_3 = vector.shape_cast %get3A_2 : vector<1x2560x128xf32> to vector<2560x128xf32>
    %convert_element_type3A = arith.truncf %get3A_3 : vector<2560x128xf32> to vector<2560x128xbf16>
    %get3A_4 = arith.constant 0 : index
    %get3A_5 = arith.constant 0 : index
    %get3A_6 = arith.constant 0 : index
    %get3A_7 = vector.load %arg4[%get3A_4, %get3A_5, %get3A_6] : memref<1x128x256xbf16, #tpu.memory_space<vmem>>, vector<1x128x256xbf16>
    %get3A_8 = vector.shape_cast %get3A_7 : vector<1x128x256xbf16> to vector<128x256xbf16>
    %dot_general3A = arith.constant dense<0.000000e+00> : vector<2560x256xf32>
    %dot_general3A_9 = tpu.matmul %convert_element_type3A, %get3A_8, %dot_general3A {dimension_numbers = #tpu.dot_dimension_numbers<[1], [0], [0], [1], [0, 0, 1, 1], [], []>, transpose_lhs_hint = false} : vector<2560x128xbf16>, vector<128x256xbf16>, vector<2560x256xf32> -> vector<2560x256xf32>
    %get3A_10 = arith.constant 0 : index
    %get3A_11 = arith.constant 0 : index
    %get3A_12 = arith.constant 0 : index
    %get3A_13 = vector.load %arg3[%get3A_10, %get3A_11, %get3A_12] : memref<1x16x2560xbf16, #tpu.memory_space<vmem>>, vector<1x16x2560xbf16>
    %get3A_14 = vector.shape_cast %get3A_13 : vector<1x16x2560xbf16> to vector<16x2560xbf16>
    %get3A_15 = arith.constant 0 : index
    %get3A_16 = arith.constant 0 : index
    %get3A_17 = arith.constant 0 : index
    %get3A_18 = vector.load %arg5[%get3A_15, %get3A_16, %get3A_17] : memref<1x16x256xbf16, #tpu.memory_space<vmem>>, vector<1x16x256xbf16>
    %get3A_19 = vector.shape_cast %get3A_18 : vector<1x16x256xbf16> to vector<16x256xbf16>
    %dot_general3A_20 = arith.constant dense<0.000000e+00> : vector<2560x256xf32>
    %dot_general3A_21 = tpu.matmul %get3A_14, %get3A_19, %dot_general3A_20 {dimension_numbers = #tpu.dot_dimension_numbers<[0], [0], [1], [1], [0, 1, 1, 1], [], []>, transpose_lhs_hint = false} : vector<16x2560xbf16>, vector<16x256xbf16>, vector<2560x256xf32> -> vector<2560x256xf32>
    %add3A = arith.addf %dot_general3A_9, %dot_general3A_21 : vector<2560x256xf32>
    %get3A_22 = arith.constant 0 : index
    %get3A_23 = arith.constant 0 : index
    %get3A_24 = arith.constant 0 : index
    %get3A_25 = vector.load %arg6[%get3A_22, %get3A_23, %get3A_24] : memref<1x1x256xf32, #tpu.memory_space<vmem>>, vector<1x1x256xf32>
    %get3A_26 = vector.shape_cast %get3A_25 : vector<1x1x256xf32> to vector<1x256xf32>
    %add3A_27 = vector.broadcast %get3A_26 : vector<1x256xf32> to vector<2560x256xf32>
    %add3A_28 = arith.addf %add3A, %add3A_27 : vector<2560x256xf32>
    %max3A = arith.constant 0.000000e+00 : f32
    %max3A_29 = vector.broadcast %max3A : f32 to vector<2560x256xf32>
    %max3A_30 = arith.maximumf %add3A_28, %max3A_29 : vector<2560x256xf32>
    %convert_element_type3A_31 = arith.truncf %max3A_30 : vector<2560x256xf32> to vector<2560x256xbf16>
    %get3A_32 = arith.constant 0 : index
    %get3A_33 = arith.constant 0 : index
    %get3A_34 = arith.constant 0 : index
    %get3A_35 = vector.load %arg7[%get3A_32, %get3A_33, %get3A_34] : memref<1x256x128xbf16, #tpu.memory_space<vmem>>, vector<1x256x128xbf16>
    %get3A_36 = vector.shape_cast %get3A_35 : vector<1x256x128xbf16> to vector<256x128xbf16>
    %dot_general3A_37 = arith.constant dense<0.000000e+00> : vector<2560x128xf32>
    %dot_general3A_38 = tpu.matmul %convert_element_type3A_31, %get3A_36, %dot_general3A_37 {dimension_numbers = #tpu.dot_dimension_numbers<[1], [0], [0], [1], [0, 0, 1, 1], [], []>, transpose_lhs_hint = false} : vector<2560x256xbf16>, vector<256x128xbf16>, vector<2560x128xf32> -> vector<2560x128xf32>
    %get3A_39 = arith.constant 0 : index
    %get3A_40 = arith.constant 0 : index
    %get3A_41 = arith.constant 0 : index
    %get3A_42 = vector.load %arg8[%get3A_39, %get3A_40, %get3A_41] : memref<1x1x128xf32, #tpu.memory_space<vmem>>, vector<1x1x128xf32>
    %get3A_43 = vector.shape_cast %get3A_42 : vector<1x1x128xf32> to vector<1x128xf32>
    %add3A_44 = vector.broadcast %get3A_43 : vector<1x128xf32> to vector<2560x128xf32>
    %add3A_45 = arith.addf %dot_general3A_38, %add3A_44 : vector<2560x128xf32>
    %swap3A = arith.constant 0 : index
    %swap3A_46 = arith.constant 0 : index
    %swap3A_47 = arith.constant 0 : index
    %swap3A_48 = vector.load %arg9[%swap3A, %swap3A_46, %swap3A_47] : memref<1x2560x128xf32, #tpu.memory_space<vmem>>, vector<1x2560x128xf32>
    %swap3A_49 = vector.shape_cast %swap3A_48 : vector<1x2560x128xf32> to vector<2560x128xf32>
    %swap3A_50 = vector.shape_cast %add3A_45 : vector<2560x128xf32> to vector<1x2560x128xf32>
    tpu.vector_store %arg9[%swap3A, %swap3A_46, %swap3A_47], %swap3A_50 {strides = array<i32>} : memref<1x2560x128xf32, #tpu.memory_space<vmem>>, vector<1x2560x128xf32>,
    return
  }
  func.func @transform_0(%arg0: i32, %arg1: i32) -> (i32, i32, i32) {
    %c0_i32 = arith.constant 0 : i32
    %c0_i32_0 = arith.constant 0 : i32
    return %arg0, %arg1, %c0_i32 : i32, i32, i32
  }
  func.func @transform_1(%arg0: i32, %arg1: i32) -> (i32, i32, i32) {
    %c0_i32 = arith.constant 0 : i32
    %c0_i32_0 = arith.constant 0 : i32
    return %arg0, %c0_i32, %arg1 : i32, i32, i32
  }
  func.func @transform_2(%arg0: i32, %arg1: i32) -> (i32, i32, i32) {
    %c0_i32 = arith.constant 0 : i32
    %c0_i32_0 = arith.constant 0 : i32
    %c0_i32_1 = arith.constant 0 : i32
    return %arg0, %c0_i32, %c0_i32_0 : i32, i32, i32
  }
  func.func @transform_3(%arg0: i32, %arg1: i32) -> (i32, i32, i32) {
    %c0_i32 = arith.constant 0 : i32
    %c0_i32_0 = arith.constant 0 : i32
    %c0_i32_1 = arith.constant 0 : i32
    return %arg0, %c0_i32, %c0_i32_0 : i32, i32, i32
  }
  func.func @transform_4(%arg0: i32, %arg1: i32) -> (i32, i32, i32) {
    %c0_i32 = arith.constant 0 : i32
    %c0_i32_0 = arith.constant 0 : i32
    %c0_i32_1 = arith.constant 0 : i32
    return %arg0, %c0_i32, %c0_i32_0 : i32, i32, i32
  }
  func.func @transform_5(%arg0: i32, %arg1: i32) -> (i32, i32, i32) {
    %c0_i32 = arith.constant 0 : i32
    %c0_i32_0 = arith.constant 0 : i32
    %c0_i32_1 = arith.constant 0 : i32
    return %arg0, %c0_i32, %c0_i32_0 : i32, i32, i32
  }
  func.func @transform_6(%arg0: i32, %arg1: i32) -> (i32, i32, i32) {
    %c0_i32 = arith.constant 0 : i32
    %c0_i32_0 = arith.constant 0 : i32
    %c0_i32_1 = arith.constant 0 : i32
    return %arg0, %c0_i32, %c0_i32_0 : i32, i32, i32
  }
  func.func @transform_7(%arg0: i32, %arg1: i32) -> (i32, i32, i32) {
    %c0_i32 = arith.constant 0 : i32
    %c0_i32_0 = arith.constant 0 : i32
    return %arg0, %arg1, %c0_i32 : i32, i32, i32
  }
}

module attributes {stable_mosaic.version = 14 : i64} {
  func.func @_final_body(%arg0: i32, %arg1: memref<1000x128xf32, #tpu.memory_space<vmem>>, %arg2: memref<1000x128xf32, #tpu.memory_space<vmem>>, %arg3: memref<1000x128xf32, #tpu.memory_space<vmem>>, %arg4: memref<1000x128xf32, #tpu.memory_space<vmem>>, %arg5: memref<1000x128xf32, #tpu.memory_space<vmem>>, %arg6: memref<128x128xf32, #tpu.memory_space<vmem>>, %arg7: memref<128x128xf32, #tpu.memory_space<vmem>>, %arg8: memref<1x128xf32, #tpu.memory_space<vmem>>, %arg9: memref<1x128xf32, #tpu.memory_space<vmem>>, %arg10: memref<1x128xf32, #tpu.memory_space<vmem>>, %arg11: memref<1000x128xf32, #tpu.memory_space<vmem>>) attributes {dimension_semantics = [#tpu.dimension_semantics<arbitrary>], iteration_bounds = array<i64: 10>, scalar_prefetch = 0 : i64, scratch_operands = 0 : i64, tpu.core_type = #tpu.core_type<tc>, window_params = [{transform_indices = @transform_0, window_bounds = array<i64: 1000, 128>}, {transform_indices = @transform_1, window_bounds = array<i64: 1000, 128>}, {transform_indices = @transform_2, window_bounds = array<i64: 1000, 128>}, {transform_indices = @transform_3, window_bounds = array<i64: 1000, 128>}, {transform_indices = @transform_4, window_bounds = array<i64: 1000, 128>}, {pipeline_mode = #tpu.pipeline_mode<synchronous>, transform_indices = @transform_5, window_bounds = array<i64: 128, 128>}, {pipeline_mode = #tpu.pipeline_mode<synchronous>, transform_indices = @transform_6, window_bounds = array<i64: 128, 128>}, {pipeline_mode = #tpu.pipeline_mode<synchronous>, transform_indices = @transform_7, window_bounds = array<i64: 1, 128>}, {pipeline_mode = #tpu.pipeline_mode<synchronous>, transform_indices = @transform_8, window_bounds = array<i64: 1, 128>}, {pipeline_mode = #tpu.pipeline_mode<synchronous>, transform_indices = @transform_9, window_bounds = array<i64: 1, 128>}, {transform_indices = @transform_10, window_bounds = array<i64: 1000, 128>}]} {
    %get3A = arith.constant 0 : index
    %get3A_0 = arith.constant 0 : index
    %get3A_1 = vector.load %arg2[%get3A, %get3A_0] : memref<1000x128xf32, #tpu.memory_space<vmem>>, vector<1000x128xf32>
    %get3A_2 = arith.constant 0 : index
    %get3A_3 = arith.constant 0 : index
    %get3A_4 = vector.load %arg4[%get3A_2, %get3A_3] : memref<1000x128xf32, #tpu.memory_space<vmem>>, vector<1000x1xf32>
    %max3A = arith.constant 1.000000e+00 : f32
    %max3A_5 = vector.broadcast %max3A : f32 to vector<1000x1xf32>
    %max3A_6 = arith.maximumf %get3A_4, %max3A_5 : vector<1000x1xf32>
    %div3A = vector.broadcast %max3A_6 : vector<1000x1xf32> to vector<1000x128xf32>
    %div3A_7 = arith.divf %get3A_1, %div3A : vector<1000x128xf32>
    %get3A_8 = arith.constant 0 : index
    %get3A_9 = arith.constant 0 : index
    %get3A_10 = vector.load %arg3[%get3A_8, %get3A_9] : memref<1000x128xf32, #tpu.memory_space<vmem>>, vector<1000x128xf32>
    %get3A_11 = arith.constant 0 : index
    %get3A_12 = arith.constant 0 : index
    %get3A_13 = vector.load %arg5[%get3A_11, %get3A_12] : memref<1000x128xf32, #tpu.memory_space<vmem>>, vector<1000x1xf32>
    %max3A_14 = arith.constant 1.000000e+00 : f32
    %max3A_15 = vector.broadcast %max3A_14 : f32 to vector<1000x1xf32>
    %max3A_16 = arith.maximumf %get3A_13, %max3A_15 : vector<1000x1xf32>
    %div3A_17 = vector.broadcast %max3A_16 : vector<1000x1xf32> to vector<1000x128xf32>
    %div3A_18 = arith.divf %get3A_10, %div3A_17 : vector<1000x128xf32>
    %get3A_19 = arith.constant 0 : index
    %get3A_20 = arith.constant 0 : index
    %get3A_21 = vector.load %arg6[%get3A_19, %get3A_20] : memref<128x128xf32, #tpu.memory_space<vmem>>, vector<128x128xf32>
    %dot_general3A = arith.constant dense<0.000000e+00> : vector<1000x128xf32>
    %dot_general3A_22 = tpu.matmul %div3A_7, %get3A_21, %dot_general3A {dimension_numbers = #tpu.dot_dimension_numbers<[1], [0], [0], [1], [0, 0, 1, 1], [], []>, transpose_lhs_hint = false} : vector<1000x128xf32>, vector<128x128xf32>, vector<1000x128xf32> -> vector<1000x128xf32>
    %get3A_23 = arith.constant 0 : index
    %get3A_24 = arith.constant 0 : index
    %get3A_25 = vector.load %arg7[%get3A_23, %get3A_24] : memref<128x128xf32, #tpu.memory_space<vmem>>, vector<128x128xf32>
    %dot_general3A_26 = arith.constant dense<0.000000e+00> : vector<1000x128xf32>
    %dot_general3A_27 = tpu.matmul %div3A_18, %get3A_25, %dot_general3A_26 {dimension_numbers = #tpu.dot_dimension_numbers<[1], [0], [0], [1], [0, 0, 1, 1], [], []>, transpose_lhs_hint = false} : vector<1000x128xf32>, vector<128x128xf32>, vector<1000x128xf32> -> vector<1000x128xf32>
    %add3A = arith.addf %dot_general3A_22, %dot_general3A_27 : vector<1000x128xf32>
    %get3A_28 = arith.constant 0 : index
    %get3A_29 = arith.constant 0 : index
    %get3A_30 = vector.load %arg1[%get3A_28, %get3A_29] : memref<1000x128xf32, #tpu.memory_space<vmem>>, vector<1000x128xf32>
    %add3A_31 = arith.addf %get3A_30, %add3A : vector<1000x128xf32>
    %get3A_32 = arith.constant 0 : index
    %get3A_33 = arith.constant 0 : index
    %get3A_34 = vector.load %arg8[%get3A_32, %get3A_33] : memref<1x128xf32, #tpu.memory_space<vmem>>, vector<1x128xf32>
    %get3A_35 = vector.shape_cast %get3A_34 : vector<1x128xf32> to vector<128xf32>
    %broadcast_in_dim3A = vector.shape_cast %get3A_35 : vector<128xf32> to vector<1x128xf32>
    %add3A_36 = vector.broadcast %broadcast_in_dim3A : vector<1x128xf32> to vector<1000x128xf32>
    %add3A_37 = arith.addf %add3A_31, %add3A_36 : vector<1000x128xf32>
    %reduce_sum3A = arith.constant dense<0.000000e+00> : vector<1000xf32>
    %reduce_sum3A_38 = vector.multi_reduction <add>, %add3A_37, %reduce_sum3A [1] : vector<1000x128xf32> to vector<1000xf32>
    %broadcast_in_dim3A_39 = vector.shape_cast %reduce_sum3A_38 : vector<1000xf32> to vector<1000x1xf32>
    %div3A_40 = arith.constant 1.280000e+02 : f32
    %div3A_41 = vector.broadcast %div3A_40 : f32 to vector<1000x1xf32>
    %div3A_42 = arith.divf %broadcast_in_dim3A_39, %div3A_41 : vector<1000x1xf32>
    %sub3A = vector.broadcast %div3A_42 : vector<1000x1xf32> to vector<1000x128xf32>
    %sub3A_43 = arith.subf %add3A_37, %sub3A : vector<1000x128xf32>
    %mul3A = arith.mulf %sub3A_43, %sub3A_43 : vector<1000x128xf32>
    %reduce_sum3A_44 = arith.constant dense<0.000000e+00> : vector<1000xf32>
    %reduce_sum3A_45 = vector.multi_reduction <add>, %mul3A, %reduce_sum3A_44 [1] : vector<1000x128xf32> to vector<1000xf32>
    %broadcast_in_dim3A_46 = vector.shape_cast %reduce_sum3A_45 : vector<1000xf32> to vector<1000x1xf32>
    %div3A_47 = arith.constant 1.280000e+02 : f32
    %div3A_48 = vector.broadcast %div3A_47 : f32 to vector<1000x1xf32>
    %div3A_49 = arith.divf %broadcast_in_dim3A_46, %div3A_48 : vector<1000x1xf32>
    %add3A_50 = arith.constant 9.99999974E-6 : f32
    %add3A_51 = vector.broadcast %add3A_50 : f32 to vector<1000x1xf32>
    %add3A_52 = arith.addf %div3A_49, %add3A_51 : vector<1000x1xf32>
    %rsqrt3A = math.rsqrt %add3A_52 : vector<1000x1xf32>
    %mul3A_53 = vector.broadcast %rsqrt3A : vector<1000x1xf32> to vector<1000x128xf32>
    %mul3A_54 = arith.mulf %sub3A_43, %mul3A_53 : vector<1000x128xf32>
    %get3A_55 = arith.constant 0 : index
    %get3A_56 = arith.constant 0 : index
    %get3A_57 = vector.load %arg9[%get3A_55, %get3A_56] : memref<1x128xf32, #tpu.memory_space<vmem>>, vector<1x128xf32>
    %get3A_58 = vector.shape_cast %get3A_57 : vector<1x128xf32> to vector<128xf32>
    %broadcast_in_dim3A_59 = vector.shape_cast %get3A_58 : vector<128xf32> to vector<1x128xf32>
    %mul3A_60 = vector.broadcast %broadcast_in_dim3A_59 : vector<1x128xf32> to vector<1000x128xf32>
    %mul3A_61 = arith.mulf %mul3A_54, %mul3A_60 : vector<1000x128xf32>
    %get3A_62 = arith.constant 0 : index
    %get3A_63 = arith.constant 0 : index
    %get3A_64 = vector.load %arg10[%get3A_62, %get3A_63] : memref<1x128xf32, #tpu.memory_space<vmem>>, vector<1x128xf32>
    %get3A_65 = vector.shape_cast %get3A_64 : vector<1x128xf32> to vector<128xf32>
    %broadcast_in_dim3A_66 = vector.shape_cast %get3A_65 : vector<128xf32> to vector<1x128xf32>
    %add3A_67 = vector.broadcast %broadcast_in_dim3A_66 : vector<1x128xf32> to vector<1000x128xf32>
    %add3A_68 = arith.addf %mul3A_61, %add3A_67 : vector<1000x128xf32>
    %swap3A = arith.constant 0 : index
    %swap3A_69 = arith.constant 0 : index
    %swap3A_70 = vector.load %arg11[%swap3A, %swap3A_69] : memref<1000x128xf32, #tpu.memory_space<vmem>>, vector<1000x128xf32>
    tpu.vector_store %arg11[%swap3A, %swap3A_69], %add3A_68 {strides = array<i32>} : memref<1000x128xf32, #tpu.memory_space<vmem>>, vector<1000x128xf32>,
    return
  }
  func.func @transform_0(%arg0: i32) -> (i32, i32) {
    %c0_i32 = arith.constant 0 : i32
    %c0_i32_0 = arith.constant 0 : i32
    return %arg0, %c0_i32 : i32, i32
  }
  func.func @transform_1(%arg0: i32) -> (i32, i32) {
    %c0_i32 = arith.constant 0 : i32
    %c0_i32_0 = arith.constant 0 : i32
    return %arg0, %c0_i32 : i32, i32
  }
  func.func @transform_2(%arg0: i32) -> (i32, i32) {
    %c0_i32 = arith.constant 0 : i32
    %c0_i32_0 = arith.constant 0 : i32
    return %arg0, %c0_i32 : i32, i32
  }
  func.func @transform_3(%arg0: i32) -> (i32, i32) {
    %c0_i32 = arith.constant 0 : i32
    %c0_i32_0 = arith.constant 0 : i32
    return %arg0, %c0_i32 : i32, i32
  }
  func.func @transform_4(%arg0: i32) -> (i32, i32) {
    %c0_i32 = arith.constant 0 : i32
    %c0_i32_0 = arith.constant 0 : i32
    return %arg0, %c0_i32 : i32, i32
  }
  func.func @transform_5(%arg0: i32) -> (i32, i32) {
    %c0_i32 = arith.constant 0 : i32
    %c0_i32_0 = arith.constant 0 : i32
    %c0_i32_1 = arith.constant 0 : i32
    return %c0_i32, %c0_i32_0 : i32, i32
  }
  func.func @transform_6(%arg0: i32) -> (i32, i32) {
    %c0_i32 = arith.constant 0 : i32
    %c0_i32_0 = arith.constant 0 : i32
    %c0_i32_1 = arith.constant 0 : i32
    return %c0_i32, %c0_i32_0 : i32, i32
  }
  func.func @transform_7(%arg0: i32) -> (i32, i32) {
    %c0_i32 = arith.constant 0 : i32
    %c0_i32_0 = arith.constant 0 : i32
    %c0_i32_1 = arith.constant 0 : i32
    return %c0_i32, %c0_i32_0 : i32, i32
  }
  func.func @transform_8(%arg0: i32) -> (i32, i32) {
    %c0_i32 = arith.constant 0 : i32
    %c0_i32_0 = arith.constant 0 : i32
    %c0_i32_1 = arith.constant 0 : i32
    return %c0_i32, %c0_i32_0 : i32, i32
  }
  func.func @transform_9(%arg0: i32) -> (i32, i32) {
    %c0_i32 = arith.constant 0 : i32
    %c0_i32_0 = arith.constant 0 : i32
    %c0_i32_1 = arith.constant 0 : i32
    return %c0_i32, %c0_i32_0 : i32, i32
  }
  func.func @transform_10(%arg0: i32) -> (i32, i32) {
    %c0_i32 = arith.constant 0 : i32
    %c0_i32_0 = arith.constant 0 : i32
    return %arg0, %c0_i32 : i32, i32
  }
}

</mosaic_0001>

<sc_bundles>
// kernel: kernel.6.cloned.1.call-start
scs
__scs_entry_jumppad:
0x0: {  	(pc) =	sbr.rel $0x88, $3  }
0x1: {  	(tag) =	ssettag $0x0;
	lr =	simm.s32 $0x1  }
0x2: {  	[smem:$0x3F90] =	sst lr;
	_ =	strace $0xD0000000  }
0x3: {  	_ = 	snop  }
0x4: {  	_ = 	snop  }
0x5: {  	_ = 	snop  }
0x6: {  	_ = 	snop  }
0x7: {  	_ = 	snop  }
__scs_overlays_trampoline_lowered:
0x8: {  	[smem:$0x3F9F] =	sst s0  }
0x9: {  	[smem:$0x3FA0] =	sst s1  }
0xa: {  	[smem:$0x3FA1] =	sst s2  }
0xb: {  	[smem:$0x3FA2] =	sst s3  }
0xc: {  	[smem:$0x3FA3] =	sst s4  }
0xd: {  	[smem:$0x3FA4] =	sst s5  }
0xe: {  	[smem:$0x3FA5] =	sst s6  }
0xf: {  	[smem:$0x3FA6] =	sst s7  }
0x10: {  	[smem:$0x3FA7] =	sst s8  }
0x11: {  	[smem:$0x3FA8] =	sst s9;
	s0 =	simm.s32 @!p0 $0x0  }
0x12: {  	s1 =	sld [smem:$0x3F8E];
	s0 =	simm.s32 @p0 $0x1  }
0x13: {  	[smem:$0x3FA9] =	sst s0;
	s0 =	simm.s32 @!p1 $0x0  }
0x14: {  	s2 =	sld [smem:$0x3F8D];
	s0 =	simm.s32 @p1 $0x1  }
0x15: {  	[smem:$0x3FAA] =	sst s0;
	s0 =	simm.s32 @!p2 $0x0  }
0x16: {  	s3 =	sld [smem:$0x3FDB];
	s0 =	simm.s32 @p2 $0x1  }
0x17: {  	s4 =	simm.s32 $0x1BF5;
	[smem:$0x3FAC] =	sst s0  }
0x18: {  	s0 =	sld [smem:$0x3F8F];
	_ =	swait.ge [sflag:s4], $0x0  }
0x19: {  	s7 =	sld [smem:$0x3F90]  }
0x1a: {  	s8 =	sadd.s32 $0xFFFFE003, lr  }
0x1b: {  	s9 =	sadd.s32 $0xFFFFFEF7, lr;
	s5 =	simm.s32 $0xFFFFFFFF;
	p2 =	slt.u32 s8, $0xFFFFF086  }
0x1c: {  	p1 =	slt.u32 s9, $0xF7A;
	s5 =	simm.s32 @!p2 $0x0  }
0x1d: {  	s5 =	simm.s32 @p1 $0x1;
	p0 =	seq.s32 s7, s2  }
0x1e: {  	s7 =	smul.u32 @!p0 $0xF7A, s2;
	p2 =	seq.s32 @!p0 s5, $0x0  }
0x1f: {  	s9 =	smul.u32 $0xF7A, s1;
	s8 =	simm.s32 @!p0 $0x1BF5;
	p2 =	por !p2, p0  }
0x20: {  	[sflag:s8] =	ssyncset.s32 @!p0 $0xFFFFF086;
	s6 =	sadd.s32 @!p0 s3, s7;
	s7 =	simm.s32 @!p0 $0x108  }
0x21: {  	s3 =	sadd.s32 s3, s9;
	s6 =	sadd.s32 @!p0 $0x88, s6;
	s7 =	simm.s32 @p2 $0x1082  }
0x22: {  	[simem:s7], [sflag:s8] =	dma.local @!p0 [hbm:s6], $0xF7A  }
0x23: {  	s9 =	sor.u32 $0xD0000000, s2;
	s6 =	simm.s32 $0x108;
	_ =	swait.ge @!p0 [sflag:s8], $0x0  }
0x24: {  	s3 =	sadd.s32 $0x88, s3;
	s6 =	simm.s32 @!p1 $0x1082;
	[sflag:s4] =	ssyncset.s32 $0xFFFFF086  }
0x25: {  	[simem:s6], [sflag:s4] =	dma.local [hbm:s3], $0xF7A  }
0x26: {  	[smem:$0x3F90] =	sst s1;
	(tag) =	ssettag s2;
	_ =	strace s9  }
0x27: {  	s1 =	sld [smem:$0x3FA0]  }
0x28: {  	s2 =	sld [smem:$0x3FA1]  }
0x29: {  	s4 =	sld [smem:$0x3FA3]  }
0x2a: {  	p0 =	seq.s32 s5, $0x0;
	s5 =	sld [smem:$0x3FA4]  }
0x2b: {  	s6 =	sld [smem:$0x3FA5]  }
0x2c: {  	s7 =	sld [smem:$0x3FA6]  }
0x2d: {  	s3 =	simm.s32 $0x108;
	s8 =	sld [smem:$0x3FA7]  }
0x2e: {  	s3 =	simm.s32 @!p0 $0x1082;
	s9 =	sld [smem:$0x3FA8]  }
0x2f: {  	lr =	sadd.s32 s0, s3;
	s0 =	sld [smem:$0x3F9F]  }
0x30: {  	s3 =	sld [smem:$0x3FA2]  }
0x31: {  	[smem:$0x3FAB] =	sst s10  }
0x32: {  	s10 =	sld [smem:$0x3FA9];
	_ =	sdelay $0x3  }
0x33: {  	p0 =	seq.s32 s10, $0x1;
	s10 =	sld [smem:$0x3FAB];
	_ =	sdelay $0x3  }
0x34: {  	[smem:$0x3FAB] =	sst s10  }
0x35: {  	s10 =	sld [smem:$0x3FAA];
	_ =	sdelay $0x3  }
0x36: {  	p1 =	seq.s32 s10, $0x1;
	s10 =	sld [smem:$0x3FAB];
	_ =	sdelay $0x3  }
0x37: {  	[smem:$0x3FAB] =	sst s10  }
0x38: {  	s10 =	sld [smem:$0x3FAC]  }
0x39: {  	_ = 	snop;
	(pc) =	sbr.ind lr, $3  }
0x3a: {  	_ = 	snop  }
0x3b: {  	_ = 	snop  }
0x3c: {  	p2 =	seq.s32 s10, $0x1;
	s10 =	sld [smem:$0x3FAB]  }
0x3d: {  	_ =	shalt  }
0x3e: {  	_ =	shalt  }
0x3f: {  	_ =	shalt  }
0x40: {  	_ =	shalt  }
0x41: {  	_ =	shalt  }
0x42: {  	_ =	shalt  }
0x43: {  	_ =	shalt  }
0x44: {  	_ =	shalt  }
0x45: {  	_ =	shalt  }
0x46: {  	_ =	shalt  }
0x47: {  	_ =	shalt  }
0x48: {  	_ =	shalt  }
0x49: {  	_ =	shalt  }
0x4a: {  	_ =	shalt  }
0x4b: {  	_ =	shalt  }
0x4c: {  	_ =	shalt  }
0x4d: {  	_ =	shalt  }
0x4e: {  	_ =	shalt  }
0x4f: {  	_ =	shalt  }
0x50: {  	_ =	shalt  }
0x51: {  	_ =	shalt  }
0x52: {  	_ =	shalt  }
0x53: {  	_ =	shalt  }
0x54: {  	_ =	shalt  }
0x55: {  	_ =	shalt  }
0x56: {  	_ =	shalt  }
0x57: {  	_ =	shalt  }
0x58: {  	_ =	shalt  }
0x59: {  	_ =	shalt  }
0x5a: {  	_ =	shalt  }
0x5b: {  	_ =	shalt  }
0x5c: {  	_ =	shalt  }
0x5d: {  	_ =	shalt  }
0x5e: {  	_ =	shalt  }
0x5f: {  	_ =	shalt  }
0x60: {  	_ =	shalt  }
0x61: {  	_ =	shalt  }
0x62: {  	_ =	shalt  }
0x63: {  	_ =	shalt  }
0x64: {  	_ =	shalt  }
0x65: {  	_ =	shalt  }
0x66: {  	_ =	shalt  }
0x67: {  	_ =	shalt  }
0x68: {  	_ =	shalt  }
0x69: {  	_ =	shalt  }
0x6a: {  	_ =	shalt  }
0x6b: {  	_ =	shalt  }
0x6c: {  	_ =	shalt  }
0x6d: {  	_ =	shalt  }
0x6e: {  	_ =	shalt  }
0x6f: {  	_ =	shalt  }
0x70: {  	_ =	shalt  }
0x71: {  	_ =	shalt  }
0x72: {  	_ =	shalt  }
0x73: {  	_ =	shalt  }
0x74: {  	_ =	shalt  }
0x75: {  	_ =	shalt  }
0x76: {  	_ =	shalt  }
0x77: {  	_ =	shalt  }
0x78: {  	_ =	shalt  }
0x79: {  	_ =	shalt  }
0x7a: {  	_ =	shalt  }
0x7b: {  	_ =	shalt  }
0x7c: {  	_ =	shalt  }
0x7d: {  	_ =	shalt  }
0x7e: {  	_ =	shalt  }
0x7f: {  	_ =	shalt  }
0x80: {  	_ =	shalt  }
0x81: {  	_ =	shalt  }
0x82: {  	_ =	shalt  }
0x83: {  	_ =	shalt  }
0x84: {  	_ =	shalt  }
0x85: {  	_ =	shalt  }
0x86: {  	_ =	shalt  }
0x87: {  	_ =	shalt  }
.Lfunc_end0:
.L_simem_size_0:
called_computation_lowered:
.L_overlay_start_0:
0x88: {  	s2 =	sld [smem:$0x3FD9]  }
0x89: {  	s3 =	sld [smem:$0x3FFE];
	_ =	sdelay $0x1  }
0x8a: {  	s1 =	srdreg.scid  }
0x8b: {  	s0 =	sand.u32 $0x1, s1  }
0x8c: {  	s17 =	sshll.u32 s0, $0xA;
	s2 =	sadd.s32 s3, s2  }
0x8d: {  	s2 =	sadd.s32 s2, s17  }
0x8e: {  	[smem:$0x3FB7] =	sst s2  }
0x8f: {  	_ = 	snop  }
0x90: {  	s2 =	sld [smem:$0x3FC9];
	(tm) =	ssettm $0x1  }
0x91: {  	s18 =	sld [smem:$0x3FFB];
	_ =	sdelay $0x3  }
0x92: {  	_ =	strace s18  }
0x93: {  	s3 =	sld [smem:$0x3FFC];
	_ =	sdelay $0x3  }
0x94: {  	_ =	strace s3  }
0x95: {  	s3 =	sld [smem:$0x3FFD];
	_ =	sdelay $0x3  }
0x96: {  	_ =	strace s3  }
0x97: {  	_ =	strace $0x8FFFFFFF  }
0x98: {  	s19 =	sld [smem:$0x3FDB];
	_ =	sdelay $0x1  }
0x99: {  	s4 =	simm.s32 $_scs_section_size  }
0x9a: {  	s5 =	simm.s32 $_size__tile_overlayer_lowered;
	s6 =	simm.s32 $_tile_overlayer_lowered  }
0x9b: {  	s22 =	simm.s32 $0x1BFF;
	s21 =	sshll.u32 s6, $0x1;
	s3 =	sadd.s32 s4, s19  }
0x9c: {  	s7 =	simm.s32 $0x0;
	s20 =	sshll.u32 s5, $0x1;
	s5 =	sadd.s32 s21, s3  }
0x9d: {  	[timem:s7], [sflag:s22] =	dma.local [hbm:s5], s20  }
0x9e: {  	_ =	swait.ge [sflag:s22], s20  }
0x9f: {  	s4 =	ssub.s32 $0x0, s20;
	[sflag:s22] =	ssyncset.done $0x0  }
0xa0: {  	[sflag:s22] =	ssyncadd.s32 s4;
	_ =	sdelay $0x1  }
0xa1: {  	s23 =	simm.s32 $0x1B8B  }
0xa2: {  	_ =	swait.ge [sflag:s23], $0x1  }
0xa3: {  	[sflag:s23] =	ssyncset.done $0x0  }
0xa4: {  	s25 =	simm.s32 $0x1B8E;
	s24 =	sld [smem:$0x3FFE];
	[sflag:s23] =	ssyncadd.s32 $0xFFFFFFFF  }
0xa5: {  	s26 =	simm.s32 $execute0_lowered;
	[smem:$0x3FD2] =	sst s25  }
0xa6: {  	s5 =	sshll.u32 s26, $0x1;
	_ =	strace $0x80000046;
	[dreg:$0x1] =	wrdreg $0xFFFFFFFF  }
0xa7: {  	s28 =	simm.s32 $_size_execute0_lowered;
	s3 =	sadd.s32 s3, s5;
	[dreg:$0x0] =	wrdreg $0x0  }
0xa8: {  	s5 =	sshll.u32 s28, $0x1;
	[dreg:$0x2] =	wrdreg s3  }
0xa9: {  	[dreg:$0x3] =	wrdreg s5  }
0xaa: {  	[dreg:$0x4] =	wrdreg $0xC0  }
0xab: {  	_ =	task [dreg:s7], $0x5FFFF  }
0xac: {  	[dreg:$0x1] =	wrdreg $0xFFFFFFFF  }
0xad: {  	[dreg:$0x0] =	wrdreg $0x60  }
0xae: {  	[dreg:$0x2] =	wrdreg s2  }
0xaf: {  	[dreg:$0x3] =	wrdreg s24  }
0xb0: {  	[dreg:$0x4] =	wrdreg $0x9  }
0xb1: {  	_ =	task.clear_ibuf [dreg:s7], $0x5FFFF;
	_ =	strace $0x90000046  }
0xb2: {  	s29 =	simm.s32 $0x9;
	_ =	strace $0x80000048  }
0xb3: {  	_ =	swait.ge [sflag:s29], $0x1  }
0xb4: {  	[sflag:s29] =	ssyncadd.s32 $0xFFFFFFFF  }
0xb5: {  	_ =	strace $0x90000048  }
0xb6: {  	_ =	sfence  }
0xb7: {  	s30 =	sld [smem:$0x0];
	_ =	sdelay $0x2  }
0xb8: {  	s31 =	sshll.u32 s1, $0xD;
	s1 =	sshrl.u32 s1, $0x2  }
0xb9: {  	s3 =	sand.u32 $0x4000, s31;
	s1 =	sadd.s32 s1, s30  }
0xba: {  	s0 =	sor.u32 s3, s0;
	s1 =	sshll.u32 s1, $0x11  }
0xbb: {  	s0 =	sor.u32 s1, s0  }
0xbc: {  	s0 =	sadd.s32 $0x8F2B, s0  }
0xbd: {  	[sflag:s0] =	ssyncadd.remote.s32 $0x1  }
0xbe: {  	_ =	sfence.sel $0xFFFF  }
0xbf: {  	[dreg:$0x0] =	wrdreg $0xFFFFFFFF;
	(pc) =	sbr.abs _section_cstart, $3  }
0xc0: {  	[dreg:$0x1] =	wrdreg $0xFFFFFFFF  }
0xc1: {  	_ =	task.clear_ibuf [dreg:s7], $0x2FFFF;
	_ =	strace $0x9FFFFFFF  }
0xc2: {  	(tm) =	ssettm $0x7FFFFFFF  }
0xc3: {  	_ =	shalt  }
tec
execute0_lowered:
.L_overlay_start_1:
0x0: {  	(tag) =	ssettag $0x1  }
0x1: {  	s2 =	rddreg [dreg:$0x0]  }
0x2: {  	s1 =	srdreg.scid;
	s0 =	stileid.u32  }
0x3: {  	s4 =	rddreg [dreg:$0x1];
	s3 =	simm.s32 $0x0;
	s11 =	simm.s32 $0x2780  }
0x4: {  	s12 =	simm.s32 $0x4F80;
	s13 =	simm.s32 $0x7780;
	s14 =	simm.s32 $0x9F80  }
0x5: {  	s15 =	simm.s32 $0xC780;
	s16 =	simm.s32 $0x1;
	s17 =	simm.s32 $0x2  }
0x6: {  	s18 =	simm.s32 $0x0;
	s5 =	sand.u32 $0x1, s1;
	s6 =	sshll.u32 s0, $0x1  }
0x7: {  	s1 =	rddreg [dreg:$0x2];
	s7 =	smul.u32 $0x4E200, s0;
	s6 =	sor.u32 s5, s6  }
0x8: {  	[smem:$0x7FF] =	sst s3;
	s8 =	ssub.s32 $0x2, s5;
	s6 =	smul.u32 $0x2710, s6  }
0x9: {  	_ =	strace $0x80000047;
	s10 =	smul.u32 $0x27100, s5;
	s9 =	sshrl.u32 s8, $0x1  }
0xa: {  	s7 =	sadd.s32 s7, s4;
	s8 =	ssub.s32 s8, s9;
	s6 =	sshrl.u32 s6, $0x3  }
0xb: {  	s31 =	sadd.s32 s10, s7;
	s9 =	simm.s32 $0x3;
	s6 =	sadd.s32 s6, s4  }
0xc: {  	s10 =	simm.s32 $0x50;
	s7 =	sadd.s32 $0x21800, s31;
	s4 =	sadd.s32 $0xCA00, s6  }
0xd: {  	s5 =	sadd.s32 $0x16640, s6;
	s6 =	smax.u32 s8, $0x1;
	s8 =	sadd.s32 $0x503800, s31  }
.LBB2_1:
0xe: {  	[tilespmem:s3], [sflag:$0x3] =	stream.linear.gather [hbm4b:s4+s3], $0x2710, $0x38;
	[tilespmem:$0xEF80] =	vst v63  }
0xf: {  	_ =	swait.ge [sflag:s9], $0x2710  }
0x10: {  	[sflag:s9] =	ssyncset.done $0x0  }
0x11: {  	s19 =	simm.s32 $0x0;
	[sflag:s9] =	ssyncadd.s32 $0xFFFFD8F0  }
0x12: {  	[tilespmem:s11], [sflag:$0x1] =	stream.indirect.gather [hbm4b:s2+s10], $0x80, s19, s10, $0xb8;
	[tilespmem:$0xEF80] =	vst v63  }
0x13: {  	s23 =	simm.s32 $0x50  }
0x14: {  	[tilespmem:s12], [sflag:$0x1] =	stream.indirect.gather [hbm4b:s2+s10], $0x80, s23, s10, $0xb8;
	[tilespmem:$0xEF80] =	vst v63  }
0x15: {  	s24 =	simm.s32 $0xA0  }
0x16: {  	[tilespmem:s13], [sflag:$0x1] =	stream.indirect.gather [hbm4b:s2+s10], $0x80, s24, s10, $0xb8;
	[tilespmem:$0xEF80] =	vst v63  }
0x17: {  	s25 =	simm.s32 $0xF0  }
0x18: {  	[tilespmem:s14], [sflag:$0x1] =	stream.indirect.gather [hbm4b:s2+s10], $0x80, s25, s10, $0xb8;
	[tilespmem:$0xEF80] =	vst v63  }
0x19: {  	s26 =	simm.s32 $0x140  }
0x1a: {  	[tilespmem:s15], [sflag:$0x1] =	stream.indirect.gather [hbm4b:s2+s10], $0x80, s26, s10, $0xb8;
	[tilespmem:$0xEF80] =	vst v63  }
0x1b: {  	_ =	swait.ge [sflag:s16], $0x2800  }
0x1c: {  	[sflag:s16] =	ssyncset.done $0x0  }
0x1d: {  	[sflag:s16] =	ssyncadd.s32 $0xFFFFD800  }
0x1e: {  	_ =	swait.ge [sflag:s16], $0x2800  }
0x1f: {  	[sflag:s16] =	ssyncset.done $0x0  }
0x20: {  	[sflag:s16] =	ssyncadd.s32 $0xFFFFD800  }
0x21: {  	_ =	swait.ge [sflag:s16], $0x2800  }
0x22: {  	[sflag:s16] =	ssyncset.done $0x0  }
0x23: {  	[sflag:s16] =	ssyncadd.s32 $0xFFFFD800  }
0x24: {  	_ =	swait.ge [sflag:s16], $0x2800  }
0x25: {  	[sflag:s16] =	ssyncset.done $0x0  }
0x26: {  	[sflag:s16] =	ssyncadd.s32 $0xFFFFD800  }
0x27: {  	_ =	swait.ge [sflag:s16], $0x2800  }
0x28: {  	[sflag:s16] =	ssyncset.done $0x0  }
0x29: {  	s28 =	sadd.s32 $0xFFFFEC00, s7;
	[sflag:s16] =	ssyncadd.s32 $0xFFFFD800  }
0x2a: {  	[hbm4b:s28+s3] =	stream.linear.scatter [tilespmem:s11], [sflag:$0x2], $0x2800, $0x38;
	[tilespmem:$0xEF80] =	vst v63  }
0x2b: {  	s29 =	sadd.s32 $0xFFFFF100, s7  }
0x2c: {  	[hbm4b:s29+s3] =	stream.linear.scatter [tilespmem:s12], [sflag:$0x2], $0x2800, $0x38;
	[tilespmem:$0xEF80] =	vst v63  }
0x2d: {  	s30 =	sadd.s32 $0xFFFFF600, s7  }
0x2e: {  	[hbm4b:s30+s3] =	stream.linear.scatter [tilespmem:s13], [sflag:$0x2], $0x2800, $0x38;
	[tilespmem:$0xEF80] =	vst v63  }
0x2f: {  	s31 =	sadd.s32 $0xFFFFFB00, s7  }
0x30: {  	[hbm4b:s31+s3] =	stream.linear.scatter [tilespmem:s14], [sflag:$0x2], $0x2800, $0x38;
	[tilespmem:$0xEF80] =	vst v63  }
0x31: {  	_ = 	snop  }
0x32: {  	[hbm4b:s7+s3] =	stream.linear.scatter [tilespmem:s15], [sflag:$0x2], $0x2800, $0x38;
	[tilespmem:$0xEF80] =	vst v63  }
0x33: {  	_ =	swait.ge [sflag:s17], $0x2800  }
0x34: {  	[sflag:s17] =	ssyncset.done $0x0  }
0x35: {  	[sflag:s17] =	ssyncadd.s32 $0xFFFFD800  }
0x36: {  	_ =	swait.ge [sflag:s17], $0x2800  }
0x37: {  	[sflag:s17] =	ssyncset.done $0x0  }
0x38: {  	[sflag:s17] =	ssyncadd.s32 $0xFFFFD800  }
0x39: {  	_ =	swait.ge [sflag:s17], $0x2800  }
0x3a: {  	[sflag:s17] =	ssyncset.done $0x0  }
0x3b: {  	[sflag:s17] =	ssyncadd.s32 $0xFFFFD800  }
0x3c: {  	_ =	swait.ge [sflag:s17], $0x2800  }
0x3d: {  	[sflag:s17] =	ssyncset.done $0x0  }
0x3e: {  	[sflag:s17] =	ssyncadd.s32 $0xFFFFD800  }
0x3f: {  	s20 =	simm.s32 $0x640;
	_ =	swait.ge [sflag:s17], $0x2800  }
0x40: {  	s22 =	simm.s32 $0xC80;
	s19 =	sadd.s32 $0x1900, s7;
	[sflag:s17] =	ssyncset.done $0x0  }
.LBB2_2:
0x41: {  	s23 =	sshra.s32 s20, $0x2  }
0x42: {  	[sflag:s17] =	ssyncadd.s32 $0xFFFFD800;
	s20 =	smov.u32 s22;
	s21 =	sadd.s32 $0x640, s22  }
0x43: {  	[tilespmem:s11], [sflag:$0x1] =	stream.indirect.gather [hbm4b:s2+s10], $0x80, s23, s10, $0xb8;
	[tilespmem:$0xEF80] =	vst v63  }
0x44: {  	p0 =	sne.s32 s22, $0x9600;
	s22 =	sadd.s32 $0x50, s23  }
0x45: {  	[tilespmem:s12], [sflag:$0x1] =	stream.indirect.gather [hbm4b:s2+s10], $0x80, s22, s10, $0xb8;
	[tilespmem:$0xEF80] =	vst v63  }
0x46: {  	s22 =	sadd.s32 $0xA0, s23  }
0x47: {  	[tilespmem:s13], [sflag:$0x1] =	stream.indirect.gather [hbm4b:s2+s10], $0x80, s22, s10, $0xb8;
	[tilespmem:$0xEF80] =	vst v63  }
0x48: {  	s22 =	sadd.s32 $0xF0, s23  }
0x49: {  	[tilespmem:s14], [sflag:$0x1] =	stream.indirect.gather [hbm4b:s2+s10], $0x80, s22, s10, $0xb8;
	[tilespmem:$0xEF80] =	vst v63  }
0x4a: {  	s22 =	sadd.s32 $0x140, s23  }
0x4b: {  	[tilespmem:s15], [sflag:$0x1] =	stream.indirect.gather [hbm4b:s2+s10], $0x80, s22, s10, $0xb8;
	[tilespmem:$0xEF80] =	vst v63  }
0x4c: {  	_ =	swait.ge [sflag:s16], $0x2800  }
0x4d: {  	[sflag:s16] =	ssyncset.done $0x0  }
0x4e: {  	[sflag:s16] =	ssyncadd.s32 $0xFFFFD800  }
0x4f: {  	_ =	swait.ge [sflag:s16], $0x2800  }
0x50: {  	[sflag:s16] =	ssyncset.done $0x0  }
0x51: {  	[sflag:s16] =	ssyncadd.s32 $0xFFFFD800  }
0x52: {  	_ =	swait.ge [sflag:s16], $0x2800  }
0x53: {  	[sflag:s16] =	ssyncset.done $0x0  }
0x54: {  	[sflag:s16] =	ssyncadd.s32 $0xFFFFD800  }
0x55: {  	_ =	swait.ge [sflag:s16], $0x2800  }
0x56: {  	[sflag:s16] =	ssyncset.done $0x0  }
0x57: {  	[sflag:s16] =	ssyncadd.s32 $0xFFFFD800  }
0x58: {  	_ =	swait.ge [sflag:s16], $0x2800  }
0x59: {  	[sflag:s16] =	ssyncset.done $0x0  }
0x5a: {  	s22 =	sadd.s32 $0xFFFFEC00, s19;
	[sflag:s16] =	ssyncadd.s32 $0xFFFFD800  }
0x5b: {  	[hbm4b:s22+s3] =	stream.linear.scatter [tilespmem:s11], [sflag:$0x2], $0x2800, $0x38;
	[tilespmem:$0xEF80] =	vst v63  }
0x5c: {  	s22 =	sadd.s32 $0xFFFFF100, s19  }
0x5d: {  	[hbm4b:s22+s3] =	stream.linear.scatter [tilespmem:s12], [sflag:$0x2], $0x2800, $0x38;
	[tilespmem:$0xEF80] =	vst v63  }
0x5e: {  	s22 =	sadd.s32 $0xFFFFF600, s19  }
0x5f: {  	[hbm4b:s22+s3] =	stream.linear.scatter [tilespmem:s13], [sflag:$0x2], $0x2800, $0x38;
	[tilespmem:$0xEF80] =	vst v63  }
0x60: {  	s22 =	sadd.s32 $0xFFFFFB00, s19  }
0x61: {  	[hbm4b:s22+s3] =	stream.linear.scatter [tilespmem:s14], [sflag:$0x2], $0x2800, $0x38;
	[tilespmem:$0xEF80] =	vst v63  }
0x62: {  	_ = 	snop  }
0x63: {  	[hbm4b:s19+s3] =	stream.linear.scatter [tilespmem:s15], [sflag:$0x2], $0x2800, $0x38;
	[tilespmem:$0xEF80] =	vst v63  }
0x64: {  	_ =	swait.ge [sflag:s17], $0x2800  }
0x65: {  	[sflag:s17] =	ssyncset.done $0x0  }
0x66: {  	[sflag:s17] =	ssyncadd.s32 $0xFFFFD800  }
0x67: {  	_ =	swait.ge [sflag:s17], $0x2800  }
0x68: {  	[sflag:s17] =	ssyncset.done $0x0  }
0x69: {  	[sflag:s17] =	ssyncadd.s32 $0xFFFFD800  }
0x6a: {  	_ =	swait.ge [sflag:s17], $0x2800  }
0x6b: {  	[sflag:s17] =	ssyncset.done $0x0  }
0x6c: {  	[sflag:s17] =	ssyncadd.s32 $0xFFFFD800  }
.Ltmp0:
0x6d: {  	_ =	swait.ge [sflag:s17], $0x2800;
	(pc) =	sbr.rel @p0 .LBB2_2-.Ltmp0, $4  }
0x6e: {  	[sflag:s17] =	ssyncset.done $0x0  }
0x6f: {  	[sflag:s17] =	ssyncadd.s32 $0xFFFFD800  }
0x70: {  	_ =	swait.ge [sflag:s17], $0x2800  }
0x71: {  	s22 =	smov.u32 s21;
	s19 =	sadd.s32 $0x1900, s19;
	[sflag:s17] =	ssyncset.done $0x0  }
0x72: {  	s20 =	sshra.s32 s20, $0x2;
	[sflag:s17] =	ssyncadd.s32 $0xFFFFD800  }
0x73: {  	[tilespmem:s11], [sflag:$0x1] =	stream.indirect.gather [hbm4b:s2+s10], $0x80, s20, s10, $0xb8;
	[tilespmem:$0xEF80] =	vst v63  }
0x74: {  	s21 =	sadd.s32 $0x50, s20  }
0x75: {  	[tilespmem:s12], [sflag:$0x1] =	stream.indirect.gather [hbm4b:s2+s10], $0x80, s21, s10, $0xb8;
	[tilespmem:$0xEF80] =	vst v63  }
0x76: {  	s25 =	sadd.s32 $0xA0, s20  }
0x77: {  	[tilespmem:s13], [sflag:$0x1] =	stream.indirect.gather [hbm4b:s2+s10], $0x80, s25, s10, $0xb8;
	[tilespmem:$0xEF80] =	vst v63  }
0x78: {  	s26 =	sadd.s32 $0xF0, s20  }
0x79: {  	[tilespmem:s14], [sflag:$0x1] =	stream.indirect.gather [hbm4b:s2+s10], $0x80, s26, s10, $0xb8;
	[tilespmem:$0xEF80] =	vst v63  }
0x7a: {  	s20 =	sadd.s32 $0x140, s20  }
0x7b: {  	[tilespmem:s15], [sflag:$0x1] =	stream.indirect.gather [hbm4b:s2+s10], $0x80, s20, s10, $0xb8;
	[tilespmem:$0xEF80] =	vst v63  }
0x7c: {  	_ =	swait.ge [sflag:s16], $0x2800  }
0x7d: {  	[sflag:s16] =	ssyncset.done $0x0  }
0x7e: {  	[sflag:s16] =	ssyncadd.s32 $0xFFFFD800  }
0x7f: {  	_ =	swait.ge [sflag:s16], $0x2800  }
0x80: {  	[sflag:s16] =	ssyncset.done $0x0  }
0x81: {  	[sflag:s16] =	ssyncadd.s32 $0xFFFFD800  }
0x82: {  	_ =	swait.ge [sflag:s16], $0x2800  }
0x83: {  	[sflag:s16] =	ssyncset.done $0x0  }
0x84: {  	[sflag:s16] =	ssyncadd.s32 $0xFFFFD800  }
0x85: {  	_ =	swait.ge [sflag:s16], $0x2800  }
0x86: {  	[sflag:s16] =	ssyncset.done $0x0  }
0x87: {  	[sflag:s16] =	ssyncadd.s32 $0xFFFFD800  }
0x88: {  	_ =	swait.ge [sflag:s16], $0x2800  }
0x89: {  	[sflag:s16] =	ssyncset.done $0x0  }
0x8a: {  	s28 =	sadd.s32 $0xFFFFEC00, s19;
	[sflag:s16] =	ssyncadd.s32 $0xFFFFD800  }
0x8b: {  	[hbm4b:s28+s3] =	stream.linear.scatter [tilespmem:s11], [sflag:$0x2], $0x2800, $0x38;
	[tilespmem:$0xEF80] =	vst v63  }
0x8c: {  	s29 =	sadd.s32 $0xFFFFF100, s19  }
0x8d: {  	[hbm4b:s29+s3] =	stream.linear.scatter [tilespmem:s12], [sflag:$0x2], $0x2800, $0x38;
	[tilespmem:$0xEF80] =	vst v63  }
0x8e: {  	s30 =	sadd.s32 $0xFFFFF600, s19  }
0x8f: {  	[hbm4b:s30+s3] =	stream.linear.scatter [tilespmem:s13], [sflag:$0x2], $0x2800, $0x38;
	[tilespmem:$0xEF80] =	vst v63  }
0x90: {  	s31 =	sadd.s32 $0xFFFFFB00, s19  }
0x91: {  	[hbm4b:s31+s3] =	stream.linear.scatter [tilespmem:s14], [sflag:$0x2], $0x2800, $0x38;
	[tilespmem:$0xEF80] =	vst v63  }
0x92: {  	_ = 	snop  }
0x93: {  	[hbm4b:s19+s3] =	stream.linear.scatter [tilespmem:s15], [sflag:$0x2], $0x2800, $0x38;
	[tilespmem:$0xEF80] =	vst v63  }
0x94: {  	_ =	swait.ge [sflag:s17], $0x2800  }
0x95: {  	[sflag:s17] =	ssyncset.done $0x0  }
0x96: {  	[sflag:s17] =	ssyncadd.s32 $0xFFFFD800  }
0x97: {  	_ =	swait.ge [sflag:s17], $0x2800  }
0x98: {  	[sflag:s17] =	ssyncset.done $0x0  }
0x99: {  	[sflag:s17] =	ssyncadd.s32 $0xFFFFD800  }
0x9a: {  	_ =	swait.ge [sflag:s17], $0x2800  }
0x9b: {  	[sflag:s17] =	ssyncset.done $0x0  }
0x9c: {  	[sflag:s17] =	ssyncadd.s32 $0xFFFFD800  }
0x9d: {  	_ =	swait.ge [sflag:s17], $0x2800  }
0x9e: {  	[sflag:s17] =	ssyncset.done $0x0  }
0x9f: {  	[sflag:s17] =	ssyncadd.s32 $0xFFFFD800  }
0xa0: {  	_ =	swait.ge [sflag:s17], $0x2800  }
0xa1: {  	[sflag:s17] =	ssyncset.done $0x0  }
0xa2: {  	s21 =	simm.s32 $0x0;
	[sflag:s17] =	ssyncadd.s32 $0xFFFFD800  }
0xa3: {  	[tilespmem:s21], [sflag:$0x3] =	stream.linear.gather [hbm4b:s5+s21], $0x2710, $0x38;
	[tilespmem:$0xEF80] =	vst v63  }
0xa4: {  	_ =	swait.ge [sflag:s9], $0x2710  }
0xa5: {  	[sflag:s9] =	ssyncset.done $0x0  }
0xa6: {  	s22 =	simm.s32 $0x0;
	[sflag:s9] =	ssyncadd.s32 $0xFFFFD8F0  }
0xa7: {  	[tilespmem:s11], [sflag:$0x1] =	stream.indirect.gather [hbm4b:s2+s10], $0x80, s22, s10, $0xb8;
	[tilespmem:$0xEF80] =	vst v63  }
0xa8: {  	s23 =	simm.s32 $0x50  }
0xa9: {  	[tilespmem:s12], [sflag:$0x1] =	stream.indirect.gather [hbm4b:s2+s10], $0x80, s23, s10, $0xb8;
	[tilespmem:$0xEF80] =	vst v63  }
0xaa: {  	s24 =	simm.s32 $0xA0  }
0xab: {  	[tilespmem:s13], [sflag:$0x1] =	stream.indirect.gather [hbm4b:s2+s10], $0x80, s24, s10, $0xb8;
	[tilespmem:$0xEF80] =	vst v63  }
0xac: {  	s25 =	simm.s32 $0xF0  }
0xad: {  	[tilespmem:s14], [sflag:$0x1] =	stream.indirect.gather [hbm4b:s2+s10], $0x80, s25, s10, $0xb8;
	[tilespmem:$0xEF80] =	vst v63  }
0xae: {  	s26 =	simm.s32 $0x140  }
0xaf: {  	[tilespmem:s15], [sflag:$0x1] =	stream.indirect.gather [hbm4b:s2+s10], $0x80, s26, s10, $0xb8;
	[tilespmem:$0xEF80] =	vst v63  }
0xb0: {  	_ =	swait.ge [sflag:s16], $0x2800  }
0xb1: {  	[sflag:s16] =	ssyncset.done $0x0  }
0xb2: {  	[sflag:s16] =	ssyncadd.s32 $0xFFFFD800  }
0xb3: {  	_ =	swait.ge [sflag:s16], $0x2800  }
0xb4: {  	[sflag:s16] =	ssyncset.done $0x0  }
0xb5: {  	[sflag:s16] =	ssyncadd.s32 $0xFFFFD800  }
0xb6: {  	_ =	swait.ge [sflag:s16], $0x2800  }
0xb7: {  	[sflag:s16] =	ssyncset.done $0x0  }
0xb8: {  	[sflag:s16] =	ssyncadd.s32 $0xFFFFD800  }
0xb9: {  	_ =	swait.ge [sflag:s16], $0x2800  }
0xba: {  	[sflag:s16] =	ssyncset.done $0x0  }
0xbb: {  	[sflag:s16] =	ssyncadd.s32 $0xFFFFD800  }
0xbc: {  	_ =	swait.ge [sflag:s16], $0x2800  }
0xbd: {  	[sflag:s16] =	ssyncset.done $0x0  }
0xbe: {  	s28 =	sadd.s32 $0xFFFFEC00, s8;
	[sflag:s16] =	ssyncadd.s32 $0xFFFFD800  }
0xbf: {  	[hbm4b:s28+s3] =	stream.linear.scatter [tilespmem:s11], [sflag:$0x2], $0x2800, $0x38;
	[tilespmem:$0xEF80] =	vst v63  }
0xc0: {  	s29 =	sadd.s32 $0xFFFFF100, s8  }
0xc1: {  	[hbm4b:s29+s3] =	stream.linear.scatter [tilespmem:s12], [sflag:$0x2], $0x2800, $0x38;
	[tilespmem:$0xEF80] =	vst v63  }
0xc2: {  	s30 =	sadd.s32 $0xFFFFF600, s8  }
0xc3: {  	[hbm4b:s30+s3] =	stream.linear.scatter [tilespmem:s13], [sflag:$0x2], $0x2800, $0x38;
	[tilespmem:$0xEF80] =	vst v63  }
0xc4: {  	s31 =	sadd.s32 $0xFFFFFB00, s8  }
0xc5: {  	[hbm4b:s31+s3] =	stream.linear.scatter [tilespmem:s14], [sflag:$0x2], $0x2800, $0x38;
	[tilespmem:$0xEF80] =	vst v63  }
0xc6: {  	_ = 	snop  }
0xc7: {  	[hbm4b:s8+s3] =	stream.linear.scatter [tilespmem:s15], [sflag:$0x2], $0x2800, $0x38;
	[tilespmem:$0xEF80] =	vst v63  }
0xc8: {  	_ =	swait.ge [sflag:s17], $0x2800  }
0xc9: {  	[sflag:s17] =	ssyncset.done $0x0  }
0xca: {  	[sflag:s17] =	ssyncadd.s32 $0xFFFFD800  }
0xcb: {  	_ =	swait.ge [sflag:s17], $0x2800  }
0xcc: {  	[sflag:s17] =	ssyncset.done $0x0  }
0xcd: {  	[sflag:s17] =	ssyncadd.s32 $0xFFFFD800  }
0xce: {  	_ =	swait.ge [sflag:s17], $0x2800  }
0xcf: {  	[sflag:s17] =	ssyncset.done $0x0  }
0xd0: {  	[sflag:s17] =	ssyncadd.s32 $0xFFFFD800  }
0xd1: {  	_ =	swait.ge [sflag:s17], $0x2800  }
0xd2: {  	[sflag:s17] =	ssyncset.done $0x0  }
0xd3: {  	[sflag:s17] =	ssyncadd.s32 $0xFFFFD800  }
0xd4: {  	s20 =	simm.s32 $0x640;
	_ =	swait.ge [sflag:s17], $0x2800  }
0xd5: {  	s19 =	sadd.s32 $0x1900, s8;
	s22 =	simm.s32 $0xC80;
	[sflag:s17] =	ssyncset.done $0x0  }
.LBB2_4:
0xd6: {  	s23 =	sshra.s32 s20, $0x2  }
0xd7: {  	[sflag:s17] =	ssyncadd.s32 $0xFFFFD800;
	s20 =	smov.u32 s22;
	s21 =	sadd.s32 $0x640, s22  }
0xd8: {  	[tilespmem:s11], [sflag:$0x1] =	stream.indirect.gather [hbm4b:s2+s10], $0x80, s23, s10, $0xb8;
	[tilespmem:$0xEF80] =	vst v63  }
0xd9: {  	p0 =	sne.s32 s22, $0x9600;
	s22 =	sadd.s32 $0x50, s23  }
0xda: {  	[tilespmem:s12], [sflag:$0x1] =	stream.indirect.gather [hbm4b:s2+s10], $0x80, s22, s10, $0xb8;
	[tilespmem:$0xEF80] =	vst v63  }
0xdb: {  	s22 =	sadd.s32 $0xA0, s23  }
0xdc: {  	[tilespmem:s13], [sflag:$0x1] =	stream.indirect.gather [hbm4b:s2+s10], $0x80, s22, s10, $0xb8;
	[tilespmem:$0xEF80] =	vst v63  }
0xdd: {  	s22 =	sadd.s32 $0xF0, s23  }
0xde: {  	[tilespmem:s14], [sflag:$0x1] =	stream.indirect.gather [hbm4b:s2+s10], $0x80, s22, s10, $0xb8;
	[tilespmem:$0xEF80] =	vst v63  }
0xdf: {  	s22 =	sadd.s32 $0x140, s23  }
0xe0: {  	[tilespmem:s15], [sflag:$0x1] =	stream.indirect.gather [hbm4b:s2+s10], $0x80, s22, s10, $0xb8;
	[tilespmem:$0xEF80] =	vst v63  }
0xe1: {  	_ =	swait.ge [sflag:s16], $0x2800  }
0xe2: {  	[sflag:s16] =	ssyncset.done $0x0  }
0xe3: {  	[sflag:s16] =	ssyncadd.s32 $0xFFFFD800  }
0xe4: {  	_ =	swait.ge [sflag:s16], $0x2800  }
0xe5: {  	[sflag:s16] =	ssyncset.done $0x0  }
0xe6: {  	[sflag:s16] =	ssyncadd.s32 $0xFFFFD800  }
0xe7: {  	_ =	swait.ge [sflag:s16], $0x2800  }
0xe8: {  	[sflag:s16] =	ssyncset.done $0x0  }
0xe9: {  	[sflag:s16] =	ssyncadd.s32 $0xFFFFD800  }
0xea: {  	_ =	swait.ge [sflag:s16], $0x2800  }
0xeb: {  	[sflag:s16] =	ssyncset.done $0x0  }
0xec: {  	[sflag:s16] =	ssyncadd.s32 $0xFFFFD800  }
0xed: {  	_ =	swait.ge [sflag:s16], $0x2800  }
0xee: {  	[sflag:s16] =	ssyncset.done $0x0  }
0xef: {  	s22 =	sadd.s32 $0xFFFFEC00, s19;
	[sflag:s16] =	ssyncadd.s32 $0xFFFFD800  }
0xf0: {  	[hbm4b:s22+s3] =	stream.linear.scatter [tilespmem:s11], [sflag:$0x2], $0x2800, $0x38;
	[tilespmem:$0xEF80] =	vst v63  }
0xf1: {  	s22 =	sadd.s32 $0xFFFFF100, s19  }
0xf2: {  	[hbm4b:s22+s3] =	stream.linear.scatter [tilespmem:s12], [sflag:$0x2], $0x2800, $0x38;
	[tilespmem:$0xEF80] =	vst v63  }
0xf3: {  	s22 =	sadd.s32 $0xFFFFF600, s19  }
0xf4: {  	[hbm4b:s22+s3] =	stream.linear.scatter [tilespmem:s13], [sflag:$0x2], $0x2800, $0x38;
	[tilespmem:$0xEF80] =	vst v63  }
0xf5: {  	s22 =	sadd.s32 $0xFFFFFB00, s19  }
0xf6: {  	[hbm4b:s22+s3] =	stream.linear.scatter [tilespmem:s14], [sflag:$0x2], $0x2800, $0x38;
	[tilespmem:$0xEF80] =	vst v63  }
0xf7: {  	_ = 	snop  }
0xf8: {  	[hbm4b:s19+s3] =	stream.linear.scatter [tilespmem:s15], [sflag:$0x2], $0x2800, $0x38;
	[tilespmem:$0xEF80] =	vst v63  }
0xf9: {  	_ =	swait.ge [sflag:s17], $0x2800  }
0xfa: {  	[sflag:s17] =	ssyncset.done $0x0  }
0xfb: {  	[sflag:s17] =	ssyncadd.s32 $0xFFFFD800  }
0xfc: {  	_ =	swait.ge [sflag:s17], $0x2800  }
0xfd: {  	[sflag:s17] =	ssyncset.done $0x0  }
0xfe: {  	[sflag:s17] =	ssyncadd.s32 $0xFFFFD800  }
0xff: {  	_ =	swait.ge [sflag:s17], $0x2800  }
0x100: {  	[sflag:s17] =	ssyncset.done $0x0  }
0x101: {  	[sflag:s17] =	ssyncadd.s32 $0xFFFFD800  }
.Ltmp1:
0x102: {  	_ =	swait.ge [sflag:s17], $0x2800;
	(pc) =	sbr.rel @p0 .LBB2_4-.Ltmp1, $4  }
0x103: {  	[sflag:s17] =	ssyncset.done $0x0  }
0x104: {  	[sflag:s17] =	ssyncadd.s32 $0xFFFFD800  }
0x105: {  	_ =	swait.ge [sflag:s17], $0x2800  }
0x106: {  	s22 =	smov.u32 s21;
	s19 =	sadd.s32 $0x1900, s19;
	[sflag:s17] =	ssyncset.done $0x0  }
0x107: {  	s20 =	sshra.s32 s20, $0x2;
	[sflag:s17] =	ssyncadd.s32 $0xFFFFD800  }
0x108: {  	[tilespmem:s11], [sflag:$0x1] =	stream.indirect.gather [hbm4b:s2+s10], $0x80, s20, s10, $0xb8;
	[tilespmem:$0xEF80] =	vst v63  }
0x109: {  	s21 =	sadd.s32 $0x50, s20  }
0x10a: {  	[tilespmem:s12], [sflag:$0x1] =	stream.indirect.gather [hbm4b:s2+s10], $0x80, s21, s10, $0xb8;
	[tilespmem:$0xEF80] =	vst v63  }
0x10b: {  	s25 =	sadd.s32 $0xA0, s20  }
0x10c: {  	[tilespmem:s13], [sflag:$0x1] =	stream.indirect.gather [hbm4b:s2+s10], $0x80, s25, s10, $0xb8;
	[tilespmem:$0xEF80] =	vst v63  }
0x10d: {  	s26 =	sadd.s32 $0xF0, s20  }
0x10e: {  	[tilespmem:s14], [sflag:$0x1] =	stream.indirect.gather [hbm4b:s2+s10], $0x80, s26, s10, $0xb8;
	[tilespmem:$0xEF80] =	vst v63  }
0x10f: {  	s20 =	sadd.s32 $0x140, s20  }
0x110: {  	[tilespmem:s15], [sflag:$0x1] =	stream.indirect.gather [hbm4b:s2+s10], $0x80, s20, s10, $0xb8;
	[tilespmem:$0xEF80] =	vst v63  }
0x111: {  	_ =	swait.ge [sflag:s16], $0x2800  }
0x112: {  	[sflag:s16] =	ssyncset.done $0x0  }
0x113: {  	[sflag:s16] =	ssyncadd.s32 $0xFFFFD800  }
0x114: {  	_ =	swait.ge [sflag:s16], $0x2800  }
0x115: {  	[sflag:s16] =	ssyncset.done $0x0  }
0x116: {  	[sflag:s16] =	ssyncadd.s32 $0xFFFFD800  }
0x117: {  	_ =	swait.ge [sflag:s16], $0x2800  }
0x118: {  	[sflag:s16] =	ssyncset.done $0x0  }
0x119: {  	[sflag:s16] =	ssyncadd.s32 $0xFFFFD800  }
0x11a: {  	_ =	swait.ge [sflag:s16], $0x2800  }
0x11b: {  	[sflag:s16] =	ssyncset.done $0x0  }
0x11c: {  	[sflag:s16] =	ssyncadd.s32 $0xFFFFD800  }
0x11d: {  	_ =	swait.ge [sflag:s16], $0x2800  }
0x11e: {  	[sflag:s16] =	ssyncset.done $0x0  }
0x11f: {  	s28 =	sadd.s32 $0xFFFFEC00, s19;
	[sflag:s16] =	ssyncadd.s32 $0xFFFFD800  }
0x120: {  	[hbm4b:s28+s3] =	stream.linear.scatter [tilespmem:s11], [sflag:$0x2], $0x2800, $0x38;
	[tilespmem:$0xEF80] =	vst v63  }
0x121: {  	s29 =	sadd.s32 $0xFFFFF100, s19  }
0x122: {  	[hbm4b:s29+s3] =	stream.linear.scatter [tilespmem:s12], [sflag:$0x2], $0x2800, $0x38;
	[tilespmem:$0xEF80] =	vst v63  }
0x123: {  	s30 =	sadd.s32 $0xFFFFF600, s19  }
0x124: {  	[hbm4b:s30+s3] =	stream.linear.scatter [tilespmem:s13], [sflag:$0x2], $0x2800, $0x38;
	[tilespmem:$0xEF80] =	vst v63  }
0x125: {  	s31 =	sadd.s32 $0xFFFFFB00, s19  }
0x126: {  	[hbm4b:s31+s3] =	stream.linear.scatter [tilespmem:s14], [sflag:$0x2], $0x2800, $0x38;
	[tilespmem:$0xEF80] =	vst v63  }
0x127: {  	_ = 	snop  }
0x128: {  	[hbm4b:s19+s3] =	stream.linear.scatter [tilespmem:s15], [sflag:$0x2], $0x2800, $0x38;
	[tilespmem:$0xEF80] =	vst v63  }
0x129: {  	_ =	swait.ge [sflag:s17], $0x2800  }
0x12a: {  	[sflag:s17] =	ssyncset.done $0x0  }
0x12b: {  	[sflag:s17] =	ssyncadd.s32 $0xFFFFD800  }
0x12c: {  	_ =	swait.ge [sflag:s17], $0x2800  }
0x12d: {  	[sflag:s17] =	ssyncset.done $0x0  }
0x12e: {  	[sflag:s17] =	ssyncadd.s32 $0xFFFFD800  }
0x12f: {  	_ =	swait.ge [sflag:s17], $0x2800  }
0x130: {  	[sflag:s17] =	ssyncset.done $0x0  }
0x131: {  	s18 =	sadd.s32 $0x1, s18;
	[sflag:s17] =	ssyncadd.s32 $0xFFFFD800  }
0x132: {  	p0 =	sne.s32 s18, s6;
	_ =	swait.ge [sflag:s17], $0x2800  }
.Ltmp2:
0x133: {  	[sflag:s17] =	ssyncset.done $0x0;
	(pc) =	sbr.rel @p0 .LBB2_1-.Ltmp2, $4  }
0x134: {  	[sflag:s17] =	ssyncadd.s32 $0xFFFFD800  }
0x135: {  	_ =	swait.ge [sflag:s17], $0x2800  }
0x136: {  	[sflag:s17] =	ssyncset.done $0x0  }
0x137: {  	[sflag:s17] =	ssyncadd.s32 $0xFFFFD800  }
0x138: {  	_ =	sfence.sel $0x180000  }
0x139: {  	[bflag:$0x0] =	sbarrier.arrive $0xFFFF  }
0x13a: {  	p0 =	sne.s32 s0, $0x0;
	_ =	strace $0x90000047  }
0x13b: {  	s0 =	sadd.s32 @!p0 $0x100000, s1;
	[bflag:$0x2] =	sbarrier.arrive $0xFFFF  }
0x13c: {  	[sflag:s0] =	ssyncadd.tile.s32 @!p0 $0x1;
	_ =	shalt  }
.Lfunc_end2:
_tile_overlayer_lowered:
.L_overlay_start_2:
0x13d: {  	(tag) =	ssettag $0x2  }
0x13e: {  	s0 =	rddreg [dreg:$0x0];
	s2 =	stileid.u32  }
0x13f: {  	s1 =	rddreg [dreg:$0x1];
	p0 =	sne.s32 s2, $0x0  }
0x140: {  	s3 =	rddreg [dreg:$0x2];
	[bflag:$0x3] =	sbarrier.arrive $0xFFFF;
	s2 =	simm.s32 @!p0 $0x1C03  }
0x141: {  	[timem:s3], [sflag:s2] =	dma.local @!p0 [hbm:s0], s1  }
0x142: {  	s0 =	simm.s32 @!p0 $0x3  }
0x143: {  	_ =	swait.ge @!p0 [sflag:s0], s1  }
0x144: {  	s1 =	ssub.s32 @!p0 $0x0, s1;
	[sflag:s0] =	ssyncset.done @!p0 $0x0  }
0x145: {  	[sflag:s0] =	ssyncadd.s32 @!p0 s1  }
0x146: {  	[bflag:$0x3] =	sbarrier.arrive $0xFFFF  }
0x147: {  	_ =	shalt  }

// kernel: kernel.9.cloned.1.call-start
scs
__scs_entry_jumppad:
0x0: {  	(pc) =	sbr.rel $0x88, $3  }
0x1: {  	(tag) =	ssettag $0x0;
	lr =	simm.s32 $0x1  }
0x2: {  	[smem:$0x3F90] =	sst lr;
	_ =	strace $0xD0000000  }
0x3: {  	_ = 	snop  }
0x4: {  	_ = 	snop  }
0x5: {  	_ = 	snop  }
0x6: {  	_ = 	snop  }
0x7: {  	_ = 	snop  }
__scs_overlays_trampoline_lowered:
0x8: {  	[smem:$0x3F9F] =	sst s0  }
0x9: {  	[smem:$0x3FA0] =	sst s1  }
0xa: {  	[smem:$0x3FA1] =	sst s2  }
0xb: {  	[smem:$0x3FA2] =	sst s3  }
0xc: {  	[smem:$0x3FA3] =	sst s4  }
0xd: {  	[smem:$0x3FA4] =	sst s5  }
0xe: {  	[smem:$0x3FA5] =	sst s6  }
0xf: {  	[smem:$0x3FA6] =	sst s7  }
0x10: {  	[smem:$0x3FA7] =	sst s8  }
0x11: {  	[smem:$0x3FA8] =	sst s9;
	s0 =	simm.s32 @!p0 $0x0  }
0x12: {  	s1 =	sld [smem:$0x3F8E];
	s0 =	simm.s32 @p0 $0x1  }
0x13: {  	[smem:$0x3FA9] =	sst s0;
	s0 =	simm.s32 @!p1 $0x0  }
0x14: {  	s2 =	sld [smem:$0x3F8D];
	s0 =	simm.s32 @p1 $0x1  }
0x15: {  	[smem:$0x3FAA] =	sst s0;
	s0 =	simm.s32 @!p2 $0x0  }
0x16: {  	s3 =	sld [smem:$0x3FDB];
	s0 =	simm.s32 @p2 $0x1  }
0x17: {  	s4 =	simm.s32 $0x1BF5;
	[smem:$0x3FAC] =	sst s0  }
0x18: {  	s0 =	sld [smem:$0x3F8F];
	_ =	swait.ge [sflag:s4], $0x0  }
0x19: {  	s7 =	sld [smem:$0x3F90]  }
0x1a: {  	s8 =	sadd.s32 $0xFFFFE003, lr  }
0x1b: {  	s9 =	sadd.s32 $0xFFFFFEF7, lr;
	s5 =	simm.s32 $0xFFFFFFFF;
	p2 =	slt.u32 s8, $0xFFFFF086  }
0x1c: {  	p1 =	slt.u32 s9, $0xF7A;
	s5 =	simm.s32 @!p2 $0x0  }
0x1d: {  	s5 =	simm.s32 @p1 $0x1;
	p0 =	seq.s32 s7, s2  }
0x1e: {  	s7 =	smul.u32 @!p0 $0xF7A, s2;
	p2 =	seq.s32 @!p0 s5, $0x0  }
0x1f: {  	s9 =	smul.u32 $0xF7A, s1;
	s8 =	simm.s32 @!p0 $0x1BF5;
	p2 =	por !p2, p0  }
0x20: {  	[sflag:s8] =	ssyncset.s32 @!p0 $0xFFFFF086;
	s6 =	sadd.s32 @!p0 s3, s7;
	s7 =	simm.s32 @!p0 $0x108  }
0x21: {  	s3 =	sadd.s32 s3, s9;
	s6 =	sadd.s32 @!p0 $0x88, s6;
	s7 =	simm.s32 @p2 $0x1082  }
0x22: {  	[simem:s7], [sflag:s8] =	dma.local @!p0 [hbm:s6], $0xF7A  }
0x23: {  	s9 =	sor.u32 $0xD0000000, s2;
	s6 =	simm.s32 $0x108;
	_ =	swait.ge @!p0 [sflag:s8], $0x0  }
0x24: {  	s3 =	sadd.s32 $0x88, s3;
	s6 =	simm.s32 @!p1 $0x1082;
	[sflag:s4] =	ssyncset.s32 $0xFFFFF086  }
0x25: {  	[simem:s6], [sflag:s4] =	dma.local [hbm:s3], $0xF7A  }
0x26: {  	[smem:$0x3F90] =	sst s1;
	(tag) =	ssettag s2;
	_ =	strace s9  }
0x27: {  	s1 =	sld [smem:$0x3FA0]  }
0x28: {  	s2 =	sld [smem:$0x3FA1]  }
0x29: {  	s4 =	sld [smem:$0x3FA3]  }
0x2a: {  	p0 =	seq.s32 s5, $0x0;
	s5 =	sld [smem:$0x3FA4]  }
0x2b: {  	s6 =	sld [smem:$0x3FA5]  }
0x2c: {  	s7 =	sld [smem:$0x3FA6]  }
0x2d: {  	s3 =	simm.s32 $0x108;
	s8 =	sld [smem:$0x3FA7]  }
0x2e: {  	s3 =	simm.s32 @!p0 $0x1082;
	s9 =	sld [smem:$0x3FA8]  }
0x2f: {  	lr =	sadd.s32 s0, s3;
	s0 =	sld [smem:$0x3F9F]  }
0x30: {  	s3 =	sld [smem:$0x3FA2]  }
0x31: {  	[smem:$0x3FAB] =	sst s10  }
0x32: {  	s10 =	sld [smem:$0x3FA9];
	_ =	sdelay $0x3  }
0x33: {  	p0 =	seq.s32 s10, $0x1;
	s10 =	sld [smem:$0x3FAB];
	_ =	sdelay $0x3  }
0x34: {  	[smem:$0x3FAB] =	sst s10  }
0x35: {  	s10 =	sld [smem:$0x3FAA];
	_ =	sdelay $0x3  }
0x36: {  	p1 =	seq.s32 s10, $0x1;
	s10 =	sld [smem:$0x3FAB];
	_ =	sdelay $0x3  }
0x37: {  	[smem:$0x3FAB] =	sst s10  }
0x38: {  	s10 =	sld [smem:$0x3FAC]  }
0x39: {  	_ = 	snop;
	(pc) =	sbr.ind lr, $3  }
0x3a: {  	_ = 	snop  }
0x3b: {  	_ = 	snop  }
0x3c: {  	p2 =	seq.s32 s10, $0x1;
	s10 =	sld [smem:$0x3FAB]  }
0x3d: {  	_ =	shalt  }
0x3e: {  	_ =	shalt  }
0x3f: {  	_ =	shalt  }
0x40: {  	_ =	shalt  }
0x41: {  	_ =	shalt  }
0x42: {  	_ =	shalt  }
0x43: {  	_ =	shalt  }
0x44: {  	_ =	shalt  }
0x45: {  	_ =	shalt  }
0x46: {  	_ =	shalt  }
0x47: {  	_ =	shalt  }
0x48: {  	_ =	shalt  }
0x49: {  	_ =	shalt  }
0x4a: {  	_ =	shalt  }
0x4b: {  	_ =	shalt  }
0x4c: {  	_ =	shalt  }
0x4d: {  	_ =	shalt  }
0x4e: {  	_ =	shalt  }
0x4f: {  	_ =	shalt  }
0x50: {  	_ =	shalt  }
0x51: {  	_ =	shalt  }
0x52: {  	_ =	shalt  }
0x53: {  	_ =	shalt  }
0x54: {  	_ =	shalt  }
0x55: {  	_ =	shalt  }
0x56: {  	_ =	shalt  }
0x57: {  	_ =	shalt  }
0x58: {  	_ =	shalt  }
0x59: {  	_ =	shalt  }
0x5a: {  	_ =	shalt  }
0x5b: {  	_ =	shalt  }
0x5c: {  	_ =	shalt  }
0x5d: {  	_ =	shalt  }
0x5e: {  	_ =	shalt  }
0x5f: {  	_ =	shalt  }
0x60: {  	_ =	shalt  }
0x61: {  	_ =	shalt  }
0x62: {  	_ =	shalt  }
0x63: {  	_ =	shalt  }
0x64: {  	_ =	shalt  }
0x65: {  	_ =	shalt  }
0x66: {  	_ =	shalt  }
0x67: {  	_ =	shalt  }
0x68: {  	_ =	shalt  }
0x69: {  	_ =	shalt  }
0x6a: {  	_ =	shalt  }
0x6b: {  	_ =	shalt  }
0x6c: {  	_ =	shalt  }
0x6d: {  	_ =	shalt  }
0x6e: {  	_ =	shalt  }
0x6f: {  	_ =	shalt  }
0x70: {  	_ =	shalt  }
0x71: {  	_ =	shalt  }
0x72: {  	_ =	shalt  }
0x73: {  	_ =	shalt  }
0x74: {  	_ =	shalt  }
0x75: {  	_ =	shalt  }
0x76: {  	_ =	shalt  }
0x77: {  	_ =	shalt  }
0x78: {  	_ =	shalt  }
0x79: {  	_ =	shalt  }
0x7a: {  	_ =	shalt  }
0x7b: {  	_ =	shalt  }
0x7c: {  	_ =	shalt  }
0x7d: {  	_ =	shalt  }
0x7e: {  	_ =	shalt  }
0x7f: {  	_ =	shalt  }
0x80: {  	_ =	shalt  }
0x81: {  	_ =	shalt  }
0x82: {  	_ =	shalt  }
0x83: {  	_ =	shalt  }
0x84: {  	_ =	shalt  }
0x85: {  	_ =	shalt  }
0x86: {  	_ =	shalt  }
0x87: {  	_ =	shalt  }
.Lfunc_end0:
.L_simem_size_0:
called_computation.1_lowered:
.L_overlay_start_0:
0x88: {  	s2 =	sld [smem:$0x3FD9]  }
0x89: {  	s3 =	sld [smem:$0x3FFE];
	_ =	sdelay $0x1  }
0x8a: {  	s1 =	srdreg.scid  }
0x8b: {  	s0 =	sand.u32 $0x1, s1  }
0x8c: {  	s17 =	sshll.u32 s0, $0xA;
	s2 =	sadd.s32 s3, s2  }
0x8d: {  	s2 =	sadd.s32 s2, s17  }
0x8e: {  	[smem:$0x3FB7] =	sst s2  }
0x8f: {  	_ = 	snop  }
0x90: {  	s2 =	sld [smem:$0x3FD0];
	(tm) =	ssettm $0x1  }
0x91: {  	s18 =	sld [smem:$0x3FFB];
	_ =	sdelay $0x3  }
0x92: {  	_ =	strace s18  }
0x93: {  	s3 =	sld [smem:$0x3FFC];
	_ =	sdelay $0x3  }
0x94: {  	_ =	strace s3  }
0x95: {  	s3 =	sld [smem:$0x3FFD];
	_ =	sdelay $0x3  }
0x96: {  	_ =	strace s3  }
0x97: {  	_ =	strace $0x8FFFFFFF  }
0x98: {  	s19 =	sld [smem:$0x3FDB];
	_ =	sdelay $0x1  }
0x99: {  	s4 =	simm.s32 $_scs_section_size  }
0x9a: {  	s5 =	simm.s32 $_size__tile_overlayer_lowered;
	s6 =	simm.s32 $_tile_overlayer_lowered  }
0x9b: {  	s22 =	simm.s32 $0x1BFF;
	s21 =	sshll.u32 s6, $0x1;
	s3 =	sadd.s32 s4, s19  }
0x9c: {  	s7 =	simm.s32 $0x0;
	s20 =	sshll.u32 s5, $0x1;
	s5 =	sadd.s32 s21, s3  }
0x9d: {  	[timem:s7], [sflag:s22] =	dma.local [hbm:s5], s20  }
0x9e: {  	_ =	swait.ge [sflag:s22], s20  }
0x9f: {  	s4 =	ssub.s32 $0x0, s20;
	[sflag:s22] =	ssyncset.done $0x0  }
0xa0: {  	[sflag:s22] =	ssyncadd.s32 s4;
	_ =	sdelay $0x1  }
0xa1: {  	s23 =	simm.s32 $0x1B8B  }
0xa2: {  	_ =	swait.ge [sflag:s23], $0x1  }
0xa3: {  	[sflag:s23] =	ssyncset.done $0x0  }
0xa4: {  	s25 =	simm.s32 $0x1B8E;
	s24 =	sld [smem:$0x3FFE];
	[sflag:s23] =	ssyncadd.s32 $0xFFFFFFFF  }
0xa5: {  	s26 =	simm.s32 $execute0_lowered;
	[smem:$0x3FD2] =	sst s25  }
0xa6: {  	s5 =	sshll.u32 s26, $0x1;
	_ =	strace $0x80000049;
	[dreg:$0x1] =	wrdreg $0xFFFFFFFF  }
0xa7: {  	s28 =	simm.s32 $_size_execute0_lowered;
	s3 =	sadd.s32 s3, s5;
	[dreg:$0x0] =	wrdreg $0x0  }
0xa8: {  	s5 =	sshll.u32 s28, $0x1;
	[dreg:$0x2] =	wrdreg s3  }
0xa9: {  	[dreg:$0x3] =	wrdreg s5  }
0xaa: {  	[dreg:$0x4] =	wrdreg $0xC0  }
0xab: {  	_ =	task [dreg:s7], $0x5FFFF  }
0xac: {  	[dreg:$0x1] =	wrdreg $0xFFFFFFFF  }
0xad: {  	[dreg:$0x0] =	wrdreg $0x60  }
0xae: {  	[dreg:$0x2] =	wrdreg s24  }
0xaf: {  	[dreg:$0x3] =	wrdreg s2  }
0xb0: {  	[dreg:$0x4] =	wrdreg $0x71000  }
0xb1: {  	[dreg:$0x5] =	wrdreg $0x9  }
0xb2: {  	_ =	task.clear_ibuf [dreg:s7], $0x6FFFF;
	_ =	strace $0x90000049  }
0xb3: {  	s29 =	simm.s32 $0x9;
	_ =	strace $0x8000004B  }
0xb4: {  	_ =	swait.ge [sflag:s29], $0x1  }
0xb5: {  	[sflag:s29] =	ssyncadd.s32 $0xFFFFFFFF  }
0xb6: {  	_ =	strace $0x9000004B  }
0xb7: {  	_ =	sfence  }
0xb8: {  	s30 =	sld [smem:$0x0];
	_ =	sdelay $0x2  }
0xb9: {  	s31 =	sshll.u32 s1, $0xD;
	s1 =	sshrl.u32 s1, $0x2  }
0xba: {  	s3 =	sand.u32 $0x4000, s31;
	s1 =	sadd.s32 s1, s30  }
0xbb: {  	s0 =	sor.u32 s3, s0;
	s1 =	sshll.u32 s1, $0x11  }
0xbc: {  	s0 =	sor.u32 s1, s0  }
0xbd: {  	s0 =	sadd.s32 $0x8F2B, s0  }
0xbe: {  	[sflag:s0] =	ssyncadd.remote.s32 $0x1  }
0xbf: {  	_ =	sfence.sel $0xFFFF  }
0xc0: {  	[dreg:$0x0] =	wrdreg $0xFFFFFFFF;
	(pc) =	sbr.abs _section_cstart, $3  }
0xc1: {  	[dreg:$0x1] =	wrdreg $0xFFFFFFFF  }
0xc2: {  	_ =	task.clear_ibuf [dreg:s7], $0x2FFFF;
	_ =	strace $0x9FFFFFFF  }
0xc3: {  	(tm) =	ssettm $0x7FFFFFFF  }
tec
execute0_lowered:
.L_overlay_start_1:
0x0: {  	(tag) =	ssettag $0x1  }
0x1: {  	s0 =	srdreg.scid  }
0x2: {  	s6 =	sand.u32 $0x1, s0;
	s0 =	stileid.u32  }
0x3: {  	s1 =	rddreg [dreg:$0x0];
	s9 =	smul.u32 $0xA000, s0  }
0x4: {  	s29 =	rddreg [dreg:$0x2];
	s7 =	sadd.s32 $0x9E4400, s1;
	s11 =	smul.u32 $0x140000, s6  }
0x5: {  	s8 =	sadd.s32 $0x52C00, s1;
	s2 =	ssub.s32 $0x2, s6;
	s12 =	smul.u32 $0x4E200, s6  }
0x6: {  	s10 =	sadd.s32 $0x2C00, s1;
	s6 =	smul.u32 $0x2710000, s6;
	s3 =	sshrl.u32 s2, $0x1  }
0x7: {  	s22 =	smul.u32 $0x271000, s0;
	p0 =	sne.s32 s0, $0x0;
	s2 =	ssub.s32 s2, s3  }
0x8: {  	s1 =	sadd.s32 $0x2000, s9;
	s3 =	sadd.s32 $0x4000, s9;
	s4 =	sadd.s32 $0x6000, s9  }
0x9: {  	s5 =	sadd.s32 $0x8000, s9;
	s9 =	sadd.s32 s9, s11;
	s6 =	sadd.s32 s22, s6  }
0xa: {  	s9 =	sshrl.u32 s9, $0x3;
	s13 =	sadd.s32 s11, s1;
	s19 =	sadd.s32 s11, s3  }
0xb: {  	s20 =	sadd.s32 s11, s4;
	s11 =	sadd.s32 s11, s5;
	s31 =	sadd.s32 s1, s29  }
0xc: {  	s14 =	sadd.s32 s8, s9;
	s13 =	sshrl.u32 s13, $0x3;
	s11 =	sshrl.u32 s11, $0x3  }
0xd: {  	s23 =	sadd.s32 $0x14000, s9;
	[dreg:$0x4] =	wrdreg s14;
	s15 =	sadd.s32 s8, s13  }
0xe: {  	s18 =	sadd.s32 $0x14400, s9;
	s17 =	sadd.s32 s8, s11;
	[dreg:$0x5] =	wrdreg s15  }
0xf: {  	s14 =	sshrl.u32 s19, $0x3;
	s19 =	sadd.s32 s8, s23;
	[dreg:$0x8] =	wrdreg s17  }
0x10: {  	s1 =	sadd.s32 s5, s29;
	s24 =	sadd.s32 s8, s18;
	[dreg:$0x9] =	wrdreg s19  }
0x11: {  	s2 =	smax.u32 s2, $0x1;
	s13 =	sadd.s32 s10, s13;
	[dreg:$0xa] =	wrdreg s24  }
0x12: {  	s25 =	sadd.s32 $0x14800, s9;
	s22 =	sadd.s32 s10, s11;
	[dreg:$0xf] =	wrdreg s13  }
0x13: {  	s23 =	sadd.s32 s10, s23;
	s16 =	sadd.s32 s8, s14;
	[dreg:$0x12] =	wrdreg s22  }
0x14: {  	s15 =	sshrl.u32 s20, $0x3;
	s19 =	sadd.s32 $0x14C00, s9;
	[dreg:$0x13] =	wrdreg s23  }
0x15: {  	s20 =	sadd.s32 $0x15000, s9;
	s9 =	sadd.s32 s10, s9;
	[dreg:$0x6] =	wrdreg s16  }
0x16: {  	s5 =	simm.s32 $0x4;
	s14 =	sadd.s32 s10, s14;
	[dreg:$0xe] =	wrdreg s9  }
0x17: {  	s24 =	sadd.s32 s10, s18;
	s13 =	smul.u32 $0x4E20, s0;
	[dreg:$0x10] =	wrdreg s14  }
0x18: {  	s22 =	simm.s32 $0x0;
	s21 =	sadd.s32 s8, s15;
	[dreg:$0x14] =	wrdreg s24  }
0x19: {  	s26 =	sadd.s32 s8, s19;
	s11 =	sadd.s32 s10, s19;
	[smem:$0x7FF] =	sst s22  }
0x1a: {  	s19 =	smul.u32 $0x28000, s0;
	s0 =	sadd.s32 s4, s29;
	[dreg:$0x7] =	wrdreg s21  }
0x1b: {  	s4 =	simm.s32 $0x5100;
	s21 =	sadd.s32 s8, s25;
	[dreg:$0xc] =	wrdreg s26  }
0x1c: {  	s8 =	sadd.s32 s8, s20;
	s25 =	sadd.s32 s10, s25;
	s26 =	sadd.s32 $0x2800, s6  }
0x1d: {  	[dreg:$0x16] =	wrdreg s11;
	s6 =	sshrl.u32 s6, $0x3;
	s14 =	sadd.s32 s13, s12  }
0x1e: {  	s11 =	simm.s32 $0x50;
	s12 =	simm.s32 $0x3;
	[dreg:$0xb] =	wrdreg s21  }
0x1f: {  	s13 =	simm.s32 $0x0;
	[dreg:$0xd] =	wrdreg s8;
	s21 =	sadd.s32 s10, s15  }
0x20: {  	[dreg:$0x15] =	wrdreg s25;
	s8 =	sshrl.u32 s26, $0x3;
	s10 =	sadd.s32 s10, s20  }
0x21: {  	s15 =	rddreg [dreg:$0x1];
	s16 =	sshrl.u32 s14, $0x3;
	s9 =	sadd.s32 $0x50, s14  }
0x22: {  	s18 =	sadd.s32 $0x9C400, s14;
	s25 =	sshrl.u32 s19, $0x2;
	[dreg:$0x11] =	wrdreg s21  }
0x23: {  	[dreg:$0x17] =	wrdreg s10;
	s20 =	sadd.s32 s8, s7;
	s21 =	sadd.s32 s6, s7  }
0x24: {  	s23 =	sadd.s32 s16, s15;
	s17 =	sshrl.u32 s9, $0x3;
	s6 =	sadd.s32 $0x9C450, s14  }
0x25: {  	s8 =	sshrl.u32 s18, $0x3;
	s30 =	sadd.s32 s25, s29;
	s25 =	sadd.s32 s3, s29  }
0x26: {  	s3 =	sadd.s32 $0xA0000, s29;
	s7 =	simm.s32 $0x80;
	s9 =	simm.s32 $0x1  }
0x27: {  	s10 =	simm.s32 $0x2;
	s24 =	sadd.s32 s17, s15;
	s6 =	sshrl.u32 s6, $0x3  }
0x28: {  	s26 =	sadd.s32 s8, s15;
	_ =	strace $0x8000004A;
	[dreg:$0x18] =	wrdreg s2  }
0x29: {  	v0 =	vimm.f32 $0.0e+00;
	v1 =	vimm.f32 $1.000000000e+00;
	s8 =	simm.s32 $0x2900;
	s28 =	sadd.s32 s6, s15;
	s6 =	simm.s32 $0x100  }
.LBB2_1:
0x2a: {  	s14 =	simm.s32 $0x0;
	s15 =	simm.s32 $0x200  }
.LBB2_2:
0x2b: {  	p1 =	sne.s32 s15, $0x7E00;
	[tilespmem:s14+$0x5170] =	vst v0  }
0x2c: {  	[tilespmem:s14+$0x5100] =	vst v0  }
0x2d: {  	[tilespmem:s14+$0x5110] =	vst v0  }
.Ltmp0:
0x2e: {  	[tilespmem:s14+$0x5120] =	vst v0;
	(pc) =	sbr.rel @p1 .LBB2_2-.Ltmp0, $4  }
0x2f: {  	[tilespmem:s14+$0x5130] =	vst v0  }
0x30: {  	[tilespmem:s14+$0x5140] =	vst v0  }
0x31: {  	[tilespmem:s14+$0x5150] =	vst v0  }
0x32: {  	[tilespmem:s14+$0x5160] =	vst v0;
	s14 =	sshra.s32 s15, $0x2;
	s15 =	sadd.s32 $0x200, s15  }
0x33: {  	[tilespmem:s14+$0x5170] =	vst v0  }
0x34: {  	[tilespmem:s14+$0x5100] =	vst v0  }
0x35: {  	[tilespmem:s14+$0x5110] =	vst v0  }
0x36: {  	[tilespmem:s14+$0x5120] =	vst v0  }
0x37: {  	[tilespmem:s14+$0x5130] =	vst v0  }
0x38: {  	[tilespmem:s14+$0x5140] =	vst v0  }
0x39: {  	[tilespmem:s14+$0x5150] =	vst v0  }
0x3a: {  	[tilespmem:s14+$0x5160] =	vst v0  }
0x3b: {  	[spmem:s30] =	stream.linear.scatter [tilespmem:s4], [sflag:$0x4], $0x2000, $0x38;
	[tilespmem:$0x11140] =	vst v63  }
0x3c: {  	_ =	swait.ge [sflag:s5], $0x2000  }
0x3d: {  	[sflag:s5] =	ssyncset.done $0x0  }
0x3e: {  	[sflag:s5] =	ssyncadd.s32 $0xFFFFE000  }
0x3f: {  	[spmem:s31] =	stream.linear.scatter [tilespmem:s4], [sflag:$0x4], $0x2000, $0x38;
	[tilespmem:$0x11140] =	vst v63  }
0x40: {  	_ =	swait.ge [sflag:s5], $0x2000  }
0x41: {  	[sflag:s5] =	ssyncset.done $0x0  }
0x42: {  	[sflag:s5] =	ssyncadd.s32 $0xFFFFE000  }
0x43: {  	[spmem:s25] =	stream.linear.scatter [tilespmem:s4], [sflag:$0x4], $0x2000, $0x38;
	[tilespmem:$0x11140] =	vst v63  }
0x44: {  	_ =	swait.ge [sflag:s5], $0x2000  }
0x45: {  	[sflag:s5] =	ssyncset.done $0x0  }
0x46: {  	[sflag:s5] =	ssyncadd.s32 $0xFFFFE000  }
0x47: {  	[spmem:s0] =	stream.linear.scatter [tilespmem:s4], [sflag:$0x4], $0x2000, $0x38;
	[tilespmem:$0x11140] =	vst v63  }
0x48: {  	_ =	swait.ge [sflag:s5], $0x2000  }
0x49: {  	[sflag:s5] =	ssyncset.done $0x0  }
0x4a: {  	[sflag:s5] =	ssyncadd.s32 $0xFFFFE000  }
0x4b: {  	[spmem:s1] =	stream.linear.scatter [tilespmem:s4], [sflag:$0x4], $0x2000, $0x38;
	[tilespmem:$0x11140] =	vst v63  }
0x4c: {  	_ =	swait.ge [sflag:s5], $0x2000  }
0x4d: {  	[sflag:s5] =	ssyncset.done $0x0  }
0x4e: {  	s14 =	simm.s32 @!p0 $0x5100;
	[sflag:s5] =	ssyncadd.s32 $0xFFFFE000  }
0x4f: {  	[spmem:s3] =	stream.linear.scatter @!p0 [tilespmem:s14], [sflag:$0x4], $0x400, $0x38;
	[tilespmem:$0x11140] =	vst v63  }
0x50: {  	s14 =	simm.s32 @!p0 $0x4  }
0x51: {  	_ =	swait.ge @!p0 [sflag:s14], $0x400  }
0x52: {  	[sflag:s14] =	ssyncset.done @!p0 $0x0  }
0x53: {  	[sflag:s14] =	ssyncadd.s32 @!p0 $0xFFFFFC00  }
0x54: {  	s18 =	sadd.s32 $0x0, s23;
	[bflag:$0x0] =	sbarrier.arrive $0xFFFF  }
0x55: {  	[tilespmem:s22], [sflag:$0x1] =	stream.linear.gather [hbm4b:s18+s22], $0x50, $0x38;
	[tilespmem:$0x11140] =	vst v63  }
0x56: {  	_ = 	snop  }
0x57: {  	[tilespmem:s6], [sflag:$0x2] =	stream.linear.gather [hbm4b:s21+s22], $0x2800, $0x38;
	[tilespmem:$0x11140] =	vst v63  }
0x58: {  	s19 =	sadd.s32 $0x0, s24  }
0x59: {  	[tilespmem:s7], [sflag:$0x1] =	stream.linear.gather [hbm4b:s19+s22], $0x50, $0x38;
	[tilespmem:$0x11140] =	vst v63  }
0x5a: {  	_ = 	snop  }
0x5b: {  	[tilespmem:s8], [sflag:$0x2] =	stream.linear.gather [hbm4b:s20+s22], $0x2800, $0x38;
	[tilespmem:$0x11140] =	vst v63  }
0x5c: {  	_ =	swait.ge [sflag:s9], $0x50  }
0x5d: {  	[sflag:s9] =	ssyncset.done $0x0  }
0x5e: {  	[sflag:s9] =	ssyncadd.s32 $0xFFFFFFB0  }
0x5f: {  	_ =	swait.ge [sflag:s10], $0x2800  }
0x60: {  	[sflag:s10] =	ssyncset.done $0x0  }
0x61: {  	[sflag:s10] =	ssyncadd.s32 $0xFFFFD800  }
0x62: {  	_ =	swait.ge [sflag:s9], $0x50  }
0x63: {  	[sflag:s9] =	ssyncset.done $0x0  }
0x64: {  	[sflag:s9] =	ssyncadd.s32 $0xFFFFFFB0  }
0x65: {  	_ =	swait.ge [sflag:s10], $0x2800  }
0x66: {  	[sflag:s10] =	ssyncset.done $0x0  }
0x67: {  	[sflag:s10] =	ssyncadd.s32 $0xFFFFD800  }
0x68: {  	[spmem:s29] =	stream.indirect.scatter.add.f32 [tilespmem:s6], [sflag:$0x3], $0x80, s22, s11, $0xb8;
	[tilespmem:$0x11140] =	vst v63  }
0x69: {  	_ = 	snop  }
0x6a: {  	[spmem:s29] =	stream.indirect.scatter.add.f32 [tilespmem:s8], [sflag:$0x3], $0x80, s7, s11, $0xb8;
	[tilespmem:$0x11140] =	vst v63  }
0x6b: {  	_ =	swait.ge [sflag:s12], $0x2800  }
0x6c: {  	[sflag:s12] =	ssyncset.done $0x0  }
0x6d: {  	[sflag:s12] =	ssyncadd.s32 $0xFFFFD800  }
0x6e: {  	s17 =	simm.s32 $0x28;
	s15 =	sadd.s32 $0xA00, s20;
	_ =	swait.ge [sflag:s12], $0x2800  }
0x6f: {  	s16 =	sadd.s32 $0xA00, s21;
	s14 =	simm.s32 $0x14;
	[sflag:s12] =	ssyncset.done $0x0  }
.LBB2_4:
0x70: {  	s18 =	sadd.s32 s14, s23  }
0x71: {  	[sflag:s12] =	ssyncadd.s32 $0xFFFFD800;
	s19 =	smov.u32 s17;
	s2 =	sadd.s32 $0x14, s17  }
0x72: {  	[tilespmem:s22], [sflag:$0x1] =	stream.linear.gather [hbm4b:s18+s22], $0x50, $0x38;
	[tilespmem:$0x11140] =	vst v63  }
0x73: {  	p1 =	sne.s32 s17, $0x9B0  }
0x74: {  	[tilespmem:s6], [sflag:$0x2] =	stream.linear.gather [hbm4b:s16+s22], $0x2800, $0x38;
	[tilespmem:$0x11140] =	vst v63  }
0x75: {  	s17 =	sadd.s32 s14, s24;
	s14 =	smov.u32 s19  }
0x76: {  	[tilespmem:s7], [sflag:$0x1] =	stream.linear.gather [hbm4b:s17+s22], $0x50, $0x38;
	[tilespmem:$0x11140] =	vst v63  }
0x77: {  	_ = 	snop  }
0x78: {  	[tilespmem:s8], [sflag:$0x2] =	stream.linear.gather [hbm4b:s15+s22], $0x2800, $0x38;
	[tilespmem:$0x11140] =	vst v63  }
0x79: {  	_ =	swait.ge [sflag:s9], $0x50  }
0x7a: {  	[sflag:s9] =	ssyncset.done $0x0  }
0x7b: {  	[sflag:s9] =	ssyncadd.s32 $0xFFFFFFB0  }
0x7c: {  	_ =	swait.ge [sflag:s10], $0x2800  }
0x7d: {  	[sflag:s10] =	ssyncset.done $0x0  }
0x7e: {  	[sflag:s10] =	ssyncadd.s32 $0xFFFFD800  }
0x7f: {  	_ =	swait.ge [sflag:s9], $0x50  }
0x80: {  	[sflag:s9] =	ssyncset.done $0x0  }
0x81: {  	[sflag:s9] =	ssyncadd.s32 $0xFFFFFFB0  }
0x82: {  	_ =	swait.ge [sflag:s10], $0x2800  }
0x83: {  	[sflag:s10] =	ssyncset.done $0x0  }
0x84: {  	[sflag:s10] =	ssyncadd.s32 $0xFFFFD800  }
0x85: {  	[spmem:s29] =	stream.indirect.scatter.add.f32 [tilespmem:s6], [sflag:$0x3], $0x80, s22, s11, $0xb8;
	[tilespmem:$0x11140] =	vst v63  }
0x86: {  	_ = 	snop  }
0x87: {  	[spmem:s29] =	stream.indirect.scatter.add.f32 [tilespmem:s8], [sflag:$0x3], $0x80, s7, s11, $0xb8;
	[tilespmem:$0x11140] =	vst v63  }
.Ltmp1:
0x88: {  	_ =	swait.ge [sflag:s12], $0x2800;
	(pc) =	sbr.rel @p1 .LBB2_4-.Ltmp1, $4  }
0x89: {  	[sflag:s12] =	ssyncset.done $0x0  }
0x8a: {  	[sflag:s12] =	ssyncadd.s32 $0xFFFFD800  }
0x8b: {  	s16 =	sadd.s32 $0xA00, s16;
	_ =	swait.ge [sflag:s12], $0x2800  }
0x8c: {  	s17 =	smov.u32 s2;
	s15 =	sadd.s32 $0xA00, s15;
	[sflag:s12] =	ssyncset.done $0x0  }
0x8d: {  	s2 =	sadd.s32 s14, s23;
	[sflag:s12] =	ssyncadd.s32 $0xFFFFD800  }
0x8e: {  	[tilespmem:s22], [sflag:$0x1] =	stream.linear.gather [hbm4b:s2+s22], $0x50, $0x38;
	[tilespmem:$0x11140] =	vst v63  }
0x8f: {  	_ = 	snop  }
0x90: {  	[tilespmem:s6], [sflag:$0x2] =	stream.linear.gather [hbm4b:s16+s22], $0x2800, $0x38;
	[tilespmem:$0x11140] =	vst v63  }
0x91: {  	s14 =	sadd.s32 s14, s24  }
0x92: {  	[tilespmem:s7], [sflag:$0x1] =	stream.linear.gather [hbm4b:s14+s22], $0x50, $0x38;
	[tilespmem:$0x11140] =	vst v63  }
0x93: {  	_ = 	snop  }
0x94: {  	[tilespmem:s8], [sflag:$0x2] =	stream.linear.gather [hbm4b:s15+s22], $0x2800, $0x38;
	[tilespmem:$0x11140] =	vst v63  }
0x95: {  	_ =	swait.ge [sflag:s9], $0x50  }
0x96: {  	[sflag:s9] =	ssyncset.done $0x0  }
0x97: {  	[sflag:s9] =	ssyncadd.s32 $0xFFFFFFB0  }
0x98: {  	_ =	swait.ge [sflag:s10], $0x2800  }
0x99: {  	[sflag:s10] =	ssyncset.done $0x0  }
0x9a: {  	[sflag:s10] =	ssyncadd.s32 $0xFFFFD800  }
0x9b: {  	_ =	swait.ge [sflag:s9], $0x50  }
0x9c: {  	[sflag:s9] =	ssyncset.done $0x0  }
0x9d: {  	[sflag:s9] =	ssyncadd.s32 $0xFFFFFFB0  }
0x9e: {  	_ =	swait.ge [sflag:s10], $0x2800  }
0x9f: {  	[sflag:s10] =	ssyncset.done $0x0  }
0xa0: {  	[sflag:s10] =	ssyncadd.s32 $0xFFFFD800  }
0xa1: {  	[spmem:s29] =	stream.indirect.scatter.add.f32 [tilespmem:s6], [sflag:$0x3], $0x80, s22, s11, $0xb8;
	[tilespmem:$0x11140] =	vst v63  }
0xa2: {  	_ = 	snop  }
0xa3: {  	[spmem:s29] =	stream.indirect.scatter.add.f32 [tilespmem:s8], [sflag:$0x3], $0x80, s7, s11, $0xb8;
	[tilespmem:$0x11140] =	vst v63  }
0xa4: {  	_ =	swait.ge [sflag:s12], $0x2800  }
0xa5: {  	[sflag:s12] =	ssyncset.done $0x0  }
0xa6: {  	[sflag:s12] =	ssyncadd.s32 $0xFFFFD800  }
0xa7: {  	_ =	swait.ge [sflag:s12], $0x2800  }
0xa8: {  	[sflag:s12] =	ssyncset.done $0x0  }
0xa9: {  	[sflag:s12] =	ssyncadd.s32 $0xFFFFD800  }
0xaa: {  	[bflag:$0x0] =	sbarrier.arrive $0xFFFF  }
0xab: {  	[tilespmem:s4], [sflag:$0x4] =	stream.linear.gather [spmem:s30], $0x2000, $0x38;
	[tilespmem:$0x11140] =	vst v63  }
0xac: {  	_ =	swait.ge [sflag:s5], $0x2000  }
0xad: {  	[sflag:s5] =	ssyncset.done $0x0  }
0xae: {  	s2 =	simm.s32 $0x0;
	s15 =	rddreg [dreg:$0x4];
	[sflag:s5] =	ssyncadd.s32 $0xFFFFE000  }
0xaf: {  	[hbm4b:s15+s2] =	stream.linear.scatter [tilespmem:s4], [sflag:$0x4], $0x2000, $0x38;
	[tilespmem:$0x11140] =	vst v63  }
0xb0: {  	_ =	swait.ge [sflag:s5], $0x2000  }
0xb1: {  	[sflag:s5] =	ssyncset.done $0x0  }
0xb2: {  	[sflag:s5] =	ssyncadd.s32 $0xFFFFE000  }
0xb3: {  	[tilespmem:s4], [sflag:$0x4] =	stream.linear.gather [spmem:s31], $0x2000, $0x38;
	[tilespmem:$0x11140] =	vst v63  }
0xb4: {  	_ =	swait.ge [sflag:s5], $0x2000  }
0xb5: {  	[sflag:s5] =	ssyncset.done $0x0  }
0xb6: {  	s16 =	rddreg [dreg:$0x5];
	[sflag:s5] =	ssyncadd.s32 $0xFFFFE000  }
0xb7: {  	[hbm4b:s16+s2] =	stream.linear.scatter [tilespmem:s4], [sflag:$0x4], $0x2000, $0x38;
	[tilespmem:$0x11140] =	vst v63  }
0xb8: {  	_ =	swait.ge [sflag:s5], $0x2000  }
0xb9: {  	[sflag:s5] =	ssyncset.done $0x0  }
0xba: {  	[sflag:s5] =	ssyncadd.s32 $0xFFFFE000  }
0xbb: {  	[tilespmem:s4], [sflag:$0x4] =	stream.linear.gather [spmem:s25], $0x2000, $0x38;
	[tilespmem:$0x11140] =	vst v63  }
0xbc: {  	_ =	swait.ge [sflag:s5], $0x2000  }
0xbd: {  	[sflag:s5] =	ssyncset.done $0x0  }
0xbe: {  	s17 =	rddreg [dreg:$0x6];
	[sflag:s5] =	ssyncadd.s32 $0xFFFFE000  }
0xbf: {  	[hbm4b:s17+s2] =	stream.linear.scatter [tilespmem:s4], [sflag:$0x4], $0x2000, $0x38;
	[tilespmem:$0x11140] =	vst v63  }
0xc0: {  	_ =	swait.ge [sflag:s5], $0x2000  }
0xc1: {  	[sflag:s5] =	ssyncset.done $0x0  }
0xc2: {  	[sflag:s5] =	ssyncadd.s32 $0xFFFFE000  }
0xc3: {  	[tilespmem:s4], [sflag:$0x4] =	stream.linear.gather [spmem:s0], $0x2000, $0x38;
	[tilespmem:$0x11140] =	vst v63  }
0xc4: {  	_ =	swait.ge [sflag:s5], $0x2000  }
0xc5: {  	[sflag:s5] =	ssyncset.done $0x0  }
0xc6: {  	s18 =	rddreg [dreg:$0x7];
	[sflag:s5] =	ssyncadd.s32 $0xFFFFE000  }
0xc7: {  	[hbm4b:s18+s2] =	stream.linear.scatter [tilespmem:s4], [sflag:$0x4], $0x2000, $0x38;
	[tilespmem:$0x11140] =	vst v63  }
0xc8: {  	_ =	swait.ge [sflag:s5], $0x2000  }
0xc9: {  	[sflag:s5] =	ssyncset.done $0x0  }
0xca: {  	[sflag:s5] =	ssyncadd.s32 $0xFFFFE000  }
0xcb: {  	[tilespmem:s4], [sflag:$0x4] =	stream.linear.gather [spmem:s1], $0x2000, $0x38;
	[tilespmem:$0x11140] =	vst v63  }
0xcc: {  	_ =	swait.ge [sflag:s5], $0x2000  }
0xcd: {  	[sflag:s5] =	ssyncset.done $0x0  }
0xce: {  	s19 =	rddreg [dreg:$0x8];
	[sflag:s5] =	ssyncadd.s32 $0xFFFFE000  }
0xcf: {  	[hbm4b:s19+s2] =	stream.linear.scatter [tilespmem:s4], [sflag:$0x4], $0x2000, $0x38;
	[tilespmem:$0x11140] =	vst v63  }
0xd0: {  	_ =	swait.ge [sflag:s5], $0x2000  }
0xd1: {  	[sflag:s5] =	ssyncset.done $0x0  }
0xd2: {  	s14 =	simm.s32 $0x0;
	s15 =	simm.s32 $0x200;
	[sflag:s5] =	ssyncadd.s32 $0xFFFFE000  }
.LBB2_6:
0xd3: {  	p1 =	sne.s32 s15, $0x7E00;
	[tilespmem:s14+$0x5170] =	vst v0  }
0xd4: {  	[tilespmem:s14+$0x5100] =	vst v0  }
0xd5: {  	[tilespmem:s14+$0x5110] =	vst v0  }
.Ltmp2:
0xd6: {  	[tilespmem:s14+$0x5120] =	vst v0;
	(pc) =	sbr.rel @p1 .LBB2_6-.Ltmp2, $4  }
0xd7: {  	[tilespmem:s14+$0x5130] =	vst v0  }
0xd8: {  	[tilespmem:s14+$0x5140] =	vst v0  }
0xd9: {  	[tilespmem:s14+$0x5150] =	vst v0  }
0xda: {  	[tilespmem:s14+$0x5160] =	vst v0;
	s14 =	sshra.s32 s15, $0x2;
	s15 =	sadd.s32 $0x200, s15  }
0xdb: {  	[tilespmem:s14+$0x5170] =	vst v0  }
0xdc: {  	[tilespmem:s14+$0x5100] =	vst v0  }
0xdd: {  	[tilespmem:s14+$0x5110] =	vst v0  }
0xde: {  	[tilespmem:s14+$0x5120] =	vst v0  }
0xdf: {  	[tilespmem:s14+$0x5130] =	vst v0  }
0xe0: {  	[tilespmem:s14+$0x5140] =	vst v0  }
0xe1: {  	[tilespmem:s14+$0x5150] =	vst v0  }
0xe2: {  	[tilespmem:s14+$0x5160] =	vst v0  }
0xe3: {  	[bflag:$0x0] =	sbarrier.arrive $0xFFFF  }
0xe4: {  	[spmem:s30] =	stream.linear.scatter [tilespmem:s4], [sflag:$0x4], $0x2000, $0x38;
	[tilespmem:$0x11140] =	vst v63  }
0xe5: {  	_ =	swait.ge [sflag:s5], $0x2000  }
0xe6: {  	[sflag:s5] =	ssyncset.done $0x0  }
0xe7: {  	[sflag:s5] =	ssyncadd.s32 $0xFFFFE000  }
0xe8: {  	[spmem:s31] =	stream.linear.scatter [tilespmem:s4], [sflag:$0x4], $0x2000, $0x38;
	[tilespmem:$0x11140] =	vst v63  }
0xe9: {  	_ =	swait.ge [sflag:s5], $0x2000  }
0xea: {  	[sflag:s5] =	ssyncset.done $0x0  }
0xeb: {  	[sflag:s5] =	ssyncadd.s32 $0xFFFFE000  }
0xec: {  	[spmem:s25] =	stream.linear.scatter [tilespmem:s4], [sflag:$0x4], $0x2000, $0x38;
	[tilespmem:$0x11140] =	vst v63  }
0xed: {  	_ =	swait.ge [sflag:s5], $0x2000  }
0xee: {  	[sflag:s5] =	ssyncset.done $0x0  }
0xef: {  	[sflag:s5] =	ssyncadd.s32 $0xFFFFE000  }
0xf0: {  	[spmem:s0] =	stream.linear.scatter [tilespmem:s4], [sflag:$0x4], $0x2000, $0x38;
	[tilespmem:$0x11140] =	vst v63  }
0xf1: {  	_ =	swait.ge [sflag:s5], $0x2000  }
0xf2: {  	[sflag:s5] =	ssyncset.done $0x0  }
0xf3: {  	[sflag:s5] =	ssyncadd.s32 $0xFFFFE000  }
0xf4: {  	[spmem:s1] =	stream.linear.scatter [tilespmem:s4], [sflag:$0x4], $0x2000, $0x38;
	[tilespmem:$0x11140] =	vst v63  }
0xf5: {  	_ =	swait.ge [sflag:s5], $0x2000  }
0xf6: {  	[sflag:s5] =	ssyncset.done $0x0  }
0xf7: {  	s2 =	simm.s32 @!p0 $0x5100;
	[sflag:s5] =	ssyncadd.s32 $0xFFFFE000  }
0xf8: {  	[spmem:s3] =	stream.linear.scatter @!p0 [tilespmem:s2], [sflag:$0x4], $0x400, $0x38;
	[tilespmem:$0x11140] =	vst v63  }
0xf9: {  	s2 =	simm.s32 @!p0 $0x4  }
0xfa: {  	_ =	swait.ge @!p0 [sflag:s2], $0x400  }
0xfb: {  	[sflag:s2] =	ssyncset.done @!p0 $0x0  }
0xfc: {  	[sflag:s2] =	ssyncadd.s32 @!p0 $0xFFFFFC00  }
0xfd: {  	s18 =	sadd.s32 $0x0, s26;
	[bflag:$0x0] =	sbarrier.arrive $0xFFFF  }
0xfe: {  	[tilespmem:s22], [sflag:$0x1] =	stream.linear.gather [hbm4b:s18+s22], $0x50, $0x38;
	[tilespmem:$0x11140] =	vst v63  }
0xff: {  	_ = 	snop  }
0x100: {  	[tilespmem:s6], [sflag:$0x2] =	stream.linear.gather [hbm4b:s21+s22], $0x2800, $0x38;
	[tilespmem:$0x11140] =	vst v63  }
0x101: {  	s19 =	sadd.s32 $0x0, s28  }
0x102: {  	[tilespmem:s7], [sflag:$0x1] =	stream.linear.gather [hbm4b:s19+s22], $0x50, $0x38;
	[tilespmem:$0x11140] =	vst v63  }
0x103: {  	_ = 	snop  }
0x104: {  	[tilespmem:s8], [sflag:$0x2] =	stream.linear.gather [hbm4b:s20+s22], $0x2800, $0x38;
	[tilespmem:$0x11140] =	vst v63  }
0x105: {  	_ =	swait.ge [sflag:s9], $0x50  }
0x106: {  	[sflag:s9] =	ssyncset.done $0x0  }
0x107: {  	[sflag:s9] =	ssyncadd.s32 $0xFFFFFFB0  }
0x108: {  	_ =	swait.ge [sflag:s10], $0x2800  }
0x109: {  	[sflag:s10] =	ssyncset.done $0x0  }
0x10a: {  	[sflag:s10] =	ssyncadd.s32 $0xFFFFD800  }
0x10b: {  	_ =	swait.ge [sflag:s9], $0x50  }
0x10c: {  	[sflag:s9] =	ssyncset.done $0x0  }
0x10d: {  	[sflag:s9] =	ssyncadd.s32 $0xFFFFFFB0  }
0x10e: {  	_ =	swait.ge [sflag:s10], $0x2800  }
0x10f: {  	[sflag:s10] =	ssyncset.done $0x0  }
0x110: {  	[sflag:s10] =	ssyncadd.s32 $0xFFFFD800  }
0x111: {  	[spmem:s29] =	stream.indirect.scatter.add.f32 [tilespmem:s6], [sflag:$0x3], $0x80, s22, s11, $0xb8;
	[tilespmem:$0x11140] =	vst v63  }
0x112: {  	_ = 	snop  }
0x113: {  	[spmem:s29] =	stream.indirect.scatter.add.f32 [tilespmem:s8], [sflag:$0x3], $0x80, s7, s11, $0xb8;
	[tilespmem:$0x11140] =	vst v63  }
0x114: {  	_ =	swait.ge [sflag:s12], $0x2800  }
0x115: {  	[sflag:s12] =	ssyncset.done $0x0  }
0x116: {  	[sflag:s12] =	ssyncadd.s32 $0xFFFFD800  }
0x117: {  	s14 =	simm.s32 $0x14;
	s17 =	simm.s32 $0x28;
	_ =	swait.ge [sflag:s12], $0x2800  }
0x118: {  	s15 =	sadd.s32 $0xA00, s20;
	s16 =	sadd.s32 $0xA00, s21;
	[sflag:s12] =	ssyncset.done $0x0  }
.LBB2_8:
0x119: {  	s2 =	sadd.s32 s14, s26  }
0x11a: {  	[sflag:s12] =	ssyncadd.s32 $0xFFFFD800;
	s18 =	smov.u32 s17;
	s19 =	sadd.s32 $0x14, s17  }
0x11b: {  	[tilespmem:s22], [sflag:$0x1] =	stream.linear.gather [hbm4b:s2+s22], $0x50, $0x38;
	[tilespmem:$0x11140] =	vst v63  }
0x11c: {  	p1 =	sne.s32 s17, $0x9B0  }
0x11d: {  	[tilespmem:s6], [sflag:$0x2] =	stream.linear.gather [hbm4b:s16+s22], $0x2800, $0x38;
	[tilespmem:$0x11140] =	vst v63  }
0x11e: {  	s2 =	sadd.s32 s14, s28;
	s14 =	smov.u32 s18  }
0x11f: {  	[tilespmem:s7], [sflag:$0x1] =	stream.linear.gather [hbm4b:s2+s22], $0x50, $0x38;
	[tilespmem:$0x11140] =	vst v63  }
0x120: {  	_ = 	snop  }
0x121: {  	[tilespmem:s8], [sflag:$0x2] =	stream.linear.gather [hbm4b:s15+s22], $0x2800, $0x38;
	[tilespmem:$0x11140] =	vst v63  }
0x122: {  	_ =	swait.ge [sflag:s9], $0x50  }
0x123: {  	[sflag:s9] =	ssyncset.done $0x0  }
0x124: {  	[sflag:s9] =	ssyncadd.s32 $0xFFFFFFB0  }
0x125: {  	_ =	swait.ge [sflag:s10], $0x2800  }
0x126: {  	[sflag:s10] =	ssyncset.done $0x0  }
0x127: {  	[sflag:s10] =	ssyncadd.s32 $0xFFFFD800  }
0x128: {  	_ =	swait.ge [sflag:s9], $0x50  }
0x129: {  	[sflag:s9] =	ssyncset.done $0x0  }
0x12a: {  	[sflag:s9] =	ssyncadd.s32 $0xFFFFFFB0  }
0x12b: {  	_ =	swait.ge [sflag:s10], $0x2800  }
0x12c: {  	[sflag:s10] =	ssyncset.done $0x0  }
0x12d: {  	[sflag:s10] =	ssyncadd.s32 $0xFFFFD800  }
0x12e: {  	[spmem:s29] =	stream.indirect.scatter.add.f32 [tilespmem:s6], [sflag:$0x3], $0x80, s22, s11, $0xb8;
	[tilespmem:$0x11140] =	vst v63  }
0x12f: {  	_ = 	snop  }
0x130: {  	[spmem:s29] =	stream.indirect.scatter.add.f32 [tilespmem:s8], [sflag:$0x3], $0x80, s7, s11, $0xb8;
	[tilespmem:$0x11140] =	vst v63  }
.Ltmp3:
0x131: {  	_ =	swait.ge [sflag:s12], $0x2800;
	(pc) =	sbr.rel @p1 .LBB2_8-.Ltmp3, $4  }
0x132: {  	[sflag:s12] =	ssyncset.done $0x0  }
0x133: {  	[sflag:s12] =	ssyncadd.s32 $0xFFFFD800  }
0x134: {  	s17 =	smov.u32 s19;
	_ =	swait.ge [sflag:s12], $0x2800  }
0x135: {  	s16 =	sadd.s32 $0xA00, s16;
	s15 =	sadd.s32 $0xA00, s15;
	[sflag:s12] =	ssyncset.done $0x0  }
0x136: {  	s2 =	sadd.s32 s14, s26;
	[sflag:s12] =	ssyncadd.s32 $0xFFFFD800  }
0x137: {  	[tilespmem:s22], [sflag:$0x1] =	stream.linear.gather [hbm4b:s2+s22], $0x50, $0x38;
	[tilespmem:$0x11140] =	vst v63  }
0x138: {  	_ = 	snop  }
0x139: {  	[tilespmem:s6], [sflag:$0x2] =	stream.linear.gather [hbm4b:s16+s22], $0x2800, $0x38;
	[tilespmem:$0x11140] =	vst v63  }
0x13a: {  	s14 =	sadd.s32 s14, s28  }
0x13b: {  	[tilespmem:s7], [sflag:$0x1] =	stream.linear.gather [hbm4b:s14+s22], $0x50, $0x38;
	[tilespmem:$0x11140] =	vst v63  }
0x13c: {  	_ = 	snop  }
0x13d: {  	[tilespmem:s8], [sflag:$0x2] =	stream.linear.gather [hbm4b:s15+s22], $0x2800, $0x38;
	[tilespmem:$0x11140] =	vst v63  }
0x13e: {  	_ =	swait.ge [sflag:s9], $0x50  }
0x13f: {  	[sflag:s9] =	ssyncset.done $0x0  }
0x140: {  	[sflag:s9] =	ssyncadd.s32 $0xFFFFFFB0  }
0x141: {  	_ =	swait.ge [sflag:s10], $0x2800  }
0x142: {  	[sflag:s10] =	ssyncset.done $0x0  }
0x143: {  	[sflag:s10] =	ssyncadd.s32 $0xFFFFD800  }
0x144: {  	_ =	swait.ge [sflag:s9], $0x50  }
0x145: {  	[sflag:s9] =	ssyncset.done $0x0  }
0x146: {  	[sflag:s9] =	ssyncadd.s32 $0xFFFFFFB0  }
0x147: {  	_ =	swait.ge [sflag:s10], $0x2800  }
0x148: {  	[sflag:s10] =	ssyncset.done $0x0  }
0x149: {  	[sflag:s10] =	ssyncadd.s32 $0xFFFFD800  }
0x14a: {  	[spmem:s29] =	stream.indirect.scatter.add.f32 [tilespmem:s6], [sflag:$0x3], $0x80, s22, s11, $0xb8;
	[tilespmem:$0x11140] =	vst v63  }
0x14b: {  	_ = 	snop  }
0x14c: {  	[spmem:s29] =	stream.indirect.scatter.add.f32 [tilespmem:s8], [sflag:$0x3], $0x80, s7, s11, $0xb8;
	[tilespmem:$0x11140] =	vst v63  }
0x14d: {  	_ =	swait.ge [sflag:s12], $0x2800  }
0x14e: {  	[sflag:s12] =	ssyncset.done $0x0  }
0x14f: {  	[sflag:s12] =	ssyncadd.s32 $0xFFFFD800  }
0x150: {  	_ =	swait.ge [sflag:s12], $0x2800  }
0x151: {  	[sflag:s12] =	ssyncset.done $0x0  }
0x152: {  	[sflag:s12] =	ssyncadd.s32 $0xFFFFD800  }
0x153: {  	[bflag:$0x0] =	sbarrier.arrive $0xFFFF  }
0x154: {  	[tilespmem:s4], [sflag:$0x4] =	stream.linear.gather [spmem:s30], $0x2000, $0x38;
	[tilespmem:$0x11140] =	vst v63  }
0x155: {  	_ =	swait.ge [sflag:s5], $0x2000  }
0x156: {  	[sflag:s5] =	ssyncset.done $0x0  }
0x157: {  	s2 =	simm.s32 $0x0;
	s15 =	rddreg [dreg:$0x9];
	[sflag:s5] =	ssyncadd.s32 $0xFFFFE000  }
0x158: {  	[hbm4b:s15+s2] =	stream.linear.scatter [tilespmem:s4], [sflag:$0x4], $0x2000, $0x38;
	[tilespmem:$0x11140] =	vst v63  }
0x159: {  	_ =	swait.ge [sflag:s5], $0x2000  }
0x15a: {  	[sflag:s5] =	ssyncset.done $0x0  }
0x15b: {  	[sflag:s5] =	ssyncadd.s32 $0xFFFFE000  }
0x15c: {  	[tilespmem:s4], [sflag:$0x4] =	stream.linear.gather [spmem:s31], $0x2000, $0x38;
	[tilespmem:$0x11140] =	vst v63  }
0x15d: {  	_ =	swait.ge [sflag:s5], $0x2000  }
0x15e: {  	[sflag:s5] =	ssyncset.done $0x0  }
0x15f: {  	s16 =	rddreg [dreg:$0xa];
	[sflag:s5] =	ssyncadd.s32 $0xFFFFE000  }
0x160: {  	[hbm4b:s16+s2] =	stream.linear.scatter [tilespmem:s4], [sflag:$0x4], $0x2000, $0x38;
	[tilespmem:$0x11140] =	vst v63  }
0x161: {  	_ =	swait.ge [sflag:s5], $0x2000  }
0x162: {  	[sflag:s5] =	ssyncset.done $0x0  }
0x163: {  	[sflag:s5] =	ssyncadd.s32 $0xFFFFE000  }
0x164: {  	[tilespmem:s4], [sflag:$0x4] =	stream.linear.gather [spmem:s25], $0x2000, $0x38;
	[tilespmem:$0x11140] =	vst v63  }
0x165: {  	_ =	swait.ge [sflag:s5], $0x2000  }
0x166: {  	[sflag:s5] =	ssyncset.done $0x0  }
0x167: {  	s17 =	rddreg [dreg:$0xb];
	[sflag:s5] =	ssyncadd.s32 $0xFFFFE000  }
0x168: {  	[hbm4b:s17+s2] =	stream.linear.scatter [tilespmem:s4], [sflag:$0x4], $0x2000, $0x38;
	[tilespmem:$0x11140] =	vst v63  }
0x169: {  	_ =	swait.ge [sflag:s5], $0x2000  }
0x16a: {  	[sflag:s5] =	ssyncset.done $0x0  }
0x16b: {  	[sflag:s5] =	ssyncadd.s32 $0xFFFFE000  }
0x16c: {  	[tilespmem:s4], [sflag:$0x4] =	stream.linear.gather [spmem:s0], $0x2000, $0x38;
	[tilespmem:$0x11140] =	vst v63  }
0x16d: {  	_ =	swait.ge [sflag:s5], $0x2000  }
0x16e: {  	[sflag:s5] =	ssyncset.done $0x0  }
0x16f: {  	s18 =	rddreg [dreg:$0xc];
	[sflag:s5] =	ssyncadd.s32 $0xFFFFE000  }
0x170: {  	[hbm4b:s18+s2] =	stream.linear.scatter [tilespmem:s4], [sflag:$0x4], $0x2000, $0x38;
	[tilespmem:$0x11140] =	vst v63  }
0x171: {  	_ =	swait.ge [sflag:s5], $0x2000  }
0x172: {  	[sflag:s5] =	ssyncset.done $0x0  }
0x173: {  	[sflag:s5] =	ssyncadd.s32 $0xFFFFE000  }
0x174: {  	[tilespmem:s4], [sflag:$0x4] =	stream.linear.gather [spmem:s1], $0x2000, $0x38;
	[tilespmem:$0x11140] =	vst v63  }
0x175: {  	_ =	swait.ge [sflag:s5], $0x2000  }
0x176: {  	[sflag:s5] =	ssyncset.done $0x0  }
0x177: {  	s19 =	rddreg [dreg:$0xd];
	[sflag:s5] =	ssyncadd.s32 $0xFFFFE000  }
0x178: {  	[hbm4b:s19+s2] =	stream.linear.scatter [tilespmem:s4], [sflag:$0x4], $0x2000, $0x38;
	[tilespmem:$0x11140] =	vst v63  }
0x179: {  	_ =	swait.ge [sflag:s5], $0x2000  }
0x17a: {  	[sflag:s5] =	ssyncset.done $0x0  }
0x17b: {  	s14 =	simm.s32 $0x0;
	s15 =	simm.s32 $0x200;
	[sflag:s5] =	ssyncadd.s32 $0xFFFFE000  }
.LBB2_10:
0x17c: {  	p1 =	sne.s32 s15, $0x7E00;
	[tilespmem:s14+$0x5170] =	vst v0  }
0x17d: {  	[tilespmem:s14+$0x5100] =	vst v0  }
0x17e: {  	[tilespmem:s14+$0x5110] =	vst v0  }
.Ltmp4:
0x17f: {  	[tilespmem:s14+$0x5120] =	vst v0;
	(pc) =	sbr.rel @p1 .LBB2_10-.Ltmp4, $4  }
0x180: {  	[tilespmem:s14+$0x5130] =	vst v0  }
0x181: {  	[tilespmem:s14+$0x5140] =	vst v0  }
0x182: {  	[tilespmem:s14+$0x5150] =	vst v0  }
0x183: {  	[tilespmem:s14+$0x5160] =	vst v0;
	s14 =	sshra.s32 s15, $0x2;
	s15 =	sadd.s32 $0x200, s15  }
0x184: {  	[tilespmem:s14+$0x5170] =	vst v0  }
0x185: {  	[tilespmem:s14+$0x5100] =	vst v0  }
0x186: {  	[tilespmem:s14+$0x5110] =	vst v0  }
0x187: {  	[tilespmem:s14+$0x5120] =	vst v0  }
0x188: {  	[tilespmem:s14+$0x5130] =	vst v0  }
0x189: {  	[tilespmem:s14+$0x5140] =	vst v0  }
0x18a: {  	[tilespmem:s14+$0x5150] =	vst v0  }
0x18b: {  	[tilespmem:s14+$0x5160] =	vst v0  }
0x18c: {  	s14 =	simm.s32 $0x40;
	s15 =	simm.s32 $0x300;
	[bflag:$0x0] =	sbarrier.arrive $0xFFFF  }
.LBB2_12:
0x18d: {  	p1 =	sne.s32 s15, $0x9F00;
	[tilespmem:s14+$0x2930] =	vst v1  }
0x18e: {  	[tilespmem:s14+$0xC0] =	vst v1  }
0x18f: {  	[tilespmem:s14+$0xD0] =	vst v1  }
0x190: {  	[tilespmem:s14+$0xE0] =	vst v1  }
0x191: {  	[tilespmem:s14+$0xF0] =	vst v1  }
0x192: {  	[tilespmem:s14+$0x100] =	vst v1  }
0x193: {  	[tilespmem:s14+$0x110] =	vst v1  }
0x194: {  	[tilespmem:s14+$0x120] =	vst v1  }
0x195: {  	[tilespmem:s14+$0x130] =	vst v1  }
0x196: {  	[tilespmem:s14+$0x28C0] =	vst v1  }
0x197: {  	[tilespmem:s14+$0x28D0] =	vst v1  }
.Ltmp5:
0x198: {  	[tilespmem:s14+$0x28E0] =	vst v1;
	(pc) =	sbr.rel @p1 .LBB2_12-.Ltmp5, $4  }
0x199: {  	[tilespmem:s14+$0x28F0] =	vst v1  }
0x19a: {  	[tilespmem:s14+$0x2900] =	vst v1  }
0x19b: {  	[tilespmem:s14+$0x2910] =	vst v1  }
0x19c: {  	[tilespmem:s14+$0x2920] =	vst v1;
	s14 =	sshra.s32 s15, $0x2;
	s15 =	sadd.s32 $0x200, s15  }
0x19d: {  	[tilespmem:s14+$0x2930] =	vst v1  }
0x19e: {  	[tilespmem:s14+$0xC0] =	vst v1  }
0x19f: {  	[tilespmem:s14+$0xD0] =	vst v1  }
0x1a0: {  	[tilespmem:s14+$0xE0] =	vst v1  }
0x1a1: {  	[tilespmem:s14+$0xF0] =	vst v1  }
0x1a2: {  	[tilespmem:s14+$0x100] =	vst v1  }
0x1a3: {  	[tilespmem:s14+$0x110] =	vst v1  }
0x1a4: {  	[tilespmem:s14+$0x120] =	vst v1  }
0x1a5: {  	[tilespmem:s14+$0x130] =	vst v1  }
0x1a6: {  	[tilespmem:s14+$0x28C0] =	vst v1  }
0x1a7: {  	[tilespmem:s14+$0x28D0] =	vst v1  }
0x1a8: {  	[tilespmem:s14+$0x28E0] =	vst v1  }
0x1a9: {  	[tilespmem:s14+$0x28F0] =	vst v1  }
0x1aa: {  	[tilespmem:s14+$0x2900] =	vst v1  }
0x1ab: {  	[tilespmem:s14+$0x2910] =	vst v1  }
0x1ac: {  	[tilespmem:s14+$0x2920] =	vst v1  }
0x1ad: {  	[spmem:s30] =	stream.linear.scatter [tilespmem:s4], [sflag:$0x4], $0x2000, $0x38;
	[tilespmem:$0x11140] =	vst v63  }
0x1ae: {  	_ =	swait.ge [sflag:s5], $0x2000  }
0x1af: {  	[sflag:s5] =	ssyncset.done $0x0  }
0x1b0: {  	[sflag:s5] =	ssyncadd.s32 $0xFFFFE000  }
0x1b1: {  	[spmem:s31] =	stream.linear.scatter [tilespmem:s4], [sflag:$0x4], $0x2000, $0x38;
	[tilespmem:$0x11140] =	vst v63  }
0x1b2: {  	_ =	swait.ge [sflag:s5], $0x2000  }
0x1b3: {  	[sflag:s5] =	ssyncset.done $0x0  }
0x1b4: {  	[sflag:s5] =	ssyncadd.s32 $0xFFFFE000  }
0x1b5: {  	[spmem:s25] =	stream.linear.scatter [tilespmem:s4], [sflag:$0x4], $0x2000, $0x38;
	[tilespmem:$0x11140] =	vst v63  }
0x1b6: {  	_ =	swait.ge [sflag:s5], $0x2000  }
0x1b7: {  	[sflag:s5] =	ssyncset.done $0x0  }
0x1b8: {  	[sflag:s5] =	ssyncadd.s32 $0xFFFFE000  }
0x1b9: {  	[spmem:s0] =	stream.linear.scatter [tilespmem:s4], [sflag:$0x4], $0x2000, $0x38;
	[tilespmem:$0x11140] =	vst v63  }
0x1ba: {  	_ =	swait.ge [sflag:s5], $0x2000  }
0x1bb: {  	[sflag:s5] =	ssyncset.done $0x0  }
0x1bc: {  	[sflag:s5] =	ssyncadd.s32 $0xFFFFE000  }
0x1bd: {  	[spmem:s1] =	stream.linear.scatter [tilespmem:s4], [sflag:$0x4], $0x2000, $0x38;
	[tilespmem:$0x11140] =	vst v63  }
0x1be: {  	_ =	swait.ge [sflag:s5], $0x2000  }
0x1bf: {  	[sflag:s5] =	ssyncset.done $0x0  }
0x1c0: {  	s2 =	simm.s32 @!p0 $0x5100;
	[sflag:s5] =	ssyncadd.s32 $0xFFFFE000  }
0x1c1: {  	[spmem:s3] =	stream.linear.scatter @!p0 [tilespmem:s2], [sflag:$0x4], $0x400, $0x38;
	[tilespmem:$0x11140] =	vst v63  }
0x1c2: {  	s2 =	simm.s32 @!p0 $0x4  }
0x1c3: {  	_ =	swait.ge @!p0 [sflag:s2], $0x400  }
0x1c4: {  	[sflag:s2] =	ssyncset.done @!p0 $0x0  }
0x1c5: {  	[sflag:s2] =	ssyncadd.s32 @!p0 $0xFFFFFC00  }
0x1c6: {  	s18 =	sadd.s32 $0x0, s23;
	[bflag:$0x0] =	sbarrier.arrive $0xFFFF  }
0x1c7: {  	[tilespmem:s22], [sflag:$0x1] =	stream.linear.gather [hbm4b:s18+s22], $0x50, $0x38;
	[tilespmem:$0x11140] =	vst v63  }
0x1c8: {  	s19 =	sadd.s32 $0x0, s24  }
0x1c9: {  	[tilespmem:s7], [sflag:$0x1] =	stream.linear.gather [hbm4b:s19+s22], $0x50, $0x38;
	[tilespmem:$0x11140] =	vst v63  }
0x1ca: {  	_ =	swait.ge [sflag:s9], $0x50  }
0x1cb: {  	[sflag:s9] =	ssyncset.done $0x0  }
0x1cc: {  	[sflag:s9] =	ssyncadd.s32 $0xFFFFFFB0  }
0x1cd: {  	_ =	swait.ge [sflag:s9], $0x50  }
0x1ce: {  	[sflag:s9] =	ssyncset.done $0x0  }
0x1cf: {  	[sflag:s9] =	ssyncadd.s32 $0xFFFFFFB0  }
0x1d0: {  	[spmem:s29] =	stream.indirect.scatter.add.f32 [tilespmem:s6], [sflag:$0x3], $0x80, s22, s11, $0xb8;
	[tilespmem:$0x11140] =	vst v63  }
0x1d1: {  	_ = 	snop  }
0x1d2: {  	[spmem:s29] =	stream.indirect.scatter.add.f32 [tilespmem:s8], [sflag:$0x3], $0x80, s7, s11, $0xb8;
	[tilespmem:$0x11140] =	vst v63  }
0x1d3: {  	_ =	swait.ge [sflag:s12], $0x2800  }
0x1d4: {  	[sflag:s12] =	ssyncset.done $0x0  }
0x1d5: {  	[sflag:s12] =	ssyncadd.s32 $0xFFFFD800  }
0x1d6: {  	_ =	swait.ge [sflag:s12], $0x2800  }
0x1d7: {  	s14 =	simm.s32 $0x14;
	s15 =	simm.s32 $0x28;
	[sflag:s12] =	ssyncset.done $0x0  }
.LBB2_14:
0x1d8: {  	s2 =	sadd.s32 s14, s23  }
0x1d9: {  	[sflag:s12] =	ssyncadd.s32 $0xFFFFD800;
	s16 =	smov.u32 s15;
	s17 =	sadd.s32 $0x14, s15  }
0x1da: {  	[tilespmem:s22], [sflag:$0x1] =	stream.linear.gather [hbm4b:s2+s22], $0x50, $0x38;
	[tilespmem:$0x11140] =	vst v63  }
0x1db: {  	p1 =	sne.s32 s15, $0x9B0;
	s2 =	sadd.s32 s14, s24;
	s14 =	smov.u32 s16  }
0x1dc: {  	[tilespmem:s7], [sflag:$0x1] =	stream.linear.gather [hbm4b:s2+s22], $0x50, $0x38;
	[tilespmem:$0x11140] =	vst v63  }
0x1dd: {  	_ =	swait.ge [sflag:s9], $0x50  }
0x1de: {  	[sflag:s9] =	ssyncset.done $0x0  }
0x1df: {  	[sflag:s9] =	ssyncadd.s32 $0xFFFFFFB0  }
0x1e0: {  	_ =	swait.ge [sflag:s9], $0x50  }
0x1e1: {  	[sflag:s9] =	ssyncset.done $0x0  }
0x1e2: {  	[sflag:s9] =	ssyncadd.s32 $0xFFFFFFB0  }
0x1e3: {  	[spmem:s29] =	stream.indirect.scatter.add.f32 [tilespmem:s6], [sflag:$0x3], $0x80, s22, s11, $0xb8;
	[tilespmem:$0x11140] =	vst v63  }
0x1e4: {  	_ = 	snop  }
0x1e5: {  	[spmem:s29] =	stream.indirect.scatter.add.f32 [tilespmem:s8], [sflag:$0x3], $0x80, s7, s11, $0xb8;
	[tilespmem:$0x11140] =	vst v63  }
.Ltmp6:
0x1e6: {  	_ =	swait.ge [sflag:s12], $0x2800;
	(pc) =	sbr.rel @p1 .LBB2_14-.Ltmp6, $4  }
0x1e7: {  	[sflag:s12] =	ssyncset.done $0x0  }
0x1e8: {  	[sflag:s12] =	ssyncadd.s32 $0xFFFFD800  }
0x1e9: {  	_ =	swait.ge [sflag:s12], $0x2800  }
0x1ea: {  	s15 =	smov.u32 s17;
	[sflag:s12] =	ssyncset.done $0x0  }
0x1eb: {  	s2 =	sadd.s32 s14, s23;
	[sflag:s12] =	ssyncadd.s32 $0xFFFFD800  }
0x1ec: {  	[tilespmem:s22], [sflag:$0x1] =	stream.linear.gather [hbm4b:s2+s22], $0x50, $0x38;
	[tilespmem:$0x11140] =	vst v63  }
0x1ed: {  	s14 =	sadd.s32 s14, s24  }
0x1ee: {  	[tilespmem:s7], [sflag:$0x1] =	stream.linear.gather [hbm4b:s14+s22], $0x50, $0x38;
	[tilespmem:$0x11140] =	vst v63  }
0x1ef: {  	_ =	swait.ge [sflag:s9], $0x50  }
0x1f0: {  	[sflag:s9] =	ssyncset.done $0x0  }
0x1f1: {  	[sflag:s9] =	ssyncadd.s32 $0xFFFFFFB0  }
0x1f2: {  	_ =	swait.ge [sflag:s9], $0x50  }
0x1f3: {  	[sflag:s9] =	ssyncset.done $0x0  }
0x1f4: {  	[sflag:s9] =	ssyncadd.s32 $0xFFFFFFB0  }
0x1f5: {  	[spmem:s29] =	stream.indirect.scatter.add.f32 [tilespmem:s6], [sflag:$0x3], $0x80, s22, s11, $0xb8;
	[tilespmem:$0x11140] =	vst v63  }
0x1f6: {  	_ = 	snop  }
0x1f7: {  	[spmem:s29] =	stream.indirect.scatter.add.f32 [tilespmem:s8], [sflag:$0x3], $0x80, s7, s11, $0xb8;
	[tilespmem:$0x11140] =	vst v63  }
0x1f8: {  	_ =	swait.ge [sflag:s12], $0x2800  }
0x1f9: {  	[sflag:s12] =	ssyncset.done $0x0  }
0x1fa: {  	[sflag:s12] =	ssyncadd.s32 $0xFFFFD800  }
0x1fb: {  	_ =	swait.ge [sflag:s12], $0x2800  }
0x1fc: {  	[sflag:s12] =	ssyncset.done $0x0  }
0x1fd: {  	[sflag:s12] =	ssyncadd.s32 $0xFFFFD800  }
0x1fe: {  	[bflag:$0x0] =	sbarrier.arrive $0xFFFF  }
0x1ff: {  	[tilespmem:s4], [sflag:$0x4] =	stream.linear.gather [spmem:s30], $0x2000, $0x38;
	[tilespmem:$0x11140] =	vst v63  }
0x200: {  	_ =	swait.ge [sflag:s5], $0x2000  }
0x201: {  	[sflag:s5] =	ssyncset.done $0x0  }
0x202: {  	s2 =	simm.s32 $0x0;
	s15 =	rddreg [dreg:$0xe];
	[sflag:s5] =	ssyncadd.s32 $0xFFFFE000  }
0x203: {  	[hbm4b:s15+s2] =	stream.linear.scatter [tilespmem:s4], [sflag:$0x4], $0x2000, $0x38;
	[tilespmem:$0x11140] =	vst v63  }
0x204: {  	_ =	swait.ge [sflag:s5], $0x2000  }
0x205: {  	[sflag:s5] =	ssyncset.done $0x0  }
0x206: {  	[sflag:s5] =	ssyncadd.s32 $0xFFFFE000  }
0x207: {  	[tilespmem:s4], [sflag:$0x4] =	stream.linear.gather [spmem:s31], $0x2000, $0x38;
	[tilespmem:$0x11140] =	vst v63  }
0x208: {  	_ =	swait.ge [sflag:s5], $0x2000  }
0x209: {  	[sflag:s5] =	ssyncset.done $0x0  }
0x20a: {  	s16 =	rddreg [dreg:$0xf];
	[sflag:s5] =	ssyncadd.s32 $0xFFFFE000  }
0x20b: {  	[hbm4b:s16+s2] =	stream.linear.scatter [tilespmem:s4], [sflag:$0x4], $0x2000, $0x38;
	[tilespmem:$0x11140] =	vst v63  }
0x20c: {  	_ =	swait.ge [sflag:s5], $0x2000  }
0x20d: {  	[sflag:s5] =	ssyncset.done $0x0  }
0x20e: {  	[sflag:s5] =	ssyncadd.s32 $0xFFFFE000  }
0x20f: {  	[tilespmem:s4], [sflag:$0x4] =	stream.linear.gather [spmem:s25], $0x2000, $0x38;
	[tilespmem:$0x11140] =	vst v63  }
0x210: {  	_ =	swait.ge [sflag:s5], $0x2000  }
0x211: {  	[sflag:s5] =	ssyncset.done $0x0  }
0x212: {  	s17 =	rddreg [dreg:$0x10];
	[sflag:s5] =	ssyncadd.s32 $0xFFFFE000  }
0x213: {  	[hbm4b:s17+s2] =	stream.linear.scatter [tilespmem:s4], [sflag:$0x4], $0x2000, $0x38;
	[tilespmem:$0x11140] =	vst v63  }
0x214: {  	_ =	swait.ge [sflag:s5], $0x2000  }
0x215: {  	[sflag:s5] =	ssyncset.done $0x0  }
0x216: {  	[sflag:s5] =	ssyncadd.s32 $0xFFFFE000  }
0x217: {  	[tilespmem:s4], [sflag:$0x4] =	stream.linear.gather [spmem:s0], $0x2000, $0x38;
	[tilespmem:$0x11140] =	vst v63  }
0x218: {  	_ =	swait.ge [sflag:s5], $0x2000  }
0x219: {  	[sflag:s5] =	ssyncset.done $0x0  }
0x21a: {  	s18 =	rddreg [dreg:$0x11];
	[sflag:s5] =	ssyncadd.s32 $0xFFFFE000  }
0x21b: {  	[hbm4b:s18+s2] =	stream.linear.scatter [tilespmem:s4], [sflag:$0x4], $0x2000, $0x38;
	[tilespmem:$0x11140] =	vst v63  }
0x21c: {  	_ =	swait.ge [sflag:s5], $0x2000  }
0x21d: {  	[sflag:s5] =	ssyncset.done $0x0  }
0x21e: {  	[sflag:s5] =	ssyncadd.s32 $0xFFFFE000  }
0x21f: {  	[tilespmem:s4], [sflag:$0x4] =	stream.linear.gather [spmem:s1], $0x2000, $0x38;
	[tilespmem:$0x11140] =	vst v63  }
0x220: {  	_ =	swait.ge [sflag:s5], $0x2000  }
0x221: {  	[sflag:s5] =	ssyncset.done $0x0  }
0x222: {  	s19 =	rddreg [dreg:$0x12];
	[sflag:s5] =	ssyncadd.s32 $0xFFFFE000  }
0x223: {  	[hbm4b:s19+s2] =	stream.linear.scatter [tilespmem:s4], [sflag:$0x4], $0x2000, $0x38;
	[tilespmem:$0x11140] =	vst v63  }
0x224: {  	_ =	swait.ge [sflag:s5], $0x2000  }
0x225: {  	[sflag:s5] =	ssyncset.done $0x0  }
0x226: {  	s14 =	simm.s32 $0x0;
	s15 =	simm.s32 $0x200;
	[sflag:s5] =	ssyncadd.s32 $0xFFFFE000  }
.LBB2_16:
0x227: {  	p1 =	sne.s32 s15, $0x7E00;
	[tilespmem:s14+$0x5170] =	vst v0  }
0x228: {  	[tilespmem:s14+$0x5100] =	vst v0  }
0x229: {  	[tilespmem:s14+$0x5110] =	vst v0  }
.Ltmp7:
0x22a: {  	[tilespmem:s14+$0x5120] =	vst v0;
	(pc) =	sbr.rel @p1 .LBB2_16-.Ltmp7, $4  }
0x22b: {  	[tilespmem:s14+$0x5130] =	vst v0  }
0x22c: {  	[tilespmem:s14+$0x5140] =	vst v0  }
0x22d: {  	[tilespmem:s14+$0x5150] =	vst v0  }
0x22e: {  	[tilespmem:s14+$0x5160] =	vst v0;
	s14 =	sshra.s32 s15, $0x2;
	s15 =	sadd.s32 $0x200, s15  }
0x22f: {  	[tilespmem:s14+$0x5170] =	vst v0  }
0x230: {  	[tilespmem:s14+$0x5100] =	vst v0  }
0x231: {  	[tilespmem:s14+$0x5110] =	vst v0  }
0x232: {  	[tilespmem:s14+$0x5120] =	vst v0  }
0x233: {  	[tilespmem:s14+$0x5130] =	vst v0  }
0x234: {  	[tilespmem:s14+$0x5140] =	vst v0  }
0x235: {  	[tilespmem:s14+$0x5150] =	vst v0  }
0x236: {  	[tilespmem:s14+$0x5160] =	vst v0  }
0x237: {  	[bflag:$0x0] =	sbarrier.arrive $0xFFFF  }
0x238: {  	[spmem:s30] =	stream.linear.scatter [tilespmem:s4], [sflag:$0x4], $0x2000, $0x38;
	[tilespmem:$0x11140] =	vst v63  }
0x239: {  	_ =	swait.ge [sflag:s5], $0x2000  }
0x23a: {  	[sflag:s5] =	ssyncset.done $0x0  }
0x23b: {  	[sflag:s5] =	ssyncadd.s32 $0xFFFFE000  }
0x23c: {  	[spmem:s31] =	stream.linear.scatter [tilespmem:s4], [sflag:$0x4], $0x2000, $0x38;
	[tilespmem:$0x11140] =	vst v63  }
0x23d: {  	_ =	swait.ge [sflag:s5], $0x2000  }
0x23e: {  	[sflag:s5] =	ssyncset.done $0x0  }
0x23f: {  	[sflag:s5] =	ssyncadd.s32 $0xFFFFE000  }
0x240: {  	[spmem:s25] =	stream.linear.scatter [tilespmem:s4], [sflag:$0x4], $0x2000, $0x38;
	[tilespmem:$0x11140] =	vst v63  }
0x241: {  	_ =	swait.ge [sflag:s5], $0x2000  }
0x242: {  	[sflag:s5] =	ssyncset.done $0x0  }
0x243: {  	[sflag:s5] =	ssyncadd.s32 $0xFFFFE000  }
0x244: {  	[spmem:s0] =	stream.linear.scatter [tilespmem:s4], [sflag:$0x4], $0x2000, $0x38;
	[tilespmem:$0x11140] =	vst v63  }
0x245: {  	_ =	swait.ge [sflag:s5], $0x2000  }
0x246: {  	[sflag:s5] =	ssyncset.done $0x0  }
0x247: {  	[sflag:s5] =	ssyncadd.s32 $0xFFFFE000  }
0x248: {  	[spmem:s1] =	stream.linear.scatter [tilespmem:s4], [sflag:$0x4], $0x2000, $0x38;
	[tilespmem:$0x11140] =	vst v63  }
0x249: {  	_ =	swait.ge [sflag:s5], $0x2000  }
0x24a: {  	[sflag:s5] =	ssyncset.done $0x0  }
0x24b: {  	s2 =	simm.s32 @!p0 $0x5100;
	[sflag:s5] =	ssyncadd.s32 $0xFFFFE000  }
0x24c: {  	[spmem:s3] =	stream.linear.scatter @!p0 [tilespmem:s2], [sflag:$0x4], $0x400, $0x38;
	[tilespmem:$0x11140] =	vst v63  }
0x24d: {  	s2 =	simm.s32 @!p0 $0x4  }
0x24e: {  	_ =	swait.ge @!p0 [sflag:s2], $0x400  }
0x24f: {  	[sflag:s2] =	ssyncset.done @!p0 $0x0  }
0x250: {  	[sflag:s2] =	ssyncadd.s32 @!p0 $0xFFFFFC00  }
0x251: {  	s18 =	sadd.s32 $0x0, s26;
	[bflag:$0x0] =	sbarrier.arrive $0xFFFF  }
0x252: {  	[tilespmem:s22], [sflag:$0x1] =	stream.linear.gather [hbm4b:s18+s22], $0x50, $0x38;
	[tilespmem:$0x11140] =	vst v63  }
0x253: {  	s19 =	sadd.s32 $0x0, s28  }
0x254: {  	[tilespmem:s7], [sflag:$0x1] =	stream.linear.gather [hbm4b:s19+s22], $0x50, $0x38;
	[tilespmem:$0x11140] =	vst v63  }
0x255: {  	_ =	swait.ge [sflag:s9], $0x50  }
0x256: {  	[sflag:s9] =	ssyncset.done $0x0  }
0x257: {  	[sflag:s9] =	ssyncadd.s32 $0xFFFFFFB0  }
0x258: {  	_ =	swait.ge [sflag:s9], $0x50  }
0x259: {  	[sflag:s9] =	ssyncset.done $0x0  }
0x25a: {  	[sflag:s9] =	ssyncadd.s32 $0xFFFFFFB0  }
0x25b: {  	[spmem:s29] =	stream.indirect.scatter.add.f32 [tilespmem:s6], [sflag:$0x3], $0x80, s22, s11, $0xb8;
	[tilespmem:$0x11140] =	vst v63  }
0x25c: {  	_ = 	snop  }
0x25d: {  	[spmem:s29] =	stream.indirect.scatter.add.f32 [tilespmem:s8], [sflag:$0x3], $0x80, s7, s11, $0xb8;
	[tilespmem:$0x11140] =	vst v63  }
0x25e: {  	_ =	swait.ge [sflag:s12], $0x2800  }
0x25f: {  	[sflag:s12] =	ssyncset.done $0x0  }
0x260: {  	[sflag:s12] =	ssyncadd.s32 $0xFFFFD800  }
0x261: {  	_ =	swait.ge [sflag:s12], $0x2800  }
0x262: {  	s14 =	simm.s32 $0x14;
	s15 =	simm.s32 $0x28;
	[sflag:s12] =	ssyncset.done $0x0  }
.LBB2_18:
0x263: {  	s2 =	sadd.s32 s14, s26  }
0x264: {  	[sflag:s12] =	ssyncadd.s32 $0xFFFFD800;
	s16 =	smov.u32 s15;
	s17 =	sadd.s32 $0x14, s15  }
0x265: {  	[tilespmem:s22], [sflag:$0x1] =	stream.linear.gather [hbm4b:s2+s22], $0x50, $0x38;
	[tilespmem:$0x11140] =	vst v63  }
0x266: {  	p1 =	sne.s32 s15, $0x9B0;
	s2 =	sadd.s32 s14, s28;
	s14 =	smov.u32 s16  }
0x267: {  	[tilespmem:s7], [sflag:$0x1] =	stream.linear.gather [hbm4b:s2+s22], $0x50, $0x38;
	[tilespmem:$0x11140] =	vst v63  }
0x268: {  	_ =	swait.ge [sflag:s9], $0x50  }
0x269: {  	[sflag:s9] =	ssyncset.done $0x0  }
0x26a: {  	[sflag:s9] =	ssyncadd.s32 $0xFFFFFFB0  }
0x26b: {  	_ =	swait.ge [sflag:s9], $0x50  }
0x26c: {  	[sflag:s9] =	ssyncset.done $0x0  }
0x26d: {  	[sflag:s9] =	ssyncadd.s32 $0xFFFFFFB0  }
0x26e: {  	[spmem:s29] =	stream.indirect.scatter.add.f32 [tilespmem:s6], [sflag:$0x3], $0x80, s22, s11, $0xb8;
	[tilespmem:$0x11140] =	vst v63  }
0x26f: {  	_ = 	snop  }
0x270: {  	[spmem:s29] =	stream.indirect.scatter.add.f32 [tilespmem:s8], [sflag:$0x3], $0x80, s7, s11, $0xb8;
	[tilespmem:$0x11140] =	vst v63  }
.Ltmp8:
0x271: {  	_ =	swait.ge [sflag:s12], $0x2800;
	(pc) =	sbr.rel @p1 .LBB2_18-.Ltmp8, $4  }
0x272: {  	[sflag:s12] =	ssyncset.done $0x0  }
0x273: {  	[sflag:s12] =	ssyncadd.s32 $0xFFFFD800  }
0x274: {  	_ =	swait.ge [sflag:s12], $0x2800  }
0x275: {  	s15 =	smov.u32 s17;
	[sflag:s12] =	ssyncset.done $0x0  }
0x276: {  	s2 =	sadd.s32 s14, s26;
	[sflag:s12] =	ssyncadd.s32 $0xFFFFD800  }
0x277: {  	[tilespmem:s22], [sflag:$0x1] =	stream.linear.gather [hbm4b:s2+s22], $0x50, $0x38;
	[tilespmem:$0x11140] =	vst v63  }
0x278: {  	s14 =	sadd.s32 s14, s28  }
0x279: {  	[tilespmem:s7], [sflag:$0x1] =	stream.linear.gather [hbm4b:s14+s22], $0x50, $0x38;
	[tilespmem:$0x11140] =	vst v63  }
0x27a: {  	_ =	swait.ge [sflag:s9], $0x50  }
0x27b: {  	[sflag:s9] =	ssyncset.done $0x0  }
0x27c: {  	[sflag:s9] =	ssyncadd.s32 $0xFFFFFFB0  }
0x27d: {  	_ =	swait.ge [sflag:s9], $0x50  }
0x27e: {  	[sflag:s9] =	ssyncset.done $0x0  }
0x27f: {  	[sflag:s9] =	ssyncadd.s32 $0xFFFFFFB0  }
0x280: {  	[spmem:s29] =	stream.indirect.scatter.add.f32 [tilespmem:s6], [sflag:$0x3], $0x80, s22, s11, $0xb8;
	[tilespmem:$0x11140] =	vst v63  }
0x281: {  	_ = 	snop  }
0x282: {  	[spmem:s29] =	stream.indirect.scatter.add.f32 [tilespmem:s8], [sflag:$0x3], $0x80, s7, s11, $0xb8;
	[tilespmem:$0x11140] =	vst v63  }
0x283: {  	_ =	swait.ge [sflag:s12], $0x2800  }
0x284: {  	[sflag:s12] =	ssyncset.done $0x0  }
0x285: {  	[sflag:s12] =	ssyncadd.s32 $0xFFFFD800  }
0x286: {  	_ =	swait.ge [sflag:s12], $0x2800  }
0x287: {  	[sflag:s12] =	ssyncset.done $0x0  }
0x288: {  	[sflag:s12] =	ssyncadd.s32 $0xFFFFD800  }
0x289: {  	[bflag:$0x0] =	sbarrier.arrive $0xFFFF  }
0x28a: {  	[tilespmem:s4], [sflag:$0x4] =	stream.linear.gather [spmem:s30], $0x2000, $0x38;
	[tilespmem:$0x11140] =	vst v63  }
0x28b: {  	_ =	swait.ge [sflag:s5], $0x2000  }
0x28c: {  	[sflag:s5] =	ssyncset.done $0x0  }
0x28d: {  	s2 =	simm.s32 $0x0;
	s15 =	rddreg [dreg:$0x13];
	[sflag:s5] =	ssyncadd.s32 $0xFFFFE000  }
0x28e: {  	[hbm4b:s15+s2] =	stream.linear.scatter [tilespmem:s4], [sflag:$0x4], $0x2000, $0x38;
	[tilespmem:$0x11140] =	vst v63  }
0x28f: {  	_ =	swait.ge [sflag:s5], $0x2000  }
0x290: {  	[sflag:s5] =	ssyncset.done $0x0  }
0x291: {  	[sflag:s5] =	ssyncadd.s32 $0xFFFFE000  }
0x292: {  	[tilespmem:s4], [sflag:$0x4] =	stream.linear.gather [spmem:s31], $0x2000, $0x38;
	[tilespmem:$0x11140] =	vst v63  }
0x293: {  	_ =	swait.ge [sflag:s5], $0x2000  }
0x294: {  	[sflag:s5] =	ssyncset.done $0x0  }
0x295: {  	s16 =	rddreg [dreg:$0x14];
	[sflag:s5] =	ssyncadd.s32 $0xFFFFE000  }
0x296: {  	[hbm4b:s16+s2] =	stream.linear.scatter [tilespmem:s4], [sflag:$0x4], $0x2000, $0x38;
	[tilespmem:$0x11140] =	vst v63  }
0x297: {  	_ =	swait.ge [sflag:s5], $0x2000  }
0x298: {  	[sflag:s5] =	ssyncset.done $0x0  }
0x299: {  	[sflag:s5] =	ssyncadd.s32 $0xFFFFE000  }
0x29a: {  	[tilespmem:s4], [sflag:$0x4] =	stream.linear.gather [spmem:s25], $0x2000, $0x38;
	[tilespmem:$0x11140] =	vst v63  }
0x29b: {  	_ =	swait.ge [sflag:s5], $0x2000  }
0x29c: {  	[sflag:s5] =	ssyncset.done $0x0  }
0x29d: {  	s17 =	rddreg [dreg:$0x15];
	[sflag:s5] =	ssyncadd.s32 $0xFFFFE000  }
0x29e: {  	[hbm4b:s17+s2] =	stream.linear.scatter [tilespmem:s4], [sflag:$0x4], $0x2000, $0x38;
	[tilespmem:$0x11140] =	vst v63  }
0x29f: {  	_ =	swait.ge [sflag:s5], $0x2000  }
0x2a0: {  	[sflag:s5] =	ssyncset.done $0x0  }
0x2a1: {  	[sflag:s5] =	ssyncadd.s32 $0xFFFFE000  }
0x2a2: {  	[tilespmem:s4], [sflag:$0x4] =	stream.linear.gather [spmem:s0], $0x2000, $0x38;
	[tilespmem:$0x11140] =	vst v63  }
0x2a3: {  	_ =	swait.ge [sflag:s5], $0x2000  }
0x2a4: {  	[sflag:s5] =	ssyncset.done $0x0  }
0x2a5: {  	s18 =	rddreg [dreg:$0x16];
	[sflag:s5] =	ssyncadd.s32 $0xFFFFE000  }
0x2a6: {  	[hbm4b:s18+s2] =	stream.linear.scatter [tilespmem:s4], [sflag:$0x4], $0x2000, $0x38;
	[tilespmem:$0x11140] =	vst v63  }
0x2a7: {  	_ =	swait.ge [sflag:s5], $0x2000  }
0x2a8: {  	[sflag:s5] =	ssyncset.done $0x0  }
0x2a9: {  	[sflag:s5] =	ssyncadd.s32 $0xFFFFE000  }
0x2aa: {  	[tilespmem:s4], [sflag:$0x4] =	stream.linear.gather [spmem:s1], $0x2000, $0x38;
	[tilespmem:$0x11140] =	vst v63  }
0x2ab: {  	_ =	swait.ge [sflag:s5], $0x2000  }
0x2ac: {  	[sflag:s5] =	ssyncset.done $0x0  }
0x2ad: {  	s19 =	rddreg [dreg:$0x17];
	[sflag:s5] =	ssyncadd.s32 $0xFFFFE000  }
0x2ae: {  	[hbm4b:s19+s2] =	stream.linear.scatter [tilespmem:s4], [sflag:$0x4], $0x2000, $0x38;
	[tilespmem:$0x11140] =	vst v63  }
0x2af: {  	_ =	swait.ge [sflag:s5], $0x2000  }
0x2b0: {  	[sflag:s5] =	ssyncset.done $0x0  }
0x2b1: {  	s14 =	simm.s32 $0x0;
	s15 =	simm.s32 $0x200;
	[sflag:s5] =	ssyncadd.s32 $0xFFFFE000  }
.LBB2_20:
0x2b2: {  	p1 =	sne.s32 s15, $0x7E00;
	[tilespmem:s14+$0x5170] =	vst v0  }
0x2b3: {  	[tilespmem:s14+$0x5100] =	vst v0  }
0x2b4: {  	[tilespmem:s14+$0x5110] =	vst v0  }
.Ltmp9:
0x2b5: {  	[tilespmem:s14+$0x5120] =	vst v0;
	(pc) =	sbr.rel @p1 .LBB2_20-.Ltmp9, $4  }
0x2b6: {  	[tilespmem:s14+$0x5130] =	vst v0  }
0x2b7: {  	[tilespmem:s14+$0x5140] =	vst v0  }
0x2b8: {  	[tilespmem:s14+$0x5150] =	vst v0  }
0x2b9: {  	[tilespmem:s14+$0x5160] =	vst v0;
	s14 =	sshra.s32 s15, $0x2;
	s15 =	sadd.s32 $0x200, s15  }
0x2ba: {  	[tilespmem:s14+$0x5170] =	vst v0  }
0x2bb: {  	[tilespmem:s14+$0x5100] =	vst v0  }
0x2bc: {  	[tilespmem:s14+$0x5110] =	vst v0  }
0x2bd: {  	[tilespmem:s14+$0x5120] =	vst v0;
	s13 =	sadd.s32 $0x1, s13;
	s2 =	rddreg [dreg:$0x18]  }
0x2be: {  	[tilespmem:s14+$0x5130] =	vst v0;
	p1 =	sne.s32 s13, s2  }
.Ltmp10:
0x2bf: {  	[tilespmem:s14+$0x5140] =	vst v0;
	(pc) =	sbr.rel @p1 .LBB2_1-.Ltmp10, $3  }
0x2c0: {  	[tilespmem:s14+$0x5150] =	vst v0  }
0x2c1: {  	[tilespmem:s14+$0x5160] =	vst v0  }
0x2c2: {  	[bflag:$0x0] =	sbarrier.arrive $0xFFFF;
	_ =	sdelay $0x1  }
0x2c3: {  	_ =	sfence.sel $0x180000  }
0x2c4: {  	[bflag:$0x0] =	sbarrier.arrive $0xFFFF  }
0x2c5: {  	_ =	strace $0x9000004A  }
0x2c6: {  	[bflag:$0x2] =	sbarrier.arrive $0xFFFF  }
0x2c7: {  	s0 =	rddreg [dreg:$0x3]  }
0x2c8: {  	s0 =	sadd.s32 @!p0 $0x100000, s0  }
0x2c9: {  	[sflag:s0] =	ssyncadd.tile.s32 @!p0 $0x1;
	_ =	shalt  }
.Lfunc_end2:
_tile_overlayer_lowered:
.L_overlay_start_2:
0x2ca: {  	(tag) =	ssettag $0x2  }
0x2cb: {  	s0 =	rddreg [dreg:$0x0];
	s2 =	stileid.u32  }
0x2cc: {  	s1 =	rddreg [dreg:$0x1];
	p0 =	sne.s32 s2, $0x0  }
0x2cd: {  	s3 =	rddreg [dreg:$0x2];
	[bflag:$0x3] =	sbarrier.arrive $0xFFFF;
	s2 =	simm.s32 @!p0 $0x1C04  }
0x2ce: {  	[timem:s3], [sflag:s2] =	dma.local @!p0 [hbm:s0], s1  }
0x2cf: {  	s0 =	simm.s32 @!p0 $0x4  }
0x2d0: {  	_ =	swait.ge @!p0 [sflag:s0], s1  }
0x2d1: {  	s1 =	ssub.s32 @!p0 $0x0, s1;
	[sflag:s0] =	ssyncset.done @!p0 $0x0  }
0x2d2: {  	[sflag:s0] =	ssyncadd.s32 @!p0 s1  }
0x2d3: {  	[bflag:$0x3] =	sbarrier.arrive $0xFFFF  }
0x2d4: {  	_ =	shalt  }

</sc_bundles>
